<compile_context>
chip_gen: v7x
topology: tpu7x:2x2x1
jax: 0.10.2.dev20260603
libtpu: 0.0.44.dev20260713+nightly
codegen_flags: <defaults>
</compile_context>

<pallas_src>
import functools

import jax
import jax.numpy as jnp
from jax import lax
from jax.experimental import pallas as pl
from jax.experimental.pallas import tpu as pltpu
from jax.experimental.pallas import tpu_sc as plsc

K = 1024
D = 64
COMMITMENT_COST = 0.25
M_BLK = 2304
RT = 128
CH = 128


def _rownorm2(a):
    aa = a * a
    s8 = aa[:, 0:8]
    for k in range(1, 8):
        s8 = s8 + aa[:, 8 * k:8 * (k + 1)]
    s4 = s8[:, 0:4] + s8[:, 4:8]
    s2 = s4[:, 0:2] + s4[:, 2:4]
    return s2[:, 0:1] + s2[:, 1:2]


def _vq_block(x_ref, e_ref, e2_ref, idx_ref, loss_ref):
    e = e_ref[...]
    e2 = e2_ref[...]
    nch = K // CH
    iota = lax.broadcasted_iota(jnp.int32, (RT, CH), 1)
    loss_acc = jnp.zeros((RT, 1), jnp.float32)
    for r in range(M_BLK // RT):
        x = x_ref[r * RT:(r + 1) * RT, :]
        x2 = _rownorm2(x)
        xe = lax.dot_general(
            x, e, (((1,), (1,)), ((), ())),
            preferred_element_type=jnp.float32,
        )
        minv = None
        chunk_of_min = None
        for c in range(nch):
            sl = slice(CH * c, CH * (c + 1))
            dc = jnp.sqrt(jnp.maximum(x2 + e2[:, sl] - 2.0 * xe[:, sl], 0.0))
            if minv is None:
                minv = dc
                chunk_of_min = jnp.zeros((RT, CH), jnp.int32)
            else:
                upd = dc < minv
                minv = jnp.minimum(minv, dc)
                chunk_of_min = jnp.where(upd, c, chunk_of_min)
        gcol = chunk_of_min * CH + iota
        m = jnp.min(minv, axis=1, keepdims=True)
        idx = jnp.min(jnp.where(minv == m, gcol, K), axis=1)
        idx_ref[r * RT:(r + 1) * RT, :] = idx[:, None]
        loss_acc = loss_acc + m * m

    part = (1.0 + COMMITMENT_COST) * jnp.sum(loss_acc)

    @pl.when(pl.program_id(0) == 0)
    def _():
        loss_ref[...] = jnp.zeros((1, 1), jnp.float32)

    loss_ref[...] += part.reshape(1, 1)


_DPAD = 128


def _make_sc_gather(n):
    info = plsc.get_sparse_core_info()
    nw = info.num_cores * info.num_subcores
    b_per_w = n // nw
    nc = info.num_cores
    mesh = plsc.VectorSubcoreMesh(core_axis_name="c", subcore_axis_name="s")

    @functools.partial(
        pl.kernel, mesh=mesh,
        out_type=jax.ShapeDtypeStruct((n, _DPAD), jnp.float32),
        scratch_types=[
            pltpu.VMEM((b_per_w,), jnp.int32),
            pltpu.VMEM((b_per_w, _DPAD), jnp.float32),
            pltpu.SemaphoreType.DMA,
        ],
    )
    def gather(e_hbm, idx_hbm, out_hbm, idx_v, rows_v, sem):
        wid = lax.axis_index("s") * nc + lax.axis_index("c")
        base = wid * b_per_w
        pltpu.sync_copy(idx_hbm.at[pl.ds(base, b_per_w)], idx_v)
        pltpu.async_copy(e_hbm.at[idx_v], rows_v, sem).wait()
        pltpu.sync_copy(rows_v, out_hbm.at[pl.ds(base, b_per_w)])

    return gather


def kernel(z, embedding_weight):
    latents_shape = z.shape
    flat = z.reshape(-1, D)
    n = flat.shape[0]
    nb = n // M_BLK
    e2 = jnp.sum(embedding_weight * embedding_weight, axis=1)[None, :]
    idx, loss = pl.pallas_call(
        _vq_block,
        grid=(nb,),
        in_specs=[
            pl.BlockSpec((M_BLK, D), lambda i: (i, 0)),
            pl.BlockSpec((K, D), lambda i: (0, 0)),
            pl.BlockSpec((1, K), lambda i: (0, 0)),
        ],
        out_specs=[
            pl.BlockSpec((M_BLK, 1), lambda i: (i, 0)),
            pl.BlockSpec((1, 1), lambda i: (0, 0)),
        ],
        out_shape=[
            jax.ShapeDtypeStruct((n, 1), jnp.int32),
            jax.ShapeDtypeStruct((1, 1), jnp.float32),
        ],
    )(flat, embedding_weight, e2)
    enc_idx = idx.reshape(n)
    e_pad = jnp.pad(embedding_weight, ((0, 0), (0, _DPAD - D)))
    zq = _make_sc_gather(n)(e_pad, enc_idx)[:, :D]
    return (
        zq.reshape(latents_shape),
        loss[0, 0],
        enc_idx,
    )

# --- scband reference (transcript-rebuilt; emitter-appended) ---
"""Pipeline reference for scband-vector-quantizer-27513560498892 (READ-ONLY COPY).

The authoritative reference and input builder live on the scoring server;
editing this copy changes nothing except your own understanding.
"""

import jax, jax.numpy as jnp
import numpy as np

K = 1024
D = 64
COMMITMENT_COST = 0.25


def setup_inputs(seed: int = 0) -> dict:
    key = jax.random.key(seed)
    k1, k2 = jax.random.split(key)
    z = jax.random.normal(k1, (32, 576, 64), dtype=jnp.float32)
    embedding_weight = jax.random.uniform(
        k2, (K, D), minval=-1.0 / K, maxval=1.0 / K, dtype=jnp.float32
    )
    return {"z": z, "embedding_weight": embedding_weight}


def reference(z, embedding_weight):
    latents_shape = z.shape
    flat_latents = z.reshape(-1, D)
    # torch.cdist (euclidean) via ||x||^2 + ||e||^2 - 2 x e^T
    x2 = jnp.sum(flat_latents * flat_latents, axis=1, keepdims=True)
    e2 = jnp.sum(embedding_weight * embedding_weight, axis=1)[None, :]
    d2 = x2 + e2 - 2.0 * (flat_latents @ embedding_weight.T)
    dist = jnp.sqrt(jnp.maximum(d2, 0.0))
    enc_idx = jnp.argmin(dist, axis=1)
    encoding_ohe = jax.nn.one_hot(enc_idx, K, dtype=flat_latents.dtype)
    z_q = (encoding_ohe @ embedding_weight).reshape(latents_shape)
    # losses (reduction='sum')
    e_loss = jnp.sum((jax.lax.stop_gradient(z_q) - z) ** 2)
    q_loss = jnp.sum((z_q - jax.lax.stop_gradient(z)) ** 2)
    vq_loss = q_loss + COMMITMENT_COST * e_loss
    # straight-through estimator
    z_q_st = z + jax.lax.stop_gradient(z_q - z)
    # perplexity computed (matches torch side-effect math) but not returned
    avg_probs = jnp.mean(encoding_ohe, axis=0)
    _perplexity = jnp.exp(-jnp.sum(avg_probs * jnp.log(avg_probs + 1e-10)))
    return (z_q_st, vq_loss, enc_idx)

if __name__ == "__main__":
    import jax
    _d = setup_inputs()
    print(jax.jit(kernel)(*tuple(_d.values())))

</pallas_src>

<mosaic_0001>
#map = affine_map<(d0, d1) -> (0, 0)>
#map1 = affine_map<(d0, d1) -> (0)>
module attributes {stable_mosaic.version = 14 : i64} {
  func.func @gather(%arg0: i32, %arg1: i32, %arg2: memref<1024x128xf32, #tpu.memory_space<hbm>>, %arg3: memref<18432xi32, #tpu.memory_space<hbm>>, %arg4: memref<18432x128xf32, #tpu.memory_space<hbm>>, %arg5: memref<576xi32, #tpu.memory_space<vmem>>, %arg6: memref<576x128xf32, #tpu.memory_space<vmem>>, %arg7: memref<!tpu.dma_semaphore, #tpu.memory_space<semaphore_mem>>) attributes {dimension_semantics = [#tpu.dimension_semantics<core_parallel>, #tpu.dimension_semantics<subcore_parallel>], iteration_bounds = array<i64: 2, 16>, scalar_prefetch = 0 : i64, scratch_operands = 3 : i64, tpu.core_type = #tpu.core_type<sc_vector_subcore>, window_params = [{transform_indices = #map}, {transform_indices = #map1}, {transform_indices = #map}]} {
    %mul3A = arith.constant 2 : i32
    %mul3A_0 = arith.muli %arg1, %mul3A : i32
    %add3A = arith.addi %mul3A_0, %arg0 : i32
    %mul3A_1 = arith.constant 576 : i32
    %mul3A_2 = arith.muli %add3A, %mul3A_1 : i32
    "tpu.region"() ({
      %run_scoped3A = tpu.sem_alloc : memref<!tpu.dma_semaphore, #tpu.memory_space<semaphore_mem>>
      %dma_start3A_7 = tpu.memref_slice %arg3[%mul3A_2] : memref<18432xi32, #tpu.memory_space<hbm>> -> memref<576xi32, #tpu.memory_space<hbm>>
      %dma_start3A_8 = tpu.memref_slice %arg3[%mul3A_2] : memref<18432xi32, #tpu.memory_space<hbm>> -> memref<576xi32, #tpu.memory_space<hbm>>
      tpu.enqueue_dma source(%dma_start3A_8 : memref<576xi32, #tpu.memory_space<hbm>>) target(%arg5 : memref<576xi32, #tpu.memory_space<vmem>>) target_semaphore(%run_scoped3A : memref<!tpu.dma_semaphore, #tpu.memory_space<semaphore_mem>>)
      %dma_wait3A_9 = tpu.memref_slice %arg3[%mul3A_2] : memref<18432xi32, #tpu.memory_space<hbm>> -> memref<576xi32, #tpu.memory_space<hbm>>
      %dma_wait3A_10 = tpu.memref_slice %arg3[%mul3A_2] : memref<18432xi32, #tpu.memory_space<hbm>> -> memref<576xi32, #tpu.memory_space<hbm>>
      tpu.wait_dma2 semaphore(%run_scoped3A : memref<!tpu.dma_semaphore, #tpu.memory_space<semaphore_mem>>) src(%dma_wait3A_10 : memref<576xi32, #tpu.memory_space<hbm>>) dst(%arg5 : memref<576xi32, #tpu.memory_space<vmem>>)
      tpu.yield
    }) : () -> ()
    %dma_start3A = arith.constant 0 : i32
    %dma_start3A_3 = arith.constant 0 : i32
    %dma_start3A_4 = tpu.memref_slice %arg2[%dma_start3A, %dma_start3A_3] : memref<1024x128xf32, #tpu.memory_space<hbm>> -> memref<1024x128xf32, #tpu.memory_space<hbm>>
    tpu.enqueue_indirect_dma source(%dma_start3A_4 : memref<1024x128xf32, #tpu.memory_space<hbm>>) target(%arg6 : memref<576x128xf32, #tpu.memory_space<vmem>>) offsets(%arg5 : memref<576xi32, #tpu.memory_space<vmem>>) semaphore(%arg7 : memref<!tpu.dma_semaphore, #tpu.memory_space<semaphore_mem>>)
    %dma_wait3A = arith.constant 0 : i32
    %dma_wait3A_5 = arith.constant 0 : i32
    %dma_wait3A_6 = tpu.memref_slice %arg2[%dma_wait3A, %dma_wait3A_5] : memref<1024x128xf32, #tpu.memory_space<hbm>> -> memref<1024x128xf32, #tpu.memory_space<hbm>>
    tpu.wait_indirect_dma semaphore(%arg7 : memref<!tpu.dma_semaphore, #tpu.memory_space<semaphore_mem>>) src(%dma_wait3A_6 : memref<1024x128xf32, #tpu.memory_space<hbm>>) dst(%arg6 : memref<576x128xf32, #tpu.memory_space<vmem>>)
    "tpu.region"() ({
      %run_scoped3A = tpu.sem_alloc : memref<!tpu.dma_semaphore, #tpu.memory_space<semaphore_mem>>
      %dma_start3A_7 = arith.constant 0 : i32
      %dma_start3A_8 = tpu.memref_slice %arg4[%mul3A_2, %dma_start3A_7] : memref<18432x128xf32, #tpu.memory_space<hbm>> -> memref<576x128xf32, #tpu.memory_space<hbm>>
      %dma_start3A_9 = arith.constant 0 : i32
      %dma_start3A_10 = tpu.memref_slice %arg4[%mul3A_2, %dma_start3A_9] : memref<18432x128xf32, #tpu.memory_space<hbm>> -> memref<576x128xf32, #tpu.memory_space<hbm>>
      tpu.enqueue_dma source(%arg6 : memref<576x128xf32, #tpu.memory_space<vmem>>) target(%dma_start3A_10 : memref<576x128xf32, #tpu.memory_space<hbm>>) target_semaphore(%run_scoped3A : memref<!tpu.dma_semaphore, #tpu.memory_space<semaphore_mem>>)
      %dma_wait3A_11 = arith.constant 0 : i32
      %dma_wait3A_12 = tpu.memref_slice %arg4[%mul3A_2, %dma_wait3A_11] : memref<18432x128xf32, #tpu.memory_space<hbm>> -> memref<576x128xf32, #tpu.memory_space<hbm>>
      %dma_wait3A_13 = arith.constant 0 : i32
      %dma_wait3A_14 = tpu.memref_slice %arg4[%mul3A_2, %dma_wait3A_13] : memref<18432x128xf32, #tpu.memory_space<hbm>> -> memref<576x128xf32, #tpu.memory_space<hbm>>
      tpu.wait_dma2 semaphore(%run_scoped3A : memref<!tpu.dma_semaphore, #tpu.memory_space<semaphore_mem>>) src(%arg6 : memref<576x128xf32, #tpu.memory_space<vmem>>) dst(%dma_wait3A_14 : memref<576x128xf32, #tpu.memory_space<hbm>>)
      tpu.yield
    }) : () -> ()
    return
  }
}

module attributes {stable_mosaic.version = 14 : i64} {
  func.func @_vq_block(%arg0: i32, %arg1: memref<2304x64xf32, #tpu.memory_space<vmem>>, %arg2: memref<1024x64xf32, #tpu.memory_space<vmem>>, %arg3: memref<1x1024xf32, #tpu.memory_space<vmem>>, %arg4: memref<2304x1xi32, #tpu.memory_space<vmem>>, %arg5: memref<1x1xf32, #tpu.memory_space<vmem>>) attributes {dimension_semantics = [#tpu.dimension_semantics<arbitrary>], iteration_bounds = array<i64: 8>, scalar_prefetch = 0 : i64, scratch_operands = 0 : i64, tpu.core_type = #tpu.core_type<tc>, window_params = [{transform_indices = @transform_0, window_bounds = array<i64: 2304, 64>}, {pipeline_mode = #tpu.pipeline_mode<synchronous>, transform_indices = @transform_1, window_bounds = array<i64: 1024, 64>}, {pipeline_mode = #tpu.pipeline_mode<synchronous>, transform_indices = @transform_2, window_bounds = array<i64: 1, 1024>}, {transform_indices = @transform_3, window_bounds = array<i64: 2304, 1>}, {pipeline_mode = #tpu.pipeline_mode<synchronous>, transform_indices = @transform_4, window_bounds = array<i64: 1, 1>}]} {
    %get3A = arith.constant 0 : index
    %get3A_0 = arith.constant 0 : index
    %get3A_1 = vector.load %arg2[%get3A, %get3A_0] : memref<1024x64xf32, #tpu.memory_space<vmem>>, vector<1024x64xf32>
    %get3A_2 = arith.constant 0 : index
    %get3A_3 = arith.constant 0 : index
    %get3A_4 = vector.load %arg3[%get3A_2, %get3A_3] : memref<1x1024xf32, #tpu.memory_space<vmem>>, vector<1x1024xf32>
    %iota3A = tpu.iota {dimensions = array<i32: 1>} : vector<128x128xi32>
    %broadcast_in_dim3A = arith.constant 0.000000e+00 : f32
    %broadcast_in_dim3A_5 = vector.broadcast %broadcast_in_dim3A : f32 to vector<128x1xf32>
    %get3A_6 = arith.constant 0 : index
    %get3A_7 = arith.constant 0 : index
    %get3A_8 = vector.load %arg1[%get3A_6, %get3A_7] : memref<2304x64xf32, #tpu.memory_space<vmem>>, vector<128x64xf32>
    %mul3A = arith.mulf %get3A_8, %get3A_8 : vector<128x64xf32>
    %slice3A = vector.extract_strided_slice %mul3A {offsets = [0, 0], sizes = [128, 8], strides = [1, 1]} : vector<128x64xf32> to vector<128x8xf32>
    %slice3A_9 = vector.extract_strided_slice %mul3A {offsets = [0, 8], sizes = [128, 8], strides = [1, 1]} : vector<128x64xf32> to vector<128x8xf32>
    %add3A = arith.addf %slice3A, %slice3A_9 : vector<128x8xf32>
    %slice3A_10 = vector.extract_strided_slice %mul3A {offsets = [0, 16], sizes = [128, 8], strides = [1, 1]} : vector<128x64xf32> to vector<128x8xf32>
    %add3A_11 = arith.addf %add3A, %slice3A_10 : vector<128x8xf32>
    %slice3A_12 = vector.extract_strided_slice %mul3A {offsets = [0, 24], sizes = [128, 8], strides = [1, 1]} : vector<128x64xf32> to vector<128x8xf32>
    %add3A_13 = arith.addf %add3A_11, %slice3A_12 : vector<128x8xf32>
    %slice3A_14 = vector.extract_strided_slice %mul3A {offsets = [0, 32], sizes = [128, 8], strides = [1, 1]} : vector<128x64xf32> to vector<128x8xf32>
    %add3A_15 = arith.addf %add3A_13, %slice3A_14 : vector<128x8xf32>
    %slice3A_16 = vector.extract_strided_slice %mul3A {offsets = [0, 40], sizes = [128, 8], strides = [1, 1]} : vector<128x64xf32> to vector<128x8xf32>
    %add3A_17 = arith.addf %add3A_15, %slice3A_16 : vector<128x8xf32>
    %slice3A_18 = vector.extract_strided_slice %mul3A {offsets = [0, 48], sizes = [128, 8], strides = [1, 1]} : vector<128x64xf32> to vector<128x8xf32>
    %add3A_19 = arith.addf %add3A_17, %slice3A_18 : vector<128x8xf32>
    %slice3A_20 = vector.extract_strided_slice %mul3A {offsets = [0, 56], sizes = [128, 8], strides = [1, 1]} : vector<128x64xf32> to vector<128x8xf32>
    %add3A_21 = arith.addf %add3A_19, %slice3A_20 : vector<128x8xf32>
    %slice3A_22 = vector.extract_strided_slice %add3A_21 {offsets = [0, 0], sizes = [128, 4], strides = [1, 1]} : vector<128x8xf32> to vector<128x4xf32>
    %slice3A_23 = vector.extract_strided_slice %add3A_21 {offsets = [0, 4], sizes = [128, 4], strides = [1, 1]} : vector<128x8xf32> to vector<128x4xf32>
    %add3A_24 = arith.addf %slice3A_22, %slice3A_23 : vector<128x4xf32>
    %slice3A_25 = vector.extract_strided_slice %add3A_24 {offsets = [0, 0], sizes = [128, 2], strides = [1, 1]} : vector<128x4xf32> to vector<128x2xf32>
    %slice3A_26 = vector.extract_strided_slice %add3A_24 {offsets = [0, 2], sizes = [128, 2], strides = [1, 1]} : vector<128x4xf32> to vector<128x2xf32>
    %add3A_27 = arith.addf %slice3A_25, %slice3A_26 : vector<128x2xf32>
    %slice3A_28 = vector.extract_strided_slice %add3A_27 {offsets = [0, 0], sizes = [128, 1], strides = [1, 1]} : vector<128x2xf32> to vector<128x1xf32>
    %slice3A_29 = vector.extract_strided_slice %add3A_27 {offsets = [0, 1], sizes = [128, 1], strides = [1, 1]} : vector<128x2xf32> to vector<128x1xf32>
    %add3A_30 = arith.addf %slice3A_28, %slice3A_29 : vector<128x1xf32>
    %dot_general3A = arith.constant dense<0.000000e+00> : vector<128x1024xf32>
    %dot_general3A_31 = tpu.matmul %get3A_8, %get3A_1, %dot_general3A {dimension_numbers = #tpu.dot_dimension_numbers<[1], [1], [0], [0], [0, 0, 1, 0], [], []>, transpose_lhs_hint = false} : vector<128x64xf32>, vector<1024x64xf32>, vector<128x1024xf32> -> vector<128x1024xf32>
    %slice3A_32 = vector.extract_strided_slice %get3A_4 {offsets = [0, 0], sizes = [1, 128], strides = [1, 1]} : vector<1x1024xf32> to vector<1x128xf32>
    %add3A_33 = vector.broadcast %add3A_30 : vector<128x1xf32> to vector<128x128xf32>
    %add3A_34 = vector.broadcast %slice3A_32 : vector<1x128xf32> to vector<128x128xf32>
    %add3A_35 = arith.addf %add3A_33, %add3A_34 : vector<128x128xf32>
    %slice3A_36 = vector.extract_strided_slice %dot_general3A_31 {offsets = [0, 0], sizes = [128, 128], strides = [1, 1]} : vector<128x1024xf32> to vector<128x128xf32>
    %mul3A_37 = arith.constant 2.000000e+00 : f32
    %mul3A_38 = vector.broadcast %mul3A_37 : f32 to vector<128x128xf32>
    %mul3A_39 = arith.mulf %mul3A_38, %slice3A_36 : vector<128x128xf32>
    %sub3A = arith.subf %add3A_35, %mul3A_39 : vector<128x128xf32>
    %max3A = arith.constant 0.000000e+00 : f32
    %max3A_40 = vector.broadcast %max3A : f32 to vector<128x128xf32>
    %max3A_41 = arith.maximumf %sub3A, %max3A_40 : vector<128x128xf32>
    %sqrt3A = math.sqrt %max3A_41 : vector<128x128xf32>
    %broadcast_in_dim3A_42 = arith.constant 0 : i32
    %broadcast_in_dim3A_43 = vector.broadcast %broadcast_in_dim3A_42 : i32 to vector<128x128xi32>
    %slice3A_44 = vector.extract_strided_slice %get3A_4 {offsets = [0, 128], sizes = [1, 128], strides = [1, 1]} : vector<1x1024xf32> to vector<1x128xf32>
    %add3A_45 = vector.broadcast %add3A_30 : vector<128x1xf32> to vector<128x128xf32>
    %add3A_46 = vector.broadcast %slice3A_44 : vector<1x128xf32> to vector<128x128xf32>
    %add3A_47 = arith.addf %add3A_45, %add3A_46 : vector<128x128xf32>
    %slice3A_48 = vector.extract_strided_slice %dot_general3A_31 {offsets = [0, 128], sizes = [128, 128], strides = [1, 1]} : vector<128x1024xf32> to vector<128x128xf32>
    %mul3A_49 = arith.constant 2.000000e+00 : f32
    %mul3A_50 = vector.broadcast %mul3A_49 : f32 to vector<128x128xf32>
    %mul3A_51 = arith.mulf %mul3A_50, %slice3A_48 : vector<128x128xf32>
    %sub3A_52 = arith.subf %add3A_47, %mul3A_51 : vector<128x128xf32>
    %max3A_53 = arith.constant 0.000000e+00 : f32
    %max3A_54 = vector.broadcast %max3A_53 : f32 to vector<128x128xf32>
    %max3A_55 = arith.maximumf %sub3A_52, %max3A_54 : vector<128x128xf32>
    %sqrt3A_56 = math.sqrt %max3A_55 : vector<128x128xf32>
    %lt3A = arith.cmpf olt, %sqrt3A_56, %sqrt3A : vector<128x128xf32>
    %min3A = arith.minimumf %sqrt3A, %sqrt3A_56 : vector<128x128xf32>
    %jit3A = arith.constant 1 : i32
    %broadcast_in_dim3A_57 = vector.broadcast %jit3A : i32 to vector<128x128xi32>
    %select_n3A = arith.select %lt3A, %broadcast_in_dim3A_57, %broadcast_in_dim3A_43 : vector<128x128xi1>, vector<128x128xi32>
    %slice3A_58 = vector.extract_strided_slice %get3A_4 {offsets = [0, 256], sizes = [1, 128], strides = [1, 1]} : vector<1x1024xf32> to vector<1x128xf32>
    %add3A_59 = vector.broadcast %add3A_30 : vector<128x1xf32> to vector<128x128xf32>
    %add3A_60 = vector.broadcast %slice3A_58 : vector<1x128xf32> to vector<128x128xf32>
    %add3A_61 = arith.addf %add3A_59, %add3A_60 : vector<128x128xf32>
    %slice3A_62 = vector.extract_strided_slice %dot_general3A_31 {offsets = [0, 256], sizes = [128, 128], strides = [1, 1]} : vector<128x1024xf32> to vector<128x128xf32>
    %mul3A_63 = arith.constant 2.000000e+00 : f32
    %mul3A_64 = vector.broadcast %mul3A_63 : f32 to vector<128x128xf32>
    %mul3A_65 = arith.mulf %mul3A_64, %slice3A_62 : vector<128x128xf32>
    %sub3A_66 = arith.subf %add3A_61, %mul3A_65 : vector<128x128xf32>
    %max3A_67 = arith.constant 0.000000e+00 : f32
    %max3A_68 = vector.broadcast %max3A_67 : f32 to vector<128x128xf32>
    %max3A_69 = arith.maximumf %sub3A_66, %max3A_68 : vector<128x128xf32>
    %sqrt3A_70 = math.sqrt %max3A_69 : vector<128x128xf32>
    %lt3A_71 = arith.cmpf olt, %sqrt3A_70, %min3A : vector<128x128xf32>
    %min3A_72 = arith.minimumf %min3A, %sqrt3A_70 : vector<128x128xf32>
    %jit3A_73 = arith.constant 2 : i32
    %broadcast_in_dim3A_74 = vector.broadcast %jit3A_73 : i32 to vector<128x128xi32>
    %select_n3A_75 = arith.select %lt3A_71, %broadcast_in_dim3A_74, %select_n3A : vector<128x128xi1>, vector<128x128xi32>
    %slice3A_76 = vector.extract_strided_slice %get3A_4 {offsets = [0, 384], sizes = [1, 128], strides = [1, 1]} : vector<1x1024xf32> to vector<1x128xf32>
    %add3A_77 = vector.broadcast %add3A_30 : vector<128x1xf32> to vector<128x128xf32>
    %add3A_78 = vector.broadcast %slice3A_76 : vector<1x128xf32> to vector<128x128xf32>
    %add3A_79 = arith.addf %add3A_77, %add3A_78 : vector<128x128xf32>
    %slice3A_80 = vector.extract_strided_slice %dot_general3A_31 {offsets = [0, 384], sizes = [128, 128], strides = [1, 1]} : vector<128x1024xf32> to vector<128x128xf32>
    %mul3A_81 = arith.constant 2.000000e+00 : f32
    %mul3A_82 = vector.broadcast %mul3A_81 : f32 to vector<128x128xf32>
    %mul3A_83 = arith.mulf %mul3A_82, %slice3A_80 : vector<128x128xf32>
    %sub3A_84 = arith.subf %add3A_79, %mul3A_83 : vector<128x128xf32>
    %max3A_85 = arith.constant 0.000000e+00 : f32
    %max3A_86 = vector.broadcast %max3A_85 : f32 to vector<128x128xf32>
    %max3A_87 = arith.maximumf %sub3A_84, %max3A_86 : vector<128x128xf32>
    %sqrt3A_88 = math.sqrt %max3A_87 : vector<128x128xf32>
    %lt3A_89 = arith.cmpf olt, %sqrt3A_88, %min3A_72 : vector<128x128xf32>
    %min3A_90 = arith.minimumf %min3A_72, %sqrt3A_88 : vector<128x128xf32>
    %jit3A_91 = arith.constant 3 : i32
    %broadcast_in_dim3A_92 = vector.broadcast %jit3A_91 : i32 to vector<128x128xi32>
    %select_n3A_93 = arith.select %lt3A_89, %broadcast_in_dim3A_92, %select_n3A_75 : vector<128x128xi1>, vector<128x128xi32>
    %slice3A_94 = vector.extract_strided_slice %get3A_4 {offsets = [0, 512], sizes = [1, 128], strides = [1, 1]} : vector<1x1024xf32> to vector<1x128xf32>
    %add3A_95 = vector.broadcast %add3A_30 : vector<128x1xf32> to vector<128x128xf32>
    %add3A_96 = vector.broadcast %slice3A_94 : vector<1x128xf32> to vector<128x128xf32>
    %add3A_97 = arith.addf %add3A_95, %add3A_96 : vector<128x128xf32>
    %slice3A_98 = vector.extract_strided_slice %dot_general3A_31 {offsets = [0, 512], sizes = [128, 128], strides = [1, 1]} : vector<128x1024xf32> to vector<128x128xf32>
    %mul3A_99 = arith.constant 2.000000e+00 : f32
    %mul3A_100 = vector.broadcast %mul3A_99 : f32 to vector<128x128xf32>
    %mul3A_101 = arith.mulf %mul3A_100, %slice3A_98 : vector<128x128xf32>
    %sub3A_102 = arith.subf %add3A_97, %mul3A_101 : vector<128x128xf32>
    %max3A_103 = arith.constant 0.000000e+00 : f32
    %max3A_104 = vector.broadcast %max3A_103 : f32 to vector<128x128xf32>
    %max3A_105 = arith.maximumf %sub3A_102, %max3A_104 : vector<128x128xf32>
    %sqrt3A_106 = math.sqrt %max3A_105 : vector<128x128xf32>
    %lt3A_107 = arith.cmpf olt, %sqrt3A_106, %min3A_90 : vector<128x128xf32>
    %min3A_108 = arith.minimumf %min3A_90, %sqrt3A_106 : vector<128x128xf32>
    %jit3A_109 = arith.constant 4 : i32
    %broadcast_in_dim3A_110 = vector.broadcast %jit3A_109 : i32 to vector<128x128xi32>
    %select_n3A_111 = arith.select %lt3A_107, %broadcast_in_dim3A_110, %select_n3A_93 : vector<128x128xi1>, vector<128x128xi32>
    %slice3A_112 = vector.extract_strided_slice %get3A_4 {offsets = [0, 640], sizes = [1, 128], strides = [1, 1]} : vector<1x1024xf32> to vector<1x128xf32>
    %add3A_113 = vector.broadcast %add3A_30 : vector<128x1xf32> to vector<128x128xf32>
    %add3A_114 = vector.broadcast %slice3A_112 : vector<1x128xf32> to vector<128x128xf32>
    %add3A_115 = arith.addf %add3A_113, %add3A_114 : vector<128x128xf32>
    %slice3A_116 = vector.extract_strided_slice %dot_general3A_31 {offsets = [0, 640], sizes = [128, 128], strides = [1, 1]} : vector<128x1024xf32> to vector<128x128xf32>
    %mul3A_117 = arith.constant 2.000000e+00 : f32
    %mul3A_118 = vector.broadcast %mul3A_117 : f32 to vector<128x128xf32>
    %mul3A_119 = arith.mulf %mul3A_118, %slice3A_116 : vector<128x128xf32>
    %sub3A_120 = arith.subf %add3A_115, %mul3A_119 : vector<128x128xf32>
    %max3A_121 = arith.constant 0.000000e+00 : f32
    %max3A_122 = vector.broadcast %max3A_121 : f32 to vector<128x128xf32>
    %max3A_123 = arith.maximumf %sub3A_120, %max3A_122 : vector<128x128xf32>
    %sqrt3A_124 = math.sqrt %max3A_123 : vector<128x128xf32>
    %lt3A_125 = arith.cmpf olt, %sqrt3A_124, %min3A_108 : vector<128x128xf32>
    %min3A_126 = arith.minimumf %min3A_108, %sqrt3A_124 : vector<128x128xf32>
    %jit3A_127 = arith.constant 5 : i32
    %broadcast_in_dim3A_128 = vector.broadcast %jit3A_127 : i32 to vector<128x128xi32>
    %select_n3A_129 = arith.select %lt3A_125, %broadcast_in_dim3A_128, %select_n3A_111 : vector<128x128xi1>, vector<128x128xi32>
    %slice3A_130 = vector.extract_strided_slice %get3A_4 {offsets = [0, 768], sizes = [1, 128], strides = [1, 1]} : vector<1x1024xf32> to vector<1x128xf32>
    %add3A_131 = vector.broadcast %add3A_30 : vector<128x1xf32> to vector<128x128xf32>
    %add3A_132 = vector.broadcast %slice3A_130 : vector<1x128xf32> to vector<128x128xf32>
    %add3A_133 = arith.addf %add3A_131, %add3A_132 : vector<128x128xf32>
    %slice3A_134 = vector.extract_strided_slice %dot_general3A_31 {offsets = [0, 768], sizes = [128, 128], strides = [1, 1]} : vector<128x1024xf32> to vector<128x128xf32>
    %mul3A_135 = arith.constant 2.000000e+00 : f32
    %mul3A_136 = vector.broadcast %mul3A_135 : f32 to vector<128x128xf32>
    %mul3A_137 = arith.mulf %mul3A_136, %slice3A_134 : vector<128x128xf32>
    %sub3A_138 = arith.subf %add3A_133, %mul3A_137 : vector<128x128xf32>
    %max3A_139 = arith.constant 0.000000e+00 : f32
    %max3A_140 = vector.broadcast %max3A_139 : f32 to vector<128x128xf32>
    %max3A_141 = arith.maximumf %sub3A_138, %max3A_140 : vector<128x128xf32>
    %sqrt3A_142 = math.sqrt %max3A_141 : vector<128x128xf32>
    %lt3A_143 = arith.cmpf olt, %sqrt3A_142, %min3A_126 : vector<128x128xf32>
    %min3A_144 = arith.minimumf %min3A_126, %sqrt3A_142 : vector<128x128xf32>
    %jit3A_145 = arith.constant 6 : i32
    %broadcast_in_dim3A_146 = vector.broadcast %jit3A_145 : i32 to vector<128x128xi32>
    %select_n3A_147 = arith.select %lt3A_143, %broadcast_in_dim3A_146, %select_n3A_129 : vector<128x128xi1>, vector<128x128xi32>
    %slice3A_148 = vector.extract_strided_slice %get3A_4 {offsets = [0, 896], sizes = [1, 128], strides = [1, 1]} : vector<1x1024xf32> to vector<1x128xf32>
    %add3A_149 = vector.broadcast %add3A_30 : vector<128x1xf32> to vector<128x128xf32>
    %add3A_150 = vector.broadcast %slice3A_148 : vector<1x128xf32> to vector<128x128xf32>
    %add3A_151 = arith.addf %add3A_149, %add3A_150 : vector<128x128xf32>
    %slice3A_152 = vector.extract_strided_slice %dot_general3A_31 {offsets = [0, 896], sizes = [128, 128], strides = [1, 1]} : vector<128x1024xf32> to vector<128x128xf32>
    %mul3A_153 = arith.constant 2.000000e+00 : f32
    %mul3A_154 = vector.broadcast %mul3A_153 : f32 to vector<128x128xf32>
    %mul3A_155 = arith.mulf %mul3A_154, %slice3A_152 : vector<128x128xf32>
    %sub3A_156 = arith.subf %add3A_151, %mul3A_155 : vector<128x128xf32>
    %max3A_157 = arith.constant 0.000000e+00 : f32
    %max3A_158 = vector.broadcast %max3A_157 : f32 to vector<128x128xf32>
    %max3A_159 = arith.maximumf %sub3A_156, %max3A_158 : vector<128x128xf32>
    %sqrt3A_160 = math.sqrt %max3A_159 : vector<128x128xf32>
    %lt3A_161 = arith.cmpf olt, %sqrt3A_160, %min3A_144 : vector<128x128xf32>
    %min3A_162 = arith.minimumf %min3A_144, %sqrt3A_160 : vector<128x128xf32>
    %jit3A_163 = arith.constant 7 : i32
    %broadcast_in_dim3A_164 = vector.broadcast %jit3A_163 : i32 to vector<128x128xi32>
    %select_n3A_165 = arith.select %lt3A_161, %broadcast_in_dim3A_164, %select_n3A_147 : vector<128x128xi1>, vector<128x128xi32>
    %mul3A_166 = arith.constant 128 : i32
    %mul3A_167 = vector.broadcast %mul3A_166 : i32 to vector<128x128xi32>
    %mul3A_168 = arith.muli %select_n3A_165, %mul3A_167 : vector<128x128xi32>
    %add3A_169 = arith.addi %mul3A_168, %iota3A : vector<128x128xi32>
    %reduce_min3A = arith.constant dense<0x7F800000> : vector<128xf32>
    %reduce_min3A_170 = vector.multi_reduction <minimumf>, %min3A_162, %reduce_min3A [1] : vector<128x128xf32> to vector<128xf32>
    %broadcast_in_dim3A_171 = vector.shape_cast %reduce_min3A_170 : vector<128xf32> to vector<128x1xf32>
    %eq3A = vector.broadcast %broadcast_in_dim3A_171 : vector<128x1xf32> to vector<128x128xf32>
    %eq3A_172 = arith.cmpf oeq, %min3A_162, %eq3A : vector<128x128xf32>
    %jit3A_173 = arith.constant 1024 : i32
    %broadcast_in_dim3A_174 = vector.broadcast %jit3A_173 : i32 to vector<128x128xi32>
    %select_n3A_175 = arith.select %eq3A_172, %add3A_169, %broadcast_in_dim3A_174 : vector<128x128xi1>, vector<128x128xi32>
    %reduce_min3A_176 = arith.constant dense<2147483647> : vector<128xi32>
    %reduce_min3A_177 = vector.multi_reduction <minsi>, %select_n3A_175, %reduce_min3A_176 [1] : vector<128x128xi32> to vector<128xi32>
    %broadcast_in_dim3A_178 = vector.shape_cast %reduce_min3A_177 : vector<128xi32> to vector<128x1xi32>
    %swap3A = arith.constant 0 : index
    %swap3A_179 = arith.constant 0 : index
    %swap3A_180 = vector.load %arg4[%swap3A, %swap3A_179] : memref<2304x1xi32, #tpu.memory_space<vmem>>, vector<128x1xi32>
    tpu.vector_store %arg4[%swap3A, %swap3A_179], %broadcast_in_dim3A_178 {strides = array<i32>} : memref<2304x1xi32, #tpu.memory_space<vmem>>, vector<128x1xi32>,
    %mul3A_181 = arith.mulf %broadcast_in_dim3A_171, %broadcast_in_dim3A_171 : vector<128x1xf32>
    %add3A_182 = arith.addf %broadcast_in_dim3A_5, %mul3A_181 : vector<128x1xf32>
    %get3A_183 = arith.constant 128 : index
    %get3A_184 = arith.constant 0 : index
    %get3A_185 = vector.load %arg1[%get3A_183, %get3A_184] : memref<2304x64xf32, #tpu.memory_space<vmem>>, vector<128x64xf32>
    %mul3A_186 = arith.mulf %get3A_185, %get3A_185 : vector<128x64xf32>
    %slice3A_187 = vector.extract_strided_slice %mul3A_186 {offsets = [0, 0], sizes = [128, 8], strides = [1, 1]} : vector<128x64xf32> to vector<128x8xf32>
    %slice3A_188 = vector.extract_strided_slice %mul3A_186 {offsets = [0, 8], sizes = [128, 8], strides = [1, 1]} : vector<128x64xf32> to vector<128x8xf32>
    %add3A_189 = arith.addf %slice3A_187, %slice3A_188 : vector<128x8xf32>
    %slice3A_190 = vector.extract_strided_slice %mul3A_186 {offsets = [0, 16], sizes = [128, 8], strides = [1, 1]} : vector<128x64xf32> to vector<128x8xf32>
    %add3A_191 = arith.addf %add3A_189, %slice3A_190 : vector<128x8xf32>
    %slice3A_192 = vector.extract_strided_slice %mul3A_186 {offsets = [0, 24], sizes = [128, 8], strides = [1, 1]} : vector<128x64xf32> to vector<128x8xf32>
    %add3A_193 = arith.addf %add3A_191, %slice3A_192 : vector<128x8xf32>
    %slice3A_194 = vector.extract_strided_slice %mul3A_186 {offsets = [0, 32], sizes = [128, 8], strides = [1, 1]} : vector<128x64xf32> to vector<128x8xf32>
    %add3A_195 = arith.addf %add3A_193, %slice3A_194 : vector<128x8xf32>
    %slice3A_196 = vector.extract_strided_slice %mul3A_186 {offsets = [0, 40], sizes = [128, 8], strides = [1, 1]} : vector<128x64xf32> to vector<128x8xf32>
    %add3A_197 = arith.addf %add3A_195, %slice3A_196 : vector<128x8xf32>
    %slice3A_198 = vector.extract_strided_slice %mul3A_186 {offsets = [0, 48], sizes = [128, 8], strides = [1, 1]} : vector<128x64xf32> to vector<128x8xf32>
    %add3A_199 = arith.addf %add3A_197, %slice3A_198 : vector<128x8xf32>
    %slice3A_200 = vector.extract_strided_slice %mul3A_186 {offsets = [0, 56], sizes = [128, 8], strides = [1, 1]} : vector<128x64xf32> to vector<128x8xf32>
    %add3A_201 = arith.addf %add3A_199, %slice3A_200 : vector<128x8xf32>
    %slice3A_202 = vector.extract_strided_slice %add3A_201 {offsets = [0, 0], sizes = [128, 4], strides = [1, 1]} : vector<128x8xf32> to vector<128x4xf32>
    %slice3A_203 = vector.extract_strided_slice %add3A_201 {offsets = [0, 4], sizes = [128, 4], strides = [1, 1]} : vector<128x8xf32> to vector<128x4xf32>
    %add3A_204 = arith.addf %slice3A_202, %slice3A_203 : vector<128x4xf32>
    %slice3A_205 = vector.extract_strided_slice %add3A_204 {offsets = [0, 0], sizes = [128, 2], strides = [1, 1]} : vector<128x4xf32> to vector<128x2xf32>
    %slice3A_206 = vector.extract_strided_slice %add3A_204 {offsets = [0, 2], sizes = [128, 2], strides = [1, 1]} : vector<128x4xf32> to vector<128x2xf32>
    %add3A_207 = arith.addf %slice3A_205, %slice3A_206 : vector<128x2xf32>
    %slice3A_208 = vector.extract_strided_slice %add3A_207 {offsets = [0, 0], sizes = [128, 1], strides = [1, 1]} : vector<128x2xf32> to vector<128x1xf32>
    %slice3A_209 = vector.extract_strided_slice %add3A_207 {offsets = [0, 1], sizes = [128, 1], strides = [1, 1]} : vector<128x2xf32> to vector<128x1xf32>
    %add3A_210 = arith.addf %slice3A_208, %slice3A_209 : vector<128x1xf32>
    %dot_general3A_211 = arith.constant dense<0.000000e+00> : vector<128x1024xf32>
    %dot_general3A_212 = tpu.matmul %get3A_185, %get3A_1, %dot_general3A_211 {dimension_numbers = #tpu.dot_dimension_numbers<[1], [1], [0], [0], [0, 0, 1, 0], [], []>, transpose_lhs_hint = false} : vector<128x64xf32>, vector<1024x64xf32>, vector<128x1024xf32> -> vector<128x1024xf32>
    %slice3A_213 = vector.extract_strided_slice %get3A_4 {offsets = [0, 0], sizes = [1, 128], strides = [1, 1]} : vector<1x1024xf32> to vector<1x128xf32>
    %add3A_214 = vector.broadcast %add3A_210 : vector<128x1xf32> to vector<128x128xf32>
    %add3A_215 = vector.broadcast %slice3A_213 : vector<1x128xf32> to vector<128x128xf32>
    %add3A_216 = arith.addf %add3A_214, %add3A_215 : vector<128x128xf32>
    %slice3A_217 = vector.extract_strided_slice %dot_general3A_212 {offsets = [0, 0], sizes = [128, 128], strides = [1, 1]} : vector<128x1024xf32> to vector<128x128xf32>
    %mul3A_218 = arith.constant 2.000000e+00 : f32
    %mul3A_219 = vector.broadcast %mul3A_218 : f32 to vector<128x128xf32>
    %mul3A_220 = arith.mulf %mul3A_219, %slice3A_217 : vector<128x128xf32>
    %sub3A_221 = arith.subf %add3A_216, %mul3A_220 : vector<128x128xf32>
    %max3A_222 = arith.constant 0.000000e+00 : f32
    %max3A_223 = vector.broadcast %max3A_222 : f32 to vector<128x128xf32>
    %max3A_224 = arith.maximumf %sub3A_221, %max3A_223 : vector<128x128xf32>
    %sqrt3A_225 = math.sqrt %max3A_224 : vector<128x128xf32>
    %broadcast_in_dim3A_226 = arith.constant 0 : i32
    %broadcast_in_dim3A_227 = vector.broadcast %broadcast_in_dim3A_226 : i32 to vector<128x128xi32>
    %slice3A_228 = vector.extract_strided_slice %get3A_4 {offsets = [0, 128], sizes = [1, 128], strides = [1, 1]} : vector<1x1024xf32> to vector<1x128xf32>
    %add3A_229 = vector.broadcast %add3A_210 : vector<128x1xf32> to vector<128x128xf32>
    %add3A_230 = vector.broadcast %slice3A_228 : vector<1x128xf32> to vector<128x128xf32>
    %add3A_231 = arith.addf %add3A_229, %add3A_230 : vector<128x128xf32>
    %slice3A_232 = vector.extract_strided_slice %dot_general3A_212 {offsets = [0, 128], sizes = [128, 128], strides = [1, 1]} : vector<128x1024xf32> to vector<128x128xf32>
    %mul3A_233 = arith.constant 2.000000e+00 : f32
    %mul3A_234 = vector.broadcast %mul3A_233 : f32 to vector<128x128xf32>
    %mul3A_235 = arith.mulf %mul3A_234, %slice3A_232 : vector<128x128xf32>
    %sub3A_236 = arith.subf %add3A_231, %mul3A_235 : vector<128x128xf32>
    %max3A_237 = arith.constant 0.000000e+00 : f32
    %max3A_238 = vector.broadcast %max3A_237 : f32 to vector<128x128xf32>
    %max3A_239 = arith.maximumf %sub3A_236, %max3A_238 : vector<128x128xf32>
    %sqrt3A_240 = math.sqrt %max3A_239 : vector<128x128xf32>
    %lt3A_241 = arith.cmpf olt, %sqrt3A_240, %sqrt3A_225 : vector<128x128xf32>
    %min3A_242 = arith.minimumf %sqrt3A_225, %sqrt3A_240 : vector<128x128xf32>
    %jit3A_243 = arith.constant 1 : i32
    %broadcast_in_dim3A_244 = vector.broadcast %jit3A_243 : i32 to vector<128x128xi32>
    %select_n3A_245 = arith.select %lt3A_241, %broadcast_in_dim3A_244, %broadcast_in_dim3A_227 : vector<128x128xi1>, vector<128x128xi32>
    %slice3A_246 = vector.extract_strided_slice %get3A_4 {offsets = [0, 256], sizes = [1, 128], strides = [1, 1]} : vector<1x1024xf32> to vector<1x128xf32>
    %add3A_247 = vector.broadcast %add3A_210 : vector<128x1xf32> to vector<128x128xf32>
    %add3A_248 = vector.broadcast %slice3A_246 : vector<1x128xf32> to vector<128x128xf32>
    %add3A_249 = arith.addf %add3A_247, %add3A_248 : vector<128x128xf32>
    %slice3A_250 = vector.extract_strided_slice %dot_general3A_212 {offsets = [0, 256], sizes = [128, 128], strides = [1, 1]} : vector<128x1024xf32> to vector<128x128xf32>
    %mul3A_251 = arith.constant 2.000000e+00 : f32
    %mul3A_252 = vector.broadcast %mul3A_251 : f32 to vector<128x128xf32>
    %mul3A_253 = arith.mulf %mul3A_252, %slice3A_250 : vector<128x128xf32>
    %sub3A_254 = arith.subf %add3A_249, %mul3A_253 : vector<128x128xf32>
    %max3A_255 = arith.constant 0.000000e+00 : f32
    %max3A_256 = vector.broadcast %max3A_255 : f32 to vector<128x128xf32>
    %max3A_257 = arith.maximumf %sub3A_254, %max3A_256 : vector<128x128xf32>
    %sqrt3A_258 = math.sqrt %max3A_257 : vector<128x128xf32>
    %lt3A_259 = arith.cmpf olt, %sqrt3A_258, %min3A_242 : vector<128x128xf32>
    %min3A_260 = arith.minimumf %min3A_242, %sqrt3A_258 : vector<128x128xf32>
    %jit3A_261 = arith.constant 2 : i32
    %broadcast_in_dim3A_262 = vector.broadcast %jit3A_261 : i32 to vector<128x128xi32>
    %select_n3A_263 = arith.select %lt3A_259, %broadcast_in_dim3A_262, %select_n3A_245 : vector<128x128xi1>, vector<128x128xi32>
    %slice3A_264 = vector.extract_strided_slice %get3A_4 {offsets = [0, 384], sizes = [1, 128], strides = [1, 1]} : vector<1x1024xf32> to vector<1x128xf32>
    %add3A_265 = vector.broadcast %add3A_210 : vector<128x1xf32> to vector<128x128xf32>
    %add3A_266 = vector.broadcast %slice3A_264 : vector<1x128xf32> to vector<128x128xf32>
    %add3A_267 = arith.addf %add3A_265, %add3A_266 : vector<128x128xf32>
    %slice3A_268 = vector.extract_strided_slice %dot_general3A_212 {offsets = [0, 384], sizes = [128, 128], strides = [1, 1]} : vector<128x1024xf32> to vector<128x128xf32>
    %mul3A_269 = arith.constant 2.000000e+00 : f32
    %mul3A_270 = vector.broadcast %mul3A_269 : f32 to vector<128x128xf32>
    %mul3A_271 = arith.mulf %mul3A_270, %slice3A_268 : vector<128x128xf32>
    %sub3A_272 = arith.subf %add3A_267, %mul3A_271 : vector<128x128xf32>
    %max3A_273 = arith.constant 0.000000e+00 : f32
    %max3A_274 = vector.broadcast %max3A_273 : f32 to vector<128x128xf32>
    %max3A_275 = arith.maximumf %sub3A_272, %max3A_274 : vector<128x128xf32>
    %sqrt3A_276 = math.sqrt %max3A_275 : vector<128x128xf32>
    %lt3A_277 = arith.cmpf olt, %sqrt3A_276, %min3A_260 : vector<128x128xf32>
    %min3A_278 = arith.minimumf %min3A_260, %sqrt3A_276 : vector<128x128xf32>
    %jit3A_279 = arith.constant 3 : i32
    %broadcast_in_dim3A_280 = vector.broadcast %jit3A_279 : i32 to vector<128x128xi32>
    %select_n3A_281 = arith.select %lt3A_277, %broadcast_in_dim3A_280, %select_n3A_263 : vector<128x128xi1>, vector<128x128xi32>
    %slice3A_282 = vector.extract_strided_slice %get3A_4 {offsets = [0, 512], sizes = [1, 128], strides = [1, 1]} : vector<1x1024xf32> to vector<1x128xf32>
    %add3A_283 = vector.broadcast %add3A_210 : vector<128x1xf32> to vector<128x128xf32>
    %add3A_284 = vector.broadcast %slice3A_282 : vector<1x128xf32> to vector<128x128xf32>
    %add3A_285 = arith.addf %add3A_283, %add3A_284 : vector<128x128xf32>
    %slice3A_286 = vector.extract_strided_slice %dot_general3A_212 {offsets = [0, 512], sizes = [128, 128], strides = [1, 1]} : vector<128x1024xf32> to vector<128x128xf32>
    %mul3A_287 = arith.constant 2.000000e+00 : f32
    %mul3A_288 = vector.broadcast %mul3A_287 : f32 to vector<128x128xf32>
    %mul3A_289 = arith.mulf %mul3A_288, %slice3A_286 : vector<128x128xf32>
    %sub3A_290 = arith.subf %add3A_285, %mul3A_289 : vector<128x128xf32>
    %max3A_291 = arith.constant 0.000000e+00 : f32
    %max3A_292 = vector.broadcast %max3A_291 : f32 to vector<128x128xf32>
    %max3A_293 = arith.maximumf %sub3A_290, %max3A_292 : vector<128x128xf32>
    %sqrt3A_294 = math.sqrt %max3A_293 : vector<128x128xf32>
    %lt3A_295 = arith.cmpf olt, %sqrt3A_294, %min3A_278 : vector<128x128xf32>
    %min3A_296 = arith.minimumf %min3A_278, %sqrt3A_294 : vector<128x128xf32>
    %jit3A_297 = arith.constant 4 : i32
    %broadcast_in_dim3A_298 = vector.broadcast %jit3A_297 : i32 to vector<128x128xi32>
    %select_n3A_299 = arith.select %lt3A_295, %broadcast_in_dim3A_298, %select_n3A_281 : vector<128x128xi1>, vector<128x128xi32>
    %slice3A_300 = vector.extract_strided_slice %get3A_4 {offsets = [0, 640], sizes = [1, 128], strides = [1, 1]} : vector<1x1024xf32> to vector<1x128xf32>
    %add3A_301 = vector.broadcast %add3A_210 : vector<128x1xf32> to vector<128x128xf32>
    %add3A_302 = vector.broadcast %slice3A_300 : vector<1x128xf32> to vector<128x128xf32>
    %add3A_303 = arith.addf %add3A_301, %add3A_302 : vector<128x128xf32>
    %slice3A_304 = vector.extract_strided_slice %dot_general3A_212 {offsets = [0, 640], sizes = [128, 128], strides = [1, 1]} : vector<128x1024xf32> to vector<128x128xf32>
    %mul3A_305 = arith.constant 2.000000e+00 : f32
    %mul3A_306 = vector.broadcast %mul3A_305 : f32 to vector<128x128xf32>
    %mul3A_307 = arith.mulf %mul3A_306, %slice3A_304 : vector<128x128xf32>
    %sub3A_308 = arith.subf %add3A_303, %mul3A_307 : vector<128x128xf32>
    %max3A_309 = arith.constant 0.000000e+00 : f32
    %max3A_310 = vector.broadcast %max3A_309 : f32 to vector<128x128xf32>
    %max3A_311 = arith.maximumf %sub3A_308, %max3A_310 : vector<128x128xf32>
    %sqrt3A_312 = math.sqrt %max3A_311 : vector<128x128xf32>
    %lt3A_313 = arith.cmpf olt, %sqrt3A_312, %min3A_296 : vector<128x128xf32>
    %min3A_314 = arith.minimumf %min3A_296, %sqrt3A_312 : vector<128x128xf32>
    %jit3A_315 = arith.constant 5 : i32
    %broadcast_in_dim3A_316 = vector.broadcast %jit3A_315 : i32 to vector<128x128xi32>
    %select_n3A_317 = arith.select %lt3A_313, %broadcast_in_dim3A_316, %select_n3A_299 : vector<128x128xi1>, vector<128x128xi32>
    %slice3A_318 = vector.extract_strided_slice %get3A_4 {offsets = [0, 768], sizes = [1, 128], strides = [1, 1]} : vector<1x1024xf32> to vector<1x128xf32>
    %add3A_319 = vector.broadcast %add3A_210 : vector<128x1xf32> to vector<128x128xf32>
    %add3A_320 = vector.broadcast %slice3A_318 : vector<1x128xf32> to vector<128x128xf32>
    %add3A_321 = arith.addf %add3A_319, %add3A_320 : vector<128x128xf32>
    %slice3A_322 = vector.extract_strided_slice %dot_general3A_212 {offsets = [0, 768], sizes = [128, 128], strides = [1, 1]} : vector<128x1024xf32> to vector<128x128xf32>
    %mul3A_323 = arith.constant 2.000000e+00 : f32
    %mul3A_324 = vector.broadcast %mul3A_323 : f32 to vector<128x128xf32>
    %mul3A_325 = arith.mulf %mul3A_324, %slice3A_322 : vector<128x128xf32>
    %sub3A_326 = arith.subf %add3A_321, %mul3A_325 : vector<128x128xf32>
    %max3A_327 = arith.constant 0.000000e+00 : f32
    %max3A_328 = vector.broadcast %max3A_327 : f32 to vector<128x128xf32>
    %max3A_329 = arith.maximumf %sub3A_326, %max3A_328 : vector<128x128xf32>
    %sqrt3A_330 = math.sqrt %max3A_329 : vector<128x128xf32>
    %lt3A_331 = arith.cmpf olt, %sqrt3A_330, %min3A_314 : vector<128x128xf32>
    %min3A_332 = arith.minimumf %min3A_314, %sqrt3A_330 : vector<128x128xf32>
    %jit3A_333 = arith.constant 6 : i32
    %broadcast_in_dim3A_334 = vector.broadcast %jit3A_333 : i32 to vector<128x128xi32>
    %select_n3A_335 = arith.select %lt3A_331, %broadcast_in_dim3A_334, %select_n3A_317 : vector<128x128xi1>, vector<128x128xi32>
    %slice3A_336 = vector.extract_strided_slice %get3A_4 {offsets = [0, 896], sizes = [1, 128], strides = [1, 1]} : vector<1x1024xf32> to vector<1x128xf32>
    %add3A_337 = vector.broadcast %add3A_210 : vector<128x1xf32> to vector<128x128xf32>
    %add3A_338 = vector.broadcast %slice3A_336 : vector<1x128xf32> to vector<128x128xf32>
    %add3A_339 = arith.addf %add3A_337, %add3A_338 : vector<128x128xf32>
    %slice3A_340 = vector.extract_strided_slice %dot_general3A_212 {offsets = [0, 896], sizes = [128, 128], strides = [1, 1]} : vector<128x1024xf32> to vector<128x128xf32>
    %mul3A_341 = arith.constant 2.000000e+00 : f32
    %mul3A_342 = vector.broadcast %mul3A_341 : f32 to vector<128x128xf32>
    %mul3A_343 = arith.mulf %mul3A_342, %slice3A_340 : vector<128x128xf32>
    %sub3A_344 = arith.subf %add3A_339, %mul3A_343 : vector<128x128xf32>
    %max3A_345 = arith.constant 0.000000e+00 : f32
    %max3A_346 = vector.broadcast %max3A_345 : f32 to vector<128x128xf32>
    %max3A_347 = arith.maximumf %sub3A_344, %max3A_346 : vector<128x128xf32>
    %sqrt3A_348 = math.sqrt %max3A_347 : vector<128x128xf32>
    %lt3A_349 = arith.cmpf olt, %sqrt3A_348, %min3A_332 : vector<128x128xf32>
    %min3A_350 = arith.minimumf %min3A_332, %sqrt3A_348 : vector<128x128xf32>
    %jit3A_351 = arith.constant 7 : i32
    %broadcast_in_dim3A_352 = vector.broadcast %jit3A_351 : i32 to vector<128x128xi32>
    %select_n3A_353 = arith.select %lt3A_349, %broadcast_in_dim3A_352, %select_n3A_335 : vector<128x128xi1>, vector<128x128xi32>
    %mul3A_354 = arith.constant 128 : i32
    %mul3A_355 = vector.broadcast %mul3A_354 : i32 to vector<128x128xi32>
    %mul3A_356 = arith.muli %select_n3A_353, %mul3A_355 : vector<128x128xi32>
    %add3A_357 = arith.addi %mul3A_356, %iota3A : vector<128x128xi32>
    %reduce_min3A_358 = arith.constant dense<0x7F800000> : vector<128xf32>
    %reduce_min3A_359 = vector.multi_reduction <minimumf>, %min3A_350, %reduce_min3A_358 [1] : vector<128x128xf32> to vector<128xf32>
    %broadcast_in_dim3A_360 = vector.shape_cast %reduce_min3A_359 : vector<128xf32> to vector<128x1xf32>
    %eq3A_361 = vector.broadcast %broadcast_in_dim3A_360 : vector<128x1xf32> to vector<128x128xf32>
    %eq3A_362 = arith.cmpf oeq, %min3A_350, %eq3A_361 : vector<128x128xf32>
    %jit3A_363 = arith.constant 1024 : i32
    %broadcast_in_dim3A_364 = vector.broadcast %jit3A_363 : i32 to vector<128x128xi32>
    %select_n3A_365 = arith.select %eq3A_362, %add3A_357, %broadcast_in_dim3A_364 : vector<128x128xi1>, vector<128x128xi32>
    %reduce_min3A_366 = arith.constant dense<2147483647> : vector<128xi32>
    %reduce_min3A_367 = vector.multi_reduction <minsi>, %select_n3A_365, %reduce_min3A_366 [1] : vector<128x128xi32> to vector<128xi32>
    %broadcast_in_dim3A_368 = vector.shape_cast %reduce_min3A_367 : vector<128xi32> to vector<128x1xi32>
    %swap3A_369 = arith.constant 128 : index
    %swap3A_370 = arith.constant 0 : index
    %swap3A_371 = vector.load %arg4[%swap3A_369, %swap3A_370] : memref<2304x1xi32, #tpu.memory_space<vmem>>, vector<128x1xi32>
    tpu.vector_store %arg4[%swap3A_369, %swap3A_370], %broadcast_in_dim3A_368 {strides = array<i32>} : memref<2304x1xi32, #tpu.memory_space<vmem>>, vector<128x1xi32>,
    %mul3A_372 = arith.mulf %broadcast_in_dim3A_360, %broadcast_in_dim3A_360 : vector<128x1xf32>
    %add3A_373 = arith.addf %add3A_182, %mul3A_372 : vector<128x1xf32>
    %get3A_374 = arith.constant 256 : index
    %get3A_375 = arith.constant 0 : index
    %get3A_376 = vector.load %arg1[%get3A_374, %get3A_375] : memref<2304x64xf32, #tpu.memory_space<vmem>>, vector<128x64xf32>
    %mul3A_377 = arith.mulf %get3A_376, %get3A_376 : vector<128x64xf32>
    %slice3A_378 = vector.extract_strided_slice %mul3A_377 {offsets = [0, 0], sizes = [128, 8], strides = [1, 1]} : vector<128x64xf32> to vector<128x8xf32>
    %slice3A_379 = vector.extract_strided_slice %mul3A_377 {offsets = [0, 8], sizes = [128, 8], strides = [1, 1]} : vector<128x64xf32> to vector<128x8xf32>
    %add3A_380 = arith.addf %slice3A_378, %slice3A_379 : vector<128x8xf32>
    %slice3A_381 = vector.extract_strided_slice %mul3A_377 {offsets = [0, 16], sizes = [128, 8], strides = [1, 1]} : vector<128x64xf32> to vector<128x8xf32>
    %add3A_382 = arith.addf %add3A_380, %slice3A_381 : vector<128x8xf32>
    %slice3A_383 = vector.extract_strided_slice %mul3A_377 {offsets = [0, 24], sizes = [128, 8], strides = [1, 1]} : vector<128x64xf32> to vector<128x8xf32>
    %add3A_384 = arith.addf %add3A_382, %slice3A_383 : vector<128x8xf32>
    %slice3A_385 = vector.extract_strided_slice %mul3A_377 {offsets = [0, 32], sizes = [128, 8], strides = [1, 1]} : vector<128x64xf32> to vector<128x8xf32>
    %add3A_386 = arith.addf %add3A_384, %slice3A_385 : vector<128x8xf32>
    %slice3A_387 = vector.extract_strided_slice %mul3A_377 {offsets = [0, 40], sizes = [128, 8], strides = [1, 1]} : vector<128x64xf32> to vector<128x8xf32>
    %add3A_388 = arith.addf %add3A_386, %slice3A_387 : vector<128x8xf32>
    %slice3A_389 = vector.extract_strided_slice %mul3A_377 {offsets = [0, 48], sizes = [128, 8], strides = [1, 1]} : vector<128x64xf32> to vector<128x8xf32>
    %add3A_390 = arith.addf %add3A_388, %slice3A_389 : vector<128x8xf32>
    %slice3A_391 = vector.extract_strided_slice %mul3A_377 {offsets = [0, 56], sizes = [128, 8], strides = [1, 1]} : vector<128x64xf32> to vector<128x8xf32>
    %add3A_392 = arith.addf %add3A_390, %slice3A_391 : vector<128x8xf32>
    %slice3A_393 = vector.extract_strided_slice %add3A_392 {offsets = [0, 0], sizes = [128, 4], strides = [1, 1]} : vector<128x8xf32> to vector<128x4xf32>
    %slice3A_394 = vector.extract_strided_slice %add3A_392 {offsets = [0, 4], sizes = [128, 4], strides = [1, 1]} : vector<128x8xf32> to vector<128x4xf32>
    %add3A_395 = arith.addf %slice3A_393, %slice3A_394 : vector<128x4xf32>
    %slice3A_396 = vector.extract_strided_slice %add3A_395 {offsets = [0, 0], sizes = [128, 2], strides = [1, 1]} : vector<128x4xf32> to vector<128x2xf32>
    %slice3A_397 = vector.extract_strided_slice %add3A_395 {offsets = [0, 2], sizes = [128, 2], strides = [1, 1]} : vector<128x4xf32> to vector<128x2xf32>
    %add3A_398 = arith.addf %slice3A_396, %slice3A_397 : vector<128x2xf32>
    %slice3A_399 = vector.extract_strided_slice %add3A_398 {offsets = [0, 0], sizes = [128, 1], strides = [1, 1]} : vector<128x2xf32> to vector<128x1xf32>
    %slice3A_400 = vector.extract_strided_slice %add3A_398 {offsets = [0, 1], sizes = [128, 1], strides = [1, 1]} : vector<128x2xf32> to vector<128x1xf32>
    %add3A_401 = arith.addf %slice3A_399, %slice3A_400 : vector<128x1xf32>
    %dot_general3A_402 = arith.constant dense<0.000000e+00> : vector<128x1024xf32>
    %dot_general3A_403 = tpu.matmul %get3A_376, %get3A_1, %dot_general3A_402 {dimension_numbers = #tpu.dot_dimension_numbers<[1], [1], [0], [0], [0, 0, 1, 0], [], []>, transpose_lhs_hint = false} : vector<128x64xf32>, vector<1024x64xf32>, vector<128x1024xf32> -> vector<128x1024xf32>
    %slice3A_404 = vector.extract_strided_slice %get3A_4 {offsets = [0, 0], sizes = [1, 128], strides = [1, 1]} : vector<1x1024xf32> to vector<1x128xf32>
    %add3A_405 = vector.broadcast %add3A_401 : vector<128x1xf32> to vector<128x128xf32>
    %add3A_406 = vector.broadcast %slice3A_404 : vector<1x128xf32> to vector<128x128xf32>
    %add3A_407 = arith.addf %add3A_405, %add3A_406 : vector<128x128xf32>
    %slice3A_408 = vector.extract_strided_slice %dot_general3A_403 {offsets = [0, 0], sizes = [128, 128], strides = [1, 1]} : vector<128x1024xf32> to vector<128x128xf32>
    %mul3A_409 = arith.constant 2.000000e+00 : f32
    %mul3A_410 = vector.broadcast %mul3A_409 : f32 to vector<128x128xf32>
    %mul3A_411 = arith.mulf %mul3A_410, %slice3A_408 : vector<128x128xf32>
    %sub3A_412 = arith.subf %add3A_407, %mul3A_411 : vector<128x128xf32>
    %max3A_413 = arith.constant 0.000000e+00 : f32
    %max3A_414 = vector.broadcast %max3A_413 : f32 to vector<128x128xf32>
    %max3A_415 = arith.maximumf %sub3A_412, %max3A_414 : vector<128x128xf32>
    %sqrt3A_416 = math.sqrt %max3A_415 : vector<128x128xf32>
    %broadcast_in_dim3A_417 = arith.constant 0 : i32
    %broadcast_in_dim3A_418 = vector.broadcast %broadcast_in_dim3A_417 : i32 to vector<128x128xi32>
    %slice3A_419 = vector.extract_strided_slice %get3A_4 {offsets = [0, 128], sizes = [1, 128], strides = [1, 1]} : vector<1x1024xf32> to vector<1x128xf32>
    %add3A_420 = vector.broadcast %add3A_401 : vector<128x1xf32> to vector<128x128xf32>
    %add3A_421 = vector.broadcast %slice3A_419 : vector<1x128xf32> to vector<128x128xf32>
    %add3A_422 = arith.addf %add3A_420, %add3A_421 : vector<128x128xf32>
    %slice3A_423 = vector.extract_strided_slice %dot_general3A_403 {offsets = [0, 128], sizes = [128, 128], strides = [1, 1]} : vector<128x1024xf32> to vector<128x128xf32>
    %mul3A_424 = arith.constant 2.000000e+00 : f32
    %mul3A_425 = vector.broadcast %mul3A_424 : f32 to vector<128x128xf32>
    %mul3A_426 = arith.mulf %mul3A_425, %slice3A_423 : vector<128x128xf32>
    %sub3A_427 = arith.subf %add3A_422, %mul3A_426 : vector<128x128xf32>
    %max3A_428 = arith.constant 0.000000e+00 : f32
    %max3A_429 = vector.broadcast %max3A_428 : f32 to vector<128x128xf32>
    %max3A_430 = arith.maximumf %sub3A_427, %max3A_429 : vector<128x128xf32>
    %sqrt3A_431 = math.sqrt %max3A_430 : vector<128x128xf32>
    %lt3A_432 = arith.cmpf olt, %sqrt3A_431, %sqrt3A_416 : vector<128x128xf32>
    %min3A_433 = arith.minimumf %sqrt3A_416, %sqrt3A_431 : vector<128x128xf32>
    %jit3A_434 = arith.constant 1 : i32
    %broadcast_in_dim3A_435 = vector.broadcast %jit3A_434 : i32 to vector<128x128xi32>
    %select_n3A_436 = arith.select %lt3A_432, %broadcast_in_dim3A_435, %broadcast_in_dim3A_418 : vector<128x128xi1>, vector<128x128xi32>
    %slice3A_437 = vector.extract_strided_slice %get3A_4 {offsets = [0, 256], sizes = [1, 128], strides = [1, 1]} : vector<1x1024xf32> to vector<1x128xf32>
    %add3A_438 = vector.broadcast %add3A_401 : vector<128x1xf32> to vector<128x128xf32>
    %add3A_439 = vector.broadcast %slice3A_437 : vector<1x128xf32> to vector<128x128xf32>
    %add3A_440 = arith.addf %add3A_438, %add3A_439 : vector<128x128xf32>
    %slice3A_441 = vector.extract_strided_slice %dot_general3A_403 {offsets = [0, 256], sizes = [128, 128], strides = [1, 1]} : vector<128x1024xf32> to vector<128x128xf32>
    %mul3A_442 = arith.constant 2.000000e+00 : f32
    %mul3A_443 = vector.broadcast %mul3A_442 : f32 to vector<128x128xf32>
    %mul3A_444 = arith.mulf %mul3A_443, %slice3A_441 : vector<128x128xf32>
    %sub3A_445 = arith.subf %add3A_440, %mul3A_444 : vector<128x128xf32>
    %max3A_446 = arith.constant 0.000000e+00 : f32
    %max3A_447 = vector.broadcast %max3A_446 : f32 to vector<128x128xf32>
    %max3A_448 = arith.maximumf %sub3A_445, %max3A_447 : vector<128x128xf32>
    %sqrt3A_449 = math.sqrt %max3A_448 : vector<128x128xf32>
    %lt3A_450 = arith.cmpf olt, %sqrt3A_449, %min3A_433 : vector<128x128xf32>
    %min3A_451 = arith.minimumf %min3A_433, %sqrt3A_449 : vector<128x128xf32>
    %jit3A_452 = arith.constant 2 : i32
    %broadcast_in_dim3A_453 = vector.broadcast %jit3A_452 : i32 to vector<128x128xi32>
    %select_n3A_454 = arith.select %lt3A_450, %broadcast_in_dim3A_453, %select_n3A_436 : vector<128x128xi1>, vector<128x128xi32>
    %slice3A_455 = vector.extract_strided_slice %get3A_4 {offsets = [0, 384], sizes = [1, 128], strides = [1, 1]} : vector<1x1024xf32> to vector<1x128xf32>
    %add3A_456 = vector.broadcast %add3A_401 : vector<128x1xf32> to vector<128x128xf32>
    %add3A_457 = vector.broadcast %slice3A_455 : vector<1x128xf32> to vector<128x128xf32>
    %add3A_458 = arith.addf %add3A_456, %add3A_457 : vector<128x128xf32>
    %slice3A_459 = vector.extract_strided_slice %dot_general3A_403 {offsets = [0, 384], sizes = [128, 128], strides = [1, 1]} : vector<128x1024xf32> to vector<128x128xf32>
    %mul3A_460 = arith.constant 2.000000e+00 : f32
    %mul3A_461 = vector.broadcast %mul3A_460 : f32 to vector<128x128xf32>
    %mul3A_462 = arith.mulf %mul3A_461, %slice3A_459 : vector<128x128xf32>
    %sub3A_463 = arith.subf %add3A_458, %mul3A_462 : vector<128x128xf32>
    %max3A_464 = arith.constant 0.000000e+00 : f32
    %max3A_465 = vector.broadcast %max3A_464 : f32 to vector<128x128xf32>
    %max3A_466 = arith.maximumf %sub3A_463, %max3A_465 : vector<128x128xf32>
    %sqrt3A_467 = math.sqrt %max3A_466 : vector<128x128xf32>
    %lt3A_468 = arith.cmpf olt, %sqrt3A_467, %min3A_451 : vector<128x128xf32>
    %min3A_469 = arith.minimumf %min3A_451, %sqrt3A_467 : vector<128x128xf32>
    %jit3A_470 = arith.constant 3 : i32
    %broadcast_in_dim3A_471 = vector.broadcast %jit3A_470 : i32 to vector<128x128xi32>
    %select_n3A_472 = arith.select %lt3A_468, %broadcast_in_dim3A_471, %select_n3A_454 : vector<128x128xi1>, vector<128x128xi32>
    %slice3A_473 = vector.extract_strided_slice %get3A_4 {offsets = [0, 512], sizes = [1, 128], strides = [1, 1]} : vector<1x1024xf32> to vector<1x128xf32>
    %add3A_474 = vector.broadcast %add3A_401 : vector<128x1xf32> to vector<128x128xf32>
    %add3A_475 = vector.broadcast %slice3A_473 : vector<1x128xf32> to vector<128x128xf32>
    %add3A_476 = arith.addf %add3A_474, %add3A_475 : vector<128x128xf32>
    %slice3A_477 = vector.extract_strided_slice %dot_general3A_403 {offsets = [0, 512], sizes = [128, 128], strides = [1, 1]} : vector<128x1024xf32> to vector<128x128xf32>
    %mul3A_478 = arith.constant 2.000000e+00 : f32
    %mul3A_479 = vector.broadcast %mul3A_478 : f32 to vector<128x128xf32>
    %mul3A_480 = arith.mulf %mul3A_479, %slice3A_477 : vector<128x128xf32>
    %sub3A_481 = arith.subf %add3A_476, %mul3A_480 : vector<128x128xf32>
    %max3A_482 = arith.constant 0.000000e+00 : f32
    %max3A_483 = vector.broadcast %max3A_482 : f32 to vector<128x128xf32>
    %max3A_484 = arith.maximumf %sub3A_481, %max3A_483 : vector<128x128xf32>
    %sqrt3A_485 = math.sqrt %max3A_484 : vector<128x128xf32>
    %lt3A_486 = arith.cmpf olt, %sqrt3A_485, %min3A_469 : vector<128x128xf32>
    %min3A_487 = arith.minimumf %min3A_469, %sqrt3A_485 : vector<128x128xf32>
    %jit3A_488 = arith.constant 4 : i32
    %broadcast_in_dim3A_489 = vector.broadcast %jit3A_488 : i32 to vector<128x128xi32>
    %select_n3A_490 = arith.select %lt3A_486, %broadcast_in_dim3A_489, %select_n3A_472 : vector<128x128xi1>, vector<128x128xi32>
    %slice3A_491 = vector.extract_strided_slice %get3A_4 {offsets = [0, 640], sizes = [1, 128], strides = [1, 1]} : vector<1x1024xf32> to vector<1x128xf32>
    %add3A_492 = vector.broadcast %add3A_401 : vector<128x1xf32> to vector<128x128xf32>
    %add3A_493 = vector.broadcast %slice3A_491 : vector<1x128xf32> to vector<128x128xf32>
    %add3A_494 = arith.addf %add3A_492, %add3A_493 : vector<128x128xf32>
    %slice3A_495 = vector.extract_strided_slice %dot_general3A_403 {offsets = [0, 640], sizes = [128, 128], strides = [1, 1]} : vector<128x1024xf32> to vector<128x128xf32>
    %mul3A_496 = arith.constant 2.000000e+00 : f32
    %mul3A_497 = vector.broadcast %mul3A_496 : f32 to vector<128x128xf32>
    %mul3A_498 = arith.mulf %mul3A_497, %slice3A_495 : vector<128x128xf32>
    %sub3A_499 = arith.subf %add3A_494, %mul3A_498 : vector<128x128xf32>
    %max3A_500 = arith.constant 0.000000e+00 : f32
    %max3A_501 = vector.broadcast %max3A_500 : f32 to vector<128x128xf32>
    %max3A_502 = arith.maximumf %sub3A_499, %max3A_501 : vector<128x128xf32>
    %sqrt3A_503 = math.sqrt %max3A_502 : vector<128x128xf32>
    %lt3A_504 = arith.cmpf olt, %sqrt3A_503, %min3A_487 : vector<128x128xf32>
    %min3A_505 = arith.minimumf %min3A_487, %sqrt3A_503 : vector<128x128xf32>
    %jit3A_506 = arith.constant 5 : i32
    %broadcast_in_dim3A_507 = vector.broadcast %jit3A_506 : i32 to vector<128x128xi32>
    %select_n3A_508 = arith.select %lt3A_504, %broadcast_in_dim3A_507, %select_n3A_490 : vector<128x128xi1>, vector<128x128xi32>
    %slice3A_509 = vector.extract_strided_slice %get3A_4 {offsets = [0, 768], sizes = [1, 128], strides = [1, 1]} : vector<1x1024xf32> to vector<1x128xf32>
    %add3A_510 = vector.broadcast %add3A_401 : vector<128x1xf32> to vector<128x128xf32>
    %add3A_511 = vector.broadcast %slice3A_509 : vector<1x128xf32> to vector<128x128xf32>
    %add3A_512 = arith.addf %add3A_510, %add3A_511 : vector<128x128xf32>
    %slice3A_513 = vector.extract_strided_slice %dot_general3A_403 {offsets = [0, 768], sizes = [128, 128], strides = [1, 1]} : vector<128x1024xf32> to vector<128x128xf32>
    %mul3A_514 = arith.constant 2.000000e+00 : f32
    %mul3A_515 = vector.broadcast %mul3A_514 : f32 to vector<128x128xf32>
    %mul3A_516 = arith.mulf %mul3A_515, %slice3A_513 : vector<128x128xf32>
    %sub3A_517 = arith.subf %add3A_512, %mul3A_516 : vector<128x128xf32>
    %max3A_518 = arith.constant 0.000000e+00 : f32
    %max3A_519 = vector.broadcast %max3A_518 : f32 to vector<128x128xf32>
    %max3A_520 = arith.maximumf %sub3A_517, %max3A_519 : vector<128x128xf32>
    %sqrt3A_521 = math.sqrt %max3A_520 : vector<128x128xf32>
    %lt3A_522 = arith.cmpf olt, %sqrt3A_521, %min3A_505 : vector<128x128xf32>
    %min3A_523 = arith.minimumf %min3A_505, %sqrt3A_521 : vector<128x128xf32>
    %jit3A_524 = arith.constant 6 : i32
    %broadcast_in_dim3A_525 = vector.broadcast %jit3A_524 : i32 to vector<128x128xi32>
    %select_n3A_526 = arith.select %lt3A_522, %broadcast_in_dim3A_525, %select_n3A_508 : vector<128x128xi1>, vector<128x128xi32>
    %slice3A_527 = vector.extract_strided_slice %get3A_4 {offsets = [0, 896], sizes = [1, 128], strides = [1, 1]} : vector<1x1024xf32> to vector<1x128xf32>
    %add3A_528 = vector.broadcast %add3A_401 : vector<128x1xf32> to vector<128x128xf32>
    %add3A_529 = vector.broadcast %slice3A_527 : vector<1x128xf32> to vector<128x128xf32>
    %add3A_530 = arith.addf %add3A_528, %add3A_529 : vector<128x128xf32>
    %slice3A_531 = vector.extract_strided_slice %dot_general3A_403 {offsets = [0, 896], sizes = [128, 128], strides = [1, 1]} : vector<128x1024xf32> to vector<128x128xf32>
    %mul3A_532 = arith.constant 2.000000e+00 : f32
    %mul3A_533 = vector.broadcast %mul3A_532 : f32 to vector<128x128xf32>
    %mul3A_534 = arith.mulf %mul3A_533, %slice3A_531 : vector<128x128xf32>
    %sub3A_535 = arith.subf %add3A_530, %mul3A_534 : vector<128x128xf32>
    %max3A_536 = arith.constant 0.000000e+00 : f32
    %max3A_537 = vector.broadcast %max3A_536 : f32 to vector<128x128xf32>
    %max3A_538 = arith.maximumf %sub3A_535, %max3A_537 : vector<128x128xf32>
    %sqrt3A_539 = math.sqrt %max3A_538 : vector<128x128xf32>
    %lt3A_540 = arith.cmpf olt, %sqrt3A_539, %min3A_523 : vector<128x128xf32>
    %min3A_541 = arith.minimumf %min3A_523, %sqrt3A_539 : vector<128x128xf32>
    %jit3A_542 = arith.constant 7 : i32
    %broadcast_in_dim3A_543 = vector.broadcast %jit3A_542 : i32 to vector<128x128xi32>
    %select_n3A_544 = arith.select %lt3A_540, %broadcast_in_dim3A_543, %select_n3A_526 : vector<128x128xi1>, vector<128x128xi32>
    %mul3A_545 = arith.constant 128 : i32
    %mul3A_546 = vector.broadcast %mul3A_545 : i32 to vector<128x128xi32>
    %mul3A_547 = arith.muli %select_n3A_544, %mul3A_546 : vector<128x128xi32>
    %add3A_548 = arith.addi %mul3A_547, %iota3A : vector<128x128xi32>
    %reduce_min3A_549 = arith.constant dense<0x7F800000> : vector<128xf32>
    %reduce_min3A_550 = vector.multi_reduction <minimumf>, %min3A_541, %reduce_min3A_549 [1] : vector<128x128xf32> to vector<128xf32>
    %broadcast_in_dim3A_551 = vector.shape_cast %reduce_min3A_550 : vector<128xf32> to vector<128x1xf32>
    %eq3A_552 = vector.broadcast %broadcast_in_dim3A_551 : vector<128x1xf32> to vector<128x128xf32>
    %eq3A_553 = arith.cmpf oeq, %min3A_541, %eq3A_552 : vector<128x128xf32>
    %jit3A_554 = arith.constant 1024 : i32
    %broadcast_in_dim3A_555 = vector.broadcast %jit3A_554 : i32 to vector<128x128xi32>
    %select_n3A_556 = arith.select %eq3A_553, %add3A_548, %broadcast_in_dim3A_555 : vector<128x128xi1>, vector<128x128xi32>
    %reduce_min3A_557 = arith.constant dense<2147483647> : vector<128xi32>
    %reduce_min3A_558 = vector.multi_reduction <minsi>, %select_n3A_556, %reduce_min3A_557 [1] : vector<128x128xi32> to vector<128xi32>
    %broadcast_in_dim3A_559 = vector.shape_cast %reduce_min3A_558 : vector<128xi32> to vector<128x1xi32>
    %swap3A_560 = arith.constant 256 : index
    %swap3A_561 = arith.constant 0 : index
    %swap3A_562 = vector.load %arg4[%swap3A_560, %swap3A_561] : memref<2304x1xi32, #tpu.memory_space<vmem>>, vector<128x1xi32>
    tpu.vector_store %arg4[%swap3A_560, %swap3A_561], %broadcast_in_dim3A_559 {strides = array<i32>} : memref<2304x1xi32, #tpu.memory_space<vmem>>, vector<128x1xi32>,
    %mul3A_563 = arith.mulf %broadcast_in_dim3A_551, %broadcast_in_dim3A_551 : vector<128x1xf32>
    %add3A_564 = arith.addf %add3A_373, %mul3A_563 : vector<128x1xf32>
    %get3A_565 = arith.constant 384 : index
    %get3A_566 = arith.constant 0 : index
    %get3A_567 = vector.load %arg1[%get3A_565, %get3A_566] : memref<2304x64xf32, #tpu.memory_space<vmem>>, vector<128x64xf32>
    %mul3A_568 = arith.mulf %get3A_567, %get3A_567 : vector<128x64xf32>
    %slice3A_569 = vector.extract_strided_slice %mul3A_568 {offsets = [0, 0], sizes = [128, 8], strides = [1, 1]} : vector<128x64xf32> to vector<128x8xf32>
    %slice3A_570 = vector.extract_strided_slice %mul3A_568 {offsets = [0, 8], sizes = [128, 8], strides = [1, 1]} : vector<128x64xf32> to vector<128x8xf32>
    %add3A_571 = arith.addf %slice3A_569, %slice3A_570 : vector<128x8xf32>
    %slice3A_572 = vector.extract_strided_slice %mul3A_568 {offsets = [0, 16], sizes = [128, 8], strides = [1, 1]} : vector<128x64xf32> to vector<128x8xf32>
    %add3A_573 = arith.addf %add3A_571, %slice3A_572 : vector<128x8xf32>
    %slice3A_574 = vector.extract_strided_slice %mul3A_568 {offsets = [0, 24], sizes = [128, 8], strides = [1, 1]} : vector<128x64xf32> to vector<128x8xf32>
    %add3A_575 = arith.addf %add3A_573, %slice3A_574 : vector<128x8xf32>
    %slice3A_576 = vector.extract_strided_slice %mul3A_568 {offsets = [0, 32], sizes = [128, 8], strides = [1, 1]} : vector<128x64xf32> to vector<128x8xf32>
    %add3A_577 = arith.addf %add3A_575, %slice3A_576 : vector<128x8xf32>
    %slice3A_578 = vector.extract_strided_slice %mul3A_568 {offsets = [0, 40], sizes = [128, 8], strides = [1, 1]} : vector<128x64xf32> to vector<128x8xf32>
    %add3A_579 = arith.addf %add3A_577, %slice3A_578 : vector<128x8xf32>
    %slice3A_580 = vector.extract_strided_slice %mul3A_568 {offsets = [0, 48], sizes = [128, 8], strides = [1, 1]} : vector<128x64xf32> to vector<128x8xf32>
    %add3A_581 = arith.addf %add3A_579, %slice3A_580 : vector<128x8xf32>
    %slice3A_582 = vector.extract_strided_slice %mul3A_568 {offsets = [0, 56], sizes = [128, 8], strides = [1, 1]} : vector<128x64xf32> to vector<128x8xf32>
    %add3A_583 = arith.addf %add3A_581, %slice3A_582 : vector<128x8xf32>
    %slice3A_584 = vector.extract_strided_slice %add3A_583 {offsets = [0, 0], sizes = [128, 4], strides = [1, 1]} : vector<128x8xf32> to vector<128x4xf32>
    %slice3A_585 = vector.extract_strided_slice %add3A_583 {offsets = [0, 4], sizes = [128, 4], strides = [1, 1]} : vector<128x8xf32> to vector<128x4xf32>
    %add3A_586 = arith.addf %slice3A_584, %slice3A_585 : vector<128x4xf32>
    %slice3A_587 = vector.extract_strided_slice %add3A_586 {offsets = [0, 0], sizes = [128, 2], strides = [1, 1]} : vector<128x4xf32> to vector<128x2xf32>
    %slice3A_588 = vector.extract_strided_slice %add3A_586 {offsets = [0, 2], sizes = [128, 2], strides = [1, 1]} : vector<128x4xf32> to vector<128x2xf32>
    %add3A_589 = arith.addf %slice3A_587, %slice3A_588 : vector<128x2xf32>
    %slice3A_590 = vector.extract_strided_slice %add3A_589 {offsets = [0, 0], sizes = [128, 1], strides = [1, 1]} : vector<128x2xf32> to vector<128x1xf32>
    %slice3A_591 = vector.extract_strided_slice %add3A_589 {offsets = [0, 1], sizes = [128, 1], strides = [1, 1]} : vector<128x2xf32> to vector<128x1xf32>
    %add3A_592 = arith.addf %slice3A_590, %slice3A_591 : vector<128x1xf32>
    %dot_general3A_593 = arith.constant dense<0.000000e+00> : vector<128x1024xf32>
    %dot_general3A_594 = tpu.matmul %get3A_567, %get3A_1, %dot_general3A_593 {dimension_numbers = #tpu.dot_dimension_numbers<[1], [1], [0], [0], [0, 0, 1, 0], [], []>, transpose_lhs_hint = false} : vector<128x64xf32>, vector<1024x64xf32>, vector<128x1024xf32> -> vector<128x1024xf32>
    %slice3A_595 = vector.extract_strided_slice %get3A_4 {offsets = [0, 0], sizes = [1, 128], strides = [1, 1]} : vector<1x1024xf32> to vector<1x128xf32>
    %add3A_596 = vector.broadcast %add3A_592 : vector<128x1xf32> to vector<128x128xf32>
    %add3A_597 = vector.broadcast %slice3A_595 : vector<1x128xf32> to vector<128x128xf32>
    %add3A_598 = arith.addf %add3A_596, %add3A_597 : vector<128x128xf32>
    %slice3A_599 = vector.extract_strided_slice %dot_general3A_594 {offsets = [0, 0], sizes = [128, 128], strides = [1, 1]} : vector<128x1024xf32> to vector<128x128xf32>
    %mul3A_600 = arith.constant 2.000000e+00 : f32
    %mul3A_601 = vector.broadcast %mul3A_600 : f32 to vector<128x128xf32>
    %mul3A_602 = arith.mulf %mul3A_601, %slice3A_599 : vector<128x128xf32>
    %sub3A_603 = arith.subf %add3A_598, %mul3A_602 : vector<128x128xf32>
    %max3A_604 = arith.constant 0.000000e+00 : f32
    %max3A_605 = vector.broadcast %max3A_604 : f32 to vector<128x128xf32>
    %max3A_606 = arith.maximumf %sub3A_603, %max3A_605 : vector<128x128xf32>
    %sqrt3A_607 = math.sqrt %max3A_606 : vector<128x128xf32>
    %broadcast_in_dim3A_608 = arith.constant 0 : i32
    %broadcast_in_dim3A_609 = vector.broadcast %broadcast_in_dim3A_608 : i32 to vector<128x128xi32>
    %slice3A_610 = vector.extract_strided_slice %get3A_4 {offsets = [0, 128], sizes = [1, 128], strides = [1, 1]} : vector<1x1024xf32> to vector<1x128xf32>
    %add3A_611 = vector.broadcast %add3A_592 : vector<128x1xf32> to vector<128x128xf32>
    %add3A_612 = vector.broadcast %slice3A_610 : vector<1x128xf32> to vector<128x128xf32>
    %add3A_613 = arith.addf %add3A_611, %add3A_612 : vector<128x128xf32>
    %slice3A_614 = vector.extract_strided_slice %dot_general3A_594 {offsets = [0, 128], sizes = [128, 128], strides = [1, 1]} : vector<128x1024xf32> to vector<128x128xf32>
    %mul3A_615 = arith.constant 2.000000e+00 : f32
    %mul3A_616 = vector.broadcast %mul3A_615 : f32 to vector<128x128xf32>
    %mul3A_617 = arith.mulf %mul3A_616, %slice3A_614 : vector<128x128xf32>
    %sub3A_618 = arith.subf %add3A_613, %mul3A_617 : vector<128x128xf32>
    %max3A_619 = arith.constant 0.000000e+00 : f32
    %max3A_620 = vector.broadcast %max3A_619 : f32 to vector<128x128xf32>
    %max3A_621 = arith.maximumf %sub3A_618, %max3A_620 : vector<128x128xf32>
    %sqrt3A_622 = math.sqrt %max3A_621 : vector<128x128xf32>
    %lt3A_623 = arith.cmpf olt, %sqrt3A_622, %sqrt3A_607 : vector<128x128xf32>
    %min3A_624 = arith.minimumf %sqrt3A_607, %sqrt3A_622 : vector<128x128xf32>
    %jit3A_625 = arith.constant 1 : i32
    %broadcast_in_dim3A_626 = vector.broadcast %jit3A_625 : i32 to vector<128x128xi32>
    %select_n3A_627 = arith.select %lt3A_623, %broadcast_in_dim3A_626, %broadcast_in_dim3A_609 : vector<128x128xi1>, vector<128x128xi32>
    %slice3A_628 = vector.extract_strided_slice %get3A_4 {offsets = [0, 256], sizes = [1, 128], strides = [1, 1]} : vector<1x1024xf32> to vector<1x128xf32>
    %add3A_629 = vector.broadcast %add3A_592 : vector<128x1xf32> to vector<128x128xf32>
    %add3A_630 = vector.broadcast %slice3A_628 : vector<1x128xf32> to vector<128x128xf32>
    %add3A_631 = arith.addf %add3A_629, %add3A_630 : vector<128x128xf32>
    %slice3A_632 = vector.extract_strided_slice %dot_general3A_594 {offsets = [0, 256], sizes = [128, 128], strides = [1, 1]} : vector<128x1024xf32> to vector<128x128xf32>
    %mul3A_633 = arith.constant 2.000000e+00 : f32
    %mul3A_634 = vector.broadcast %mul3A_633 : f32 to vector<128x128xf32>
    %mul3A_635 = arith.mulf %mul3A_634, %slice3A_632 : vector<128x128xf32>
    %sub3A_636 = arith.subf %add3A_631, %mul3A_635 : vector<128x128xf32>
    %max3A_637 = arith.constant 0.000000e+00 : f32
    %max3A_638 = vector.broadcast %max3A_637 : f32 to vector<128x128xf32>
    %max3A_639 = arith.maximumf %sub3A_636, %max3A_638 : vector<128x128xf32>
    %sqrt3A_640 = math.sqrt %max3A_639 : vector<128x128xf32>
    %lt3A_641 = arith.cmpf olt, %sqrt3A_640, %min3A_624 : vector<128x128xf32>
    %min3A_642 = arith.minimumf %min3A_624, %sqrt3A_640 : vector<128x128xf32>
    %jit3A_643 = arith.constant 2 : i32
    %broadcast_in_dim3A_644 = vector.broadcast %jit3A_643 : i32 to vector<128x128xi32>
    %select_n3A_645 = arith.select %lt3A_641, %broadcast_in_dim3A_644, %select_n3A_627 : vector<128x128xi1>, vector<128x128xi32>
    %slice3A_646 = vector.extract_strided_slice %get3A_4 {offsets = [0, 384], sizes = [1, 128], strides = [1, 1]} : vector<1x1024xf32> to vector<1x128xf32>
    %add3A_647 = vector.broadcast %add3A_592 : vector<128x1xf32> to vector<128x128xf32>
    %add3A_648 = vector.broadcast %slice3A_646 : vector<1x128xf32> to vector<128x128xf32>
    %add3A_649 = arith.addf %add3A_647, %add3A_648 : vector<128x128xf32>
    %slice3A_650 = vector.extract_strided_slice %dot_general3A_594 {offsets = [0, 384], sizes = [128, 128], strides = [1, 1]} : vector<128x1024xf32> to vector<128x128xf32>
    %mul3A_651 = arith.constant 2.000000e+00 : f32
    %mul3A_652 = vector.broadcast %mul3A_651 : f32 to vector<128x128xf32>
    %mul3A_653 = arith.mulf %mul3A_652, %slice3A_650 : vector<128x128xf32>
    %sub3A_654 = arith.subf %add3A_649, %mul3A_653 : vector<128x128xf32>
    %max3A_655 = arith.constant 0.000000e+00 : f32
    %max3A_656 = vector.broadcast %max3A_655 : f32 to vector<128x128xf32>
    %max3A_657 = arith.maximumf %sub3A_654, %max3A_656 : vector<128x128xf32>
    %sqrt3A_658 = math.sqrt %max3A_657 : vector<128x128xf32>
    %lt3A_659 = arith.cmpf olt, %sqrt3A_658, %min3A_642 : vector<128x128xf32>
    %min3A_660 = arith.minimumf %min3A_642, %sqrt3A_658 : vector<128x128xf32>
    %jit3A_661 = arith.constant 3 : i32
    %broadcast_in_dim3A_662 = vector.broadcast %jit3A_661 : i32 to vector<128x128xi32>
    %select_n3A_663 = arith.select %lt3A_659, %broadcast_in_dim3A_662, %select_n3A_645 : vector<128x128xi1>, vector<128x128xi32>
    %slice3A_664 = vector.extract_strided_slice %get3A_4 {offsets = [0, 512], sizes = [1, 128], strides = [1, 1]} : vector<1x1024xf32> to vector<1x128xf32>
    %add3A_665 = vector.broadcast %add3A_592 : vector<128x1xf32> to vector<128x128xf32>
    %add3A_666 = vector.broadcast %slice3A_664 : vector<1x128xf32> to vector<128x128xf32>
    %add3A_667 = arith.addf %add3A_665, %add3A_666 : vector<128x128xf32>
    %slice3A_668 = vector.extract_strided_slice %dot_general3A_594 {offsets = [0, 512], sizes = [128, 128], strides = [1, 1]} : vector<128x1024xf32> to vector<128x128xf32>
    %mul3A_669 = arith.constant 2.000000e+00 : f32
    %mul3A_670 = vector.broadcast %mul3A_669 : f32 to vector<128x128xf32>
    %mul3A_671 = arith.mulf %mul3A_670, %slice3A_668 : vector<128x128xf32>
    %sub3A_672 = arith.subf %add3A_667, %mul3A_671 : vector<128x128xf32>
    %max3A_673 = arith.constant 0.000000e+00 : f32
    %max3A_674 = vector.broadcast %max3A_673 : f32 to vector<128x128xf32>
    %max3A_675 = arith.maximumf %sub3A_672, %max3A_674 : vector<128x128xf32>
    %sqrt3A_676 = math.sqrt %max3A_675 : vector<128x128xf32>
    %lt3A_677 = arith.cmpf olt, %sqrt3A_676, %min3A_660 : vector<128x128xf32>
    %min3A_678 = arith.minimumf %min3A_660, %sqrt3A_676 : vector<128x128xf32>
    %jit3A_679 = arith.constant 4 : i32
    %broadcast_in_dim3A_680 = vector.broadcast %jit3A_679 : i32 to vector<128x128xi32>
    %select_n3A_681 = arith.select %lt3A_677, %broadcast_in_dim3A_680, %select_n3A_663 : vector<128x128xi1>, vector<128x128xi32>
    %slice3A_682 = vector.extract_strided_slice %get3A_4 {offsets = [0, 640], sizes = [1, 128], strides = [1, 1]} : vector<1x1024xf32> to vector<1x128xf32>
    %add3A_683 = vector.broadcast %add3A_592 : vector<128x1xf32> to vector<128x128xf32>
    %add3A_684 = vector.broadcast %slice3A_682 : vector<1x128xf32> to vector<128x128xf32>
    %add3A_685 = arith.addf %add3A_683, %add3A_684 : vector<128x128xf32>
    %slice3A_686 = vector.extract_strided_slice %dot_general3A_594 {offsets = [0, 640], sizes = [128, 128], strides = [1, 1]} : vector<128x1024xf32> to vector<128x128xf32>
    %mul3A_687 = arith.constant 2.000000e+00 : f32
    %mul3A_688 = vector.broadcast %mul3A_687 : f32 to vector<128x128xf32>
    %mul3A_689 = arith.mulf %mul3A_688, %slice3A_686 : vector<128x128xf32>
    %sub3A_690 = arith.subf %add3A_685, %mul3A_689 : vector<128x128xf32>
    %max3A_691 = arith.constant 0.000000e+00 : f32
    %max3A_692 = vector.broadcast %max3A_691 : f32 to vector<128x128xf32>
    %max3A_693 = arith.maximumf %sub3A_690, %max3A_692 : vector<128x128xf32>
    %sqrt3A_694 = math.sqrt %max3A_693 : vector<128x128xf32>
    %lt3A_695 = arith.cmpf olt, %sqrt3A_694, %min3A_678 : vector<128x128xf32>
    %min3A_696 = arith.minimumf %min3A_678, %sqrt3A_694 : vector<128x128xf32>
    %jit3A_697 = arith.constant 5 : i32
    %broadcast_in_dim3A_698 = vector.broadcast %jit3A_697 : i32 to vector<128x128xi32>
    %select_n3A_699 = arith.select %lt3A_695, %broadcast_in_dim3A_698, %select_n3A_681 : vector<128x128xi1>, vector<128x128xi32>
    %slice3A_700 = vector.extract_strided_slice %get3A_4 {offsets = [0, 768], sizes = [1, 128], strides = [1, 1]} : vector<1x1024xf32> to vector<1x128xf32>
    %add3A_701 = vector.broadcast %add3A_592 : vector<128x1xf32> to vector<128x128xf32>
    %add3A_702 = vector.broadcast %slice3A_700 : vector<1x128xf32> to vector<128x128xf32>
    %add3A_703 = arith.addf %add3A_701, %add3A_702 : vector<128x128xf32>
    %slice3A_704 = vector.extract_strided_slice %dot_general3A_594 {offsets = [0, 768], sizes = [128, 128], strides = [1, 1]} : vector<128x1024xf32> to vector<128x128xf32>
    %mul3A_705 = arith.constant 2.000000e+00 : f32
    %mul3A_706 = vector.broadcast %mul3A_705 : f32 to vector<128x128xf32>
    %mul3A_707 = arith.mulf %mul3A_706, %slice3A_704 : vector<128x128xf32>
    %sub3A_708 = arith.subf %add3A_703, %mul3A_707 : vector<128x128xf32>
    %max3A_709 = arith.constant 0.000000e+00 : f32
    %max3A_710 = vector.broadcast %max3A_709 : f32 to vector<128x128xf32>
    %max3A_711 = arith.maximumf %sub3A_708, %max3A_710 : vector<128x128xf32>
    %sqrt3A_712 = math.sqrt %max3A_711 : vector<128x128xf32>
    %lt3A_713 = arith.cmpf olt, %sqrt3A_712, %min3A_696 : vector<128x128xf32>
    %min3A_714 = arith.minimumf %min3A_696, %sqrt3A_712 : vector<128x128xf32>
    %jit3A_715 = arith.constant 6 : i32
    %broadcast_in_dim3A_716 = vector.broadcast %jit3A_715 : i32 to vector<128x128xi32>
    %select_n3A_717 = arith.select %lt3A_713, %broadcast_in_dim3A_716, %select_n3A_699 : vector<128x128xi1>, vector<128x128xi32>
    %slice3A_718 = vector.extract_strided_slice %get3A_4 {offsets = [0, 896], sizes = [1, 128], strides = [1, 1]} : vector<1x1024xf32> to vector<1x128xf32>
    %add3A_719 = vector.broadcast %add3A_592 : vector<128x1xf32> to vector<128x128xf32>
    %add3A_720 = vector.broadcast %slice3A_718 : vector<1x128xf32> to vector<128x128xf32>
    %add3A_721 = arith.addf %add3A_719, %add3A_720 : vector<128x128xf32>
    %slice3A_722 = vector.extract_strided_slice %dot_general3A_594 {offsets = [0, 896], sizes = [128, 128], strides = [1, 1]} : vector<128x1024xf32> to vector<128x128xf32>
    %mul3A_723 = arith.constant 2.000000e+00 : f32
    %mul3A_724 = vector.broadcast %mul3A_723 : f32 to vector<128x128xf32>
    %mul3A_725 = arith.mulf %mul3A_724, %slice3A_722 : vector<128x128xf32>
    %sub3A_726 = arith.subf %add3A_721, %mul3A_725 : vector<128x128xf32>
    %max3A_727 = arith.constant 0.000000e+00 : f32
    %max3A_728 = vector.broadcast %max3A_727 : f32 to vector<128x128xf32>
    %max3A_729 = arith.maximumf %sub3A_726, %max3A_728 : vector<128x128xf32>
    %sqrt3A_730 = math.sqrt %max3A_729 : vector<128x128xf32>
    %lt3A_731 = arith.cmpf olt, %sqrt3A_730, %min3A_714 : vector<128x128xf32>
    %min3A_732 = arith.minimumf %min3A_714, %sqrt3A_730 : vector<128x128xf32>
    %jit3A_733 = arith.constant 7 : i32
    %broadcast_in_dim3A_734 = vector.broadcast %jit3A_733 : i32 to vector<128x128xi32>
    %select_n3A_735 = arith.select %lt3A_731, %broadcast_in_dim3A_734, %select_n3A_717 : vector<128x128xi1>, vector<128x128xi32>
    %mul3A_736 = arith.constant 128 : i32
    %mul3A_737 = vector.broadcast %mul3A_736 : i32 to vector<128x128xi32>
    %mul3A_738 = arith.muli %select_n3A_735, %mul3A_737 : vector<128x128xi32>
    %add3A_739 = arith.addi %mul3A_738, %iota3A : vector<128x128xi32>
    %reduce_min3A_740 = arith.constant dense<0x7F800000> : vector<128xf32>
    %reduce_min3A_741 = vector.multi_reduction <minimumf>, %min3A_732, %reduce_min3A_740 [1] : vector<128x128xf32> to vector<128xf32>
    %broadcast_in_dim3A_742 = vector.shape_cast %reduce_min3A_741 : vector<128xf32> to vector<128x1xf32>
    %eq3A_743 = vector.broadcast %broadcast_in_dim3A_742 : vector<128x1xf32> to vector<128x128xf32>
    %eq3A_744 = arith.cmpf oeq, %min3A_732, %eq3A_743 : vector<128x128xf32>
    %jit3A_745 = arith.constant 1024 : i32
    %broadcast_in_dim3A_746 = vector.broadcast %jit3A_745 : i32 to vector<128x128xi32>
    %select_n3A_747 = arith.select %eq3A_744, %add3A_739, %broadcast_in_dim3A_746 : vector<128x128xi1>, vector<128x128xi32>
    %reduce_min3A_748 = arith.constant dense<2147483647> : vector<128xi32>
    %reduce_min3A_749 = vector.multi_reduction <minsi>, %select_n3A_747, %reduce_min3A_748 [1] : vector<128x128xi32> to vector<128xi32>
    %broadcast_in_dim3A_750 = vector.shape_cast %reduce_min3A_749 : vector<128xi32> to vector<128x1xi32>
    %swap3A_751 = arith.constant 384 : index
    %swap3A_752 = arith.constant 0 : index
    %swap3A_753 = vector.load %arg4[%swap3A_751, %swap3A_752] : memref<2304x1xi32, #tpu.memory_space<vmem>>, vector<128x1xi32>
    tpu.vector_store %arg4[%swap3A_751, %swap3A_752], %broadcast_in_dim3A_750 {strides = array<i32>} : memref<2304x1xi32, #tpu.memory_space<vmem>>, vector<128x1xi32>,
    %mul3A_754 = arith.mulf %broadcast_in_dim3A_742, %broadcast_in_dim3A_742 : vector<128x1xf32>
    %add3A_755 = arith.addf %add3A_564, %mul3A_754 : vector<128x1xf32>
    %get3A_756 = arith.constant 512 : index
    %get3A_757 = arith.constant 0 : index
    %get3A_758 = vector.load %arg1[%get3A_756, %get3A_757] : memref<2304x64xf32, #tpu.memory_space<vmem>>, vector<128x64xf32>
    %mul3A_759 = arith.mulf %get3A_758, %get3A_758 : vector<128x64xf32>
    %slice3A_760 = vector.extract_strided_slice %mul3A_759 {offsets = [0, 0], sizes = [128, 8], strides = [1, 1]} : vector<128x64xf32> to vector<128x8xf32>
    %slice3A_761 = vector.extract_strided_slice %mul3A_759 {offsets = [0, 8], sizes = [128, 8], strides = [1, 1]} : vector<128x64xf32> to vector<128x8xf32>
    %add3A_762 = arith.addf %slice3A_760, %slice3A_761 : vector<128x8xf32>
    %slice3A_763 = vector.extract_strided_slice %mul3A_759 {offsets = [0, 16], sizes = [128, 8], strides = [1, 1]} : vector<128x64xf32> to vector<128x8xf32>
    %add3A_764 = arith.addf %add3A_762, %slice3A_763 : vector<128x8xf32>
    %slice3A_765 = vector.extract_strided_slice %mul3A_759 {offsets = [0, 24], sizes = [128, 8], strides = [1, 1]} : vector<128x64xf32> to vector<128x8xf32>
    %add3A_766 = arith.addf %add3A_764, %slice3A_765 : vector<128x8xf32>
    %slice3A_767 = vector.extract_strided_slice %mul3A_759 {offsets = [0, 32], sizes = [128, 8], strides = [1, 1]} : vector<128x64xf32> to vector<128x8xf32>
    %add3A_768 = arith.addf %add3A_766, %slice3A_767 : vector<128x8xf32>
    %slice3A_769 = vector.extract_strided_slice %mul3A_759 {offsets = [0, 40], sizes = [128, 8], strides = [1, 1]} : vector<128x64xf32> to vector<128x8xf32>
    %add3A_770 = arith.addf %add3A_768, %slice3A_769 : vector<128x8xf32>
    %slice3A_771 = vector.extract_strided_slice %mul3A_759 {offsets = [0, 48], sizes = [128, 8], strides = [1, 1]} : vector<128x64xf32> to vector<128x8xf32>
    %add3A_772 = arith.addf %add3A_770, %slice3A_771 : vector<128x8xf32>
    %slice3A_773 = vector.extract_strided_slice %mul3A_759 {offsets = [0, 56], sizes = [128, 8], strides = [1, 1]} : vector<128x64xf32> to vector<128x8xf32>
    %add3A_774 = arith.addf %add3A_772, %slice3A_773 : vector<128x8xf32>
    %slice3A_775 = vector.extract_strided_slice %add3A_774 {offsets = [0, 0], sizes = [128, 4], strides = [1, 1]} : vector<128x8xf32> to vector<128x4xf32>
    %slice3A_776 = vector.extract_strided_slice %add3A_774 {offsets = [0, 4], sizes = [128, 4], strides = [1, 1]} : vector<128x8xf32> to vector<128x4xf32>
    %add3A_777 = arith.addf %slice3A_775, %slice3A_776 : vector<128x4xf32>
    %slice3A_778 = vector.extract_strided_slice %add3A_777 {offsets = [0, 0], sizes = [128, 2], strides = [1, 1]} : vector<128x4xf32> to vector<128x2xf32>
    %slice3A_779 = vector.extract_strided_slice %add3A_777 {offsets = [0, 2], sizes = [128, 2], strides = [1, 1]} : vector<128x4xf32> to vector<128x2xf32>
    %add3A_780 = arith.addf %slice3A_778, %slice3A_779 : vector<128x2xf32>
    %slice3A_781 = vector.extract_strided_slice %add3A_780 {offsets = [0, 0], sizes = [128, 1], strides = [1, 1]} : vector<128x2xf32> to vector<128x1xf32>
    %slice3A_782 = vector.extract_strided_slice %add3A_780 {offsets = [0, 1], sizes = [128, 1], strides = [1, 1]} : vector<128x2xf32> to vector<128x1xf32>
    %add3A_783 = arith.addf %slice3A_781, %slice3A_782 : vector<128x1xf32>
    %dot_general3A_784 = arith.constant dense<0.000000e+00> : vector<128x1024xf32>
    %dot_general3A_785 = tpu.matmul %get3A_758, %get3A_1, %dot_general3A_784 {dimension_numbers = #tpu.dot_dimension_numbers<[1], [1], [0], [0], [0, 0, 1, 0], [], []>, transpose_lhs_hint = false} : vector<128x64xf32>, vector<1024x64xf32>, vector<128x1024xf32> -> vector<128x1024xf32>
    %slice3A_786 = vector.extract_strided_slice %get3A_4 {offsets = [0, 0], sizes = [1, 128], strides = [1, 1]} : vector<1x1024xf32> to vector<1x128xf32>
    %add3A_787 = vector.broadcast %add3A_783 : vector<128x1xf32> to vector<128x128xf32>
    %add3A_788 = vector.broadcast %slice3A_786 : vector<1x128xf32> to vector<128x128xf32>
    %add3A_789 = arith.addf %add3A_787, %add3A_788 : vector<128x128xf32>
    %slice3A_790 = vector.extract_strided_slice %dot_general3A_785 {offsets = [0, 0], sizes = [128, 128], strides = [1, 1]} : vector<128x1024xf32> to vector<128x128xf32>
    %mul3A_791 = arith.constant 2.000000e+00 : f32
    %mul3A_792 = vector.broadcast %mul3A_791 : f32 to vector<128x128xf32>
    %mul3A_793 = arith.mulf %mul3A_792, %slice3A_790 : vector<128x128xf32>
    %sub3A_794 = arith.subf %add3A_789, %mul3A_793 : vector<128x128xf32>
    %max3A_795 = arith.constant 0.000000e+00 : f32
    %max3A_796 = vector.broadcast %max3A_795 : f32 to vector<128x128xf32>
    %max3A_797 = arith.maximumf %sub3A_794, %max3A_796 : vector<128x128xf32>
    %sqrt3A_798 = math.sqrt %max3A_797 : vector<128x128xf32>
    %broadcast_in_dim3A_799 = arith.constant 0 : i32
    %broadcast_in_dim3A_800 = vector.broadcast %broadcast_in_dim3A_799 : i32 to vector<128x128xi32>
    %slice3A_801 = vector.extract_strided_slice %get3A_4 {offsets = [0, 128], sizes = [1, 128], strides = [1, 1]} : vector<1x1024xf32> to vector<1x128xf32>
    %add3A_802 = vector.broadcast %add3A_783 : vector<128x1xf32> to vector<128x128xf32>
    %add3A_803 = vector.broadcast %slice3A_801 : vector<1x128xf32> to vector<128x128xf32>
    %add3A_804 = arith.addf %add3A_802, %add3A_803 : vector<128x128xf32>
    %slice3A_805 = vector.extract_strided_slice %dot_general3A_785 {offsets = [0, 128], sizes = [128, 128], strides = [1, 1]} : vector<128x1024xf32> to vector<128x128xf32>
    %mul3A_806 = arith.constant 2.000000e+00 : f32
    %mul3A_807 = vector.broadcast %mul3A_806 : f32 to vector<128x128xf32>
    %mul3A_808 = arith.mulf %mul3A_807, %slice3A_805 : vector<128x128xf32>
    %sub3A_809 = arith.subf %add3A_804, %mul3A_808 : vector<128x128xf32>
    %max3A_810 = arith.constant 0.000000e+00 : f32
    %max3A_811 = vector.broadcast %max3A_810 : f32 to vector<128x128xf32>
    %max3A_812 = arith.maximumf %sub3A_809, %max3A_811 : vector<128x128xf32>
    %sqrt3A_813 = math.sqrt %max3A_812 : vector<128x128xf32>
    %lt3A_814 = arith.cmpf olt, %sqrt3A_813, %sqrt3A_798 : vector<128x128xf32>
    %min3A_815 = arith.minimumf %sqrt3A_798, %sqrt3A_813 : vector<128x128xf32>
    %jit3A_816 = arith.constant 1 : i32
    %broadcast_in_dim3A_817 = vector.broadcast %jit3A_816 : i32 to vector<128x128xi32>
    %select_n3A_818 = arith.select %lt3A_814, %broadcast_in_dim3A_817, %broadcast_in_dim3A_800 : vector<128x128xi1>, vector<128x128xi32>
    %slice3A_819 = vector.extract_strided_slice %get3A_4 {offsets = [0, 256], sizes = [1, 128], strides = [1, 1]} : vector<1x1024xf32> to vector<1x128xf32>
    %add3A_820 = vector.broadcast %add3A_783 : vector<128x1xf32> to vector<128x128xf32>
    %add3A_821 = vector.broadcast %slice3A_819 : vector<1x128xf32> to vector<128x128xf32>
    %add3A_822 = arith.addf %add3A_820, %add3A_821 : vector<128x128xf32>
    %slice3A_823 = vector.extract_strided_slice %dot_general3A_785 {offsets = [0, 256], sizes = [128, 128], strides = [1, 1]} : vector<128x1024xf32> to vector<128x128xf32>
    %mul3A_824 = arith.constant 2.000000e+00 : f32
    %mul3A_825 = vector.broadcast %mul3A_824 : f32 to vector<128x128xf32>
    %mul3A_826 = arith.mulf %mul3A_825, %slice3A_823 : vector<128x128xf32>
    %sub3A_827 = arith.subf %add3A_822, %mul3A_826 : vector<128x128xf32>
    %max3A_828 = arith.constant 0.000000e+00 : f32
    %max3A_829 = vector.broadcast %max3A_828 : f32 to vector<128x128xf32>
    %max3A_830 = arith.maximumf %sub3A_827, %max3A_829 : vector<128x128xf32>
    %sqrt3A_831 = math.sqrt %max3A_830 : vector<128x128xf32>
    %lt3A_832 = arith.cmpf olt, %sqrt3A_831, %min3A_815 : vector<128x128xf32>
    %min3A_833 = arith.minimumf %min3A_815, %sqrt3A_831 : vector<128x128xf32>
    %jit3A_834 = arith.constant 2 : i32
    %broadcast_in_dim3A_835 = vector.broadcast %jit3A_834 : i32 to vector<128x128xi32>
    %select_n3A_836 = arith.select %lt3A_832, %broadcast_in_dim3A_835, %select_n3A_818 : vector<128x128xi1>, vector<128x128xi32>
    %slice3A_837 = vector.extract_strided_slice %get3A_4 {offsets = [0, 384], sizes = [1, 128], strides = [1, 1]} : vector<1x1024xf32> to vector<1x128xf32>
    %add3A_838 = vector.broadcast %add3A_783 : vector<128x1xf32> to vector<128x128xf32>
    %add3A_839 = vector.broadcast %slice3A_837 : vector<1x128xf32> to vector<128x128xf32>
    %add3A_840 = arith.addf %add3A_838, %add3A_839 : vector<128x128xf32>
    %slice3A_841 = vector.extract_strided_slice %dot_general3A_785 {offsets = [0, 384], sizes = [128, 128], strides = [1, 1]} : vector<128x1024xf32> to vector<128x128xf32>
    %mul3A_842 = arith.constant 2.000000e+00 : f32
    %mul3A_843 = vector.broadcast %mul3A_842 : f32 to vector<128x128xf32>
    %mul3A_844 = arith.mulf %mul3A_843, %slice3A_841 : vector<128x128xf32>
    %sub3A_845 = arith.subf %add3A_840, %mul3A_844 : vector<128x128xf32>
    %max3A_846 = arith.constant 0.000000e+00 : f32
    %max3A_847 = vector.broadcast %max3A_846 : f32 to vector<128x128xf32>
    %max3A_848 = arith.maximumf %sub3A_845, %max3A_847 : vector<128x128xf32>
    %sqrt3A_849 = math.sqrt %max3A_848 : vector<128x128xf32>
    %lt3A_850 = arith.cmpf olt, %sqrt3A_849, %min3A_833 : vector<128x128xf32>
    %min3A_851 = arith.minimumf %min3A_833, %sqrt3A_849 : vector<128x128xf32>
    %jit3A_852 = arith.constant 3 : i32
    %broadcast_in_dim3A_853 = vector.broadcast %jit3A_852 : i32 to vector<128x128xi32>
    %select_n3A_854 = arith.select %lt3A_850, %broadcast_in_dim3A_853, %select_n3A_836 : vector<128x128xi1>, vector<128x128xi32>
    %slice3A_855 = vector.extract_strided_slice %get3A_4 {offsets = [0, 512], sizes = [1, 128], strides = [1, 1]} : vector<1x1024xf32> to vector<1x128xf32>
    %add3A_856 = vector.broadcast %add3A_783 : vector<128x1xf32> to vector<128x128xf32>
    %add3A_857 = vector.broadcast %slice3A_855 : vector<1x128xf32> to vector<128x128xf32>
    %add3A_858 = arith.addf %add3A_856, %add3A_857 : vector<128x128xf32>
    %slice3A_859 = vector.extract_strided_slice %dot_general3A_785 {offsets = [0, 512], sizes = [128, 128], strides = [1, 1]} : vector<128x1024xf32> to vector<128x128xf32>
    %mul3A_860 = arith.constant 2.000000e+00 : f32
    %mul3A_861 = vector.broadcast %mul3A_860 : f32 to vector<128x128xf32>
    %mul3A_862 = arith.mulf %mul3A_861, %slice3A_859 : vector<128x128xf32>
    %sub3A_863 = arith.subf %add3A_858, %mul3A_862 : vector<128x128xf32>
    %max3A_864 = arith.constant 0.000000e+00 : f32
    %max3A_865 = vector.broadcast %max3A_864 : f32 to vector<128x128xf32>
    %max3A_866 = arith.maximumf %sub3A_863, %max3A_865 : vector<128x128xf32>
    %sqrt3A_867 = math.sqrt %max3A_866 : vector<128x128xf32>
    %lt3A_868 = arith.cmpf olt, %sqrt3A_867, %min3A_851 : vector<128x128xf32>
    %min3A_869 = arith.minimumf %min3A_851, %sqrt3A_867 : vector<128x128xf32>
    %jit3A_870 = arith.constant 4 : i32
    %broadcast_in_dim3A_871 = vector.broadcast %jit3A_870 : i32 to vector<128x128xi32>
    %select_n3A_872 = arith.select %lt3A_868, %broadcast_in_dim3A_871, %select_n3A_854 : vector<128x128xi1>, vector<128x128xi32>
    %slice3A_873 = vector.extract_strided_slice %get3A_4 {offsets = [0, 640], sizes = [1, 128], strides = [1, 1]} : vector<1x1024xf32> to vector<1x128xf32>
    %add3A_874 = vector.broadcast %add3A_783 : vector<128x1xf32> to vector<128x128xf32>
    %add3A_875 = vector.broadcast %slice3A_873 : vector<1x128xf32> to vector<128x128xf32>
    %add3A_876 = arith.addf %add3A_874, %add3A_875 : vector<128x128xf32>
    %slice3A_877 = vector.extract_strided_slice %dot_general3A_785 {offsets = [0, 640], sizes = [128, 128], strides = [1, 1]} : vector<128x1024xf32> to vector<128x128xf32>
    %mul3A_878 = arith.constant 2.000000e+00 : f32
    %mul3A_879 = vector.broadcast %mul3A_878 : f32 to vector<128x128xf32>
    %mul3A_880 = arith.mulf %mul3A_879, %slice3A_877 : vector<128x128xf32>
    %sub3A_881 = arith.subf %add3A_876, %mul3A_880 : vector<128x128xf32>
    %max3A_882 = arith.constant 0.000000e+00 : f32
    %max3A_883 = vector.broadcast %max3A_882 : f32 to vector<128x128xf32>
    %max3A_884 = arith.maximumf %sub3A_881, %max3A_883 : vector<128x128xf32>
    %sqrt3A_885 = math.sqrt %max3A_884 : vector<128x128xf32>
    %lt3A_886 = arith.cmpf olt, %sqrt3A_885, %min3A_869 : vector<128x128xf32>
    %min3A_887 = arith.minimumf %min3A_869, %sqrt3A_885 : vector<128x128xf32>
    %jit3A_888 = arith.constant 5 : i32
    %broadcast_in_dim3A_889 = vector.broadcast %jit3A_888 : i32 to vector<128x128xi32>
    %select_n3A_890 = arith.select %lt3A_886, %broadcast_in_dim3A_889, %select_n3A_872 : vector<128x128xi1>, vector<128x128xi32>
    %slice3A_891 = vector.extract_strided_slice %get3A_4 {offsets = [0, 768], sizes = [1, 128], strides = [1, 1]} : vector<1x1024xf32> to vector<1x128xf32>
    %add3A_892 = vector.broadcast %add3A_783 : vector<128x1xf32> to vector<128x128xf32>
    %add3A_893 = vector.broadcast %slice3A_891 : vector<1x128xf32> to vector<128x128xf32>
    %add3A_894 = arith.addf %add3A_892, %add3A_893 : vector<128x128xf32>
    %slice3A_895 = vector.extract_strided_slice %dot_general3A_785 {offsets = [0, 768], sizes = [128, 128], strides = [1, 1]} : vector<128x1024xf32> to vector<128x128xf32>
    %mul3A_896 = arith.constant 2.000000e+00 : f32
    %mul3A_897 = vector.broadcast %mul3A_896 : f32 to vector<128x128xf32>
    %mul3A_898 = arith.mulf %mul3A_897, %slice3A_895 : vector<128x128xf32>
    %sub3A_899 = arith.subf %add3A_894, %mul3A_898 : vector<128x128xf32>
    %max3A_900 = arith.constant 0.000000e+00 : f32
    %max3A_901 = vector.broadcast %max3A_900 : f32 to vector<128x128xf32>
    %max3A_902 = arith.maximumf %sub3A_899, %max3A_901 : vector<128x128xf32>
    %sqrt3A_903 = math.sqrt %max3A_902 : vector<128x128xf32>
    %lt3A_904 = arith.cmpf olt, %sqrt3A_903, %min3A_887 : vector<128x128xf32>
    %min3A_905 = arith.minimumf %min3A_887, %sqrt3A_903 : vector<128x128xf32>
    %jit3A_906 = arith.constant 6 : i32
    %broadcast_in_dim3A_907 = vector.broadcast %jit3A_906 : i32 to vector<128x128xi32>
    %select_n3A_908 = arith.select %lt3A_904, %broadcast_in_dim3A_907, %select_n3A_890 : vector<128x128xi1>, vector<128x128xi32>
    %slice3A_909 = vector.extract_strided_slice %get3A_4 {offsets = [0, 896], sizes = [1, 128], strides = [1, 1]} : vector<1x1024xf32> to vector<1x128xf32>
    %add3A_910 = vector.broadcast %add3A_783 : vector<128x1xf32> to vector<128x128xf32>
    %add3A_911 = vector.broadcast %slice3A_909 : vector<1x128xf32> to vector<128x128xf32>
    %add3A_912 = arith.addf %add3A_910, %add3A_911 : vector<128x128xf32>
    %slice3A_913 = vector.extract_strided_slice %dot_general3A_785 {offsets = [0, 896], sizes = [128, 128], strides = [1, 1]} : vector<128x1024xf32> to vector<128x128xf32>
    %mul3A_914 = arith.constant 2.000000e+00 : f32
    %mul3A_915 = vector.broadcast %mul3A_914 : f32 to vector<128x128xf32>
    %mul3A_916 = arith.mulf %mul3A_915, %slice3A_913 : vector<128x128xf32>
    %sub3A_917 = arith.subf %add3A_912, %mul3A_916 : vector<128x128xf32>
    %max3A_918 = arith.constant 0.000000e+00 : f32
    %max3A_919 = vector.broadcast %max3A_918 : f32 to vector<128x128xf32>
    %max3A_920 = arith.maximumf %sub3A_917, %max3A_919 : vector<128x128xf32>
    %sqrt3A_921 = math.sqrt %max3A_920 : vector<128x128xf32>
    %lt3A_922 = arith.cmpf olt, %sqrt3A_921, %min3A_905 : vector<128x128xf32>
    %min3A_923 = arith.minimumf %min3A_905, %sqrt3A_921 : vector<128x128xf32>
    %jit3A_924 = arith.constant 7 : i32
    %broadcast_in_dim3A_925 = vector.broadcast %jit3A_924 : i32 to vector<128x128xi32>
    %select_n3A_926 = arith.select %lt3A_922, %broadcast_in_dim3A_925, %select_n3A_908 : vector<128x128xi1>, vector<128x128xi32>
    %mul3A_927 = arith.constant 128 : i32
    %mul3A_928 = vector.broadcast %mul3A_927 : i32 to vector<128x128xi32>
    %mul3A_929 = arith.muli %select_n3A_926, %mul3A_928 : vector<128x128xi32>
    %add3A_930 = arith.addi %mul3A_929, %iota3A : vector<128x128xi32>
    %reduce_min3A_931 = arith.constant dense<0x7F800000> : vector<128xf32>
    %reduce_min3A_932 = vector.multi_reduction <minimumf>, %min3A_923, %reduce_min3A_931 [1] : vector<128x128xf32> to vector<128xf32>
    %broadcast_in_dim3A_933 = vector.shape_cast %reduce_min3A_932 : vector<128xf32> to vector<128x1xf32>
    %eq3A_934 = vector.broadcast %broadcast_in_dim3A_933 : vector<128x1xf32> to vector<128x128xf32>
    %eq3A_935 = arith.cmpf oeq, %min3A_923, %eq3A_934 : vector<128x128xf32>
    %jit3A_936 = arith.constant 1024 : i32
    %broadcast_in_dim3A_937 = vector.broadcast %jit3A_936 : i32 to vector<128x128xi32>
    %select_n3A_938 = arith.select %eq3A_935, %add3A_930, %broadcast_in_dim3A_937 : vector<128x128xi1>, vector<128x128xi32>
    %reduce_min3A_939 = arith.constant dense<2147483647> : vector<128xi32>
    %reduce_min3A_940 = vector.multi_reduction <minsi>, %select_n3A_938, %reduce_min3A_939 [1] : vector<128x128xi32> to vector<128xi32>
    %broadcast_in_dim3A_941 = vector.shape_cast %reduce_min3A_940 : vector<128xi32> to vector<128x1xi32>
    %swap3A_942 = arith.constant 512 : index
    %swap3A_943 = arith.constant 0 : index
    %swap3A_944 = vector.load %arg4[%swap3A_942, %swap3A_943] : memref<2304x1xi32, #tpu.memory_space<vmem>>, vector<128x1xi32>
    tpu.vector_store %arg4[%swap3A_942, %swap3A_943], %broadcast_in_dim3A_941 {strides = array<i32>} : memref<2304x1xi32, #tpu.memory_space<vmem>>, vector<128x1xi32>,
    %mul3A_945 = arith.mulf %broadcast_in_dim3A_933, %broadcast_in_dim3A_933 : vector<128x1xf32>
    %add3A_946 = arith.addf %add3A_755, %mul3A_945 : vector<128x1xf32>
    %get3A_947 = arith.constant 640 : index
    %get3A_948 = arith.constant 0 : index
    %get3A_949 = vector.load %arg1[%get3A_947, %get3A_948] : memref<2304x64xf32, #tpu.memory_space<vmem>>, vector<128x64xf32>
    %mul3A_950 = arith.mulf %get3A_949, %get3A_949 : vector<128x64xf32>
    %slice3A_951 = vector.extract_strided_slice %mul3A_950 {offsets = [0, 0], sizes = [128, 8], strides = [1, 1]} : vector<128x64xf32> to vector<128x8xf32>
    %slice3A_952 = vector.extract_strided_slice %mul3A_950 {offsets = [0, 8], sizes = [128, 8], strides = [1, 1]} : vector<128x64xf32> to vector<128x8xf32>
    %add3A_953 = arith.addf %slice3A_951, %slice3A_952 : vector<128x8xf32>
    %slice3A_954 = vector.extract_strided_slice %mul3A_950 {offsets = [0, 16], sizes = [128, 8], strides = [1, 1]} : vector<128x64xf32> to vector<128x8xf32>
    %add3A_955 = arith.addf %add3A_953, %slice3A_954 : vector<128x8xf32>
    %slice3A_956 = vector.extract_strided_slice %mul3A_950 {offsets = [0, 24], sizes = [128, 8], strides = [1, 1]} : vector<128x64xf32> to vector<128x8xf32>
    %add3A_957 = arith.addf %add3A_955, %slice3A_956 : vector<128x8xf32>
    %slice3A_958 = vector.extract_strided_slice %mul3A_950 {offsets = [0, 32], sizes = [128, 8], strides = [1, 1]} : vector<128x64xf32> to vector<128x8xf32>
    %add3A_959 = arith.addf %add3A_957, %slice3A_958 : vector<128x8xf32>
    %slice3A_960 = vector.extract_strided_slice %mul3A_950 {offsets = [0, 40], sizes = [128, 8], strides = [1, 1]} : vector<128x64xf32> to vector<128x8xf32>
    %add3A_961 = arith.addf %add3A_959, %slice3A_960 : vector<128x8xf32>
    %slice3A_962 = vector.extract_strided_slice %mul3A_950 {offsets = [0, 48], sizes = [128, 8], strides = [1, 1]} : vector<128x64xf32> to vector<128x8xf32>
    %add3A_963 = arith.addf %add3A_961, %slice3A_962 : vector<128x8xf32>
    %slice3A_964 = vector.extract_strided_slice %mul3A_950 {offsets = [0, 56], sizes = [128, 8], strides = [1, 1]} : vector<128x64xf32> to vector<128x8xf32>
    %add3A_965 = arith.addf %add3A_963, %slice3A_964 : vector<128x8xf32>
    %slice3A_966 = vector.extract_strided_slice %add3A_965 {offsets = [0, 0], sizes = [128, 4], strides = [1, 1]} : vector<128x8xf32> to vector<128x4xf32>
    %slice3A_967 = vector.extract_strided_slice %add3A_965 {offsets = [0, 4], sizes = [128, 4], strides = [1, 1]} : vector<128x8xf32> to vector<128x4xf32>
    %add3A_968 = arith.addf %slice3A_966, %slice3A_967 : vector<128x4xf32>
    %slice3A_969 = vector.extract_strided_slice %add3A_968 {offsets = [0, 0], sizes = [128, 2], strides = [1, 1]} : vector<128x4xf32> to vector<128x2xf32>
    %slice3A_970 = vector.extract_strided_slice %add3A_968 {offsets = [0, 2], sizes = [128, 2], strides = [1, 1]} : vector<128x4xf32> to vector<128x2xf32>
    %add3A_971 = arith.addf %slice3A_969, %slice3A_970 : vector<128x2xf32>
    %slice3A_972 = vector.extract_strided_slice %add3A_971 {offsets = [0, 0], sizes = [128, 1], strides = [1, 1]} : vector<128x2xf32> to vector<128x1xf32>
    %slice3A_973 = vector.extract_strided_slice %add3A_971 {offsets = [0, 1], sizes = [128, 1], strides = [1, 1]} : vector<128x2xf32> to vector<128x1xf32>
    %add3A_974 = arith.addf %slice3A_972, %slice3A_973 : vector<128x1xf32>
    %dot_general3A_975 = arith.constant dense<0.000000e+00> : vector<128x1024xf32>
    %dot_general3A_976 = tpu.matmul %get3A_949, %get3A_1, %dot_general3A_975 {dimension_numbers = #tpu.dot_dimension_numbers<[1], [1], [0], [0], [0, 0, 1, 0], [], []>, transpose_lhs_hint = false} : vector<128x64xf32>, vector<1024x64xf32>, vector<128x1024xf32> -> vector<128x1024xf32>
    %slice3A_977 = vector.extract_strided_slice %get3A_4 {offsets = [0, 0], sizes = [1, 128], strides = [1, 1]} : vector<1x1024xf32> to vector<1x128xf32>
    %add3A_978 = vector.broadcast %add3A_974 : vector<128x1xf32> to vector<128x128xf32>
    %add3A_979 = vector.broadcast %slice3A_977 : vector<1x128xf32> to vector<128x128xf32>
    %add3A_980 = arith.addf %add3A_978, %add3A_979 : vector<128x128xf32>
    %slice3A_981 = vector.extract_strided_slice %dot_general3A_976 {offsets = [0, 0], sizes = [128, 128], strides = [1, 1]} : vector<128x1024xf32> to vector<128x128xf32>
    %mul3A_982 = arith.constant 2.000000e+00 : f32
    %mul3A_983 = vector.broadcast %mul3A_982 : f32 to vector<128x128xf32>
    %mul3A_984 = arith.mulf %mul3A_983, %slice3A_981 : vector<128x128xf32>
    %sub3A_985 = arith.subf %add3A_980, %mul3A_984 : vector<128x128xf32>
    %max3A_986 = arith.constant 0.000000e+00 : f32
    %max3A_987 = vector.broadcast %max3A_986 : f32 to vector<128x128xf32>
    %max3A_988 = arith.maximumf %sub3A_985, %max3A_987 : vector<128x128xf32>
    %sqrt3A_989 = math.sqrt %max3A_988 : vector<128x128xf32>
    %broadcast_in_dim3A_990 = arith.constant 0 : i32
    %broadcast_in_dim3A_991 = vector.broadcast %broadcast_in_dim3A_990 : i32 to vector<128x128xi32>
    %slice3A_992 = vector.extract_strided_slice %get3A_4 {offsets = [0, 128], sizes = [1, 128], strides = [1, 1]} : vector<1x1024xf32> to vector<1x128xf32>
    %add3A_993 = vector.broadcast %add3A_974 : vector<128x1xf32> to vector<128x128xf32>
    %add3A_994 = vector.broadcast %slice3A_992 : vector<1x128xf32> to vector<128x128xf32>
    %add3A_995 = arith.addf %add3A_993, %add3A_994 : vector<128x128xf32>
    %slice3A_996 = vector.extract_strided_slice %dot_general3A_976 {offsets = [0, 128], sizes = [128, 128], strides = [1, 1]} : vector<128x1024xf32> to vector<128x128xf32>
    %mul3A_997 = arith.constant 2.000000e+00 : f32
    %mul3A_998 = vector.broadcast %mul3A_997 : f32 to vector<128x128xf32>
    %mul3A_999 = arith.mulf %mul3A_998, %slice3A_996 : vector<128x128xf32>
    %sub3A_1000 = arith.subf %add3A_995, %mul3A_999 : vector<128x128xf32>
    %max3A_1001 = arith.constant 0.000000e+00 : f32
    %max3A_1002 = vector.broadcast %max3A_1001 : f32 to vector<128x128xf32>
    %max3A_1003 = arith.maximumf %sub3A_1000, %max3A_1002 : vector<128x128xf32>
    %sqrt3A_1004 = math.sqrt %max3A_1003 : vector<128x128xf32>
    %lt3A_1005 = arith.cmpf olt, %sqrt3A_1004, %sqrt3A_989 : vector<128x128xf32>
    %min3A_1006 = arith.minimumf %sqrt3A_989, %sqrt3A_1004 : vector<128x128xf32>
    %jit3A_1007 = arith.constant 1 : i32
    %broadcast_in_dim3A_1008 = vector.broadcast %jit3A_1007 : i32 to vector<128x128xi32>
    %select_n3A_1009 = arith.select %lt3A_1005, %broadcast_in_dim3A_1008, %broadcast_in_dim3A_991 : vector<128x128xi1>, vector<128x128xi32>
    %slice3A_1010 = vector.extract_strided_slice %get3A_4 {offsets = [0, 256], sizes = [1, 128], strides = [1, 1]} : vector<1x1024xf32> to vector<1x128xf32>
    %add3A_1011 = vector.broadcast %add3A_974 : vector<128x1xf32> to vector<128x128xf32>
    %add3A_1012 = vector.broadcast %slice3A_1010 : vector<1x128xf32> to vector<128x128xf32>
    %add3A_1013 = arith.addf %add3A_1011, %add3A_1012 : vector<128x128xf32>
    %slice3A_1014 = vector.extract_strided_slice %dot_general3A_976 {offsets = [0, 256], sizes = [128, 128], strides = [1, 1]} : vector<128x1024xf32> to vector<128x128xf32>
    %mul3A_1015 = arith.constant 2.000000e+00 : f32
    %mul3A_1016 = vector.broadcast %mul3A_1015 : f32 to vector<128x128xf32>
    %mul3A_1017 = arith.mulf %mul3A_1016, %slice3A_1014 : vector<128x128xf32>
    %sub3A_1018 = arith.subf %add3A_1013, %mul3A_1017 : vector<128x128xf32>
    %max3A_1019 = arith.constant 0.000000e+00 : f32
    %max3A_1020 = vector.broadcast %max3A_1019 : f32 to vector<128x128xf32>
    %max3A_1021 = arith.maximumf %sub3A_1018, %max3A_1020 : vector<128x128xf32>
    %sqrt3A_1022 = math.sqrt %max3A_1021 : vector<128x128xf32>
    %lt3A_1023 = arith.cmpf olt, %sqrt3A_1022, %min3A_1006 : vector<128x128xf32>
    %min3A_1024 = arith.minimumf %min3A_1006, %sqrt3A_1022 : vector<128x128xf32>
    %jit3A_1025 = arith.constant 2 : i32
    %broadcast_in_dim3A_1026 = vector.broadcast %jit3A_1025 : i32 to vector<128x128xi32>
    %select_n3A_1027 = arith.select %lt3A_1023, %broadcast_in_dim3A_1026, %select_n3A_1009 : vector<128x128xi1>, vector<128x128xi32>
    %slice3A_1028 = vector.extract_strided_slice %get3A_4 {offsets = [0, 384], sizes = [1, 128], strides = [1, 1]} : vector<1x1024xf32> to vector<1x128xf32>
    %add3A_1029 = vector.broadcast %add3A_974 : vector<128x1xf32> to vector<128x128xf32>
    %add3A_1030 = vector.broadcast %slice3A_1028 : vector<1x128xf32> to vector<128x128xf32>
    %add3A_1031 = arith.addf %add3A_1029, %add3A_1030 : vector<128x128xf32>
    %slice3A_1032 = vector.extract_strided_slice %dot_general3A_976 {offsets = [0, 384], sizes = [128, 128], strides = [1, 1]} : vector<128x1024xf32> to vector<128x128xf32>
    %mul3A_1033 = arith.constant 2.000000e+00 : f32
    %mul3A_1034 = vector.broadcast %mul3A_1033 : f32 to vector<128x128xf32>
    %mul3A_1035 = arith.mulf %mul3A_1034, %slice3A_1032 : vector<128x128xf32>
    %sub3A_1036 = arith.subf %add3A_1031, %mul3A_1035 : vector<128x128xf32>
    %max3A_1037 = arith.constant 0.000000e+00 : f32
    %max3A_1038 = vector.broadcast %max3A_1037 : f32 to vector<128x128xf32>
    %max3A_1039 = arith.maximumf %sub3A_1036, %max3A_1038 : vector<128x128xf32>
    %sqrt3A_1040 = math.sqrt %max3A_1039 : vector<128x128xf32>
    %lt3A_1041 = arith.cmpf olt, %sqrt3A_1040, %min3A_1024 : vector<128x128xf32>
    %min3A_1042 = arith.minimumf %min3A_1024, %sqrt3A_1040 : vector<128x128xf32>
    %jit3A_1043 = arith.constant 3 : i32
    %broadcast_in_dim3A_1044 = vector.broadcast %jit3A_1043 : i32 to vector<128x128xi32>
    %select_n3A_1045 = arith.select %lt3A_1041, %broadcast_in_dim3A_1044, %select_n3A_1027 : vector<128x128xi1>, vector<128x128xi32>
    %slice3A_1046 = vector.extract_strided_slice %get3A_4 {offsets = [0, 512], sizes = [1, 128], strides = [1, 1]} : vector<1x1024xf32> to vector<1x128xf32>
    %add3A_1047 = vector.broadcast %add3A_974 : vector<128x1xf32> to vector<128x128xf32>
    %add3A_1048 = vector.broadcast %slice3A_1046 : vector<1x128xf32> to vector<128x128xf32>
    %add3A_1049 = arith.addf %add3A_1047, %add3A_1048 : vector<128x128xf32>
    %slice3A_1050 = vector.extract_strided_slice %dot_general3A_976 {offsets = [0, 512], sizes = [128, 128], strides = [1, 1]} : vector<128x1024xf32> to vector<128x128xf32>
    %mul3A_1051 = arith.constant 2.000000e+00 : f32
    %mul3A_1052 = vector.broadcast %mul3A_1051 : f32 to vector<128x128xf32>
    %mul3A_1053 = arith.mulf %mul3A_1052, %slice3A_1050 : vector<128x128xf32>
    %sub3A_1054 = arith.subf %add3A_1049, %mul3A_1053 : vector<128x128xf32>
    %max3A_1055 = arith.constant 0.000000e+00 : f32
    %max3A_1056 = vector.broadcast %max3A_1055 : f32 to vector<128x128xf32>
    %max3A_1057 = arith.maximumf %sub3A_1054, %max3A_1056 : vector<128x128xf32>
    %sqrt3A_1058 = math.sqrt %max3A_1057 : vector<128x128xf32>
    %lt3A_1059 = arith.cmpf olt, %sqrt3A_1058, %min3A_1042 : vector<128x128xf32>
    %min3A_1060 = arith.minimumf %min3A_1042, %sqrt3A_1058 : vector<128x128xf32>
    %jit3A_1061 = arith.constant 4 : i32
    %broadcast_in_dim3A_1062 = vector.broadcast %jit3A_1061 : i32 to vector<128x128xi32>
    %select_n3A_1063 = arith.select %lt3A_1059, %broadcast_in_dim3A_1062, %select_n3A_1045 : vector<128x128xi1>, vector<128x128xi32>
    %slice3A_1064 = vector.extract_strided_slice %get3A_4 {offsets = [0, 640], sizes = [1, 128], strides = [1, 1]} : vector<1x1024xf32> to vector<1x128xf32>
    %add3A_1065 = vector.broadcast %add3A_974 : vector<128x1xf32> to vector<128x128xf32>
    %add3A_1066 = vector.broadcast %slice3A_1064 : vector<1x128xf32> to vector<128x128xf32>
    %add3A_1067 = arith.addf %add3A_1065, %add3A_1066 : vector<128x128xf32>
    %slice3A_1068 = vector.extract_strided_slice %dot_general3A_976 {offsets = [0, 640], sizes = [128, 128], strides = [1, 1]} : vector<128x1024xf32> to vector<128x128xf32>
    %mul3A_1069 = arith.constant 2.000000e+00 : f32
    %mul3A_1070 = vector.broadcast %mul3A_1069 : f32 to vector<128x128xf32>
    %mul3A_1071 = arith.mulf %mul3A_1070, %slice3A_1068 : vector<128x128xf32>
    %sub3A_1072 = arith.subf %add3A_1067, %mul3A_1071 : vector<128x128xf32>
    %max3A_1073 = arith.constant 0.000000e+00 : f32
    %max3A_1074 = vector.broadcast %max3A_1073 : f32 to vector<128x128xf32>
    %max3A_1075 = arith.maximumf %sub3A_1072, %max3A_1074 : vector<128x128xf32>
    %sqrt3A_1076 = math.sqrt %max3A_1075 : vector<128x128xf32>
    %lt3A_1077 = arith.cmpf olt, %sqrt3A_1076, %min3A_1060 : vector<128x128xf32>
    %min3A_1078 = arith.minimumf %min3A_1060, %sqrt3A_1076 : vector<128x128xf32>
    %jit3A_1079 = arith.constant 5 : i32
    %broadcast_in_dim3A_1080 = vector.broadcast %jit3A_1079 : i32 to vector<128x128xi32>
    %select_n3A_1081 = arith.select %lt3A_1077, %broadcast_in_dim3A_1080, %select_n3A_1063 : vector<128x128xi1>, vector<128x128xi32>
    %slice3A_1082 = vector.extract_strided_slice %get3A_4 {offsets = [0, 768], sizes = [1, 128], strides = [1, 1]} : vector<1x1024xf32> to vector<1x128xf32>
    %add3A_1083 = vector.broadcast %add3A_974 : vector<128x1xf32> to vector<128x128xf32>
    %add3A_1084 = vector.broadcast %slice3A_1082 : vector<1x128xf32> to vector<128x128xf32>
    %add3A_1085 = arith.addf %add3A_1083, %add3A_1084 : vector<128x128xf32>
    %slice3A_1086 = vector.extract_strided_slice %dot_general3A_976 {offsets = [0, 768], sizes = [128, 128], strides = [1, 1]} : vector<128x1024xf32> to vector<128x128xf32>
    %mul3A_1087 = arith.constant 2.000000e+00 : f32
    %mul3A_1088 = vector.broadcast %mul3A_1087 : f32 to vector<128x128xf32>
    %mul3A_1089 = arith.mulf %mul3A_1088, %slice3A_1086 : vector<128x128xf32>
    %sub3A_1090 = arith.subf %add3A_1085, %mul3A_1089 : vector<128x128xf32>
    %max3A_1091 = arith.constant 0.000000e+00 : f32
    %max3A_1092 = vector.broadcast %max3A_1091 : f32 to vector<128x128xf32>
    %max3A_1093 = arith.maximumf %sub3A_1090, %max3A_1092 : vector<128x128xf32>
    %sqrt3A_1094 = math.sqrt %max3A_1093 : vector<128x128xf32>
    %lt3A_1095 = arith.cmpf olt, %sqrt3A_1094, %min3A_1078 : vector<128x128xf32>
    %min3A_1096 = arith.minimumf %min3A_1078, %sqrt3A_1094 : vector<128x128xf32>
    %jit3A_1097 = arith.constant 6 : i32
    %broadcast_in_dim3A_1098 = vector.broadcast %jit3A_1097 : i32 to vector<128x128xi32>
    %select_n3A_1099 = arith.select %lt3A_1095, %broadcast_in_dim3A_1098, %select_n3A_1081 : vector<128x128xi1>, vector<128x128xi32>
    %slice3A_1100 = vector.extract_strided_slice %get3A_4 {offsets = [0, 896], sizes = [1, 128], strides = [1, 1]} : vector<1x1024xf32> to vector<1x128xf32>
    %add3A_1101 = vector.broadcast %add3A_974 : vector<128x1xf32> to vector<128x128xf32>
    %add3A_1102 = vector.broadcast %slice3A_1100 : vector<1x128xf32> to vector<128x128xf32>
    %add3A_1103 = arith.addf %add3A_1101, %add3A_1102 : vector<128x128xf32>
    %slice3A_1104 = vector.extract_strided_slice %dot_general3A_976 {offsets = [0, 896], sizes = [128, 128], strides = [1, 1]} : vector<128x1024xf32> to vector<128x128xf32>
    %mul3A_1105 = arith.constant 2.000000e+00 : f32
    %mul3A_1106 = vector.broadcast %mul3A_1105 : f32 to vector<128x128xf32>
    %mul3A_1107 = arith.mulf %mul3A_1106, %slice3A_1104 : vector<128x128xf32>
    %sub3A_1108 = arith.subf %add3A_1103, %mul3A_1107 : vector<128x128xf32>
    %max3A_1109 = arith.constant 0.000000e+00 : f32
    %max3A_1110 = vector.broadcast %max3A_1109 : f32 to vector<128x128xf32>
    %max3A_1111 = arith.maximumf %sub3A_1108, %max3A_1110 : vector<128x128xf32>
    %sqrt3A_1112 = math.sqrt %max3A_1111 : vector<128x128xf32>
    %lt3A_1113 = arith.cmpf olt, %sqrt3A_1112, %min3A_1096 : vector<128x128xf32>
    %min3A_1114 = arith.minimumf %min3A_1096, %sqrt3A_1112 : vector<128x128xf32>
    %jit3A_1115 = arith.constant 7 : i32
    %broadcast_in_dim3A_1116 = vector.broadcast %jit3A_1115 : i32 to vector<128x128xi32>
    %select_n3A_1117 = arith.select %lt3A_1113, %broadcast_in_dim3A_1116, %select_n3A_1099 : vector<128x128xi1>, vector<128x128xi32>
    %mul3A_1118 = arith.constant 128 : i32
    %mul3A_1119 = vector.broadcast %mul3A_1118 : i32 to vector<128x128xi32>
    %mul3A_1120 = arith.muli %select_n3A_1117, %mul3A_1119 : vector<128x128xi32>
    %add3A_1121 = arith.addi %mul3A_1120, %iota3A : vector<128x128xi32>
    %reduce_min3A_1122 = arith.constant dense<0x7F800000> : vector<128xf32>
    %reduce_min3A_1123 = vector.multi_reduction <minimumf>, %min3A_1114, %reduce_min3A_1122 [1] : vector<128x128xf32> to vector<128xf32>
    %broadcast_in_dim3A_1124 = vector.shape_cast %reduce_min3A_1123 : vector<128xf32> to vector<128x1xf32>
    %eq3A_1125 = vector.broadcast %broadcast_in_dim3A_1124 : vector<128x1xf32> to vector<128x128xf32>
    %eq3A_1126 = arith.cmpf oeq, %min3A_1114, %eq3A_1125 : vector<128x128xf32>
    %jit3A_1127 = arith.constant 1024 : i32
    %broadcast_in_dim3A_1128 = vector.broadcast %jit3A_1127 : i32 to vector<128x128xi32>
    %select_n3A_1129 = arith.select %eq3A_1126, %add3A_1121, %broadcast_in_dim3A_1128 : vector<128x128xi1>, vector<128x128xi32>
    %reduce_min3A_1130 = arith.constant dense<2147483647> : vector<128xi32>
    %reduce_min3A_1131 = vector.multi_reduction <minsi>, %select_n3A_1129, %reduce_min3A_1130 [1] : vector<128x128xi32> to vector<128xi32>
    %broadcast_in_dim3A_1132 = vector.shape_cast %reduce_min3A_1131 : vector<128xi32> to vector<128x1xi32>
    %swap3A_1133 = arith.constant 640 : index
    %swap3A_1134 = arith.constant 0 : index
    %swap3A_1135 = vector.load %arg4[%swap3A_1133, %swap3A_1134] : memref<2304x1xi32, #tpu.memory_space<vmem>>, vector<128x1xi32>
    tpu.vector_store %arg4[%swap3A_1133, %swap3A_1134], %broadcast_in_dim3A_1132 {strides = array<i32>} : memref<2304x1xi32, #tpu.memory_space<vmem>>, vector<128x1xi32>,
    %mul3A_1136 = arith.mulf %broadcast_in_dim3A_1124, %broadcast_in_dim3A_1124 : vector<128x1xf32>
    %add3A_1137 = arith.addf %add3A_946, %mul3A_1136 : vector<128x1xf32>
    %get3A_1138 = arith.constant 768 : index
    %get3A_1139 = arith.constant 0 : index
    %get3A_1140 = vector.load %arg1[%get3A_1138, %get3A_1139] : memref<2304x64xf32, #tpu.memory_space<vmem>>, vector<128x64xf32>
    %mul3A_1141 = arith.mulf %get3A_1140, %get3A_1140 : vector<128x64xf32>
    %slice3A_1142 = vector.extract_strided_slice %mul3A_1141 {offsets = [0, 0], sizes = [128, 8], strides = [1, 1]} : vector<128x64xf32> to vector<128x8xf32>
    %slice3A_1143 = vector.extract_strided_slice %mul3A_1141 {offsets = [0, 8], sizes = [128, 8], strides = [1, 1]} : vector<128x64xf32> to vector<128x8xf32>
    %add3A_1144 = arith.addf %slice3A_1142, %slice3A_1143 : vector<128x8xf32>
    %slice3A_1145 = vector.extract_strided_slice %mul3A_1141 {offsets = [0, 16], sizes = [128, 8], strides = [1, 1]} : vector<128x64xf32> to vector<128x8xf32>
    %add3A_1146 = arith.addf %add3A_1144, %slice3A_1145 : vector<128x8xf32>
    %slice3A_1147 = vector.extract_strided_slice %mul3A_1141 {offsets = [0, 24], sizes = [128, 8], strides = [1, 1]} : vector<128x64xf32> to vector<128x8xf32>
    %add3A_1148 = arith.addf %add3A_1146, %slice3A_1147 : vector<128x8xf32>
    %slice3A_1149 = vector.extract_strided_slice %mul3A_1141 {offsets = [0, 32], sizes = [128, 8], strides = [1, 1]} : vector<128x64xf32> to vector<128x8xf32>
    %add3A_1150 = arith.addf %add3A_1148, %slice3A_1149 : vector<128x8xf32>
    %slice3A_1151 = vector.extract_strided_slice %mul3A_1141 {offsets = [0, 40], sizes = [128, 8], strides = [1, 1]} : vector<128x64xf32> to vector<128x8xf32>
    %add3A_1152 = arith.addf %add3A_1150, %slice3A_1151 : vector<128x8xf32>
    %slice3A_1153 = vector.extract_strided_slice %mul3A_1141 {offsets = [0, 48], sizes = [128, 8], strides = [1, 1]} : vector<128x64xf32> to vector<128x8xf32>
    %add3A_1154 = arith.addf %add3A_1152, %slice3A_1153 : vector<128x8xf32>
    %slice3A_1155 = vector.extract_strided_slice %mul3A_1141 {offsets = [0, 56], sizes = [128, 8], strides = [1, 1]} : vector<128x64xf32> to vector<128x8xf32>
    %add3A_1156 = arith.addf %add3A_1154, %slice3A_1155 : vector<128x8xf32>
    %slice3A_1157 = vector.extract_strided_slice %add3A_1156 {offsets = [0, 0], sizes = [128, 4], strides = [1, 1]} : vector<128x8xf32> to vector<128x4xf32>
    %slice3A_1158 = vector.extract_strided_slice %add3A_1156 {offsets = [0, 4], sizes = [128, 4], strides = [1, 1]} : vector<128x8xf32> to vector<128x4xf32>
    %add3A_1159 = arith.addf %slice3A_1157, %slice3A_1158 : vector<128x4xf32>
    %slice3A_1160 = vector.extract_strided_slice %add3A_1159 {offsets = [0, 0], sizes = [128, 2], strides = [1, 1]} : vector<128x4xf32> to vector<128x2xf32>
    %slice3A_1161 = vector.extract_strided_slice %add3A_1159 {offsets = [0, 2], sizes = [128, 2], strides = [1, 1]} : vector<128x4xf32> to vector<128x2xf32>
    %add3A_1162 = arith.addf %slice3A_1160, %slice3A_1161 : vector<128x2xf32>
    %slice3A_1163 = vector.extract_strided_slice %add3A_1162 {offsets = [0, 0], sizes = [128, 1], strides = [1, 1]} : vector<128x2xf32> to vector<128x1xf32>
    %slice3A_1164 = vector.extract_strided_slice %add3A_1162 {offsets = [0, 1], sizes = [128, 1], strides = [1, 1]} : vector<128x2xf32> to vector<128x1xf32>
    %add3A_1165 = arith.addf %slice3A_1163, %slice3A_1164 : vector<128x1xf32>
    %dot_general3A_1166 = arith.constant dense<0.000000e+00> : vector<128x1024xf32>
    %dot_general3A_1167 = tpu.matmul %get3A_1140, %get3A_1, %dot_general3A_1166 {dimension_numbers = #tpu.dot_dimension_numbers<[1], [1], [0], [0], [0, 0, 1, 0], [], []>, transpose_lhs_hint = false} : vector<128x64xf32>, vector<1024x64xf32>, vector<128x1024xf32> -> vector<128x1024xf32>
    %slice3A_1168 = vector.extract_strided_slice %get3A_4 {offsets = [0, 0], sizes = [1, 128], strides = [1, 1]} : vector<1x1024xf32> to vector<1x128xf32>
    %add3A_1169 = vector.broadcast %add3A_1165 : vector<128x1xf32> to vector<128x128xf32>
    %add3A_1170 = vector.broadcast %slice3A_1168 : vector<1x128xf32> to vector<128x128xf32>
    %add3A_1171 = arith.addf %add3A_1169, %add3A_1170 : vector<128x128xf32>
    %slice3A_1172 = vector.extract_strided_slice %dot_general3A_1167 {offsets = [0, 0], sizes = [128, 128], strides = [1, 1]} : vector<128x1024xf32> to vector<128x128xf32>
    %mul3A_1173 = arith.constant 2.000000e+00 : f32
    %mul3A_1174 = vector.broadcast %mul3A_1173 : f32 to vector<128x128xf32>
    %mul3A_1175 = arith.mulf %mul3A_1174, %slice3A_1172 : vector<128x128xf32>
    %sub3A_1176 = arith.subf %add3A_1171, %mul3A_1175 : vector<128x128xf32>
    %max3A_1177 = arith.constant 0.000000e+00 : f32
    %max3A_1178 = vector.broadcast %max3A_1177 : f32 to vector<128x128xf32>
    %max3A_1179 = arith.maximumf %sub3A_1176, %max3A_1178 : vector<128x128xf32>
    %sqrt3A_1180 = math.sqrt %max3A_1179 : vector<128x128xf32>
    %broadcast_in_dim3A_1181 = arith.constant 0 : i32
    %broadcast_in_dim3A_1182 = vector.broadcast %broadcast_in_dim3A_1181 : i32 to vector<128x128xi32>
    %slice3A_1183 = vector.extract_strided_slice %get3A_4 {offsets = [0, 128], sizes = [1, 128], strides = [1, 1]} : vector<1x1024xf32> to vector<1x128xf32>
    %add3A_1184 = vector.broadcast %add3A_1165 : vector<128x1xf32> to vector<128x128xf32>
    %add3A_1185 = vector.broadcast %slice3A_1183 : vector<1x128xf32> to vector<128x128xf32>
    %add3A_1186 = arith.addf %add3A_1184, %add3A_1185 : vector<128x128xf32>
    %slice3A_1187 = vector.extract_strided_slice %dot_general3A_1167 {offsets = [0, 128], sizes = [128, 128], strides = [1, 1]} : vector<128x1024xf32> to vector<128x128xf32>
    %mul3A_1188 = arith.constant 2.000000e+00 : f32
    %mul3A_1189 = vector.broadcast %mul3A_1188 : f32 to vector<128x128xf32>
    %mul3A_1190 = arith.mulf %mul3A_1189, %slice3A_1187 : vector<128x128xf32>
    %sub3A_1191 = arith.subf %add3A_1186, %mul3A_1190 : vector<128x128xf32>
    %max3A_1192 = arith.constant 0.000000e+00 : f32
    %max3A_1193 = vector.broadcast %max3A_1192 : f32 to vector<128x128xf32>
    %max3A_1194 = arith.maximumf %sub3A_1191, %max3A_1193 : vector<128x128xf32>
    %sqrt3A_1195 = math.sqrt %max3A_1194 : vector<128x128xf32>
    %lt3A_1196 = arith.cmpf olt, %sqrt3A_1195, %sqrt3A_1180 : vector<128x128xf32>
    %min3A_1197 = arith.minimumf %sqrt3A_1180, %sqrt3A_1195 : vector<128x128xf32>
    %jit3A_1198 = arith.constant 1 : i32
    %broadcast_in_dim3A_1199 = vector.broadcast %jit3A_1198 : i32 to vector<128x128xi32>
    %select_n3A_1200 = arith.select %lt3A_1196, %broadcast_in_dim3A_1199, %broadcast_in_dim3A_1182 : vector<128x128xi1>, vector<128x128xi32>
    %slice3A_1201 = vector.extract_strided_slice %get3A_4 {offsets = [0, 256], sizes = [1, 128], strides = [1, 1]} : vector<1x1024xf32> to vector<1x128xf32>
    %add3A_1202 = vector.broadcast %add3A_1165 : vector<128x1xf32> to vector<128x128xf32>
    %add3A_1203 = vector.broadcast %slice3A_1201 : vector<1x128xf32> to vector<128x128xf32>
    %add3A_1204 = arith.addf %add3A_1202, %add3A_1203 : vector<128x128xf32>
    %slice3A_1205 = vector.extract_strided_slice %dot_general3A_1167 {offsets = [0, 256], sizes = [128, 128], strides = [1, 1]} : vector<128x1024xf32> to vector<128x128xf32>
    %mul3A_1206 = arith.constant 2.000000e+00 : f32
    %mul3A_1207 = vector.broadcast %mul3A_1206 : f32 to vector<128x128xf32>
    %mul3A_1208 = arith.mulf %mul3A_1207, %slice3A_1205 : vector<128x128xf32>
    %sub3A_1209 = arith.subf %add3A_1204, %mul3A_1208 : vector<128x128xf32>
    %max3A_1210 = arith.constant 0.000000e+00 : f32
    %max3A_1211 = vector.broadcast %max3A_1210 : f32 to vector<128x128xf32>
    %max3A_1212 = arith.maximumf %sub3A_1209, %max3A_1211 : vector<128x128xf32>
    %sqrt3A_1213 = math.sqrt %max3A_1212 : vector<128x128xf32>
    %lt3A_1214 = arith.cmpf olt, %sqrt3A_1213, %min3A_1197 : vector<128x128xf32>
    %min3A_1215 = arith.minimumf %min3A_1197, %sqrt3A_1213 : vector<128x128xf32>
    %jit3A_1216 = arith.constant 2 : i32
    %broadcast_in_dim3A_1217 = vector.broadcast %jit3A_1216 : i32 to vector<128x128xi32>
    %select_n3A_1218 = arith.select %lt3A_1214, %broadcast_in_dim3A_1217, %select_n3A_1200 : vector<128x128xi1>, vector<128x128xi32>
    %slice3A_1219 = vector.extract_strided_slice %get3A_4 {offsets = [0, 384], sizes = [1, 128], strides = [1, 1]} : vector<1x1024xf32> to vector<1x128xf32>
    %add3A_1220 = vector.broadcast %add3A_1165 : vector<128x1xf32> to vector<128x128xf32>
    %add3A_1221 = vector.broadcast %slice3A_1219 : vector<1x128xf32> to vector<128x128xf32>
    %add3A_1222 = arith.addf %add3A_1220, %add3A_1221 : vector<128x128xf32>
    %slice3A_1223 = vector.extract_strided_slice %dot_general3A_1167 {offsets = [0, 384], sizes = [128, 128], strides = [1, 1]} : vector<128x1024xf32> to vector<128x128xf32>
    %mul3A_1224 = arith.constant 2.000000e+00 : f32
    %mul3A_1225 = vector.broadcast %mul3A_1224 : f32 to vector<128x128xf32>
    %mul3A_1226 = arith.mulf %mul3A_1225, %slice3A_1223 : vector<128x128xf32>
    %sub3A_1227 = arith.subf %add3A_1222, %mul3A_1226 : vector<128x128xf32>
    %max3A_1228 = arith.constant 0.000000e+00 : f32
    %max3A_1229 = vector.broadcast %max3A_1228 : f32 to vector<128x128xf32>
    %max3A_1230 = arith.maximumf %sub3A_1227, %max3A_1229 : vector<128x128xf32>
    %sqrt3A_1231 = math.sqrt %max3A_1230 : vector<128x128xf32>
    %lt3A_1232 = arith.cmpf olt, %sqrt3A_1231, %min3A_1215 : vector<128x128xf32>
    %min3A_1233 = arith.minimumf %min3A_1215, %sqrt3A_1231 : vector<128x128xf32>
    %jit3A_1234 = arith.constant 3 : i32
    %broadcast_in_dim3A_1235 = vector.broadcast %jit3A_1234 : i32 to vector<128x128xi32>
    %select_n3A_1236 = arith.select %lt3A_1232, %broadcast_in_dim3A_1235, %select_n3A_1218 : vector<128x128xi1>, vector<128x128xi32>
    %slice3A_1237 = vector.extract_strided_slice %get3A_4 {offsets = [0, 512], sizes = [1, 128], strides = [1, 1]} : vector<1x1024xf32> to vector<1x128xf32>
    %add3A_1238 = vector.broadcast %add3A_1165 : vector<128x1xf32> to vector<128x128xf32>
    %add3A_1239 = vector.broadcast %slice3A_1237 : vector<1x128xf32> to vector<128x128xf32>
    %add3A_1240 = arith.addf %add3A_1238, %add3A_1239 : vector<128x128xf32>
    %slice3A_1241 = vector.extract_strided_slice %dot_general3A_1167 {offsets = [0, 512], sizes = [128, 128], strides = [1, 1]} : vector<128x1024xf32> to vector<128x128xf32>
    %mul3A_1242 = arith.constant 2.000000e+00 : f32
    %mul3A_1243 = vector.broadcast %mul3A_1242 : f32 to vector<128x128xf32>
    %mul3A_1244 = arith.mulf %mul3A_1243, %slice3A_1241 : vector<128x128xf32>
    %sub3A_1245 = arith.subf %add3A_1240, %mul3A_1244 : vector<128x128xf32>
    %max3A_1246 = arith.constant 0.000000e+00 : f32
    %max3A_1247 = vector.broadcast %max3A_1246 : f32 to vector<128x128xf32>
    %max3A_1248 = arith.maximumf %sub3A_1245, %max3A_1247 : vector<128x128xf32>
    %sqrt3A_1249 = math.sqrt %max3A_1248 : vector<128x128xf32>
    %lt3A_1250 = arith.cmpf olt, %sqrt3A_1249, %min3A_1233 : vector<128x128xf32>
    %min3A_1251 = arith.minimumf %min3A_1233, %sqrt3A_1249 : vector<128x128xf32>
    %jit3A_1252 = arith.constant 4 : i32
    %broadcast_in_dim3A_1253 = vector.broadcast %jit3A_1252 : i32 to vector<128x128xi32>
    %select_n3A_1254 = arith.select %lt3A_1250, %broadcast_in_dim3A_1253, %select_n3A_1236 : vector<128x128xi1>, vector<128x128xi32>
    %slice3A_1255 = vector.extract_strided_slice %get3A_4 {offsets = [0, 640], sizes = [1, 128], strides = [1, 1]} : vector<1x1024xf32> to vector<1x128xf32>
    %add3A_1256 = vector.broadcast %add3A_1165 : vector<128x1xf32> to vector<128x128xf32>
    %add3A_1257 = vector.broadcast %slice3A_1255 : vector<1x128xf32> to vector<128x128xf32>
    %add3A_1258 = arith.addf %add3A_1256, %add3A_1257 : vector<128x128xf32>
    %slice3A_1259 = vector.extract_strided_slice %dot_general3A_1167 {offsets = [0, 640], sizes = [128, 128], strides = [1, 1]} : vector<128x1024xf32> to vector<128x128xf32>
    %mul3A_1260 = arith.constant 2.000000e+00 : f32
    %mul3A_1261 = vector.broadcast %mul3A_1260 : f32 to vector<128x128xf32>
    %mul3A_1262 = arith.mulf %mul3A_1261, %slice3A_1259 : vector<128x128xf32>
    %sub3A_1263 = arith.subf %add3A_1258, %mul3A_1262 : vector<128x128xf32>
    %max3A_1264 = arith.constant 0.000000e+00 : f32
    %max3A_1265 = vector.broadcast %max3A_1264 : f32 to vector<128x128xf32>
    %max3A_1266 = arith.maximumf %sub3A_1263, %max3A_1265 : vector<128x128xf32>
    %sqrt3A_1267 = math.sqrt %max3A_1266 : vector<128x128xf32>
    %lt3A_1268 = arith.cmpf olt, %sqrt3A_1267, %min3A_1251 : vector<128x128xf32>
    %min3A_1269 = arith.minimumf %min3A_1251, %sqrt3A_1267 : vector<128x128xf32>
    %jit3A_1270 = arith.constant 5 : i32
    %broadcast_in_dim3A_1271 = vector.broadcast %jit3A_1270 : i32 to vector<128x128xi32>
    %select_n3A_1272 = arith.select %lt3A_1268, %broadcast_in_dim3A_1271, %select_n3A_1254 : vector<128x128xi1>, vector<128x128xi32>
    %slice3A_1273 = vector.extract_strided_slice %get3A_4 {offsets = [0, 768], sizes = [1, 128], strides = [1, 1]} : vector<1x1024xf32> to vector<1x128xf32>
    %add3A_1274 = vector.broadcast %add3A_1165 : vector<128x1xf32> to vector<128x128xf32>
    %add3A_1275 = vector.broadcast %slice3A_1273 : vector<1x128xf32> to vector<128x128xf32>
    %add3A_1276 = arith.addf %add3A_1274, %add3A_1275 : vector<128x128xf32>
    %slice3A_1277 = vector.extract_strided_slice %dot_general3A_1167 {offsets = [0, 768], sizes = [128, 128], strides = [1, 1]} : vector<128x1024xf32> to vector<128x128xf32>
    %mul3A_1278 = arith.constant 2.000000e+00 : f32
    %mul3A_1279 = vector.broadcast %mul3A_1278 : f32 to vector<128x128xf32>
    %mul3A_1280 = arith.mulf %mul3A_1279, %slice3A_1277 : vector<128x128xf32>
    %sub3A_1281 = arith.subf %add3A_1276, %mul3A_1280 : vector<128x128xf32>
    %max3A_1282 = arith.constant 0.000000e+00 : f32
    %max3A_1283 = vector.broadcast %max3A_1282 : f32 to vector<128x128xf32>
    %max3A_1284 = arith.maximumf %sub3A_1281, %max3A_1283 : vector<128x128xf32>
    %sqrt3A_1285 = math.sqrt %max3A_1284 : vector<128x128xf32>
    %lt3A_1286 = arith.cmpf olt, %sqrt3A_1285, %min3A_1269 : vector<128x128xf32>
    %min3A_1287 = arith.minimumf %min3A_1269, %sqrt3A_1285 : vector<128x128xf32>
    %jit3A_1288 = arith.constant 6 : i32
    %broadcast_in_dim3A_1289 = vector.broadcast %jit3A_1288 : i32 to vector<128x128xi32>
    %select_n3A_1290 = arith.select %lt3A_1286, %broadcast_in_dim3A_1289, %select_n3A_1272 : vector<128x128xi1>, vector<128x128xi32>
    %slice3A_1291 = vector.extract_strided_slice %get3A_4 {offsets = [0, 896], sizes = [1, 128], strides = [1, 1]} : vector<1x1024xf32> to vector<1x128xf32>
    %add3A_1292 = vector.broadcast %add3A_1165 : vector<128x1xf32> to vector<128x128xf32>
    %add3A_1293 = vector.broadcast %slice3A_1291 : vector<1x128xf32> to vector<128x128xf32>
    %add3A_1294 = arith.addf %add3A_1292, %add3A_1293 : vector<128x128xf32>
    %slice3A_1295 = vector.extract_strided_slice %dot_general3A_1167 {offsets = [0, 896], sizes = [128, 128], strides = [1, 1]} : vector<128x1024xf32> to vector<128x128xf32>
    %mul3A_1296 = arith.constant 2.000000e+00 : f32
    %mul3A_1297 = vector.broadcast %mul3A_1296 : f32 to vector<128x128xf32>
    %mul3A_1298 = arith.mulf %mul3A_1297, %slice3A_1295 : vector<128x128xf32>
    %sub3A_1299 = arith.subf %add3A_1294, %mul3A_1298 : vector<128x128xf32>
    %max3A_1300 = arith.constant 0.000000e+00 : f32
    %max3A_1301 = vector.broadcast %max3A_1300 : f32 to vector<128x128xf32>
    %max3A_1302 = arith.maximumf %sub3A_1299, %max3A_1301 : vector<128x128xf32>
    %sqrt3A_1303 = math.sqrt %max3A_1302 : vector<128x128xf32>
    %lt3A_1304 = arith.cmpf olt, %sqrt3A_1303, %min3A_1287 : vector<128x128xf32>
    %min3A_1305 = arith.minimumf %min3A_1287, %sqrt3A_1303 : vector<128x128xf32>
    %jit3A_1306 = arith.constant 7 : i32
    %broadcast_in_dim3A_1307 = vector.broadcast %jit3A_1306 : i32 to vector<128x128xi32>
    %select_n3A_1308 = arith.select %lt3A_1304, %broadcast_in_dim3A_1307, %select_n3A_1290 : vector<128x128xi1>, vector<128x128xi32>
    %mul3A_1309 = arith.constant 128 : i32
    %mul3A_1310 = vector.broadcast %mul3A_1309 : i32 to vector<128x128xi32>
    %mul3A_1311 = arith.muli %select_n3A_1308, %mul3A_1310 : vector<128x128xi32>
    %add3A_1312 = arith.addi %mul3A_1311, %iota3A : vector<128x128xi32>
    %reduce_min3A_1313 = arith.constant dense<0x7F800000> : vector<128xf32>
    %reduce_min3A_1314 = vector.multi_reduction <minimumf>, %min3A_1305, %reduce_min3A_1313 [1] : vector<128x128xf32> to vector<128xf32>
    %broadcast_in_dim3A_1315 = vector.shape_cast %reduce_min3A_1314 : vector<128xf32> to vector<128x1xf32>
    %eq3A_1316 = vector.broadcast %broadcast_in_dim3A_1315 : vector<128x1xf32> to vector<128x128xf32>
    %eq3A_1317 = arith.cmpf oeq, %min3A_1305, %eq3A_1316 : vector<128x128xf32>
    %jit3A_1318 = arith.constant 1024 : i32
    %broadcast_in_dim3A_1319 = vector.broadcast %jit3A_1318 : i32 to vector<128x128xi32>
    %select_n3A_1320 = arith.select %eq3A_1317, %add3A_1312, %broadcast_in_dim3A_1319 : vector<128x128xi1>, vector<128x128xi32>
    %reduce_min3A_1321 = arith.constant dense<2147483647> : vector<128xi32>
    %reduce_min3A_1322 = vector.multi_reduction <minsi>, %select_n3A_1320, %reduce_min3A_1321 [1] : vector<128x128xi32> to vector<128xi32>
    %broadcast_in_dim3A_1323 = vector.shape_cast %reduce_min3A_1322 : vector<128xi32> to vector<128x1xi32>
    %swap3A_1324 = arith.constant 768 : index
    %swap3A_1325 = arith.constant 0 : index
    %swap3A_1326 = vector.load %arg4[%swap3A_1324, %swap3A_1325] : memref<2304x1xi32, #tpu.memory_space<vmem>>, vector<128x1xi32>
    tpu.vector_store %arg4[%swap3A_1324, %swap3A_1325], %broadcast_in_dim3A_1323 {strides = array<i32>} : memref<2304x1xi32, #tpu.memory_space<vmem>>, vector<128x1xi32>,
    %mul3A_1327 = arith.mulf %broadcast_in_dim3A_1315, %broadcast_in_dim3A_1315 : vector<128x1xf32>
    %add3A_1328 = arith.addf %add3A_1137, %mul3A_1327 : vector<128x1xf32>
    %get3A_1329 = arith.constant 896 : index
    %get3A_1330 = arith.constant 0 : index
    %get3A_1331 = vector.load %arg1[%get3A_1329, %get3A_1330] : memref<2304x64xf32, #tpu.memory_space<vmem>>, vector<128x64xf32>
    %mul3A_1332 = arith.mulf %get3A_1331, %get3A_1331 : vector<128x64xf32>
    %slice3A_1333 = vector.extract_strided_slice %mul3A_1332 {offsets = [0, 0], sizes = [128, 8], strides = [1, 1]} : vector<128x64xf32> to vector<128x8xf32>
    %slice3A_1334 = vector.extract_strided_slice %mul3A_1332 {offsets = [0, 8], sizes = [128, 8], strides = [1, 1]} : vector<128x64xf32> to vector<128x8xf32>
    %add3A_1335 = arith.addf %slice3A_1333, %slice3A_1334 : vector<128x8xf32>
    %slice3A_1336 = vector.extract_strided_slice %mul3A_1332 {offsets = [0, 16], sizes = [128, 8], strides = [1, 1]} : vector<128x64xf32> to vector<128x8xf32>
    %add3A_1337 = arith.addf %add3A_1335, %slice3A_1336 : vector<128x8xf32>
    %slice3A_1338 = vector.extract_strided_slice %mul3A_1332 {offsets = [0, 24], sizes = [128, 8], strides = [1, 1]} : vector<128x64xf32> to vector<128x8xf32>
    %add3A_1339 = arith.addf %add3A_1337, %slice3A_1338 : vector<128x8xf32>
    %slice3A_1340 = vector.extract_strided_slice %mul3A_1332 {offsets = [0, 32], sizes = [128, 8], strides = [1, 1]} : vector<128x64xf32> to vector<128x8xf32>
    %add3A_1341 = arith.addf %add3A_1339, %slice3A_1340 : vector<128x8xf32>
    %slice3A_1342 = vector.extract_strided_slice %mul3A_1332 {offsets = [0, 40], sizes = [128, 8], strides = [1, 1]} : vector<128x64xf32> to vector<128x8xf32>
    %add3A_1343 = arith.addf %add3A_1341, %slice3A_1342 : vector<128x8xf32>
    %slice3A_1344 = vector.extract_strided_slice %mul3A_1332 {offsets = [0, 48], sizes = [128, 8], strides = [1, 1]} : vector<128x64xf32> to vector<128x8xf32>
    %add3A_1345 = arith.addf %add3A_1343, %slice3A_1344 : vector<128x8xf32>
    %slice3A_1346 = vector.extract_strided_slice %mul3A_1332 {offsets = [0, 56], sizes = [128, 8], strides = [1, 1]} : vector<128x64xf32> to vector<128x8xf32>
    %add3A_1347 = arith.addf %add3A_1345, %slice3A_1346 : vector<128x8xf32>
    %slice3A_1348 = vector.extract_strided_slice %add3A_1347 {offsets = [0, 0], sizes = [128, 4], strides = [1, 1]} : vector<128x8xf32> to vector<128x4xf32>
    %slice3A_1349 = vector.extract_strided_slice %add3A_1347 {offsets = [0, 4], sizes = [128, 4], strides = [1, 1]} : vector<128x8xf32> to vector<128x4xf32>
    %add3A_1350 = arith.addf %slice3A_1348, %slice3A_1349 : vector<128x4xf32>
    %slice3A_1351 = vector.extract_strided_slice %add3A_1350 {offsets = [0, 0], sizes = [128, 2], strides = [1, 1]} : vector<128x4xf32> to vector<128x2xf32>
    %slice3A_1352 = vector.extract_strided_slice %add3A_1350 {offsets = [0, 2], sizes = [128, 2], strides = [1, 1]} : vector<128x4xf32> to vector<128x2xf32>
    %add3A_1353 = arith.addf %slice3A_1351, %slice3A_1352 : vector<128x2xf32>
    %slice3A_1354 = vector.extract_strided_slice %add3A_1353 {offsets = [0, 0], sizes = [128, 1], strides = [1, 1]} : vector<128x2xf32> to vector<128x1xf32>
    %slice3A_1355 = vector.extract_strided_slice %add3A_1353 {offsets = [0, 1], sizes = [128, 1], strides = [1, 1]} : vector<128x2xf32> to vector<128x1xf32>
    %add3A_1356 = arith.addf %slice3A_1354, %slice3A_1355 : vector<128x1xf32>
    %dot_general3A_1357 = arith.constant dense<0.000000e+00> : vector<128x1024xf32>
    %dot_general3A_1358 = tpu.matmul %get3A_1331, %get3A_1, %dot_general3A_1357 {dimension_numbers = #tpu.dot_dimension_numbers<[1], [1], [0], [0], [0, 0, 1, 0], [], []>, transpose_lhs_hint = false} : vector<128x64xf32>, vector<1024x64xf32>, vector<128x1024xf32> -> vector<128x1024xf32>
    %slice3A_1359 = vector.extract_strided_slice %get3A_4 {offsets = [0, 0], sizes = [1, 128], strides = [1, 1]} : vector<1x1024xf32> to vector<1x128xf32>
    %add3A_1360 = vector.broadcast %add3A_1356 : vector<128x1xf32> to vector<128x128xf32>
    %add3A_1361 = vector.broadcast %slice3A_1359 : vector<1x128xf32> to vector<128x128xf32>
    %add3A_1362 = arith.addf %add3A_1360, %add3A_1361 : vector<128x128xf32>
    %slice3A_1363 = vector.extract_strided_slice %dot_general3A_1358 {offsets = [0, 0], sizes = [128, 128], strides = [1, 1]} : vector<128x1024xf32> to vector<128x128xf32>
    %mul3A_1364 = arith.constant 2.000000e+00 : f32
    %mul3A_1365 = vector.broadcast %mul3A_1364 : f32 to vector<128x128xf32>
    %mul3A_1366 = arith.mulf %mul3A_1365, %slice3A_1363 : vector<128x128xf32>
    %sub3A_1367 = arith.subf %add3A_1362, %mul3A_1366 : vector<128x128xf32>
    %max3A_1368 = arith.constant 0.000000e+00 : f32
    %max3A_1369 = vector.broadcast %max3A_1368 : f32 to vector<128x128xf32>
    %max3A_1370 = arith.maximumf %sub3A_1367, %max3A_1369 : vector<128x128xf32>
    %sqrt3A_1371 = math.sqrt %max3A_1370 : vector<128x128xf32>
    %broadcast_in_dim3A_1372 = arith.constant 0 : i32
    %broadcast_in_dim3A_1373 = vector.broadcast %broadcast_in_dim3A_1372 : i32 to vector<128x128xi32>
    %slice3A_1374 = vector.extract_strided_slice %get3A_4 {offsets = [0, 128], sizes = [1, 128], strides = [1, 1]} : vector<1x1024xf32> to vector<1x128xf32>
    %add3A_1375 = vector.broadcast %add3A_1356 : vector<128x1xf32> to vector<128x128xf32>
    %add3A_1376 = vector.broadcast %slice3A_1374 : vector<1x128xf32> to vector<128x128xf32>
    %add3A_1377 = arith.addf %add3A_1375, %add3A_1376 : vector<128x128xf32>
    %slice3A_1378 = vector.extract_strided_slice %dot_general3A_1358 {offsets = [0, 128], sizes = [128, 128], strides = [1, 1]} : vector<128x1024xf32> to vector<128x128xf32>
    %mul3A_1379 = arith.constant 2.000000e+00 : f32
    %mul3A_1380 = vector.broadcast %mul3A_1379 : f32 to vector<128x128xf32>
    %mul3A_1381 = arith.mulf %mul3A_1380, %slice3A_1378 : vector<128x128xf32>
    %sub3A_1382 = arith.subf %add3A_1377, %mul3A_1381 : vector<128x128xf32>
    %max3A_1383 = arith.constant 0.000000e+00 : f32
    %max3A_1384 = vector.broadcast %max3A_1383 : f32 to vector<128x128xf32>
    %max3A_1385 = arith.maximumf %sub3A_1382, %max3A_1384 : vector<128x128xf32>
    %sqrt3A_1386 = math.sqrt %max3A_1385 : vector<128x128xf32>
    %lt3A_1387 = arith.cmpf olt, %sqrt3A_1386, %sqrt3A_1371 : vector<128x128xf32>
    %min3A_1388 = arith.minimumf %sqrt3A_1371, %sqrt3A_1386 : vector<128x128xf32>
    %jit3A_1389 = arith.constant 1 : i32
    %broadcast_in_dim3A_1390 = vector.broadcast %jit3A_1389 : i32 to vector<128x128xi32>
    %select_n3A_1391 = arith.select %lt3A_1387, %broadcast_in_dim3A_1390, %broadcast_in_dim3A_1373 : vector<128x128xi1>, vector<128x128xi32>
    %slice3A_1392 = vector.extract_strided_slice %get3A_4 {offsets = [0, 256], sizes = [1, 128], strides = [1, 1]} : vector<1x1024xf32> to vector<1x128xf32>
    %add3A_1393 = vector.broadcast %add3A_1356 : vector<128x1xf32> to vector<128x128xf32>
    %add3A_1394 = vector.broadcast %slice3A_1392 : vector<1x128xf32> to vector<128x128xf32>
    %add3A_1395 = arith.addf %add3A_1393, %add3A_1394 : vector<128x128xf32>
    %slice3A_1396 = vector.extract_strided_slice %dot_general3A_1358 {offsets = [0, 256], sizes = [128, 128], strides = [1, 1]} : vector<128x1024xf32> to vector<128x128xf32>
    %mul3A_1397 = arith.constant 2.000000e+00 : f32
    %mul3A_1398 = vector.broadcast %mul3A_1397 : f32 to vector<128x128xf32>
    %mul3A_1399 = arith.mulf %mul3A_1398, %slice3A_1396 : vector<128x128xf32>
    %sub3A_1400 = arith.subf %add3A_1395, %mul3A_1399 : vector<128x128xf32>
    %max3A_1401 = arith.constant 0.000000e+00 : f32
    %max3A_1402 = vector.broadcast %max3A_1401 : f32 to vector<128x128xf32>
    %max3A_1403 = arith.maximumf %sub3A_1400, %max3A_1402 : vector<128x128xf32>
    %sqrt3A_1404 = math.sqrt %max3A_1403 : vector<128x128xf32>
    %lt3A_1405 = arith.cmpf olt, %sqrt3A_1404, %min3A_1388 : vector<128x128xf32>
    %min3A_1406 = arith.minimumf %min3A_1388, %sqrt3A_1404 : vector<128x128xf32>
    %jit3A_1407 = arith.constant 2 : i32
    %broadcast_in_dim3A_1408 = vector.broadcast %jit3A_1407 : i32 to vector<128x128xi32>
    %select_n3A_1409 = arith.select %lt3A_1405, %broadcast_in_dim3A_1408, %select_n3A_1391 : vector<128x128xi1>, vector<128x128xi32>
    %slice3A_1410 = vector.extract_strided_slice %get3A_4 {offsets = [0, 384], sizes = [1, 128], strides = [1, 1]} : vector<1x1024xf32> to vector<1x128xf32>
    %add3A_1411 = vector.broadcast %add3A_1356 : vector<128x1xf32> to vector<128x128xf32>
    %add3A_1412 = vector.broadcast %slice3A_1410 : vector<1x128xf32> to vector<128x128xf32>
    %add3A_1413 = arith.addf %add3A_1411, %add3A_1412 : vector<128x128xf32>
    %slice3A_1414 = vector.extract_strided_slice %dot_general3A_1358 {offsets = [0, 384], sizes = [128, 128], strides = [1, 1]} : vector<128x1024xf32> to vector<128x128xf32>
    %mul3A_1415 = arith.constant 2.000000e+00 : f32
    %mul3A_1416 = vector.broadcast %mul3A_1415 : f32 to vector<128x128xf32>
    %mul3A_1417 = arith.mulf %mul3A_1416, %slice3A_1414 : vector<128x128xf32>
    %sub3A_1418 = arith.subf %add3A_1413, %mul3A_1417 : vector<128x128xf32>
    %max3A_1419 = arith.constant 0.000000e+00 : f32
    %max3A_1420 = vector.broadcast %max3A_1419 : f32 to vector<128x128xf32>
    %max3A_1421 = arith.maximumf %sub3A_1418, %max3A_1420 : vector<128x128xf32>
    %sqrt3A_1422 = math.sqrt %max3A_1421 : vector<128x128xf32>
    %lt3A_1423 = arith.cmpf olt, %sqrt3A_1422, %min3A_1406 : vector<128x128xf32>
    %min3A_1424 = arith.minimumf %min3A_1406, %sqrt3A_1422 : vector<128x128xf32>
    %jit3A_1425 = arith.constant 3 : i32
    %broadcast_in_dim3A_1426 = vector.broadcast %jit3A_1425 : i32 to vector<128x128xi32>
    %select_n3A_1427 = arith.select %lt3A_1423, %broadcast_in_dim3A_1426, %select_n3A_1409 : vector<128x128xi1>, vector<128x128xi32>
    %slice3A_1428 = vector.extract_strided_slice %get3A_4 {offsets = [0, 512], sizes = [1, 128], strides = [1, 1]} : vector<1x1024xf32> to vector<1x128xf32>
    %add3A_1429 = vector.broadcast %add3A_1356 : vector<128x1xf32> to vector<128x128xf32>
    %add3A_1430 = vector.broadcast %slice3A_1428 : vector<1x128xf32> to vector<128x128xf32>
    %add3A_1431 = arith.addf %add3A_1429, %add3A_1430 : vector<128x128xf32>
    %slice3A_1432 = vector.extract_strided_slice %dot_general3A_1358 {offsets = [0, 512], sizes = [128, 128], strides = [1, 1]} : vector<128x1024xf32> to vector<128x128xf32>
    %mul3A_1433 = arith.constant 2.000000e+00 : f32
    %mul3A_1434 = vector.broadcast %mul3A_1433 : f32 to vector<128x128xf32>
    %mul3A_1435 = arith.mulf %mul3A_1434, %slice3A_1432 : vector<128x128xf32>
    %sub3A_1436 = arith.subf %add3A_1431, %mul3A_1435 : vector<128x128xf32>
    %max3A_1437 = arith.constant 0.000000e+00 : f32
    %max3A_1438 = vector.broadcast %max3A_1437 : f32 to vector<128x128xf32>
    %max3A_1439 = arith.maximumf %sub3A_1436, %max3A_1438 : vector<128x128xf32>
    %sqrt3A_1440 = math.sqrt %max3A_1439 : vector<128x128xf32>
    %lt3A_1441 = arith.cmpf olt, %sqrt3A_1440, %min3A_1424 : vector<128x128xf32>
    %min3A_1442 = arith.minimumf %min3A_1424, %sqrt3A_1440 : vector<128x128xf32>
    %jit3A_1443 = arith.constant 4 : i32
    %broadcast_in_dim3A_1444 = vector.broadcast %jit3A_1443 : i32 to vector<128x128xi32>
    %select_n3A_1445 = arith.select %lt3A_1441, %broadcast_in_dim3A_1444, %select_n3A_1427 : vector<128x128xi1>, vector<128x128xi32>
    %slice3A_1446 = vector.extract_strided_slice %get3A_4 {offsets = [0, 640], sizes = [1, 128], strides = [1, 1]} : vector<1x1024xf32> to vector<1x128xf32>
    %add3A_1447 = vector.broadcast %add3A_1356 : vector<128x1xf32> to vector<128x128xf32>
    %add3A_1448 = vector.broadcast %slice3A_1446 : vector<1x128xf32> to vector<128x128xf32>
    %add3A_1449 = arith.addf %add3A_1447, %add3A_1448 : vector<128x128xf32>
    %slice3A_1450 = vector.extract_strided_slice %dot_general3A_1358 {offsets = [0, 640], sizes = [128, 128], strides = [1, 1]} : vector<128x1024xf32> to vector<128x128xf32>
    %mul3A_1451 = arith.constant 2.000000e+00 : f32
    %mul3A_1452 = vector.broadcast %mul3A_1451 : f32 to vector<128x128xf32>
    %mul3A_1453 = arith.mulf %mul3A_1452, %slice3A_1450 : vector<128x128xf32>
    %sub3A_1454 = arith.subf %add3A_1449, %mul3A_1453 : vector<128x128xf32>
    %max3A_1455 = arith.constant 0.000000e+00 : f32
    %max3A_1456 = vector.broadcast %max3A_1455 : f32 to vector<128x128xf32>
    %max3A_1457 = arith.maximumf %sub3A_1454, %max3A_1456 : vector<128x128xf32>
    %sqrt3A_1458 = math.sqrt %max3A_1457 : vector<128x128xf32>
    %lt3A_1459 = arith.cmpf olt, %sqrt3A_1458, %min3A_1442 : vector<128x128xf32>
    %min3A_1460 = arith.minimumf %min3A_1442, %sqrt3A_1458 : vector<128x128xf32>
    %jit3A_1461 = arith.constant 5 : i32
    %broadcast_in_dim3A_1462 = vector.broadcast %jit3A_1461 : i32 to vector<128x128xi32>
    %select_n3A_1463 = arith.select %lt3A_1459, %broadcast_in_dim3A_1462, %select_n3A_1445 : vector<128x128xi1>, vector<128x128xi32>
    %slice3A_1464 = vector.extract_strided_slice %get3A_4 {offsets = [0, 768], sizes = [1, 128], strides = [1, 1]} : vector<1x1024xf32> to vector<1x128xf32>
    %add3A_1465 = vector.broadcast %add3A_1356 : vector<128x1xf32> to vector<128x128xf32>
    %add3A_1466 = vector.broadcast %slice3A_1464 : vector<1x128xf32> to vector<128x128xf32>
    %add3A_1467 = arith.addf %add3A_1465, %add3A_1466 : vector<128x128xf32>
    %slice3A_1468 = vector.extract_strided_slice %dot_general3A_1358 {offsets = [0, 768], sizes = [128, 128], strides = [1, 1]} : vector<128x1024xf32> to vector<128x128xf32>
    %mul3A_1469 = arith.constant 2.000000e+00 : f32
    %mul3A_1470 = vector.broadcast %mul3A_1469 : f32 to vector<128x128xf32>
    %mul3A_1471 = arith.mulf %mul3A_1470, %slice3A_1468 : vector<128x128xf32>
    %sub3A_1472 = arith.subf %add3A_1467, %mul3A_1471 : vector<128x128xf32>
    %max3A_1473 = arith.constant 0.000000e+00 : f32
    %max3A_1474 = vector.broadcast %max3A_1473 : f32 to vector<128x128xf32>
    %max3A_1475 = arith.maximumf %sub3A_1472, %max3A_1474 : vector<128x128xf32>
    %sqrt3A_1476 = math.sqrt %max3A_1475 : vector<128x128xf32>
    %lt3A_1477 = arith.cmpf olt, %sqrt3A_1476, %min3A_1460 : vector<128x128xf32>
    %min3A_1478 = arith.minimumf %min3A_1460, %sqrt3A_1476 : vector<128x128xf32>
    %jit3A_1479 = arith.constant 6 : i32
    %broadcast_in_dim3A_1480 = vector.broadcast %jit3A_1479 : i32 to vector<128x128xi32>
    %select_n3A_1481 = arith.select %lt3A_1477, %broadcast_in_dim3A_1480, %select_n3A_1463 : vector<128x128xi1>, vector<128x128xi32>
    %slice3A_1482 = vector.extract_strided_slice %get3A_4 {offsets = [0, 896], sizes = [1, 128], strides = [1, 1]} : vector<1x1024xf32> to vector<1x128xf32>
    %add3A_1483 = vector.broadcast %add3A_1356 : vector<128x1xf32> to vector<128x128xf32>
    %add3A_1484 = vector.broadcast %slice3A_1482 : vector<1x128xf32> to vector<128x128xf32>
    %add3A_1485 = arith.addf %add3A_1483, %add3A_1484 : vector<128x128xf32>
    %slice3A_1486 = vector.extract_strided_slice %dot_general3A_1358 {offsets = [0, 896], sizes = [128, 128], strides = [1, 1]} : vector<128x1024xf32> to vector<128x128xf32>
    %mul3A_1487 = arith.constant 2.000000e+00 : f32
    %mul3A_1488 = vector.broadcast %mul3A_1487 : f32 to vector<128x128xf32>
    %mul3A_1489 = arith.mulf %mul3A_1488, %slice3A_1486 : vector<128x128xf32>
    %sub3A_1490 = arith.subf %add3A_1485, %mul3A_1489 : vector<128x128xf32>
    %max3A_1491 = arith.constant 0.000000e+00 : f32
    %max3A_1492 = vector.broadcast %max3A_1491 : f32 to vector<128x128xf32>
    %max3A_1493 = arith.maximumf %sub3A_1490, %max3A_1492 : vector<128x128xf32>
    %sqrt3A_1494 = math.sqrt %max3A_1493 : vector<128x128xf32>
    %lt3A_1495 = arith.cmpf olt, %sqrt3A_1494, %min3A_1478 : vector<128x128xf32>
    %min3A_1496 = arith.minimumf %min3A_1478, %sqrt3A_1494 : vector<128x128xf32>
    %jit3A_1497 = arith.constant 7 : i32
    %broadcast_in_dim3A_1498 = vector.broadcast %jit3A_1497 : i32 to vector<128x128xi32>
    %select_n3A_1499 = arith.select %lt3A_1495, %broadcast_in_dim3A_1498, %select_n3A_1481 : vector<128x128xi1>, vector<128x128xi32>
    %mul3A_1500 = arith.constant 128 : i32
    %mul3A_1501 = vector.broadcast %mul3A_1500 : i32 to vector<128x128xi32>
    %mul3A_1502 = arith.muli %select_n3A_1499, %mul3A_1501 : vector<128x128xi32>
    %add3A_1503 = arith.addi %mul3A_1502, %iota3A : vector<128x128xi32>
    %reduce_min3A_1504 = arith.constant dense<0x7F800000> : vector<128xf32>
    %reduce_min3A_1505 = vector.multi_reduction <minimumf>, %min3A_1496, %reduce_min3A_1504 [1] : vector<128x128xf32> to vector<128xf32>
    %broadcast_in_dim3A_1506 = vector.shape_cast %reduce_min3A_1505 : vector<128xf32> to vector<128x1xf32>
    %eq3A_1507 = vector.broadcast %broadcast_in_dim3A_1506 : vector<128x1xf32> to vector<128x128xf32>
    %eq3A_1508 = arith.cmpf oeq, %min3A_1496, %eq3A_1507 : vector<128x128xf32>
    %jit3A_1509 = arith.constant 1024 : i32
    %broadcast_in_dim3A_1510 = vector.broadcast %jit3A_1509 : i32 to vector<128x128xi32>
    %select_n3A_1511 = arith.select %eq3A_1508, %add3A_1503, %broadcast_in_dim3A_1510 : vector<128x128xi1>, vector<128x128xi32>
    %reduce_min3A_1512 = arith.constant dense<2147483647> : vector<128xi32>
    %reduce_min3A_1513 = vector.multi_reduction <minsi>, %select_n3A_1511, %reduce_min3A_1512 [1] : vector<128x128xi32> to vector<128xi32>
    %broadcast_in_dim3A_1514 = vector.shape_cast %reduce_min3A_1513 : vector<128xi32> to vector<128x1xi32>
    %swap3A_1515 = arith.constant 896 : index
    %swap3A_1516 = arith.constant 0 : index
    %swap3A_1517 = vector.load %arg4[%swap3A_1515, %swap3A_1516] : memref<2304x1xi32, #tpu.memory_space<vmem>>, vector<128x1xi32>
    tpu.vector_store %arg4[%swap3A_1515, %swap3A_1516], %broadcast_in_dim3A_1514 {strides = array<i32>} : memref<2304x1xi32, #tpu.memory_space<vmem>>, vector<128x1xi32>,
    %mul3A_1518 = arith.mulf %broadcast_in_dim3A_1506, %broadcast_in_dim3A_1506 : vector<128x1xf32>
    %add3A_1519 = arith.addf %add3A_1328, %mul3A_1518 : vector<128x1xf32>
    %get3A_1520 = arith.constant 1024 : index
    %get3A_1521 = arith.constant 0 : index
    %get3A_1522 = vector.load %arg1[%get3A_1520, %get3A_1521] : memref<2304x64xf32, #tpu.memory_space<vmem>>, vector<128x64xf32>
    %mul3A_1523 = arith.mulf %get3A_1522, %get3A_1522 : vector<128x64xf32>
    %slice3A_1524 = vector.extract_strided_slice %mul3A_1523 {offsets = [0, 0], sizes = [128, 8], strides = [1, 1]} : vector<128x64xf32> to vector<128x8xf32>
    %slice3A_1525 = vector.extract_strided_slice %mul3A_1523 {offsets = [0, 8], sizes = [128, 8], strides = [1, 1]} : vector<128x64xf32> to vector<128x8xf32>
    %add3A_1526 = arith.addf %slice3A_1524, %slice3A_1525 : vector<128x8xf32>
    %slice3A_1527 = vector.extract_strided_slice %mul3A_1523 {offsets = [0, 16], sizes = [128, 8], strides = [1, 1]} : vector<128x64xf32> to vector<128x8xf32>
    %add3A_1528 = arith.addf %add3A_1526, %slice3A_1527 : vector<128x8xf32>
    %slice3A_1529 = vector.extract_strided_slice %mul3A_1523 {offsets = [0, 24], sizes = [128, 8], strides = [1, 1]} : vector<128x64xf32> to vector<128x8xf32>
    %add3A_1530 = arith.addf %add3A_1528, %slice3A_1529 : vector<128x8xf32>
    %slice3A_1531 = vector.extract_strided_slice %mul3A_1523 {offsets = [0, 32], sizes = [128, 8], strides = [1, 1]} : vector<128x64xf32> to vector<128x8xf32>
    %add3A_1532 = arith.addf %add3A_1530, %slice3A_1531 : vector<128x8xf32>
    %slice3A_1533 = vector.extract_strided_slice %mul3A_1523 {offsets = [0, 40], sizes = [128, 8], strides = [1, 1]} : vector<128x64xf32> to vector<128x8xf32>
    %add3A_1534 = arith.addf %add3A_1532, %slice3A_1533 : vector<128x8xf32>
    %slice3A_1535 = vector.extract_strided_slice %mul3A_1523 {offsets = [0, 48], sizes = [128, 8], strides = [1, 1]} : vector<128x64xf32> to vector<128x8xf32>
    %add3A_1536 = arith.addf %add3A_1534, %slice3A_1535 : vector<128x8xf32>
    %slice3A_1537 = vector.extract_strided_slice %mul3A_1523 {offsets = [0, 56], sizes = [128, 8], strides = [1, 1]} : vector<128x64xf32> to vector<128x8xf32>
    %add3A_1538 = arith.addf %add3A_1536, %slice3A_1537 : vector<128x8xf32>
    %slice3A_1539 = vector.extract_strided_slice %add3A_1538 {offsets = [0, 0], sizes = [128, 4], strides = [1, 1]} : vector<128x8xf32> to vector<128x4xf32>
    %slice3A_1540 = vector.extract_strided_slice %add3A_1538 {offsets = [0, 4], sizes = [128, 4], strides = [1, 1]} : vector<128x8xf32> to vector<128x4xf32>
    %add3A_1541 = arith.addf %slice3A_1539, %slice3A_1540 : vector<128x4xf32>
    %slice3A_1542 = vector.extract_strided_slice %add3A_1541 {offsets = [0, 0], sizes = [128, 2], strides = [1, 1]} : vector<128x4xf32> to vector<128x2xf32>
    %slice3A_1543 = vector.extract_strided_slice %add3A_1541 {offsets = [0, 2], sizes = [128, 2], strides = [1, 1]} : vector<128x4xf32> to vector<128x2xf32>
    %add3A_1544 = arith.addf %slice3A_1542, %slice3A_1543 : vector<128x2xf32>
    %slice3A_1545 = vector.extract_strided_slice %add3A_1544 {offsets = [0, 0], sizes = [128, 1], strides = [1, 1]} : vector<128x2xf32> to vector<128x1xf32>
    %slice3A_1546 = vector.extract_strided_slice %add3A_1544 {offsets = [0, 1], sizes = [128, 1], strides = [1, 1]} : vector<128x2xf32> to vector<128x1xf32>
    %add3A_1547 = arith.addf %slice3A_1545, %slice3A_1546 : vector<128x1xf32>
    %dot_general3A_1548 = arith.constant dense<0.000000e+00> : vector<128x1024xf32>
    %dot_general3A_1549 = tpu.matmul %get3A_1522, %get3A_1, %dot_general3A_1548 {dimension_numbers = #tpu.dot_dimension_numbers<[1], [1], [0], [0], [0, 0, 1, 0], [], []>, transpose_lhs_hint = false} : vector<128x64xf32>, vector<1024x64xf32>, vector<128x1024xf32> -> vector<128x1024xf32>
    %slice3A_1550 = vector.extract_strided_slice %get3A_4 {offsets = [0, 0], sizes = [1, 128], strides = [1, 1]} : vector<1x1024xf32> to vector<1x128xf32>
    %add3A_1551 = vector.broadcast %add3A_1547 : vector<128x1xf32> to vector<128x128xf32>
    %add3A_1552 = vector.broadcast %slice3A_1550 : vector<1x128xf32> to vector<128x128xf32>
    %add3A_1553 = arith.addf %add3A_1551, %add3A_1552 : vector<128x128xf32>
    %slice3A_1554 = vector.extract_strided_slice %dot_general3A_1549 {offsets = [0, 0], sizes = [128, 128], strides = [1, 1]} : vector<128x1024xf32> to vector<128x128xf32>
    %mul3A_1555 = arith.constant 2.000000e+00 : f32
    %mul3A_1556 = vector.broadcast %mul3A_1555 : f32 to vector<128x128xf32>
    %mul3A_1557 = arith.mulf %mul3A_1556, %slice3A_1554 : vector<128x128xf32>
    %sub3A_1558 = arith.subf %add3A_1553, %mul3A_1557 : vector<128x128xf32>
    %max3A_1559 = arith.constant 0.000000e+00 : f32
    %max3A_1560 = vector.broadcast %max3A_1559 : f32 to vector<128x128xf32>
    %max3A_1561 = arith.maximumf %sub3A_1558, %max3A_1560 : vector<128x128xf32>
    %sqrt3A_1562 = math.sqrt %max3A_1561 : vector<128x128xf32>
    %broadcast_in_dim3A_1563 = arith.constant 0 : i32
    %broadcast_in_dim3A_1564 = vector.broadcast %broadcast_in_dim3A_1563 : i32 to vector<128x128xi32>
    %slice3A_1565 = vector.extract_strided_slice %get3A_4 {offsets = [0, 128], sizes = [1, 128], strides = [1, 1]} : vector<1x1024xf32> to vector<1x128xf32>
    %add3A_1566 = vector.broadcast %add3A_1547 : vector<128x1xf32> to vector<128x128xf32>
    %add3A_1567 = vector.broadcast %slice3A_1565 : vector<1x128xf32> to vector<128x128xf32>
    %add3A_1568 = arith.addf %add3A_1566, %add3A_1567 : vector<128x128xf32>
    %slice3A_1569 = vector.extract_strided_slice %dot_general3A_1549 {offsets = [0, 128], sizes = [128, 128], strides = [1, 1]} : vector<128x1024xf32> to vector<128x128xf32>
    %mul3A_1570 = arith.constant 2.000000e+00 : f32
    %mul3A_1571 = vector.broadcast %mul3A_1570 : f32 to vector<128x128xf32>
    %mul3A_1572 = arith.mulf %mul3A_1571, %slice3A_1569 : vector<128x128xf32>
    %sub3A_1573 = arith.subf %add3A_1568, %mul3A_1572 : vector<128x128xf32>
    %max3A_1574 = arith.constant 0.000000e+00 : f32
    %max3A_1575 = vector.broadcast %max3A_1574 : f32 to vector<128x128xf32>
    %max3A_1576 = arith.maximumf %sub3A_1573, %max3A_1575 : vector<128x128xf32>
    %sqrt3A_1577 = math.sqrt %max3A_1576 : vector<128x128xf32>
    %lt3A_1578 = arith.cmpf olt, %sqrt3A_1577, %sqrt3A_1562 : vector<128x128xf32>
    %min3A_1579 = arith.minimumf %sqrt3A_1562, %sqrt3A_1577 : vector<128x128xf32>
    %jit3A_1580 = arith.constant 1 : i32
    %broadcast_in_dim3A_1581 = vector.broadcast %jit3A_1580 : i32 to vector<128x128xi32>
    %select_n3A_1582 = arith.select %lt3A_1578, %broadcast_in_dim3A_1581, %broadcast_in_dim3A_1564 : vector<128x128xi1>, vector<128x128xi32>
    %slice3A_1583 = vector.extract_strided_slice %get3A_4 {offsets = [0, 256], sizes = [1, 128], strides = [1, 1]} : vector<1x1024xf32> to vector<1x128xf32>
    %add3A_1584 = vector.broadcast %add3A_1547 : vector<128x1xf32> to vector<128x128xf32>
    %add3A_1585 = vector.broadcast %slice3A_1583 : vector<1x128xf32> to vector<128x128xf32>
    %add3A_1586 = arith.addf %add3A_1584, %add3A_1585 : vector<128x128xf32>
    %slice3A_1587 = vector.extract_strided_slice %dot_general3A_1549 {offsets = [0, 256], sizes = [128, 128], strides = [1, 1]} : vector<128x1024xf32> to vector<128x128xf32>
    %mul3A_1588 = arith.constant 2.000000e+00 : f32
    %mul3A_1589 = vector.broadcast %mul3A_1588 : f32 to vector<128x128xf32>
    %mul3A_1590 = arith.mulf %mul3A_1589, %slice3A_1587 : vector<128x128xf32>
    %sub3A_1591 = arith.subf %add3A_1586, %mul3A_1590 : vector<128x128xf32>
    %max3A_1592 = arith.constant 0.000000e+00 : f32
    %max3A_1593 = vector.broadcast %max3A_1592 : f32 to vector<128x128xf32>
    %max3A_1594 = arith.maximumf %sub3A_1591, %max3A_1593 : vector<128x128xf32>
    %sqrt3A_1595 = math.sqrt %max3A_1594 : vector<128x128xf32>
    %lt3A_1596 = arith.cmpf olt, %sqrt3A_1595, %min3A_1579 : vector<128x128xf32>
    %min3A_1597 = arith.minimumf %min3A_1579, %sqrt3A_1595 : vector<128x128xf32>
    %jit3A_1598 = arith.constant 2 : i32
    %broadcast_in_dim3A_1599 = vector.broadcast %jit3A_1598 : i32 to vector<128x128xi32>
    %select_n3A_1600 = arith.select %lt3A_1596, %broadcast_in_dim3A_1599, %select_n3A_1582 : vector<128x128xi1>, vector<128x128xi32>
    %slice3A_1601 = vector.extract_strided_slice %get3A_4 {offsets = [0, 384], sizes = [1, 128], strides = [1, 1]} : vector<1x1024xf32> to vector<1x128xf32>
    %add3A_1602 = vector.broadcast %add3A_1547 : vector<128x1xf32> to vector<128x128xf32>
    %add3A_1603 = vector.broadcast %slice3A_1601 : vector<1x128xf32> to vector<128x128xf32>
    %add3A_1604 = arith.addf %add3A_1602, %add3A_1603 : vector<128x128xf32>
    %slice3A_1605 = vector.extract_strided_slice %dot_general3A_1549 {offsets = [0, 384], sizes = [128, 128], strides = [1, 1]} : vector<128x1024xf32> to vector<128x128xf32>
    %mul3A_1606 = arith.constant 2.000000e+00 : f32
    %mul3A_1607 = vector.broadcast %mul3A_1606 : f32 to vector<128x128xf32>
    %mul3A_1608 = arith.mulf %mul3A_1607, %slice3A_1605 : vector<128x128xf32>
    %sub3A_1609 = arith.subf %add3A_1604, %mul3A_1608 : vector<128x128xf32>
    %max3A_1610 = arith.constant 0.000000e+00 : f32
    %max3A_1611 = vector.broadcast %max3A_1610 : f32 to vector<128x128xf32>
    %max3A_1612 = arith.maximumf %sub3A_1609, %max3A_1611 : vector<128x128xf32>
    %sqrt3A_1613 = math.sqrt %max3A_1612 : vector<128x128xf32>
    %lt3A_1614 = arith.cmpf olt, %sqrt3A_1613, %min3A_1597 : vector<128x128xf32>
    %min3A_1615 = arith.minimumf %min3A_1597, %sqrt3A_1613 : vector<128x128xf32>
    %jit3A_1616 = arith.constant 3 : i32
    %broadcast_in_dim3A_1617 = vector.broadcast %jit3A_1616 : i32 to vector<128x128xi32>
    %select_n3A_1618 = arith.select %lt3A_1614, %broadcast_in_dim3A_1617, %select_n3A_1600 : vector<128x128xi1>, vector<128x128xi32>
    %slice3A_1619 = vector.extract_strided_slice %get3A_4 {offsets = [0, 512], sizes = [1, 128], strides = [1, 1]} : vector<1x1024xf32> to vector<1x128xf32>
    %add3A_1620 = vector.broadcast %add3A_1547 : vector<128x1xf32> to vector<128x128xf32>
    %add3A_1621 = vector.broadcast %slice3A_1619 : vector<1x128xf32> to vector<128x128xf32>
    %add3A_1622 = arith.addf %add3A_1620, %add3A_1621 : vector<128x128xf32>
    %slice3A_1623 = vector.extract_strided_slice %dot_general3A_1549 {offsets = [0, 512], sizes = [128, 128], strides = [1, 1]} : vector<128x1024xf32> to vector<128x128xf32>
    %mul3A_1624 = arith.constant 2.000000e+00 : f32
    %mul3A_1625 = vector.broadcast %mul3A_1624 : f32 to vector<128x128xf32>
    %mul3A_1626 = arith.mulf %mul3A_1625, %slice3A_1623 : vector<128x128xf32>
    %sub3A_1627 = arith.subf %add3A_1622, %mul3A_1626 : vector<128x128xf32>
    %max3A_1628 = arith.constant 0.000000e+00 : f32
    %max3A_1629 = vector.broadcast %max3A_1628 : f32 to vector<128x128xf32>
    %max3A_1630 = arith.maximumf %sub3A_1627, %max3A_1629 : vector<128x128xf32>
    %sqrt3A_1631 = math.sqrt %max3A_1630 : vector<128x128xf32>
    %lt3A_1632 = arith.cmpf olt, %sqrt3A_1631, %min3A_1615 : vector<128x128xf32>
    %min3A_1633 = arith.minimumf %min3A_1615, %sqrt3A_1631 : vector<128x128xf32>
    %jit3A_1634 = arith.constant 4 : i32
    %broadcast_in_dim3A_1635 = vector.broadcast %jit3A_1634 : i32 to vector<128x128xi32>
    %select_n3A_1636 = arith.select %lt3A_1632, %broadcast_in_dim3A_1635, %select_n3A_1618 : vector<128x128xi1>, vector<128x128xi32>
    %slice3A_1637 = vector.extract_strided_slice %get3A_4 {offsets = [0, 640], sizes = [1, 128], strides = [1, 1]} : vector<1x1024xf32> to vector<1x128xf32>
    %add3A_1638 = vector.broadcast %add3A_1547 : vector<128x1xf32> to vector<128x128xf32>
    %add3A_1639 = vector.broadcast %slice3A_1637 : vector<1x128xf32> to vector<128x128xf32>
    %add3A_1640 = arith.addf %add3A_1638, %add3A_1639 : vector<128x128xf32>
    %slice3A_1641 = vector.extract_strided_slice %dot_general3A_1549 {offsets = [0, 640], sizes = [128, 128], strides = [1, 1]} : vector<128x1024xf32> to vector<128x128xf32>
    %mul3A_1642 = arith.constant 2.000000e+00 : f32
    %mul3A_1643 = vector.broadcast %mul3A_1642 : f32 to vector<128x128xf32>
    %mul3A_1644 = arith.mulf %mul3A_1643, %slice3A_1641 : vector<128x128xf32>
    %sub3A_1645 = arith.subf %add3A_1640, %mul3A_1644 : vector<128x128xf32>
    %max3A_1646 = arith.constant 0.000000e+00 : f32
    %max3A_1647 = vector.broadcast %max3A_1646 : f32 to vector<128x128xf32>
    %max3A_1648 = arith.maximumf %sub3A_1645, %max3A_1647 : vector<128x128xf32>
    %sqrt3A_1649 = math.sqrt %max3A_1648 : vector<128x128xf32>
    %lt3A_1650 = arith.cmpf olt, %sqrt3A_1649, %min3A_1633 : vector<128x128xf32>
    %min3A_1651 = arith.minimumf %min3A_1633, %sqrt3A_1649 : vector<128x128xf32>
    %jit3A_1652 = arith.constant 5 : i32
    %broadcast_in_dim3A_1653 = vector.broadcast %jit3A_1652 : i32 to vector<128x128xi32>
    %select_n3A_1654 = arith.select %lt3A_1650, %broadcast_in_dim3A_1653, %select_n3A_1636 : vector<128x128xi1>, vector<128x128xi32>
    %slice3A_1655 = vector.extract_strided_slice %get3A_4 {offsets = [0, 768], sizes = [1, 128], strides = [1, 1]} : vector<1x1024xf32> to vector<1x128xf32>
    %add3A_1656 = vector.broadcast %add3A_1547 : vector<128x1xf32> to vector<128x128xf32>
    %add3A_1657 = vector.broadcast %slice3A_1655 : vector<1x128xf32> to vector<128x128xf32>
    %add3A_1658 = arith.addf %add3A_1656, %add3A_1657 : vector<128x128xf32>
    %slice3A_1659 = vector.extract_strided_slice %dot_general3A_1549 {offsets = [0, 768], sizes = [128, 128], strides = [1, 1]} : vector<128x1024xf32> to vector<128x128xf32>
    %mul3A_1660 = arith.constant 2.000000e+00 : f32
    %mul3A_1661 = vector.broadcast %mul3A_1660 : f32 to vector<128x128xf32>
    %mul3A_1662 = arith.mulf %mul3A_1661, %slice3A_1659 : vector<128x128xf32>
    %sub3A_1663 = arith.subf %add3A_1658, %mul3A_1662 : vector<128x128xf32>
    %max3A_1664 = arith.constant 0.000000e+00 : f32
    %max3A_1665 = vector.broadcast %max3A_1664 : f32 to vector<128x128xf32>
    %max3A_1666 = arith.maximumf %sub3A_1663, %max3A_1665 : vector<128x128xf32>
    %sqrt3A_1667 = math.sqrt %max3A_1666 : vector<128x128xf32>
    %lt3A_1668 = arith.cmpf olt, %sqrt3A_1667, %min3A_1651 : vector<128x128xf32>
    %min3A_1669 = arith.minimumf %min3A_1651, %sqrt3A_1667 : vector<128x128xf32>
    %jit3A_1670 = arith.constant 6 : i32
    %broadcast_in_dim3A_1671 = vector.broadcast %jit3A_1670 : i32 to vector<128x128xi32>
    %select_n3A_1672 = arith.select %lt3A_1668, %broadcast_in_dim3A_1671, %select_n3A_1654 : vector<128x128xi1>, vector<128x128xi32>
    %slice3A_1673 = vector.extract_strided_slice %get3A_4 {offsets = [0, 896], sizes = [1, 128], strides = [1, 1]} : vector<1x1024xf32> to vector<1x128xf32>
    %add3A_1674 = vector.broadcast %add3A_1547 : vector<128x1xf32> to vector<128x128xf32>
    %add3A_1675 = vector.broadcast %slice3A_1673 : vector<1x128xf32> to vector<128x128xf32>
    %add3A_1676 = arith.addf %add3A_1674, %add3A_1675 : vector<128x128xf32>
    %slice3A_1677 = vector.extract_strided_slice %dot_general3A_1549 {offsets = [0, 896], sizes = [128, 128], strides = [1, 1]} : vector<128x1024xf32> to vector<128x128xf32>
    %mul3A_1678 = arith.constant 2.000000e+00 : f32
    %mul3A_1679 = vector.broadcast %mul3A_1678 : f32 to vector<128x128xf32>
    %mul3A_1680 = arith.mulf %mul3A_1679, %slice3A_1677 : vector<128x128xf32>
    %sub3A_1681 = arith.subf %add3A_1676, %mul3A_1680 : vector<128x128xf32>
    %max3A_1682 = arith.constant 0.000000e+00 : f32
    %max3A_1683 = vector.broadcast %max3A_1682 : f32 to vector<128x128xf32>
    %max3A_1684 = arith.maximumf %sub3A_1681, %max3A_1683 : vector<128x128xf32>
    %sqrt3A_1685 = math.sqrt %max3A_1684 : vector<128x128xf32>
    %lt3A_1686 = arith.cmpf olt, %sqrt3A_1685, %min3A_1669 : vector<128x128xf32>
    %min3A_1687 = arith.minimumf %min3A_1669, %sqrt3A_1685 : vector<128x128xf32>
    %jit3A_1688 = arith.constant 7 : i32
    %broadcast_in_dim3A_1689 = vector.broadcast %jit3A_1688 : i32 to vector<128x128xi32>
    %select_n3A_1690 = arith.select %lt3A_1686, %broadcast_in_dim3A_1689, %select_n3A_1672 : vector<128x128xi1>, vector<128x128xi32>
    %mul3A_1691 = arith.constant 128 : i32
    %mul3A_1692 = vector.broadcast %mul3A_1691 : i32 to vector<128x128xi32>
    %mul3A_1693 = arith.muli %select_n3A_1690, %mul3A_1692 : vector<128x128xi32>
    %add3A_1694 = arith.addi %mul3A_1693, %iota3A : vector<128x128xi32>
    %reduce_min3A_1695 = arith.constant dense<0x7F800000> : vector<128xf32>
    %reduce_min3A_1696 = vector.multi_reduction <minimumf>, %min3A_1687, %reduce_min3A_1695 [1] : vector<128x128xf32> to vector<128xf32>
    %broadcast_in_dim3A_1697 = vector.shape_cast %reduce_min3A_1696 : vector<128xf32> to vector<128x1xf32>
    %eq3A_1698 = vector.broadcast %broadcast_in_dim3A_1697 : vector<128x1xf32> to vector<128x128xf32>
    %eq3A_1699 = arith.cmpf oeq, %min3A_1687, %eq3A_1698 : vector<128x128xf32>
    %jit3A_1700 = arith.constant 1024 : i32
    %broadcast_in_dim3A_1701 = vector.broadcast %jit3A_1700 : i32 to vector<128x128xi32>
    %select_n3A_1702 = arith.select %eq3A_1699, %add3A_1694, %broadcast_in_dim3A_1701 : vector<128x128xi1>, vector<128x128xi32>
    %reduce_min3A_1703 = arith.constant dense<2147483647> : vector<128xi32>
    %reduce_min3A_1704 = vector.multi_reduction <minsi>, %select_n3A_1702, %reduce_min3A_1703 [1] : vector<128x128xi32> to vector<128xi32>
    %broadcast_in_dim3A_1705 = vector.shape_cast %reduce_min3A_1704 : vector<128xi32> to vector<128x1xi32>
    %swap3A_1706 = arith.constant 1024 : index
    %swap3A_1707 = arith.constant 0 : index
    %swap3A_1708 = vector.load %arg4[%swap3A_1706, %swap3A_1707] : memref<2304x1xi32, #tpu.memory_space<vmem>>, vector<128x1xi32>
    tpu.vector_store %arg4[%swap3A_1706, %swap3A_1707], %broadcast_in_dim3A_1705 {strides = array<i32>} : memref<2304x1xi32, #tpu.memory_space<vmem>>, vector<128x1xi32>,
    %mul3A_1709 = arith.mulf %broadcast_in_dim3A_1697, %broadcast_in_dim3A_1697 : vector<128x1xf32>
    %add3A_1710 = arith.addf %add3A_1519, %mul3A_1709 : vector<128x1xf32>
    %get3A_1711 = arith.constant 1152 : index
    %get3A_1712 = arith.constant 0 : index
    %get3A_1713 = vector.load %arg1[%get3A_1711, %get3A_1712] : memref<2304x64xf32, #tpu.memory_space<vmem>>, vector<128x64xf32>
    %mul3A_1714 = arith.mulf %get3A_1713, %get3A_1713 : vector<128x64xf32>
    %slice3A_1715 = vector.extract_strided_slice %mul3A_1714 {offsets = [0, 0], sizes = [128, 8], strides = [1, 1]} : vector<128x64xf32> to vector<128x8xf32>
    %slice3A_1716 = vector.extract_strided_slice %mul3A_1714 {offsets = [0, 8], sizes = [128, 8], strides = [1, 1]} : vector<128x64xf32> to vector<128x8xf32>
    %add3A_1717 = arith.addf %slice3A_1715, %slice3A_1716 : vector<128x8xf32>
    %slice3A_1718 = vector.extract_strided_slice %mul3A_1714 {offsets = [0, 16], sizes = [128, 8], strides = [1, 1]} : vector<128x64xf32> to vector<128x8xf32>
    %add3A_1719 = arith.addf %add3A_1717, %slice3A_1718 : vector<128x8xf32>
    %slice3A_1720 = vector.extract_strided_slice %mul3A_1714 {offsets = [0, 24], sizes = [128, 8], strides = [1, 1]} : vector<128x64xf32> to vector<128x8xf32>
    %add3A_1721 = arith.addf %add3A_1719, %slice3A_1720 : vector<128x8xf32>
    %slice3A_1722 = vector.extract_strided_slice %mul3A_1714 {offsets = [0, 32], sizes = [128, 8], strides = [1, 1]} : vector<128x64xf32> to vector<128x8xf32>
    %add3A_1723 = arith.addf %add3A_1721, %slice3A_1722 : vector<128x8xf32>
    %slice3A_1724 = vector.extract_strided_slice %mul3A_1714 {offsets = [0, 40], sizes = [128, 8], strides = [1, 1]} : vector<128x64xf32> to vector<128x8xf32>
    %add3A_1725 = arith.addf %add3A_1723, %slice3A_1724 : vector<128x8xf32>
    %slice3A_1726 = vector.extract_strided_slice %mul3A_1714 {offsets = [0, 48], sizes = [128, 8], strides = [1, 1]} : vector<128x64xf32> to vector<128x8xf32>
    %add3A_1727 = arith.addf %add3A_1725, %slice3A_1726 : vector<128x8xf32>
    %slice3A_1728 = vector.extract_strided_slice %mul3A_1714 {offsets = [0, 56], sizes = [128, 8], strides = [1, 1]} : vector<128x64xf32> to vector<128x8xf32>
    %add3A_1729 = arith.addf %add3A_1727, %slice3A_1728 : vector<128x8xf32>
    %slice3A_1730 = vector.extract_strided_slice %add3A_1729 {offsets = [0, 0], sizes = [128, 4], strides = [1, 1]} : vector<128x8xf32> to vector<128x4xf32>
    %slice3A_1731 = vector.extract_strided_slice %add3A_1729 {offsets = [0, 4], sizes = [128, 4], strides = [1, 1]} : vector<128x8xf32> to vector<128x4xf32>
    %add3A_1732 = arith.addf %slice3A_1730, %slice3A_1731 : vector<128x4xf32>
    %slice3A_1733 = vector.extract_strided_slice %add3A_1732 {offsets = [0, 0], sizes = [128, 2], strides = [1, 1]} : vector<128x4xf32> to vector<128x2xf32>
    %slice3A_1734 = vector.extract_strided_slice %add3A_1732 {offsets = [0, 2], sizes = [128, 2], strides = [1, 1]} : vector<128x4xf32> to vector<128x2xf32>
    %add3A_1735 = arith.addf %slice3A_1733, %slice3A_1734 : vector<128x2xf32>
    %slice3A_1736 = vector.extract_strided_slice %add3A_1735 {offsets = [0, 0], sizes = [128, 1], strides = [1, 1]} : vector<128x2xf32> to vector<128x1xf32>
    %slice3A_1737 = vector.extract_strided_slice %add3A_1735 {offsets = [0, 1], sizes = [128, 1], strides = [1, 1]} : vector<128x2xf32> to vector<128x1xf32>
    %add3A_1738 = arith.addf %slice3A_1736, %slice3A_1737 : vector<128x1xf32>
    %dot_general3A_1739 = arith.constant dense<0.000000e+00> : vector<128x1024xf32>
    %dot_general3A_1740 = tpu.matmul %get3A_1713, %get3A_1, %dot_general3A_1739 {dimension_numbers = #tpu.dot_dimension_numbers<[1], [1], [0], [0], [0, 0, 1, 0], [], []>, transpose_lhs_hint = false} : vector<128x64xf32>, vector<1024x64xf32>, vector<128x1024xf32> -> vector<128x1024xf32>
    %slice3A_1741 = vector.extract_strided_slice %get3A_4 {offsets = [0, 0], sizes = [1, 128], strides = [1, 1]} : vector<1x1024xf32> to vector<1x128xf32>
    %add3A_1742 = vector.broadcast %add3A_1738 : vector<128x1xf32> to vector<128x128xf32>
    %add3A_1743 = vector.broadcast %slice3A_1741 : vector<1x128xf32> to vector<128x128xf32>
    %add3A_1744 = arith.addf %add3A_1742, %add3A_1743 : vector<128x128xf32>
    %slice3A_1745 = vector.extract_strided_slice %dot_general3A_1740 {offsets = [0, 0], sizes = [128, 128], strides = [1, 1]} : vector<128x1024xf32> to vector<128x128xf32>
    %mul3A_1746 = arith.constant 2.000000e+00 : f32
    %mul3A_1747 = vector.broadcast %mul3A_1746 : f32 to vector<128x128xf32>
    %mul3A_1748 = arith.mulf %mul3A_1747, %slice3A_1745 : vector<128x128xf32>
    %sub3A_1749 = arith.subf %add3A_1744, %mul3A_1748 : vector<128x128xf32>
    %max3A_1750 = arith.constant 0.000000e+00 : f32
    %max3A_1751 = vector.broadcast %max3A_1750 : f32 to vector<128x128xf32>
    %max3A_1752 = arith.maximumf %sub3A_1749, %max3A_1751 : vector<128x128xf32>
    %sqrt3A_1753 = math.sqrt %max3A_1752 : vector<128x128xf32>
    %broadcast_in_dim3A_1754 = arith.constant 0 : i32
    %broadcast_in_dim3A_1755 = vector.broadcast %broadcast_in_dim3A_1754 : i32 to vector<128x128xi32>
    %slice3A_1756 = vector.extract_strided_slice %get3A_4 {offsets = [0, 128], sizes = [1, 128], strides = [1, 1]} : vector<1x1024xf32> to vector<1x128xf32>
    %add3A_1757 = vector.broadcast %add3A_1738 : vector<128x1xf32> to vector<128x128xf32>
    %add3A_1758 = vector.broadcast %slice3A_1756 : vector<1x128xf32> to vector<128x128xf32>
    %add3A_1759 = arith.addf %add3A_1757, %add3A_1758 : vector<128x128xf32>
    %slice3A_1760 = vector.extract_strided_slice %dot_general3A_1740 {offsets = [0, 128], sizes = [128, 128], strides = [1, 1]} : vector<128x1024xf32> to vector<128x128xf32>
    %mul3A_1761 = arith.constant 2.000000e+00 : f32
    %mul3A_1762 = vector.broadcast %mul3A_1761 : f32 to vector<128x128xf32>
    %mul3A_1763 = arith.mulf %mul3A_1762, %slice3A_1760 : vector<128x128xf32>
    %sub3A_1764 = arith.subf %add3A_1759, %mul3A_1763 : vector<128x128xf32>
    %max3A_1765 = arith.constant 0.000000e+00 : f32
    %max3A_1766 = vector.broadcast %max3A_1765 : f32 to vector<128x128xf32>
    %max3A_1767 = arith.maximumf %sub3A_1764, %max3A_1766 : vector<128x128xf32>
    %sqrt3A_1768 = math.sqrt %max3A_1767 : vector<128x128xf32>
    %lt3A_1769 = arith.cmpf olt, %sqrt3A_1768, %sqrt3A_1753 : vector<128x128xf32>
    %min3A_1770 = arith.minimumf %sqrt3A_1753, %sqrt3A_1768 : vector<128x128xf32>
    %jit3A_1771 = arith.constant 1 : i32
    %broadcast_in_dim3A_1772 = vector.broadcast %jit3A_1771 : i32 to vector<128x128xi32>
    %select_n3A_1773 = arith.select %lt3A_1769, %broadcast_in_dim3A_1772, %broadcast_in_dim3A_1755 : vector<128x128xi1>, vector<128x128xi32>
    %slice3A_1774 = vector.extract_strided_slice %get3A_4 {offsets = [0, 256], sizes = [1, 128], strides = [1, 1]} : vector<1x1024xf32> to vector<1x128xf32>
    %add3A_1775 = vector.broadcast %add3A_1738 : vector<128x1xf32> to vector<128x128xf32>
    %add3A_1776 = vector.broadcast %slice3A_1774 : vector<1x128xf32> to vector<128x128xf32>
    %add3A_1777 = arith.addf %add3A_1775, %add3A_1776 : vector<128x128xf32>
    %slice3A_1778 = vector.extract_strided_slice %dot_general3A_1740 {offsets = [0, 256], sizes = [128, 128], strides = [1, 1]} : vector<128x1024xf32> to vector<128x128xf32>
    %mul3A_1779 = arith.constant 2.000000e+00 : f32
    %mul3A_1780 = vector.broadcast %mul3A_1779 : f32 to vector<128x128xf32>
    %mul3A_1781 = arith.mulf %mul3A_1780, %slice3A_1778 : vector<128x128xf32>
    %sub3A_1782 = arith.subf %add3A_1777, %mul3A_1781 : vector<128x128xf32>
    %max3A_1783 = arith.constant 0.000000e+00 : f32
    %max3A_1784 = vector.broadcast %max3A_1783 : f32 to vector<128x128xf32>
    %max3A_1785 = arith.maximumf %sub3A_1782, %max3A_1784 : vector<128x128xf32>
    %sqrt3A_1786 = math.sqrt %max3A_1785 : vector<128x128xf32>
    %lt3A_1787 = arith.cmpf olt, %sqrt3A_1786, %min3A_1770 : vector<128x128xf32>
    %min3A_1788 = arith.minimumf %min3A_1770, %sqrt3A_1786 : vector<128x128xf32>
    %jit3A_1789 = arith.constant 2 : i32
    %broadcast_in_dim3A_1790 = vector.broadcast %jit3A_1789 : i32 to vector<128x128xi32>
    %select_n3A_1791 = arith.select %lt3A_1787, %broadcast_in_dim3A_1790, %select_n3A_1773 : vector<128x128xi1>, vector<128x128xi32>
    %slice3A_1792 = vector.extract_strided_slice %get3A_4 {offsets = [0, 384], sizes = [1, 128], strides = [1, 1]} : vector<1x1024xf32> to vector<1x128xf32>
    %add3A_1793 = vector.broadcast %add3A_1738 : vector<128x1xf32> to vector<128x128xf32>
    %add3A_1794 = vector.broadcast %slice3A_1792 : vector<1x128xf32> to vector<128x128xf32>
    %add3A_1795 = arith.addf %add3A_1793, %add3A_1794 : vector<128x128xf32>
    %slice3A_1796 = vector.extract_strided_slice %dot_general3A_1740 {offsets = [0, 384], sizes = [128, 128], strides = [1, 1]} : vector<128x1024xf32> to vector<128x128xf32>
    %mul3A_1797 = arith.constant 2.000000e+00 : f32
    %mul3A_1798 = vector.broadcast %mul3A_1797 : f32 to vector<128x128xf32>
    %mul3A_1799 = arith.mulf %mul3A_1798, %slice3A_1796 : vector<128x128xf32>
    %sub3A_1800 = arith.subf %add3A_1795, %mul3A_1799 : vector<128x128xf32>
    %max3A_1801 = arith.constant 0.000000e+00 : f32
    %max3A_1802 = vector.broadcast %max3A_1801 : f32 to vector<128x128xf32>
    %max3A_1803 = arith.maximumf %sub3A_1800, %max3A_1802 : vector<128x128xf32>
    %sqrt3A_1804 = math.sqrt %max3A_1803 : vector<128x128xf32>
    %lt3A_1805 = arith.cmpf olt, %sqrt3A_1804, %min3A_1788 : vector<128x128xf32>
    %min3A_1806 = arith.minimumf %min3A_1788, %sqrt3A_1804 : vector<128x128xf32>
    %jit3A_1807 = arith.constant 3 : i32
    %broadcast_in_dim3A_1808 = vector.broadcast %jit3A_1807 : i32 to vector<128x128xi32>
    %select_n3A_1809 = arith.select %lt3A_1805, %broadcast_in_dim3A_1808, %select_n3A_1791 : vector<128x128xi1>, vector<128x128xi32>
    %slice3A_1810 = vector.extract_strided_slice %get3A_4 {offsets = [0, 512], sizes = [1, 128], strides = [1, 1]} : vector<1x1024xf32> to vector<1x128xf32>
    %add3A_1811 = vector.broadcast %add3A_1738 : vector<128x1xf32> to vector<128x128xf32>
    %add3A_1812 = vector.broadcast %slice3A_1810 : vector<1x128xf32> to vector<128x128xf32>
    %add3A_1813 = arith.addf %add3A_1811, %add3A_1812 : vector<128x128xf32>
    %slice3A_1814 = vector.extract_strided_slice %dot_general3A_1740 {offsets = [0, 512], sizes = [128, 128], strides = [1, 1]} : vector<128x1024xf32> to vector<128x128xf32>
    %mul3A_1815 = arith.constant 2.000000e+00 : f32
    %mul3A_1816 = vector.broadcast %mul3A_1815 : f32 to vector<128x128xf32>
    %mul3A_1817 = arith.mulf %mul3A_1816, %slice3A_1814 : vector<128x128xf32>
    %sub3A_1818 = arith.subf %add3A_1813, %mul3A_1817 : vector<128x128xf32>
    %max3A_1819 = arith.constant 0.000000e+00 : f32
    %max3A_1820 = vector.broadcast %max3A_1819 : f32 to vector<128x128xf32>
    %max3A_1821 = arith.maximumf %sub3A_1818, %max3A_1820 : vector<128x128xf32>
    %sqrt3A_1822 = math.sqrt %max3A_1821 : vector<128x128xf32>
    %lt3A_1823 = arith.cmpf olt, %sqrt3A_1822, %min3A_1806 : vector<128x128xf32>
    %min3A_1824 = arith.minimumf %min3A_1806, %sqrt3A_1822 : vector<128x128xf32>
    %jit3A_1825 = arith.constant 4 : i32
    %broadcast_in_dim3A_1826 = vector.broadcast %jit3A_1825 : i32 to vector<128x128xi32>
    %select_n3A_1827 = arith.select %lt3A_1823, %broadcast_in_dim3A_1826, %select_n3A_1809 : vector<128x128xi1>, vector<128x128xi32>
    %slice3A_1828 = vector.extract_strided_slice %get3A_4 {offsets = [0, 640], sizes = [1, 128], strides = [1, 1]} : vector<1x1024xf32> to vector<1x128xf32>
    %add3A_1829 = vector.broadcast %add3A_1738 : vector<128x1xf32> to vector<128x128xf32>
    %add3A_1830 = vector.broadcast %slice3A_1828 : vector<1x128xf32> to vector<128x128xf32>
    %add3A_1831 = arith.addf %add3A_1829, %add3A_1830 : vector<128x128xf32>
    %slice3A_1832 = vector.extract_strided_slice %dot_general3A_1740 {offsets = [0, 640], sizes = [128, 128], strides = [1, 1]} : vector<128x1024xf32> to vector<128x128xf32>
    %mul3A_1833 = arith.constant 2.000000e+00 : f32
    %mul3A_1834 = vector.broadcast %mul3A_1833 : f32 to vector<128x128xf32>
    %mul3A_1835 = arith.mulf %mul3A_1834, %slice3A_1832 : vector<128x128xf32>
    %sub3A_1836 = arith.subf %add3A_1831, %mul3A_1835 : vector<128x128xf32>
    %max3A_1837 = arith.constant 0.000000e+00 : f32
    %max3A_1838 = vector.broadcast %max3A_1837 : f32 to vector<128x128xf32>
    %max3A_1839 = arith.maximumf %sub3A_1836, %max3A_1838 : vector<128x128xf32>
    %sqrt3A_1840 = math.sqrt %max3A_1839 : vector<128x128xf32>
    %lt3A_1841 = arith.cmpf olt, %sqrt3A_1840, %min3A_1824 : vector<128x128xf32>
    %min3A_1842 = arith.minimumf %min3A_1824, %sqrt3A_1840 : vector<128x128xf32>
    %jit3A_1843 = arith.constant 5 : i32
    %broadcast_in_dim3A_1844 = vector.broadcast %jit3A_1843 : i32 to vector<128x128xi32>
    %select_n3A_1845 = arith.select %lt3A_1841, %broadcast_in_dim3A_1844, %select_n3A_1827 : vector<128x128xi1>, vector<128x128xi32>
    %slice3A_1846 = vector.extract_strided_slice %get3A_4 {offsets = [0, 768], sizes = [1, 128], strides = [1, 1]} : vector<1x1024xf32> to vector<1x128xf32>
    %add3A_1847 = vector.broadcast %add3A_1738 : vector<128x1xf32> to vector<128x128xf32>
    %add3A_1848 = vector.broadcast %slice3A_1846 : vector<1x128xf32> to vector<128x128xf32>
    %add3A_1849 = arith.addf %add3A_1847, %add3A_1848 : vector<128x128xf32>
    %slice3A_1850 = vector.extract_strided_slice %dot_general3A_1740 {offsets = [0, 768], sizes = [128, 128], strides = [1, 1]} : vector<128x1024xf32> to vector<128x128xf32>
    %mul3A_1851 = arith.constant 2.000000e+00 : f32
    %mul3A_1852 = vector.broadcast %mul3A_1851 : f32 to vector<128x128xf32>
    %mul3A_1853 = arith.mulf %mul3A_1852, %slice3A_1850 : vector<128x128xf32>
    %sub3A_1854 = arith.subf %add3A_1849, %mul3A_1853 : vector<128x128xf32>
    %max3A_1855 = arith.constant 0.000000e+00 : f32
    %max3A_1856 = vector.broadcast %max3A_1855 : f32 to vector<128x128xf32>
    %max3A_1857 = arith.maximumf %sub3A_1854, %max3A_1856 : vector<128x128xf32>
    %sqrt3A_1858 = math.sqrt %max3A_1857 : vector<128x128xf32>
    %lt3A_1859 = arith.cmpf olt, %sqrt3A_1858, %min3A_1842 : vector<128x128xf32>
    %min3A_1860 = arith.minimumf %min3A_1842, %sqrt3A_1858 : vector<128x128xf32>
    %jit3A_1861 = arith.constant 6 : i32
    %broadcast_in_dim3A_1862 = vector.broadcast %jit3A_1861 : i32 to vector<128x128xi32>
    %select_n3A_1863 = arith.select %lt3A_1859, %broadcast_in_dim3A_1862, %select_n3A_1845 : vector<128x128xi1>, vector<128x128xi32>
    %slice3A_1864 = vector.extract_strided_slice %get3A_4 {offsets = [0, 896], sizes = [1, 128], strides = [1, 1]} : vector<1x1024xf32> to vector<1x128xf32>
    %add3A_1865 = vector.broadcast %add3A_1738 : vector<128x1xf32> to vector<128x128xf32>
    %add3A_1866 = vector.broadcast %slice3A_1864 : vector<1x128xf32> to vector<128x128xf32>
    %add3A_1867 = arith.addf %add3A_1865, %add3A_1866 : vector<128x128xf32>
    %slice3A_1868 = vector.extract_strided_slice %dot_general3A_1740 {offsets = [0, 896], sizes = [128, 128], strides = [1, 1]} : vector<128x1024xf32> to vector<128x128xf32>
    %mul3A_1869 = arith.constant 2.000000e+00 : f32
    %mul3A_1870 = vector.broadcast %mul3A_1869 : f32 to vector<128x128xf32>
    %mul3A_1871 = arith.mulf %mul3A_1870, %slice3A_1868 : vector<128x128xf32>
    %sub3A_1872 = arith.subf %add3A_1867, %mul3A_1871 : vector<128x128xf32>
    %max3A_1873 = arith.constant 0.000000e+00 : f32
    %max3A_1874 = vector.broadcast %max3A_1873 : f32 to vector<128x128xf32>
    %max3A_1875 = arith.maximumf %sub3A_1872, %max3A_1874 : vector<128x128xf32>
    %sqrt3A_1876 = math.sqrt %max3A_1875 : vector<128x128xf32>
    %lt3A_1877 = arith.cmpf olt, %sqrt3A_1876, %min3A_1860 : vector<128x128xf32>
    %min3A_1878 = arith.minimumf %min3A_1860, %sqrt3A_1876 : vector<128x128xf32>
    %jit3A_1879 = arith.constant 7 : i32
    %broadcast_in_dim3A_1880 = vector.broadcast %jit3A_1879 : i32 to vector<128x128xi32>
    %select_n3A_1881 = arith.select %lt3A_1877, %broadcast_in_dim3A_1880, %select_n3A_1863 : vector<128x128xi1>, vector<128x128xi32>
    %mul3A_1882 = arith.constant 128 : i32
    %mul3A_1883 = vector.broadcast %mul3A_1882 : i32 to vector<128x128xi32>
    %mul3A_1884 = arith.muli %select_n3A_1881, %mul3A_1883 : vector<128x128xi32>
    %add3A_1885 = arith.addi %mul3A_1884, %iota3A : vector<128x128xi32>
    %reduce_min3A_1886 = arith.constant dense<0x7F800000> : vector<128xf32>
    %reduce_min3A_1887 = vector.multi_reduction <minimumf>, %min3A_1878, %reduce_min3A_1886 [1] : vector<128x128xf32> to vector<128xf32>
    %broadcast_in_dim3A_1888 = vector.shape_cast %reduce_min3A_1887 : vector<128xf32> to vector<128x1xf32>
    %eq3A_1889 = vector.broadcast %broadcast_in_dim3A_1888 : vector<128x1xf32> to vector<128x128xf32>
    %eq3A_1890 = arith.cmpf oeq, %min3A_1878, %eq3A_1889 : vector<128x128xf32>
    %jit3A_1891 = arith.constant 1024 : i32
    %broadcast_in_dim3A_1892 = vector.broadcast %jit3A_1891 : i32 to vector<128x128xi32>
    %select_n3A_1893 = arith.select %eq3A_1890, %add3A_1885, %broadcast_in_dim3A_1892 : vector<128x128xi1>, vector<128x128xi32>
    %reduce_min3A_1894 = arith.constant dense<2147483647> : vector<128xi32>
    %reduce_min3A_1895 = vector.multi_reduction <minsi>, %select_n3A_1893, %reduce_min3A_1894 [1] : vector<128x128xi32> to vector<128xi32>
    %broadcast_in_dim3A_1896 = vector.shape_cast %reduce_min3A_1895 : vector<128xi32> to vector<128x1xi32>
    %swap3A_1897 = arith.constant 1152 : index
    %swap3A_1898 = arith.constant 0 : index
    %swap3A_1899 = vector.load %arg4[%swap3A_1897, %swap3A_1898] : memref<2304x1xi32, #tpu.memory_space<vmem>>, vector<128x1xi32>
    tpu.vector_store %arg4[%swap3A_1897, %swap3A_1898], %broadcast_in_dim3A_1896 {strides = array<i32>} : memref<2304x1xi32, #tpu.memory_space<vmem>>, vector<128x1xi32>,
    %mul3A_1900 = arith.mulf %broadcast_in_dim3A_1888, %broadcast_in_dim3A_1888 : vector<128x1xf32>
    %add3A_1901 = arith.addf %add3A_1710, %mul3A_1900 : vector<128x1xf32>
    %get3A_1902 = arith.constant 1280 : index
    %get3A_1903 = arith.constant 0 : index
    %get3A_1904 = vector.load %arg1[%get3A_1902, %get3A_1903] : memref<2304x64xf32, #tpu.memory_space<vmem>>, vector<128x64xf32>
    %mul3A_1905 = arith.mulf %get3A_1904, %get3A_1904 : vector<128x64xf32>
    %slice3A_1906 = vector.extract_strided_slice %mul3A_1905 {offsets = [0, 0], sizes = [128, 8], strides = [1, 1]} : vector<128x64xf32> to vector<128x8xf32>
    %slice3A_1907 = vector.extract_strided_slice %mul3A_1905 {offsets = [0, 8], sizes = [128, 8], strides = [1, 1]} : vector<128x64xf32> to vector<128x8xf32>
    %add3A_1908 = arith.addf %slice3A_1906, %slice3A_1907 : vector<128x8xf32>
    %slice3A_1909 = vector.extract_strided_slice %mul3A_1905 {offsets = [0, 16], sizes = [128, 8], strides = [1, 1]} : vector<128x64xf32> to vector<128x8xf32>
    %add3A_1910 = arith.addf %add3A_1908, %slice3A_1909 : vector<128x8xf32>
    %slice3A_1911 = vector.extract_strided_slice %mul3A_1905 {offsets = [0, 24], sizes = [128, 8], strides = [1, 1]} : vector<128x64xf32> to vector<128x8xf32>
    %add3A_1912 = arith.addf %add3A_1910, %slice3A_1911 : vector<128x8xf32>
    %slice3A_1913 = vector.extract_strided_slice %mul3A_1905 {offsets = [0, 32], sizes = [128, 8], strides = [1, 1]} : vector<128x64xf32> to vector<128x8xf32>
    %add3A_1914 = arith.addf %add3A_1912, %slice3A_1913 : vector<128x8xf32>
    %slice3A_1915 = vector.extract_strided_slice %mul3A_1905 {offsets = [0, 40], sizes = [128, 8], strides = [1, 1]} : vector<128x64xf32> to vector<128x8xf32>
    %add3A_1916 = arith.addf %add3A_1914, %slice3A_1915 : vector<128x8xf32>
    %slice3A_1917 = vector.extract_strided_slice %mul3A_1905 {offsets = [0, 48], sizes = [128, 8], strides = [1, 1]} : vector<128x64xf32> to vector<128x8xf32>
    %add3A_1918 = arith.addf %add3A_1916, %slice3A_1917 : vector<128x8xf32>
    %slice3A_1919 = vector.extract_strided_slice %mul3A_1905 {offsets = [0, 56], sizes = [128, 8], strides = [1, 1]} : vector<128x64xf32> to vector<128x8xf32>
    %add3A_1920 = arith.addf %add3A_1918, %slice3A_1919 : vector<128x8xf32>
    %slice3A_1921 = vector.extract_strided_slice %add3A_1920 {offsets = [0, 0], sizes = [128, 4], strides = [1, 1]} : vector<128x8xf32> to vector<128x4xf32>
    %slice3A_1922 = vector.extract_strided_slice %add3A_1920 {offsets = [0, 4], sizes = [128, 4], strides = [1, 1]} : vector<128x8xf32> to vector<128x4xf32>
    %add3A_1923 = arith.addf %slice3A_1921, %slice3A_1922 : vector<128x4xf32>
    %slice3A_1924 = vector.extract_strided_slice %add3A_1923 {offsets = [0, 0], sizes = [128, 2], strides = [1, 1]} : vector<128x4xf32> to vector<128x2xf32>
    %slice3A_1925 = vector.extract_strided_slice %add3A_1923 {offsets = [0, 2], sizes = [128, 2], strides = [1, 1]} : vector<128x4xf32> to vector<128x2xf32>
    %add3A_1926 = arith.addf %slice3A_1924, %slice3A_1925 : vector<128x2xf32>
    %slice3A_1927 = vector.extract_strided_slice %add3A_1926 {offsets = [0, 0], sizes = [128, 1], strides = [1, 1]} : vector<128x2xf32> to vector<128x1xf32>
    %slice3A_1928 = vector.extract_strided_slice %add3A_1926 {offsets = [0, 1], sizes = [128, 1], strides = [1, 1]} : vector<128x2xf32> to vector<128x1xf32>
    %add3A_1929 = arith.addf %slice3A_1927, %slice3A_1928 : vector<128x1xf32>
    %dot_general3A_1930 = arith.constant dense<0.000000e+00> : vector<128x1024xf32>
    %dot_general3A_1931 = tpu.matmul %get3A_1904, %get3A_1, %dot_general3A_1930 {dimension_numbers = #tpu.dot_dimension_numbers<[1], [1], [0], [0], [0, 0, 1, 0], [], []>, transpose_lhs_hint = false} : vector<128x64xf32>, vector<1024x64xf32>, vector<128x1024xf32> -> vector<128x1024xf32>
    %slice3A_1932 = vector.extract_strided_slice %get3A_4 {offsets = [0, 0], sizes = [1, 128], strides = [1, 1]} : vector<1x1024xf32> to vector<1x128xf32>
    %add3A_1933 = vector.broadcast %add3A_1929 : vector<128x1xf32> to vector<128x128xf32>
    %add3A_1934 = vector.broadcast %slice3A_1932 : vector<1x128xf32> to vector<128x128xf32>
    %add3A_1935 = arith.addf %add3A_1933, %add3A_1934 : vector<128x128xf32>
    %slice3A_1936 = vector.extract_strided_slice %dot_general3A_1931 {offsets = [0, 0], sizes = [128, 128], strides = [1, 1]} : vector<128x1024xf32> to vector<128x128xf32>
    %mul3A_1937 = arith.constant 2.000000e+00 : f32
    %mul3A_1938 = vector.broadcast %mul3A_1937 : f32 to vector<128x128xf32>
    %mul3A_1939 = arith.mulf %mul3A_1938, %slice3A_1936 : vector<128x128xf32>
    %sub3A_1940 = arith.subf %add3A_1935, %mul3A_1939 : vector<128x128xf32>
    %max3A_1941 = arith.constant 0.000000e+00 : f32
    %max3A_1942 = vector.broadcast %max3A_1941 : f32 to vector<128x128xf32>
    %max3A_1943 = arith.maximumf %sub3A_1940, %max3A_1942 : vector<128x128xf32>
    %sqrt3A_1944 = math.sqrt %max3A_1943 : vector<128x128xf32>
    %broadcast_in_dim3A_1945 = arith.constant 0 : i32
    %broadcast_in_dim3A_1946 = vector.broadcast %broadcast_in_dim3A_1945 : i32 to vector<128x128xi32>
    %slice3A_1947 = vector.extract_strided_slice %get3A_4 {offsets = [0, 128], sizes = [1, 128], strides = [1, 1]} : vector<1x1024xf32> to vector<1x128xf32>
    %add3A_1948 = vector.broadcast %add3A_1929 : vector<128x1xf32> to vector<128x128xf32>
    %add3A_1949 = vector.broadcast %slice3A_1947 : vector<1x128xf32> to vector<128x128xf32>
    %add3A_1950 = arith.addf %add3A_1948, %add3A_1949 : vector<128x128xf32>
    %slice3A_1951 = vector.extract_strided_slice %dot_general3A_1931 {offsets = [0, 128], sizes = [128, 128], strides = [1, 1]} : vector<128x1024xf32> to vector<128x128xf32>
    %mul3A_1952 = arith.constant 2.000000e+00 : f32
    %mul3A_1953 = vector.broadcast %mul3A_1952 : f32 to vector<128x128xf32>
    %mul3A_1954 = arith.mulf %mul3A_1953, %slice3A_1951 : vector<128x128xf32>
    %sub3A_1955 = arith.subf %add3A_1950, %mul3A_1954 : vector<128x128xf32>
    %max3A_1956 = arith.constant 0.000000e+00 : f32
    %max3A_1957 = vector.broadcast %max3A_1956 : f32 to vector<128x128xf32>
    %max3A_1958 = arith.maximumf %sub3A_1955, %max3A_1957 : vector<128x128xf32>
    %sqrt3A_1959 = math.sqrt %max3A_1958 : vector<128x128xf32>
    %lt3A_1960 = arith.cmpf olt, %sqrt3A_1959, %sqrt3A_1944 : vector<128x128xf32>
    %min3A_1961 = arith.minimumf %sqrt3A_1944, %sqrt3A_1959 : vector<128x128xf32>
    %jit3A_1962 = arith.constant 1 : i32
    %broadcast_in_dim3A_1963 = vector.broadcast %jit3A_1962 : i32 to vector<128x128xi32>
    %select_n3A_1964 = arith.select %lt3A_1960, %broadcast_in_dim3A_1963, %broadcast_in_dim3A_1946 : vector<128x128xi1>, vector<128x128xi32>
    %slice3A_1965 = vector.extract_strided_slice %get3A_4 {offsets = [0, 256], sizes = [1, 128], strides = [1, 1]} : vector<1x1024xf32> to vector<1x128xf32>
    %add3A_1966 = vector.broadcast %add3A_1929 : vector<128x1xf32> to vector<128x128xf32>
    %add3A_1967 = vector.broadcast %slice3A_1965 : vector<1x128xf32> to vector<128x128xf32>
    %add3A_1968 = arith.addf %add3A_1966, %add3A_1967 : vector<128x128xf32>
    %slice3A_1969 = vector.extract_strided_slice %dot_general3A_1931 {offsets = [0, 256], sizes = [128, 128], strides = [1, 1]} : vector<128x1024xf32> to vector<128x128xf32>
    %mul3A_1970 = arith.constant 2.000000e+00 : f32
    %mul3A_1971 = vector.broadcast %mul3A_1970 : f32 to vector<128x128xf32>
    %mul3A_1972 = arith.mulf %mul3A_1971, %slice3A_1969 : vector<128x128xf32>
    %sub3A_1973 = arith.subf %add3A_1968, %mul3A_1972 : vector<128x128xf32>
    %max3A_1974 = arith.constant 0.000000e+00 : f32
    %max3A_1975 = vector.broadcast %max3A_1974 : f32 to vector<128x128xf32>
    %max3A_1976 = arith.maximumf %sub3A_1973, %max3A_1975 : vector<128x128xf32>
    %sqrt3A_1977 = math.sqrt %max3A_1976 : vector<128x128xf32>
    %lt3A_1978 = arith.cmpf olt, %sqrt3A_1977, %min3A_1961 : vector<128x128xf32>
    %min3A_1979 = arith.minimumf %min3A_1961, %sqrt3A_1977 : vector<128x128xf32>
    %jit3A_1980 = arith.constant 2 : i32
    %broadcast_in_dim3A_1981 = vector.broadcast %jit3A_1980 : i32 to vector<128x128xi32>
    %select_n3A_1982 = arith.select %lt3A_1978, %broadcast_in_dim3A_1981, %select_n3A_1964 : vector<128x128xi1>, vector<128x128xi32>
    %slice3A_1983 = vector.extract_strided_slice %get3A_4 {offsets = [0, 384], sizes = [1, 128], strides = [1, 1]} : vector<1x1024xf32> to vector<1x128xf32>
    %add3A_1984 = vector.broadcast %add3A_1929 : vector<128x1xf32> to vector<128x128xf32>
    %add3A_1985 = vector.broadcast %slice3A_1983 : vector<1x128xf32> to vector<128x128xf32>
    %add3A_1986 = arith.addf %add3A_1984, %add3A_1985 : vector<128x128xf32>
    %slice3A_1987 = vector.extract_strided_slice %dot_general3A_1931 {offsets = [0, 384], sizes = [128, 128], strides = [1, 1]} : vector<128x1024xf32> to vector<128x128xf32>
    %mul3A_1988 = arith.constant 2.000000e+00 : f32
    %mul3A_1989 = vector.broadcast %mul3A_1988 : f32 to vector<128x128xf32>
    %mul3A_1990 = arith.mulf %mul3A_1989, %slice3A_1987 : vector<128x128xf32>
    %sub3A_1991 = arith.subf %add3A_1986, %mul3A_1990 : vector<128x128xf32>
    %max3A_1992 = arith.constant 0.000000e+00 : f32
    %max3A_1993 = vector.broadcast %max3A_1992 : f32 to vector<128x128xf32>
    %max3A_1994 = arith.maximumf %sub3A_1991, %max3A_1993 : vector<128x128xf32>
    %sqrt3A_1995 = math.sqrt %max3A_1994 : vector<128x128xf32>
    %lt3A_1996 = arith.cmpf olt, %sqrt3A_1995, %min3A_1979 : vector<128x128xf32>
    %min3A_1997 = arith.minimumf %min3A_1979, %sqrt3A_1995 : vector<128x128xf32>
    %jit3A_1998 = arith.constant 3 : i32
    %broadcast_in_dim3A_1999 = vector.broadcast %jit3A_1998 : i32 to vector<128x128xi32>
    %select_n3A_2000 = arith.select %lt3A_1996, %broadcast_in_dim3A_1999, %select_n3A_1982 : vector<128x128xi1>, vector<128x128xi32>
    %slice3A_2001 = vector.extract_strided_slice %get3A_4 {offsets = [0, 512], sizes = [1, 128], strides = [1, 1]} : vector<1x1024xf32> to vector<1x128xf32>
    %add3A_2002 = vector.broadcast %add3A_1929 : vector<128x1xf32> to vector<128x128xf32>
    %add3A_2003 = vector.broadcast %slice3A_2001 : vector<1x128xf32> to vector<128x128xf32>
    %add3A_2004 = arith.addf %add3A_2002, %add3A_2003 : vector<128x128xf32>
    %slice3A_2005 = vector.extract_strided_slice %dot_general3A_1931 {offsets = [0, 512], sizes = [128, 128], strides = [1, 1]} : vector<128x1024xf32> to vector<128x128xf32>
    %mul3A_2006 = arith.constant 2.000000e+00 : f32
    %mul3A_2007 = vector.broadcast %mul3A_2006 : f32 to vector<128x128xf32>
    %mul3A_2008 = arith.mulf %mul3A_2007, %slice3A_2005 : vector<128x128xf32>
    %sub3A_2009 = arith.subf %add3A_2004, %mul3A_2008 : vector<128x128xf32>
    %max3A_2010 = arith.constant 0.000000e+00 : f32
    %max3A_2011 = vector.broadcast %max3A_2010 : f32 to vector<128x128xf32>
    %max3A_2012 = arith.maximumf %sub3A_2009, %max3A_2011 : vector<128x128xf32>
    %sqrt3A_2013 = math.sqrt %max3A_2012 : vector<128x128xf32>
    %lt3A_2014 = arith.cmpf olt, %sqrt3A_2013, %min3A_1997 : vector<128x128xf32>
    %min3A_2015 = arith.minimumf %min3A_1997, %sqrt3A_2013 : vector<128x128xf32>
    %jit3A_2016 = arith.constant 4 : i32
    %broadcast_in_dim3A_2017 = vector.broadcast %jit3A_2016 : i32 to vector<128x128xi32>
    %select_n3A_2018 = arith.select %lt3A_2014, %broadcast_in_dim3A_2017, %select_n3A_2000 : vector<128x128xi1>, vector<128x128xi32>
    %slice3A_2019 = vector.extract_strided_slice %get3A_4 {offsets = [0, 640], sizes = [1, 128], strides = [1, 1]} : vector<1x1024xf32> to vector<1x128xf32>
    %add3A_2020 = vector.broadcast %add3A_1929 : vector<128x1xf32> to vector<128x128xf32>
    %add3A_2021 = vector.broadcast %slice3A_2019 : vector<1x128xf32> to vector<128x128xf32>
    %add3A_2022 = arith.addf %add3A_2020, %add3A_2021 : vector<128x128xf32>
    %slice3A_2023 = vector.extract_strided_slice %dot_general3A_1931 {offsets = [0, 640], sizes = [128, 128], strides = [1, 1]} : vector<128x1024xf32> to vector<128x128xf32>
    %mul3A_2024 = arith.constant 2.000000e+00 : f32
    %mul3A_2025 = vector.broadcast %mul3A_2024 : f32 to vector<128x128xf32>
    %mul3A_2026 = arith.mulf %mul3A_2025, %slice3A_2023 : vector<128x128xf32>
    %sub3A_2027 = arith.subf %add3A_2022, %mul3A_2026 : vector<128x128xf32>
    %max3A_2028 = arith.constant 0.000000e+00 : f32
    %max3A_2029 = vector.broadcast %max3A_2028 : f32 to vector<128x128xf32>
    %max3A_2030 = arith.maximumf %sub3A_2027, %max3A_2029 : vector<128x128xf32>
    %sqrt3A_2031 = math.sqrt %max3A_2030 : vector<128x128xf32>
    %lt3A_2032 = arith.cmpf olt, %sqrt3A_2031, %min3A_2015 : vector<128x128xf32>
    %min3A_2033 = arith.minimumf %min3A_2015, %sqrt3A_2031 : vector<128x128xf32>
    %jit3A_2034 = arith.constant 5 : i32
    %broadcast_in_dim3A_2035 = vector.broadcast %jit3A_2034 : i32 to vector<128x128xi32>
    %select_n3A_2036 = arith.select %lt3A_2032, %broadcast_in_dim3A_2035, %select_n3A_2018 : vector<128x128xi1>, vector<128x128xi32>
    %slice3A_2037 = vector.extract_strided_slice %get3A_4 {offsets = [0, 768], sizes = [1, 128], strides = [1, 1]} : vector<1x1024xf32> to vector<1x128xf32>
    %add3A_2038 = vector.broadcast %add3A_1929 : vector<128x1xf32> to vector<128x128xf32>
    %add3A_2039 = vector.broadcast %slice3A_2037 : vector<1x128xf32> to vector<128x128xf32>
    %add3A_2040 = arith.addf %add3A_2038, %add3A_2039 : vector<128x128xf32>
    %slice3A_2041 = vector.extract_strided_slice %dot_general3A_1931 {offsets = [0, 768], sizes = [128, 128], strides = [1, 1]} : vector<128x1024xf32> to vector<128x128xf32>
    %mul3A_2042 = arith.constant 2.000000e+00 : f32
    %mul3A_2043 = vector.broadcast %mul3A_2042 : f32 to vector<128x128xf32>
    %mul3A_2044 = arith.mulf %mul3A_2043, %slice3A_2041 : vector<128x128xf32>
    %sub3A_2045 = arith.subf %add3A_2040, %mul3A_2044 : vector<128x128xf32>
    %max3A_2046 = arith.constant 0.000000e+00 : f32
    %max3A_2047 = vector.broadcast %max3A_2046 : f32 to vector<128x128xf32>
    %max3A_2048 = arith.maximumf %sub3A_2045, %max3A_2047 : vector<128x128xf32>
    %sqrt3A_2049 = math.sqrt %max3A_2048 : vector<128x128xf32>
    %lt3A_2050 = arith.cmpf olt, %sqrt3A_2049, %min3A_2033 : vector<128x128xf32>
    %min3A_2051 = arith.minimumf %min3A_2033, %sqrt3A_2049 : vector<128x128xf32>
    %jit3A_2052 = arith.constant 6 : i32
    %broadcast_in_dim3A_2053 = vector.broadcast %jit3A_2052 : i32 to vector<128x128xi32>
    %select_n3A_2054 = arith.select %lt3A_2050, %broadcast_in_dim3A_2053, %select_n3A_2036 : vector<128x128xi1>, vector<128x128xi32>
    %slice3A_2055 = vector.extract_strided_slice %get3A_4 {offsets = [0, 896], sizes = [1, 128], strides = [1, 1]} : vector<1x1024xf32> to vector<1x128xf32>
    %add3A_2056 = vector.broadcast %add3A_1929 : vector<128x1xf32> to vector<128x128xf32>
    %add3A_2057 = vector.broadcast %slice3A_2055 : vector<1x128xf32> to vector<128x128xf32>
    %add3A_2058 = arith.addf %add3A_2056, %add3A_2057 : vector<128x128xf32>
    %slice3A_2059 = vector.extract_strided_slice %dot_general3A_1931 {offsets = [0, 896], sizes = [128, 128], strides = [1, 1]} : vector<128x1024xf32> to vector<128x128xf32>
    %mul3A_2060 = arith.constant 2.000000e+00 : f32
    %mul3A_2061 = vector.broadcast %mul3A_2060 : f32 to vector<128x128xf32>
    %mul3A_2062 = arith.mulf %mul3A_2061, %slice3A_2059 : vector<128x128xf32>
    %sub3A_2063 = arith.subf %add3A_2058, %mul3A_2062 : vector<128x128xf32>
    %max3A_2064 = arith.constant 0.000000e+00 : f32
    %max3A_2065 = vector.broadcast %max3A_2064 : f32 to vector<128x128xf32>
    %max3A_2066 = arith.maximumf %sub3A_2063, %max3A_2065 : vector<128x128xf32>
    %sqrt3A_2067 = math.sqrt %max3A_2066 : vector<128x128xf32>
    %lt3A_2068 = arith.cmpf olt, %sqrt3A_2067, %min3A_2051 : vector<128x128xf32>
    %min3A_2069 = arith.minimumf %min3A_2051, %sqrt3A_2067 : vector<128x128xf32>
    %jit3A_2070 = arith.constant 7 : i32
    %broadcast_in_dim3A_2071 = vector.broadcast %jit3A_2070 : i32 to vector<128x128xi32>
    %select_n3A_2072 = arith.select %lt3A_2068, %broadcast_in_dim3A_2071, %select_n3A_2054 : vector<128x128xi1>, vector<128x128xi32>
    %mul3A_2073 = arith.constant 128 : i32
    %mul3A_2074 = vector.broadcast %mul3A_2073 : i32 to vector<128x128xi32>
    %mul3A_2075 = arith.muli %select_n3A_2072, %mul3A_2074 : vector<128x128xi32>
    %add3A_2076 = arith.addi %mul3A_2075, %iota3A : vector<128x128xi32>
    %reduce_min3A_2077 = arith.constant dense<0x7F800000> : vector<128xf32>
    %reduce_min3A_2078 = vector.multi_reduction <minimumf>, %min3A_2069, %reduce_min3A_2077 [1] : vector<128x128xf32> to vector<128xf32>
    %broadcast_in_dim3A_2079 = vector.shape_cast %reduce_min3A_2078 : vector<128xf32> to vector<128x1xf32>
    %eq3A_2080 = vector.broadcast %broadcast_in_dim3A_2079 : vector<128x1xf32> to vector<128x128xf32>
    %eq3A_2081 = arith.cmpf oeq, %min3A_2069, %eq3A_2080 : vector<128x128xf32>
    %jit3A_2082 = arith.constant 1024 : i32
    %broadcast_in_dim3A_2083 = vector.broadcast %jit3A_2082 : i32 to vector<128x128xi32>
    %select_n3A_2084 = arith.select %eq3A_2081, %add3A_2076, %broadcast_in_dim3A_2083 : vector<128x128xi1>, vector<128x128xi32>
    %reduce_min3A_2085 = arith.constant dense<2147483647> : vector<128xi32>
    %reduce_min3A_2086 = vector.multi_reduction <minsi>, %select_n3A_2084, %reduce_min3A_2085 [1] : vector<128x128xi32> to vector<128xi32>
    %broadcast_in_dim3A_2087 = vector.shape_cast %reduce_min3A_2086 : vector<128xi32> to vector<128x1xi32>
    %swap3A_2088 = arith.constant 1280 : index
    %swap3A_2089 = arith.constant 0 : index
    %swap3A_2090 = vector.load %arg4[%swap3A_2088, %swap3A_2089] : memref<2304x1xi32, #tpu.memory_space<vmem>>, vector<128x1xi32>
    tpu.vector_store %arg4[%swap3A_2088, %swap3A_2089], %broadcast_in_dim3A_2087 {strides = array<i32>} : memref<2304x1xi32, #tpu.memory_space<vmem>>, vector<128x1xi32>,
    %mul3A_2091 = arith.mulf %broadcast_in_dim3A_2079, %broadcast_in_dim3A_2079 : vector<128x1xf32>
    %add3A_2092 = arith.addf %add3A_1901, %mul3A_2091 : vector<128x1xf32>
    %get3A_2093 = arith.constant 1408 : index
    %get3A_2094 = arith.constant 0 : index
    %get3A_2095 = vector.load %arg1[%get3A_2093, %get3A_2094] : memref<2304x64xf32, #tpu.memory_space<vmem>>, vector<128x64xf32>
    %mul3A_2096 = arith.mulf %get3A_2095, %get3A_2095 : vector<128x64xf32>
    %slice3A_2097 = vector.extract_strided_slice %mul3A_2096 {offsets = [0, 0], sizes = [128, 8], strides = [1, 1]} : vector<128x64xf32> to vector<128x8xf32>
    %slice3A_2098 = vector.extract_strided_slice %mul3A_2096 {offsets = [0, 8], sizes = [128, 8], strides = [1, 1]} : vector<128x64xf32> to vector<128x8xf32>
    %add3A_2099 = arith.addf %slice3A_2097, %slice3A_2098 : vector<128x8xf32>
    %slice3A_2100 = vector.extract_strided_slice %mul3A_2096 {offsets = [0, 16], sizes = [128, 8], strides = [1, 1]} : vector<128x64xf32> to vector<128x8xf32>
    %add3A_2101 = arith.addf %add3A_2099, %slice3A_2100 : vector<128x8xf32>
    %slice3A_2102 = vector.extract_strided_slice %mul3A_2096 {offsets = [0, 24], sizes = [128, 8], strides = [1, 1]} : vector<128x64xf32> to vector<128x8xf32>
    %add3A_2103 = arith.addf %add3A_2101, %slice3A_2102 : vector<128x8xf32>
    %slice3A_2104 = vector.extract_strided_slice %mul3A_2096 {offsets = [0, 32], sizes = [128, 8], strides = [1, 1]} : vector<128x64xf32> to vector<128x8xf32>
    %add3A_2105 = arith.addf %add3A_2103, %slice3A_2104 : vector<128x8xf32>
    %slice3A_2106 = vector.extract_strided_slice %mul3A_2096 {offsets = [0, 40], sizes = [128, 8], strides = [1, 1]} : vector<128x64xf32> to vector<128x8xf32>
    %add3A_2107 = arith.addf %add3A_2105, %slice3A_2106 : vector<128x8xf32>
    %slice3A_2108 = vector.extract_strided_slice %mul3A_2096 {offsets = [0, 48], sizes = [128, 8], strides = [1, 1]} : vector<128x64xf32> to vector<128x8xf32>
    %add3A_2109 = arith.addf %add3A_2107, %slice3A_2108 : vector<128x8xf32>
    %slice3A_2110 = vector.extract_strided_slice %mul3A_2096 {offsets = [0, 56], sizes = [128, 8], strides = [1, 1]} : vector<128x64xf32> to vector<128x8xf32>
    %add3A_2111 = arith.addf %add3A_2109, %slice3A_2110 : vector<128x8xf32>
    %slice3A_2112 = vector.extract_strided_slice %add3A_2111 {offsets = [0, 0], sizes = [128, 4], strides = [1, 1]} : vector<128x8xf32> to vector<128x4xf32>
    %slice3A_2113 = vector.extract_strided_slice %add3A_2111 {offsets = [0, 4], sizes = [128, 4], strides = [1, 1]} : vector<128x8xf32> to vector<128x4xf32>
    %add3A_2114 = arith.addf %slice3A_2112, %slice3A_2113 : vector<128x4xf32>
    %slice3A_2115 = vector.extract_strided_slice %add3A_2114 {offsets = [0, 0], sizes = [128, 2], strides = [1, 1]} : vector<128x4xf32> to vector<128x2xf32>
    %slice3A_2116 = vector.extract_strided_slice %add3A_2114 {offsets = [0, 2], sizes = [128, 2], strides = [1, 1]} : vector<128x4xf32> to vector<128x2xf32>
    %add3A_2117 = arith.addf %slice3A_2115, %slice3A_2116 : vector<128x2xf32>
    %slice3A_2118 = vector.extract_strided_slice %add3A_2117 {offsets = [0, 0], sizes = [128, 1], strides = [1, 1]} : vector<128x2xf32> to vector<128x1xf32>
    %slice3A_2119 = vector.extract_strided_slice %add3A_2117 {offsets = [0, 1], sizes = [128, 1], strides = [1, 1]} : vector<128x2xf32> to vector<128x1xf32>
    %add3A_2120 = arith.addf %slice3A_2118, %slice3A_2119 : vector<128x1xf32>
    %dot_general3A_2121 = arith.constant dense<0.000000e+00> : vector<128x1024xf32>
    %dot_general3A_2122 = tpu.matmul %get3A_2095, %get3A_1, %dot_general3A_2121 {dimension_numbers = #tpu.dot_dimension_numbers<[1], [1], [0], [0], [0, 0, 1, 0], [], []>, transpose_lhs_hint = false} : vector<128x64xf32>, vector<1024x64xf32>, vector<128x1024xf32> -> vector<128x1024xf32>
    %slice3A_2123 = vector.extract_strided_slice %get3A_4 {offsets = [0, 0], sizes = [1, 128], strides = [1, 1]} : vector<1x1024xf32> to vector<1x128xf32>
    %add3A_2124 = vector.broadcast %add3A_2120 : vector<128x1xf32> to vector<128x128xf32>
    %add3A_2125 = vector.broadcast %slice3A_2123 : vector<1x128xf32> to vector<128x128xf32>
    %add3A_2126 = arith.addf %add3A_2124, %add3A_2125 : vector<128x128xf32>
    %slice3A_2127 = vector.extract_strided_slice %dot_general3A_2122 {offsets = [0, 0], sizes = [128, 128], strides = [1, 1]} : vector<128x1024xf32> to vector<128x128xf32>
    %mul3A_2128 = arith.constant 2.000000e+00 : f32
    %mul3A_2129 = vector.broadcast %mul3A_2128 : f32 to vector<128x128xf32>
    %mul3A_2130 = arith.mulf %mul3A_2129, %slice3A_2127 : vector<128x128xf32>
    %sub3A_2131 = arith.subf %add3A_2126, %mul3A_2130 : vector<128x128xf32>
    %max3A_2132 = arith.constant 0.000000e+00 : f32
    %max3A_2133 = vector.broadcast %max3A_2132 : f32 to vector<128x128xf32>
    %max3A_2134 = arith.maximumf %sub3A_2131, %max3A_2133 : vector<128x128xf32>
    %sqrt3A_2135 = math.sqrt %max3A_2134 : vector<128x128xf32>
    %broadcast_in_dim3A_2136 = arith.constant 0 : i32
    %broadcast_in_dim3A_2137 = vector.broadcast %broadcast_in_dim3A_2136 : i32 to vector<128x128xi32>
    %slice3A_2138 = vector.extract_strided_slice %get3A_4 {offsets = [0, 128], sizes = [1, 128], strides = [1, 1]} : vector<1x1024xf32> to vector<1x128xf32>
    %add3A_2139 = vector.broadcast %add3A_2120 : vector<128x1xf32> to vector<128x128xf32>
    %add3A_2140 = vector.broadcast %slice3A_2138 : vector<1x128xf32> to vector<128x128xf32>
    %add3A_2141 = arith.addf %add3A_2139, %add3A_2140 : vector<128x128xf32>
    %slice3A_2142 = vector.extract_strided_slice %dot_general3A_2122 {offsets = [0, 128], sizes = [128, 128], strides = [1, 1]} : vector<128x1024xf32> to vector<128x128xf32>
    %mul3A_2143 = arith.constant 2.000000e+00 : f32
    %mul3A_2144 = vector.broadcast %mul3A_2143 : f32 to vector<128x128xf32>
    %mul3A_2145 = arith.mulf %mul3A_2144, %slice3A_2142 : vector<128x128xf32>
    %sub3A_2146 = arith.subf %add3A_2141, %mul3A_2145 : vector<128x128xf32>
    %max3A_2147 = arith.constant 0.000000e+00 : f32
    %max3A_2148 = vector.broadcast %max3A_2147 : f32 to vector<128x128xf32>
    %max3A_2149 = arith.maximumf %sub3A_2146, %max3A_2148 : vector<128x128xf32>
    %sqrt3A_2150 = math.sqrt %max3A_2149 : vector<128x128xf32>
    %lt3A_2151 = arith.cmpf olt, %sqrt3A_2150, %sqrt3A_2135 : vector<128x128xf32>
    %min3A_2152 = arith.minimumf %sqrt3A_2135, %sqrt3A_2150 : vector<128x128xf32>
    %jit3A_2153 = arith.constant 1 : i32
    %broadcast_in_dim3A_2154 = vector.broadcast %jit3A_2153 : i32 to vector<128x128xi32>
    %select_n3A_2155 = arith.select %lt3A_2151, %broadcast_in_dim3A_2154, %broadcast_in_dim3A_2137 : vector<128x128xi1>, vector<128x128xi32>
    %slice3A_2156 = vector.extract_strided_slice %get3A_4 {offsets = [0, 256], sizes = [1, 128], strides = [1, 1]} : vector<1x1024xf32> to vector<1x128xf32>
    %add3A_2157 = vector.broadcast %add3A_2120 : vector<128x1xf32> to vector<128x128xf32>
    %add3A_2158 = vector.broadcast %slice3A_2156 : vector<1x128xf32> to vector<128x128xf32>
    %add3A_2159 = arith.addf %add3A_2157, %add3A_2158 : vector<128x128xf32>
    %slice3A_2160 = vector.extract_strided_slice %dot_general3A_2122 {offsets = [0, 256], sizes = [128, 128], strides = [1, 1]} : vector<128x1024xf32> to vector<128x128xf32>
    %mul3A_2161 = arith.constant 2.000000e+00 : f32
    %mul3A_2162 = vector.broadcast %mul3A_2161 : f32 to vector<128x128xf32>
    %mul3A_2163 = arith.mulf %mul3A_2162, %slice3A_2160 : vector<128x128xf32>
    %sub3A_2164 = arith.subf %add3A_2159, %mul3A_2163 : vector<128x128xf32>
    %max3A_2165 = arith.constant 0.000000e+00 : f32
    %max3A_2166 = vector.broadcast %max3A_2165 : f32 to vector<128x128xf32>
    %max3A_2167 = arith.maximumf %sub3A_2164, %max3A_2166 : vector<128x128xf32>
    %sqrt3A_2168 = math.sqrt %max3A_2167 : vector<128x128xf32>
    %lt3A_2169 = arith.cmpf olt, %sqrt3A_2168, %min3A_2152 : vector<128x128xf32>
    %min3A_2170 = arith.minimumf %min3A_2152, %sqrt3A_2168 : vector<128x128xf32>
    %jit3A_2171 = arith.constant 2 : i32
    %broadcast_in_dim3A_2172 = vector.broadcast %jit3A_2171 : i32 to vector<128x128xi32>
    %select_n3A_2173 = arith.select %lt3A_2169, %broadcast_in_dim3A_2172, %select_n3A_2155 : vector<128x128xi1>, vector<128x128xi32>
    %slice3A_2174 = vector.extract_strided_slice %get3A_4 {offsets = [0, 384], sizes = [1, 128], strides = [1, 1]} : vector<1x1024xf32> to vector<1x128xf32>
    %add3A_2175 = vector.broadcast %add3A_2120 : vector<128x1xf32> to vector<128x128xf32>
    %add3A_2176 = vector.broadcast %slice3A_2174 : vector<1x128xf32> to vector<128x128xf32>
    %add3A_2177 = arith.addf %add3A_2175, %add3A_2176 : vector<128x128xf32>
    %slice3A_2178 = vector.extract_strided_slice %dot_general3A_2122 {offsets = [0, 384], sizes = [128, 128], strides = [1, 1]} : vector<128x1024xf32> to vector<128x128xf32>
    %mul3A_2179 = arith.constant 2.000000e+00 : f32
    %mul3A_2180 = vector.broadcast %mul3A_2179 : f32 to vector<128x128xf32>
    %mul3A_2181 = arith.mulf %mul3A_2180, %slice3A_2178 : vector<128x128xf32>
    %sub3A_2182 = arith.subf %add3A_2177, %mul3A_2181 : vector<128x128xf32>
    %max3A_2183 = arith.constant 0.000000e+00 : f32
    %max3A_2184 = vector.broadcast %max3A_2183 : f32 to vector<128x128xf32>
    %max3A_2185 = arith.maximumf %sub3A_2182, %max3A_2184 : vector<128x128xf32>
    %sqrt3A_2186 = math.sqrt %max3A_2185 : vector<128x128xf32>
    %lt3A_2187 = arith.cmpf olt, %sqrt3A_2186, %min3A_2170 : vector<128x128xf32>
    %min3A_2188 = arith.minimumf %min3A_2170, %sqrt3A_2186 : vector<128x128xf32>
    %jit3A_2189 = arith.constant 3 : i32
    %broadcast_in_dim3A_2190 = vector.broadcast %jit3A_2189 : i32 to vector<128x128xi32>
    %select_n3A_2191 = arith.select %lt3A_2187, %broadcast_in_dim3A_2190, %select_n3A_2173 : vector<128x128xi1>, vector<128x128xi32>
    %slice3A_2192 = vector.extract_strided_slice %get3A_4 {offsets = [0, 512], sizes = [1, 128], strides = [1, 1]} : vector<1x1024xf32> to vector<1x128xf32>
    %add3A_2193 = vector.broadcast %add3A_2120 : vector<128x1xf32> to vector<128x128xf32>
    %add3A_2194 = vector.broadcast %slice3A_2192 : vector<1x128xf32> to vector<128x128xf32>
    %add3A_2195 = arith.addf %add3A_2193, %add3A_2194 : vector<128x128xf32>
    %slice3A_2196 = vector.extract_strided_slice %dot_general3A_2122 {offsets = [0, 512], sizes = [128, 128], strides = [1, 1]} : vector<128x1024xf32> to vector<128x128xf32>
    %mul3A_2197 = arith.constant 2.000000e+00 : f32
    %mul3A_2198 = vector.broadcast %mul3A_2197 : f32 to vector<128x128xf32>
    %mul3A_2199 = arith.mulf %mul3A_2198, %slice3A_2196 : vector<128x128xf32>
    %sub3A_2200 = arith.subf %add3A_2195, %mul3A_2199 : vector<128x128xf32>
    %max3A_2201 = arith.constant 0.000000e+00 : f32
    %max3A_2202 = vector.broadcast %max3A_2201 : f32 to vector<128x128xf32>
    %max3A_2203 = arith.maximumf %sub3A_2200, %max3A_2202 : vector<128x128xf32>
    %sqrt3A_2204 = math.sqrt %max3A_2203 : vector<128x128xf32>
    %lt3A_2205 = arith.cmpf olt, %sqrt3A_2204, %min3A_2188 : vector<128x128xf32>
    %min3A_2206 = arith.minimumf %min3A_2188, %sqrt3A_2204 : vector<128x128xf32>
    %jit3A_2207 = arith.constant 4 : i32
    %broadcast_in_dim3A_2208 = vector.broadcast %jit3A_2207 : i32 to vector<128x128xi32>
    %select_n3A_2209 = arith.select %lt3A_2205, %broadcast_in_dim3A_2208, %select_n3A_2191 : vector<128x128xi1>, vector<128x128xi32>
    %slice3A_2210 = vector.extract_strided_slice %get3A_4 {offsets = [0, 640], sizes = [1, 128], strides = [1, 1]} : vector<1x1024xf32> to vector<1x128xf32>
    %add3A_2211 = vector.broadcast %add3A_2120 : vector<128x1xf32> to vector<128x128xf32>
    %add3A_2212 = vector.broadcast %slice3A_2210 : vector<1x128xf32> to vector<128x128xf32>
    %add3A_2213 = arith.addf %add3A_2211, %add3A_2212 : vector<128x128xf32>
    %slice3A_2214 = vector.extract_strided_slice %dot_general3A_2122 {offsets = [0, 640], sizes = [128, 128], strides = [1, 1]} : vector<128x1024xf32> to vector<128x128xf32>
    %mul3A_2215 = arith.constant 2.000000e+00 : f32
    %mul3A_2216 = vector.broadcast %mul3A_2215 : f32 to vector<128x128xf32>
    %mul3A_2217 = arith.mulf %mul3A_2216, %slice3A_2214 : vector<128x128xf32>
    %sub3A_2218 = arith.subf %add3A_2213, %mul3A_2217 : vector<128x128xf32>
    %max3A_2219 = arith.constant 0.000000e+00 : f32
    %max3A_2220 = vector.broadcast %max3A_2219 : f32 to vector<128x128xf32>
    %max3A_2221 = arith.maximumf %sub3A_2218, %max3A_2220 : vector<128x128xf32>
    %sqrt3A_2222 = math.sqrt %max3A_2221 : vector<128x128xf32>
    %lt3A_2223 = arith.cmpf olt, %sqrt3A_2222, %min3A_2206 : vector<128x128xf32>
    %min3A_2224 = arith.minimumf %min3A_2206, %sqrt3A_2222 : vector<128x128xf32>
    %jit3A_2225 = arith.constant 5 : i32
    %broadcast_in_dim3A_2226 = vector.broadcast %jit3A_2225 : i32 to vector<128x128xi32>
    %select_n3A_2227 = arith.select %lt3A_2223, %broadcast_in_dim3A_2226, %select_n3A_2209 : vector<128x128xi1>, vector<128x128xi32>
    %slice3A_2228 = vector.extract_strided_slice %get3A_4 {offsets = [0, 768], sizes = [1, 128], strides = [1, 1]} : vector<1x1024xf32> to vector<1x128xf32>
    %add3A_2229 = vector.broadcast %add3A_2120 : vector<128x1xf32> to vector<128x128xf32>
    %add3A_2230 = vector.broadcast %slice3A_2228 : vector<1x128xf32> to vector<128x128xf32>
    %add3A_2231 = arith.addf %add3A_2229, %add3A_2230 : vector<128x128xf32>
    %slice3A_2232 = vector.extract_strided_slice %dot_general3A_2122 {offsets = [0, 768], sizes = [128, 128], strides = [1, 1]} : vector<128x1024xf32> to vector<128x128xf32>
    %mul3A_2233 = arith.constant 2.000000e+00 : f32
    %mul3A_2234 = vector.broadcast %mul3A_2233 : f32 to vector<128x128xf32>
    %mul3A_2235 = arith.mulf %mul3A_2234, %slice3A_2232 : vector<128x128xf32>
    %sub3A_2236 = arith.subf %add3A_2231, %mul3A_2235 : vector<128x128xf32>
    %max3A_2237 = arith.constant 0.000000e+00 : f32
    %max3A_2238 = vector.broadcast %max3A_2237 : f32 to vector<128x128xf32>
    %max3A_2239 = arith.maximumf %sub3A_2236, %max3A_2238 : vector<128x128xf32>
    %sqrt3A_2240 = math.sqrt %max3A_2239 : vector<128x128xf32>
    %lt3A_2241 = arith.cmpf olt, %sqrt3A_2240, %min3A_2224 : vector<128x128xf32>
    %min3A_2242 = arith.minimumf %min3A_2224, %sqrt3A_2240 : vector<128x128xf32>
    %jit3A_2243 = arith.constant 6 : i32
    %broadcast_in_dim3A_2244 = vector.broadcast %jit3A_2243 : i32 to vector<128x128xi32>
    %select_n3A_2245 = arith.select %lt3A_2241, %broadcast_in_dim3A_2244, %select_n3A_2227 : vector<128x128xi1>, vector<128x128xi32>
    %slice3A_2246 = vector.extract_strided_slice %get3A_4 {offsets = [0, 896], sizes = [1, 128], strides = [1, 1]} : vector<1x1024xf32> to vector<1x128xf32>
    %add3A_2247 = vector.broadcast %add3A_2120 : vector<128x1xf32> to vector<128x128xf32>
    %add3A_2248 = vector.broadcast %slice3A_2246 : vector<1x128xf32> to vector<128x128xf32>
    %add3A_2249 = arith.addf %add3A_2247, %add3A_2248 : vector<128x128xf32>
    %slice3A_2250 = vector.extract_strided_slice %dot_general3A_2122 {offsets = [0, 896], sizes = [128, 128], strides = [1, 1]} : vector<128x1024xf32> to vector<128x128xf32>
    %mul3A_2251 = arith.constant 2.000000e+00 : f32
    %mul3A_2252 = vector.broadcast %mul3A_2251 : f32 to vector<128x128xf32>
    %mul3A_2253 = arith.mulf %mul3A_2252, %slice3A_2250 : vector<128x128xf32>
    %sub3A_2254 = arith.subf %add3A_2249, %mul3A_2253 : vector<128x128xf32>
    %max3A_2255 = arith.constant 0.000000e+00 : f32
    %max3A_2256 = vector.broadcast %max3A_2255 : f32 to vector<128x128xf32>
    %max3A_2257 = arith.maximumf %sub3A_2254, %max3A_2256 : vector<128x128xf32>
    %sqrt3A_2258 = math.sqrt %max3A_2257 : vector<128x128xf32>
    %lt3A_2259 = arith.cmpf olt, %sqrt3A_2258, %min3A_2242 : vector<128x128xf32>
    %min3A_2260 = arith.minimumf %min3A_2242, %sqrt3A_2258 : vector<128x128xf32>
    %jit3A_2261 = arith.constant 7 : i32
    %broadcast_in_dim3A_2262 = vector.broadcast %jit3A_2261 : i32 to vector<128x128xi32>
    %select_n3A_2263 = arith.select %lt3A_2259, %broadcast_in_dim3A_2262, %select_n3A_2245 : vector<128x128xi1>, vector<128x128xi32>
    %mul3A_2264 = arith.constant 128 : i32
    %mul3A_2265 = vector.broadcast %mul3A_2264 : i32 to vector<128x128xi32>
    %mul3A_2266 = arith.muli %select_n3A_2263, %mul3A_2265 : vector<128x128xi32>
    %add3A_2267 = arith.addi %mul3A_2266, %iota3A : vector<128x128xi32>
    %reduce_min3A_2268 = arith.constant dense<0x7F800000> : vector<128xf32>
    %reduce_min3A_2269 = vector.multi_reduction <minimumf>, %min3A_2260, %reduce_min3A_2268 [1] : vector<128x128xf32> to vector<128xf32>
    %broadcast_in_dim3A_2270 = vector.shape_cast %reduce_min3A_2269 : vector<128xf32> to vector<128x1xf32>
    %eq3A_2271 = vector.broadcast %broadcast_in_dim3A_2270 : vector<128x1xf32> to vector<128x128xf32>
    %eq3A_2272 = arith.cmpf oeq, %min3A_2260, %eq3A_2271 : vector<128x128xf32>
    %jit3A_2273 = arith.constant 1024 : i32
    %broadcast_in_dim3A_2274 = vector.broadcast %jit3A_2273 : i32 to vector<128x128xi32>
    %select_n3A_2275 = arith.select %eq3A_2272, %add3A_2267, %broadcast_in_dim3A_2274 : vector<128x128xi1>, vector<128x128xi32>
    %reduce_min3A_2276 = arith.constant dense<2147483647> : vector<128xi32>
    %reduce_min3A_2277 = vector.multi_reduction <minsi>, %select_n3A_2275, %reduce_min3A_2276 [1] : vector<128x128xi32> to vector<128xi32>
    %broadcast_in_dim3A_2278 = vector.shape_cast %reduce_min3A_2277 : vector<128xi32> to vector<128x1xi32>
    %swap3A_2279 = arith.constant 1408 : index
    %swap3A_2280 = arith.constant 0 : index
    %swap3A_2281 = vector.load %arg4[%swap3A_2279, %swap3A_2280] : memref<2304x1xi32, #tpu.memory_space<vmem>>, vector<128x1xi32>
    tpu.vector_store %arg4[%swap3A_2279, %swap3A_2280], %broadcast_in_dim3A_2278 {strides = array<i32>} : memref<2304x1xi32, #tpu.memory_space<vmem>>, vector<128x1xi32>,
    %mul3A_2282 = arith.mulf %broadcast_in_dim3A_2270, %broadcast_in_dim3A_2270 : vector<128x1xf32>
    %add3A_2283 = arith.addf %add3A_2092, %mul3A_2282 : vector<128x1xf32>
    %get3A_2284 = arith.constant 1536 : index
    %get3A_2285 = arith.constant 0 : index
    %get3A_2286 = vector.load %arg1[%get3A_2284, %get3A_2285] : memref<2304x64xf32, #tpu.memory_space<vmem>>, vector<128x64xf32>
    %mul3A_2287 = arith.mulf %get3A_2286, %get3A_2286 : vector<128x64xf32>
    %slice3A_2288 = vector.extract_strided_slice %mul3A_2287 {offsets = [0, 0], sizes = [128, 8], strides = [1, 1]} : vector<128x64xf32> to vector<128x8xf32>
    %slice3A_2289 = vector.extract_strided_slice %mul3A_2287 {offsets = [0, 8], sizes = [128, 8], strides = [1, 1]} : vector<128x64xf32> to vector<128x8xf32>
    %add3A_2290 = arith.addf %slice3A_2288, %slice3A_2289 : vector<128x8xf32>
    %slice3A_2291 = vector.extract_strided_slice %mul3A_2287 {offsets = [0, 16], sizes = [128, 8], strides = [1, 1]} : vector<128x64xf32> to vector<128x8xf32>
    %add3A_2292 = arith.addf %add3A_2290, %slice3A_2291 : vector<128x8xf32>
    %slice3A_2293 = vector.extract_strided_slice %mul3A_2287 {offsets = [0, 24], sizes = [128, 8], strides = [1, 1]} : vector<128x64xf32> to vector<128x8xf32>
    %add3A_2294 = arith.addf %add3A_2292, %slice3A_2293 : vector<128x8xf32>
    %slice3A_2295 = vector.extract_strided_slice %mul3A_2287 {offsets = [0, 32], sizes = [128, 8], strides = [1, 1]} : vector<128x64xf32> to vector<128x8xf32>
    %add3A_2296 = arith.addf %add3A_2294, %slice3A_2295 : vector<128x8xf32>
    %slice3A_2297 = vector.extract_strided_slice %mul3A_2287 {offsets = [0, 40], sizes = [128, 8], strides = [1, 1]} : vector<128x64xf32> to vector<128x8xf32>
    %add3A_2298 = arith.addf %add3A_2296, %slice3A_2297 : vector<128x8xf32>
    %slice3A_2299 = vector.extract_strided_slice %mul3A_2287 {offsets = [0, 48], sizes = [128, 8], strides = [1, 1]} : vector<128x64xf32> to vector<128x8xf32>
    %add3A_2300 = arith.addf %add3A_2298, %slice3A_2299 : vector<128x8xf32>
    %slice3A_2301 = vector.extract_strided_slice %mul3A_2287 {offsets = [0, 56], sizes = [128, 8], strides = [1, 1]} : vector<128x64xf32> to vector<128x8xf32>
    %add3A_2302 = arith.addf %add3A_2300, %slice3A_2301 : vector<128x8xf32>
    %slice3A_2303 = vector.extract_strided_slice %add3A_2302 {offsets = [0, 0], sizes = [128, 4], strides = [1, 1]} : vector<128x8xf32> to vector<128x4xf32>
    %slice3A_2304 = vector.extract_strided_slice %add3A_2302 {offsets = [0, 4], sizes = [128, 4], strides = [1, 1]} : vector<128x8xf32> to vector<128x4xf32>
    %add3A_2305 = arith.addf %slice3A_2303, %slice3A_2304 : vector<128x4xf32>
    %slice3A_2306 = vector.extract_strided_slice %add3A_2305 {offsets = [0, 0], sizes = [128, 2], strides = [1, 1]} : vector<128x4xf32> to vector<128x2xf32>
    %slice3A_2307 = vector.extract_strided_slice %add3A_2305 {offsets = [0, 2], sizes = [128, 2], strides = [1, 1]} : vector<128x4xf32> to vector<128x2xf32>
    %add3A_2308 = arith.addf %slice3A_2306, %slice3A_2307 : vector<128x2xf32>
    %slice3A_2309 = vector.extract_strided_slice %add3A_2308 {offsets = [0, 0], sizes = [128, 1], strides = [1, 1]} : vector<128x2xf32> to vector<128x1xf32>
    %slice3A_2310 = vector.extract_strided_slice %add3A_2308 {offsets = [0, 1], sizes = [128, 1], strides = [1, 1]} : vector<128x2xf32> to vector<128x1xf32>
    %add3A_2311 = arith.addf %slice3A_2309, %slice3A_2310 : vector<128x1xf32>
    %dot_general3A_2312 = arith.constant dense<0.000000e+00> : vector<128x1024xf32>
    %dot_general3A_2313 = tpu.matmul %get3A_2286, %get3A_1, %dot_general3A_2312 {dimension_numbers = #tpu.dot_dimension_numbers<[1], [1], [0], [0], [0, 0, 1, 0], [], []>, transpose_lhs_hint = false} : vector<128x64xf32>, vector<1024x64xf32>, vector<128x1024xf32> -> vector<128x1024xf32>
    %slice3A_2314 = vector.extract_strided_slice %get3A_4 {offsets = [0, 0], sizes = [1, 128], strides = [1, 1]} : vector<1x1024xf32> to vector<1x128xf32>
    %add3A_2315 = vector.broadcast %add3A_2311 : vector<128x1xf32> to vector<128x128xf32>
    %add3A_2316 = vector.broadcast %slice3A_2314 : vector<1x128xf32> to vector<128x128xf32>
    %add3A_2317 = arith.addf %add3A_2315, %add3A_2316 : vector<128x128xf32>
    %slice3A_2318 = vector.extract_strided_slice %dot_general3A_2313 {offsets = [0, 0], sizes = [128, 128], strides = [1, 1]} : vector<128x1024xf32> to vector<128x128xf32>
    %mul3A_2319 = arith.constant 2.000000e+00 : f32
    %mul3A_2320 = vector.broadcast %mul3A_2319 : f32 to vector<128x128xf32>
    %mul3A_2321 = arith.mulf %mul3A_2320, %slice3A_2318 : vector<128x128xf32>
    %sub3A_2322 = arith.subf %add3A_2317, %mul3A_2321 : vector<128x128xf32>
    %max3A_2323 = arith.constant 0.000000e+00 : f32
    %max3A_2324 = vector.broadcast %max3A_2323 : f32 to vector<128x128xf32>
    %max3A_2325 = arith.maximumf %sub3A_2322, %max3A_2324 : vector<128x128xf32>
    %sqrt3A_2326 = math.sqrt %max3A_2325 : vector<128x128xf32>
    %broadcast_in_dim3A_2327 = arith.constant 0 : i32
    %broadcast_in_dim3A_2328 = vector.broadcast %broadcast_in_dim3A_2327 : i32 to vector<128x128xi32>
    %slice3A_2329 = vector.extract_strided_slice %get3A_4 {offsets = [0, 128], sizes = [1, 128], strides = [1, 1]} : vector<1x1024xf32> to vector<1x128xf32>
    %add3A_2330 = vector.broadcast %add3A_2311 : vector<128x1xf32> to vector<128x128xf32>
    %add3A_2331 = vector.broadcast %slice3A_2329 : vector<1x128xf32> to vector<128x128xf32>
    %add3A_2332 = arith.addf %add3A_2330, %add3A_2331 : vector<128x128xf32>
    %slice3A_2333 = vector.extract_strided_slice %dot_general3A_2313 {offsets = [0, 128], sizes = [128, 128], strides = [1, 1]} : vector<128x1024xf32> to vector<128x128xf32>
    %mul3A_2334 = arith.constant 2.000000e+00 : f32
    %mul3A_2335 = vector.broadcast %mul3A_2334 : f32 to vector<128x128xf32>
    %mul3A_2336 = arith.mulf %mul3A_2335, %slice3A_2333 : vector<128x128xf32>
    %sub3A_2337 = arith.subf %add3A_2332, %mul3A_2336 : vector<128x128xf32>
    %max3A_2338 = arith.constant 0.000000e+00 : f32
    %max3A_2339 = vector.broadcast %max3A_2338 : f32 to vector<128x128xf32>
    %max3A_2340 = arith.maximumf %sub3A_2337, %max3A_2339 : vector<128x128xf32>
    %sqrt3A_2341 = math.sqrt %max3A_2340 : vector<128x128xf32>
    %lt3A_2342 = arith.cmpf olt, %sqrt3A_2341, %sqrt3A_2326 : vector<128x128xf32>
    %min3A_2343 = arith.minimumf %sqrt3A_2326, %sqrt3A_2341 : vector<128x128xf32>
    %jit3A_2344 = arith.constant 1 : i32
    %broadcast_in_dim3A_2345 = vector.broadcast %jit3A_2344 : i32 to vector<128x128xi32>
    %select_n3A_2346 = arith.select %lt3A_2342, %broadcast_in_dim3A_2345, %broadcast_in_dim3A_2328 : vector<128x128xi1>, vector<128x128xi32>
    %slice3A_2347 = vector.extract_strided_slice %get3A_4 {offsets = [0, 256], sizes = [1, 128], strides = [1, 1]} : vector<1x1024xf32> to vector<1x128xf32>
    %add3A_2348 = vector.broadcast %add3A_2311 : vector<128x1xf32> to vector<128x128xf32>
    %add3A_2349 = vector.broadcast %slice3A_2347 : vector<1x128xf32> to vector<128x128xf32>
    %add3A_2350 = arith.addf %add3A_2348, %add3A_2349 : vector<128x128xf32>
    %slice3A_2351 = vector.extract_strided_slice %dot_general3A_2313 {offsets = [0, 256], sizes = [128, 128], strides = [1, 1]} : vector<128x1024xf32> to vector<128x128xf32>
    %mul3A_2352 = arith.constant 2.000000e+00 : f32
    %mul3A_2353 = vector.broadcast %mul3A_2352 : f32 to vector<128x128xf32>
    %mul3A_2354 = arith.mulf %mul3A_2353, %slice3A_2351 : vector<128x128xf32>
    %sub3A_2355 = arith.subf %add3A_2350, %mul3A_2354 : vector<128x128xf32>
    %max3A_2356 = arith.constant 0.000000e+00 : f32
    %max3A_2357 = vector.broadcast %max3A_2356 : f32 to vector<128x128xf32>
    %max3A_2358 = arith.maximumf %sub3A_2355, %max3A_2357 : vector<128x128xf32>
    %sqrt3A_2359 = math.sqrt %max3A_2358 : vector<128x128xf32>
    %lt3A_2360 = arith.cmpf olt, %sqrt3A_2359, %min3A_2343 : vector<128x128xf32>
    %min3A_2361 = arith.minimumf %min3A_2343, %sqrt3A_2359 : vector<128x128xf32>
    %jit3A_2362 = arith.constant 2 : i32
    %broadcast_in_dim3A_2363 = vector.broadcast %jit3A_2362 : i32 to vector<128x128xi32>
    %select_n3A_2364 = arith.select %lt3A_2360, %broadcast_in_dim3A_2363, %select_n3A_2346 : vector<128x128xi1>, vector<128x128xi32>
    %slice3A_2365 = vector.extract_strided_slice %get3A_4 {offsets = [0, 384], sizes = [1, 128], strides = [1, 1]} : vector<1x1024xf32> to vector<1x128xf32>
    %add3A_2366 = vector.broadcast %add3A_2311 : vector<128x1xf32> to vector<128x128xf32>
    %add3A_2367 = vector.broadcast %slice3A_2365 : vector<1x128xf32> to vector<128x128xf32>
    %add3A_2368 = arith.addf %add3A_2366, %add3A_2367 : vector<128x128xf32>
    %slice3A_2369 = vector.extract_strided_slice %dot_general3A_2313 {offsets = [0, 384], sizes = [128, 128], strides = [1, 1]} : vector<128x1024xf32> to vector<128x128xf32>
    %mul3A_2370 = arith.constant 2.000000e+00 : f32
    %mul3A_2371 = vector.broadcast %mul3A_2370 : f32 to vector<128x128xf32>
    %mul3A_2372 = arith.mulf %mul3A_2371, %slice3A_2369 : vector<128x128xf32>
    %sub3A_2373 = arith.subf %add3A_2368, %mul3A_2372 : vector<128x128xf32>
    %max3A_2374 = arith.constant 0.000000e+00 : f32
    %max3A_2375 = vector.broadcast %max3A_2374 : f32 to vector<128x128xf32>
    %max3A_2376 = arith.maximumf %sub3A_2373, %max3A_2375 : vector<128x128xf32>
    %sqrt3A_2377 = math.sqrt %max3A_2376 : vector<128x128xf32>
    %lt3A_2378 = arith.cmpf olt, %sqrt3A_2377, %min3A_2361 : vector<128x128xf32>
    %min3A_2379 = arith.minimumf %min3A_2361, %sqrt3A_2377 : vector<128x128xf32>
    %jit3A_2380 = arith.constant 3 : i32
    %broadcast_in_dim3A_2381 = vector.broadcast %jit3A_2380 : i32 to vector<128x128xi32>
    %select_n3A_2382 = arith.select %lt3A_2378, %broadcast_in_dim3A_2381, %select_n3A_2364 : vector<128x128xi1>, vector<128x128xi32>
    %slice3A_2383 = vector.extract_strided_slice %get3A_4 {offsets = [0, 512], sizes = [1, 128], strides = [1, 1]} : vector<1x1024xf32> to vector<1x128xf32>
    %add3A_2384 = vector.broadcast %add3A_2311 : vector<128x1xf32> to vector<128x128xf32>
    %add3A_2385 = vector.broadcast %slice3A_2383 : vector<1x128xf32> to vector<128x128xf32>
    %add3A_2386 = arith.addf %add3A_2384, %add3A_2385 : vector<128x128xf32>
    %slice3A_2387 = vector.extract_strided_slice %dot_general3A_2313 {offsets = [0, 512], sizes = [128, 128], strides = [1, 1]} : vector<128x1024xf32> to vector<128x128xf32>
    %mul3A_2388 = arith.constant 2.000000e+00 : f32
    %mul3A_2389 = vector.broadcast %mul3A_2388 : f32 to vector<128x128xf32>
    %mul3A_2390 = arith.mulf %mul3A_2389, %slice3A_2387 : vector<128x128xf32>
    %sub3A_2391 = arith.subf %add3A_2386, %mul3A_2390 : vector<128x128xf32>
    %max3A_2392 = arith.constant 0.000000e+00 : f32
    %max3A_2393 = vector.broadcast %max3A_2392 : f32 to vector<128x128xf32>
    %max3A_2394 = arith.maximumf %sub3A_2391, %max3A_2393 : vector<128x128xf32>
    %sqrt3A_2395 = math.sqrt %max3A_2394 : vector<128x128xf32>
    %lt3A_2396 = arith.cmpf olt, %sqrt3A_2395, %min3A_2379 : vector<128x128xf32>
    %min3A_2397 = arith.minimumf %min3A_2379, %sqrt3A_2395 : vector<128x128xf32>
    %jit3A_2398 = arith.constant 4 : i32
    %broadcast_in_dim3A_2399 = vector.broadcast %jit3A_2398 : i32 to vector<128x128xi32>
    %select_n3A_2400 = arith.select %lt3A_2396, %broadcast_in_dim3A_2399, %select_n3A_2382 : vector<128x128xi1>, vector<128x128xi32>
    %slice3A_2401 = vector.extract_strided_slice %get3A_4 {offsets = [0, 640], sizes = [1, 128], strides = [1, 1]} : vector<1x1024xf32> to vector<1x128xf32>
    %add3A_2402 = vector.broadcast %add3A_2311 : vector<128x1xf32> to vector<128x128xf32>
    %add3A_2403 = vector.broadcast %slice3A_2401 : vector<1x128xf32> to vector<128x128xf32>
    %add3A_2404 = arith.addf %add3A_2402, %add3A_2403 : vector<128x128xf32>
    %slice3A_2405 = vector.extract_strided_slice %dot_general3A_2313 {offsets = [0, 640], sizes = [128, 128], strides = [1, 1]} : vector<128x1024xf32> to vector<128x128xf32>
    %mul3A_2406 = arith.constant 2.000000e+00 : f32
    %mul3A_2407 = vector.broadcast %mul3A_2406 : f32 to vector<128x128xf32>
    %mul3A_2408 = arith.mulf %mul3A_2407, %slice3A_2405 : vector<128x128xf32>
    %sub3A_2409 = arith.subf %add3A_2404, %mul3A_2408 : vector<128x128xf32>
    %max3A_2410 = arith.constant 0.000000e+00 : f32
    %max3A_2411 = vector.broadcast %max3A_2410 : f32 to vector<128x128xf32>
    %max3A_2412 = arith.maximumf %sub3A_2409, %max3A_2411 : vector<128x128xf32>
    %sqrt3A_2413 = math.sqrt %max3A_2412 : vector<128x128xf32>
    %lt3A_2414 = arith.cmpf olt, %sqrt3A_2413, %min3A_2397 : vector<128x128xf32>
    %min3A_2415 = arith.minimumf %min3A_2397, %sqrt3A_2413 : vector<128x128xf32>
    %jit3A_2416 = arith.constant 5 : i32
    %broadcast_in_dim3A_2417 = vector.broadcast %jit3A_2416 : i32 to vector<128x128xi32>
    %select_n3A_2418 = arith.select %lt3A_2414, %broadcast_in_dim3A_2417, %select_n3A_2400 : vector<128x128xi1>, vector<128x128xi32>
    %slice3A_2419 = vector.extract_strided_slice %get3A_4 {offsets = [0, 768], sizes = [1, 128], strides = [1, 1]} : vector<1x1024xf32> to vector<1x128xf32>
    %add3A_2420 = vector.broadcast %add3A_2311 : vector<128x1xf32> to vector<128x128xf32>
    %add3A_2421 = vector.broadcast %slice3A_2419 : vector<1x128xf32> to vector<128x128xf32>
    %add3A_2422 = arith.addf %add3A_2420, %add3A_2421 : vector<128x128xf32>
    %slice3A_2423 = vector.extract_strided_slice %dot_general3A_2313 {offsets = [0, 768], sizes = [128, 128], strides = [1, 1]} : vector<128x1024xf32> to vector<128x128xf32>
    %mul3A_2424 = arith.constant 2.000000e+00 : f32
    %mul3A_2425 = vector.broadcast %mul3A_2424 : f32 to vector<128x128xf32>
    %mul3A_2426 = arith.mulf %mul3A_2425, %slice3A_2423 : vector<128x128xf32>
    %sub3A_2427 = arith.subf %add3A_2422, %mul3A_2426 : vector<128x128xf32>
    %max3A_2428 = arith.constant 0.000000e+00 : f32
    %max3A_2429 = vector.broadcast %max3A_2428 : f32 to vector<128x128xf32>
    %max3A_2430 = arith.maximumf %sub3A_2427, %max3A_2429 : vector<128x128xf32>
    %sqrt3A_2431 = math.sqrt %max3A_2430 : vector<128x128xf32>
    %lt3A_2432 = arith.cmpf olt, %sqrt3A_2431, %min3A_2415 : vector<128x128xf32>
    %min3A_2433 = arith.minimumf %min3A_2415, %sqrt3A_2431 : vector<128x128xf32>
    %jit3A_2434 = arith.constant 6 : i32
    %broadcast_in_dim3A_2435 = vector.broadcast %jit3A_2434 : i32 to vector<128x128xi32>
    %select_n3A_2436 = arith.select %lt3A_2432, %broadcast_in_dim3A_2435, %select_n3A_2418 : vector<128x128xi1>, vector<128x128xi32>
    %slice3A_2437 = vector.extract_strided_slice %get3A_4 {offsets = [0, 896], sizes = [1, 128], strides = [1, 1]} : vector<1x1024xf32> to vector<1x128xf32>
    %add3A_2438 = vector.broadcast %add3A_2311 : vector<128x1xf32> to vector<128x128xf32>
    %add3A_2439 = vector.broadcast %slice3A_2437 : vector<1x128xf32> to vector<128x128xf32>
    %add3A_2440 = arith.addf %add3A_2438, %add3A_2439 : vector<128x128xf32>
    %slice3A_2441 = vector.extract_strided_slice %dot_general3A_2313 {offsets = [0, 896], sizes = [128, 128], strides = [1, 1]} : vector<128x1024xf32> to vector<128x128xf32>
    %mul3A_2442 = arith.constant 2.000000e+00 : f32
    %mul3A_2443 = vector.broadcast %mul3A_2442 : f32 to vector<128x128xf32>
    %mul3A_2444 = arith.mulf %mul3A_2443, %slice3A_2441 : vector<128x128xf32>
    %sub3A_2445 = arith.subf %add3A_2440, %mul3A_2444 : vector<128x128xf32>
    %max3A_2446 = arith.constant 0.000000e+00 : f32
    %max3A_2447 = vector.broadcast %max3A_2446 : f32 to vector<128x128xf32>
    %max3A_2448 = arith.maximumf %sub3A_2445, %max3A_2447 : vector<128x128xf32>
    %sqrt3A_2449 = math.sqrt %max3A_2448 : vector<128x128xf32>
    %lt3A_2450 = arith.cmpf olt, %sqrt3A_2449, %min3A_2433 : vector<128x128xf32>
    %min3A_2451 = arith.minimumf %min3A_2433, %sqrt3A_2449 : vector<128x128xf32>
    %jit3A_2452 = arith.constant 7 : i32
    %broadcast_in_dim3A_2453 = vector.broadcast %jit3A_2452 : i32 to vector<128x128xi32>
    %select_n3A_2454 = arith.select %lt3A_2450, %broadcast_in_dim3A_2453, %select_n3A_2436 : vector<128x128xi1>, vector<128x128xi32>
    %mul3A_2455 = arith.constant 128 : i32
    %mul3A_2456 = vector.broadcast %mul3A_2455 : i32 to vector<128x128xi32>
    %mul3A_2457 = arith.muli %select_n3A_2454, %mul3A_2456 : vector<128x128xi32>
    %add3A_2458 = arith.addi %mul3A_2457, %iota3A : vector<128x128xi32>
    %reduce_min3A_2459 = arith.constant dense<0x7F800000> : vector<128xf32>
    %reduce_min3A_2460 = vector.multi_reduction <minimumf>, %min3A_2451, %reduce_min3A_2459 [1] : vector<128x128xf32> to vector<128xf32>
    %broadcast_in_dim3A_2461 = vector.shape_cast %reduce_min3A_2460 : vector<128xf32> to vector<128x1xf32>
    %eq3A_2462 = vector.broadcast %broadcast_in_dim3A_2461 : vector<128x1xf32> to vector<128x128xf32>
    %eq3A_2463 = arith.cmpf oeq, %min3A_2451, %eq3A_2462 : vector<128x128xf32>
    %jit3A_2464 = arith.constant 1024 : i32
    %broadcast_in_dim3A_2465 = vector.broadcast %jit3A_2464 : i32 to vector<128x128xi32>
    %select_n3A_2466 = arith.select %eq3A_2463, %add3A_2458, %broadcast_in_dim3A_2465 : vector<128x128xi1>, vector<128x128xi32>
    %reduce_min3A_2467 = arith.constant dense<2147483647> : vector<128xi32>
    %reduce_min3A_2468 = vector.multi_reduction <minsi>, %select_n3A_2466, %reduce_min3A_2467 [1] : vector<128x128xi32> to vector<128xi32>
    %broadcast_in_dim3A_2469 = vector.shape_cast %reduce_min3A_2468 : vector<128xi32> to vector<128x1xi32>
    %swap3A_2470 = arith.constant 1536 : index
    %swap3A_2471 = arith.constant 0 : index
    %swap3A_2472 = vector.load %arg4[%swap3A_2470, %swap3A_2471] : memref<2304x1xi32, #tpu.memory_space<vmem>>, vector<128x1xi32>
    tpu.vector_store %arg4[%swap3A_2470, %swap3A_2471], %broadcast_in_dim3A_2469 {strides = array<i32>} : memref<2304x1xi32, #tpu.memory_space<vmem>>, vector<128x1xi32>,
    %mul3A_2473 = arith.mulf %broadcast_in_dim3A_2461, %broadcast_in_dim3A_2461 : vector<128x1xf32>
    %add3A_2474 = arith.addf %add3A_2283, %mul3A_2473 : vector<128x1xf32>
    %get3A_2475 = arith.constant 1664 : index
    %get3A_2476 = arith.constant 0 : index
    %get3A_2477 = vector.load %arg1[%get3A_2475, %get3A_2476] : memref<2304x64xf32, #tpu.memory_space<vmem>>, vector<128x64xf32>
    %mul3A_2478 = arith.mulf %get3A_2477, %get3A_2477 : vector<128x64xf32>
    %slice3A_2479 = vector.extract_strided_slice %mul3A_2478 {offsets = [0, 0], sizes = [128, 8], strides = [1, 1]} : vector<128x64xf32> to vector<128x8xf32>
    %slice3A_2480 = vector.extract_strided_slice %mul3A_2478 {offsets = [0, 8], sizes = [128, 8], strides = [1, 1]} : vector<128x64xf32> to vector<128x8xf32>
    %add3A_2481 = arith.addf %slice3A_2479, %slice3A_2480 : vector<128x8xf32>
    %slice3A_2482 = vector.extract_strided_slice %mul3A_2478 {offsets = [0, 16], sizes = [128, 8], strides = [1, 1]} : vector<128x64xf32> to vector<128x8xf32>
    %add3A_2483 = arith.addf %add3A_2481, %slice3A_2482 : vector<128x8xf32>
    %slice3A_2484 = vector.extract_strided_slice %mul3A_2478 {offsets = [0, 24], sizes = [128, 8], strides = [1, 1]} : vector<128x64xf32> to vector<128x8xf32>
    %add3A_2485 = arith.addf %add3A_2483, %slice3A_2484 : vector<128x8xf32>
    %slice3A_2486 = vector.extract_strided_slice %mul3A_2478 {offsets = [0, 32], sizes = [128, 8], strides = [1, 1]} : vector<128x64xf32> to vector<128x8xf32>
    %add3A_2487 = arith.addf %add3A_2485, %slice3A_2486 : vector<128x8xf32>
    %slice3A_2488 = vector.extract_strided_slice %mul3A_2478 {offsets = [0, 40], sizes = [128, 8], strides = [1, 1]} : vector<128x64xf32> to vector<128x8xf32>
    %add3A_2489 = arith.addf %add3A_2487, %slice3A_2488 : vector<128x8xf32>
    %slice3A_2490 = vector.extract_strided_slice %mul3A_2478 {offsets = [0, 48], sizes = [128, 8], strides = [1, 1]} : vector<128x64xf32> to vector<128x8xf32>
    %add3A_2491 = arith.addf %add3A_2489, %slice3A_2490 : vector<128x8xf32>
    %slice3A_2492 = vector.extract_strided_slice %mul3A_2478 {offsets = [0, 56], sizes = [128, 8], strides = [1, 1]} : vector<128x64xf32> to vector<128x8xf32>
    %add3A_2493 = arith.addf %add3A_2491, %slice3A_2492 : vector<128x8xf32>
    %slice3A_2494 = vector.extract_strided_slice %add3A_2493 {offsets = [0, 0], sizes = [128, 4], strides = [1, 1]} : vector<128x8xf32> to vector<128x4xf32>
    %slice3A_2495 = vector.extract_strided_slice %add3A_2493 {offsets = [0, 4], sizes = [128, 4], strides = [1, 1]} : vector<128x8xf32> to vector<128x4xf32>
    %add3A_2496 = arith.addf %slice3A_2494, %slice3A_2495 : vector<128x4xf32>
    %slice3A_2497 = vector.extract_strided_slice %add3A_2496 {offsets = [0, 0], sizes = [128, 2], strides = [1, 1]} : vector<128x4xf32> to vector<128x2xf32>
    %slice3A_2498 = vector.extract_strided_slice %add3A_2496 {offsets = [0, 2], sizes = [128, 2], strides = [1, 1]} : vector<128x4xf32> to vector<128x2xf32>
    %add3A_2499 = arith.addf %slice3A_2497, %slice3A_2498 : vector<128x2xf32>
    %slice3A_2500 = vector.extract_strided_slice %add3A_2499 {offsets = [0, 0], sizes = [128, 1], strides = [1, 1]} : vector<128x2xf32> to vector<128x1xf32>
    %slice3A_2501 = vector.extract_strided_slice %add3A_2499 {offsets = [0, 1], sizes = [128, 1], strides = [1, 1]} : vector<128x2xf32> to vector<128x1xf32>
    %add3A_2502 = arith.addf %slice3A_2500, %slice3A_2501 : vector<128x1xf32>
    %dot_general3A_2503 = arith.constant dense<0.000000e+00> : vector<128x1024xf32>
    %dot_general3A_2504 = tpu.matmul %get3A_2477, %get3A_1, %dot_general3A_2503 {dimension_numbers = #tpu.dot_dimension_numbers<[1], [1], [0], [0], [0, 0, 1, 0], [], []>, transpose_lhs_hint = false} : vector<128x64xf32>, vector<1024x64xf32>, vector<128x1024xf32> -> vector<128x1024xf32>
    %slice3A_2505 = vector.extract_strided_slice %get3A_4 {offsets = [0, 0], sizes = [1, 128], strides = [1, 1]} : vector<1x1024xf32> to vector<1x128xf32>
    %add3A_2506 = vector.broadcast %add3A_2502 : vector<128x1xf32> to vector<128x128xf32>
    %add3A_2507 = vector.broadcast %slice3A_2505 : vector<1x128xf32> to vector<128x128xf32>
    %add3A_2508 = arith.addf %add3A_2506, %add3A_2507 : vector<128x128xf32>
    %slice3A_2509 = vector.extract_strided_slice %dot_general3A_2504 {offsets = [0, 0], sizes = [128, 128], strides = [1, 1]} : vector<128x1024xf32> to vector<128x128xf32>
    %mul3A_2510 = arith.constant 2.000000e+00 : f32
    %mul3A_2511 = vector.broadcast %mul3A_2510 : f32 to vector<128x128xf32>
    %mul3A_2512 = arith.mulf %mul3A_2511, %slice3A_2509 : vector<128x128xf32>
    %sub3A_2513 = arith.subf %add3A_2508, %mul3A_2512 : vector<128x128xf32>
    %max3A_2514 = arith.constant 0.000000e+00 : f32
    %max3A_2515 = vector.broadcast %max3A_2514 : f32 to vector<128x128xf32>
    %max3A_2516 = arith.maximumf %sub3A_2513, %max3A_2515 : vector<128x128xf32>
    %sqrt3A_2517 = math.sqrt %max3A_2516 : vector<128x128xf32>
    %broadcast_in_dim3A_2518 = arith.constant 0 : i32
    %broadcast_in_dim3A_2519 = vector.broadcast %broadcast_in_dim3A_2518 : i32 to vector<128x128xi32>
    %slice3A_2520 = vector.extract_strided_slice %get3A_4 {offsets = [0, 128], sizes = [1, 128], strides = [1, 1]} : vector<1x1024xf32> to vector<1x128xf32>
    %add3A_2521 = vector.broadcast %add3A_2502 : vector<128x1xf32> to vector<128x128xf32>
    %add3A_2522 = vector.broadcast %slice3A_2520 : vector<1x128xf32> to vector<128x128xf32>
    %add3A_2523 = arith.addf %add3A_2521, %add3A_2522 : vector<128x128xf32>
    %slice3A_2524 = vector.extract_strided_slice %dot_general3A_2504 {offsets = [0, 128], sizes = [128, 128], strides = [1, 1]} : vector<128x1024xf32> to vector<128x128xf32>
    %mul3A_2525 = arith.constant 2.000000e+00 : f32
    %mul3A_2526 = vector.broadcast %mul3A_2525 : f32 to vector<128x128xf32>
    %mul3A_2527 = arith.mulf %mul3A_2526, %slice3A_2524 : vector<128x128xf32>
    %sub3A_2528 = arith.subf %add3A_2523, %mul3A_2527 : vector<128x128xf32>
    %max3A_2529 = arith.constant 0.000000e+00 : f32
    %max3A_2530 = vector.broadcast %max3A_2529 : f32 to vector<128x128xf32>
    %max3A_2531 = arith.maximumf %sub3A_2528, %max3A_2530 : vector<128x128xf32>
    %sqrt3A_2532 = math.sqrt %max3A_2531 : vector<128x128xf32>
    %lt3A_2533 = arith.cmpf olt, %sqrt3A_2532, %sqrt3A_2517 : vector<128x128xf32>
    %min3A_2534 = arith.minimumf %sqrt3A_2517, %sqrt3A_2532 : vector<128x128xf32>
    %jit3A_2535 = arith.constant 1 : i32
    %broadcast_in_dim3A_2536 = vector.broadcast %jit3A_2535 : i32 to vector<128x128xi32>
    %select_n3A_2537 = arith.select %lt3A_2533, %broadcast_in_dim3A_2536, %broadcast_in_dim3A_2519 : vector<128x128xi1>, vector<128x128xi32>
    %slice3A_2538 = vector.extract_strided_slice %get3A_4 {offsets = [0, 256], sizes = [1, 128], strides = [1, 1]} : vector<1x1024xf32> to vector<1x128xf32>
    %add3A_2539 = vector.broadcast %add3A_2502 : vector<128x1xf32> to vector<128x128xf32>
    %add3A_2540 = vector.broadcast %slice3A_2538 : vector<1x128xf32> to vector<128x128xf32>
    %add3A_2541 = arith.addf %add3A_2539, %add3A_2540 : vector<128x128xf32>
    %slice3A_2542 = vector.extract_strided_slice %dot_general3A_2504 {offsets = [0, 256], sizes = [128, 128], strides = [1, 1]} : vector<128x1024xf32> to vector<128x128xf32>
    %mul3A_2543 = arith.constant 2.000000e+00 : f32
    %mul3A_2544 = vector.broadcast %mul3A_2543 : f32 to vector<128x128xf32>
    %mul3A_2545 = arith.mulf %mul3A_2544, %slice3A_2542 : vector<128x128xf32>
    %sub3A_2546 = arith.subf %add3A_2541, %mul3A_2545 : vector<128x128xf32>
    %max3A_2547 = arith.constant 0.000000e+00 : f32
    %max3A_2548 = vector.broadcast %max3A_2547 : f32 to vector<128x128xf32>
    %max3A_2549 = arith.maximumf %sub3A_2546, %max3A_2548 : vector<128x128xf32>
    %sqrt3A_2550 = math.sqrt %max3A_2549 : vector<128x128xf32>
    %lt3A_2551 = arith.cmpf olt, %sqrt3A_2550, %min3A_2534 : vector<128x128xf32>
    %min3A_2552 = arith.minimumf %min3A_2534, %sqrt3A_2550 : vector<128x128xf32>
    %jit3A_2553 = arith.constant 2 : i32
    %broadcast_in_dim3A_2554 = vector.broadcast %jit3A_2553 : i32 to vector<128x128xi32>
    %select_n3A_2555 = arith.select %lt3A_2551, %broadcast_in_dim3A_2554, %select_n3A_2537 : vector<128x128xi1>, vector<128x128xi32>
    %slice3A_2556 = vector.extract_strided_slice %get3A_4 {offsets = [0, 384], sizes = [1, 128], strides = [1, 1]} : vector<1x1024xf32> to vector<1x128xf32>
    %add3A_2557 = vector.broadcast %add3A_2502 : vector<128x1xf32> to vector<128x128xf32>
    %add3A_2558 = vector.broadcast %slice3A_2556 : vector<1x128xf32> to vector<128x128xf32>
    %add3A_2559 = arith.addf %add3A_2557, %add3A_2558 : vector<128x128xf32>
    %slice3A_2560 = vector.extract_strided_slice %dot_general3A_2504 {offsets = [0, 384], sizes = [128, 128], strides = [1, 1]} : vector<128x1024xf32> to vector<128x128xf32>
    %mul3A_2561 = arith.constant 2.000000e+00 : f32
    %mul3A_2562 = vector.broadcast %mul3A_2561 : f32 to vector<128x128xf32>
    %mul3A_2563 = arith.mulf %mul3A_2562, %slice3A_2560 : vector<128x128xf32>
    %sub3A_2564 = arith.subf %add3A_2559, %mul3A_2563 : vector<128x128xf32>
    %max3A_2565 = arith.constant 0.000000e+00 : f32
    %max3A_2566 = vector.broadcast %max3A_2565 : f32 to vector<128x128xf32>
    %max3A_2567 = arith.maximumf %sub3A_2564, %max3A_2566 : vector<128x128xf32>
    %sqrt3A_2568 = math.sqrt %max3A_2567 : vector<128x128xf32>
    %lt3A_2569 = arith.cmpf olt, %sqrt3A_2568, %min3A_2552 : vector<128x128xf32>
    %min3A_2570 = arith.minimumf %min3A_2552, %sqrt3A_2568 : vector<128x128xf32>
    %jit3A_2571 = arith.constant 3 : i32
    %broadcast_in_dim3A_2572 = vector.broadcast %jit3A_2571 : i32 to vector<128x128xi32>
    %select_n3A_2573 = arith.select %lt3A_2569, %broadcast_in_dim3A_2572, %select_n3A_2555 : vector<128x128xi1>, vector<128x128xi32>
    %slice3A_2574 = vector.extract_strided_slice %get3A_4 {offsets = [0, 512], sizes = [1, 128], strides = [1, 1]} : vector<1x1024xf32> to vector<1x128xf32>
    %add3A_2575 = vector.broadcast %add3A_2502 : vector<128x1xf32> to vector<128x128xf32>
    %add3A_2576 = vector.broadcast %slice3A_2574 : vector<1x128xf32> to vector<128x128xf32>
    %add3A_2577 = arith.addf %add3A_2575, %add3A_2576 : vector<128x128xf32>
    %slice3A_2578 = vector.extract_strided_slice %dot_general3A_2504 {offsets = [0, 512], sizes = [128, 128], strides = [1, 1]} : vector<128x1024xf32> to vector<128x128xf32>
    %mul3A_2579 = arith.constant 2.000000e+00 : f32
    %mul3A_2580 = vector.broadcast %mul3A_2579 : f32 to vector<128x128xf32>
    %mul3A_2581 = arith.mulf %mul3A_2580, %slice3A_2578 : vector<128x128xf32>
    %sub3A_2582 = arith.subf %add3A_2577, %mul3A_2581 : vector<128x128xf32>
    %max3A_2583 = arith.constant 0.000000e+00 : f32
    %max3A_2584 = vector.broadcast %max3A_2583 : f32 to vector<128x128xf32>
    %max3A_2585 = arith.maximumf %sub3A_2582, %max3A_2584 : vector<128x128xf32>
    %sqrt3A_2586 = math.sqrt %max3A_2585 : vector<128x128xf32>
    %lt3A_2587 = arith.cmpf olt, %sqrt3A_2586, %min3A_2570 : vector<128x128xf32>
    %min3A_2588 = arith.minimumf %min3A_2570, %sqrt3A_2586 : vector<128x128xf32>
    %jit3A_2589 = arith.constant 4 : i32
    %broadcast_in_dim3A_2590 = vector.broadcast %jit3A_2589 : i32 to vector<128x128xi32>
    %select_n3A_2591 = arith.select %lt3A_2587, %broadcast_in_dim3A_2590, %select_n3A_2573 : vector<128x128xi1>, vector<128x128xi32>
    %slice3A_2592 = vector.extract_strided_slice %get3A_4 {offsets = [0, 640], sizes = [1, 128], strides = [1, 1]} : vector<1x1024xf32> to vector<1x128xf32>
    %add3A_2593 = vector.broadcast %add3A_2502 : vector<128x1xf32> to vector<128x128xf32>
    %add3A_2594 = vector.broadcast %slice3A_2592 : vector<1x128xf32> to vector<128x128xf32>
    %add3A_2595 = arith.addf %add3A_2593, %add3A_2594 : vector<128x128xf32>
    %slice3A_2596 = vector.extract_strided_slice %dot_general3A_2504 {offsets = [0, 640], sizes = [128, 128], strides = [1, 1]} : vector<128x1024xf32> to vector<128x128xf32>
    %mul3A_2597 = arith.constant 2.000000e+00 : f32
    %mul3A_2598 = vector.broadcast %mul3A_2597 : f32 to vector<128x128xf32>
    %mul3A_2599 = arith.mulf %mul3A_2598, %slice3A_2596 : vector<128x128xf32>
    %sub3A_2600 = arith.subf %add3A_2595, %mul3A_2599 : vector<128x128xf32>
    %max3A_2601 = arith.constant 0.000000e+00 : f32
    %max3A_2602 = vector.broadcast %max3A_2601 : f32 to vector<128x128xf32>
    %max3A_2603 = arith.maximumf %sub3A_2600, %max3A_2602 : vector<128x128xf32>
    %sqrt3A_2604 = math.sqrt %max3A_2603 : vector<128x128xf32>
    %lt3A_2605 = arith.cmpf olt, %sqrt3A_2604, %min3A_2588 : vector<128x128xf32>
    %min3A_2606 = arith.minimumf %min3A_2588, %sqrt3A_2604 : vector<128x128xf32>
    %jit3A_2607 = arith.constant 5 : i32
    %broadcast_in_dim3A_2608 = vector.broadcast %jit3A_2607 : i32 to vector<128x128xi32>
    %select_n3A_2609 = arith.select %lt3A_2605, %broadcast_in_dim3A_2608, %select_n3A_2591 : vector<128x128xi1>, vector<128x128xi32>
    %slice3A_2610 = vector.extract_strided_slice %get3A_4 {offsets = [0, 768], sizes = [1, 128], strides = [1, 1]} : vector<1x1024xf32> to vector<1x128xf32>
    %add3A_2611 = vector.broadcast %add3A_2502 : vector<128x1xf32> to vector<128x128xf32>
    %add3A_2612 = vector.broadcast %slice3A_2610 : vector<1x128xf32> to vector<128x128xf32>
    %add3A_2613 = arith.addf %add3A_2611, %add3A_2612 : vector<128x128xf32>
    %slice3A_2614 = vector.extract_strided_slice %dot_general3A_2504 {offsets = [0, 768], sizes = [128, 128], strides = [1, 1]} : vector<128x1024xf32> to vector<128x128xf32>
    %mul3A_2615 = arith.constant 2.000000e+00 : f32
    %mul3A_2616 = vector.broadcast %mul3A_2615 : f32 to vector<128x128xf32>
    %mul3A_2617 = arith.mulf %mul3A_2616, %slice3A_2614 : vector<128x128xf32>
    %sub3A_2618 = arith.subf %add3A_2613, %mul3A_2617 : vector<128x128xf32>
    %max3A_2619 = arith.constant 0.000000e+00 : f32
    %max3A_2620 = vector.broadcast %max3A_2619 : f32 to vector<128x128xf32>
    %max3A_2621 = arith.maximumf %sub3A_2618, %max3A_2620 : vector<128x128xf32>
    %sqrt3A_2622 = math.sqrt %max3A_2621 : vector<128x128xf32>
    %lt3A_2623 = arith.cmpf olt, %sqrt3A_2622, %min3A_2606 : vector<128x128xf32>
    %min3A_2624 = arith.minimumf %min3A_2606, %sqrt3A_2622 : vector<128x128xf32>
    %jit3A_2625 = arith.constant 6 : i32
    %broadcast_in_dim3A_2626 = vector.broadcast %jit3A_2625 : i32 to vector<128x128xi32>
    %select_n3A_2627 = arith.select %lt3A_2623, %broadcast_in_dim3A_2626, %select_n3A_2609 : vector<128x128xi1>, vector<128x128xi32>
    %slice3A_2628 = vector.extract_strided_slice %get3A_4 {offsets = [0, 896], sizes = [1, 128], strides = [1, 1]} : vector<1x1024xf32> to vector<1x128xf32>
    %add3A_2629 = vector.broadcast %add3A_2502 : vector<128x1xf32> to vector<128x128xf32>
    %add3A_2630 = vector.broadcast %slice3A_2628 : vector<1x128xf32> to vector<128x128xf32>
    %add3A_2631 = arith.addf %add3A_2629, %add3A_2630 : vector<128x128xf32>
    %slice3A_2632 = vector.extract_strided_slice %dot_general3A_2504 {offsets = [0, 896], sizes = [128, 128], strides = [1, 1]} : vector<128x1024xf32> to vector<128x128xf32>
    %mul3A_2633 = arith.constant 2.000000e+00 : f32
    %mul3A_2634 = vector.broadcast %mul3A_2633 : f32 to vector<128x128xf32>
    %mul3A_2635 = arith.mulf %mul3A_2634, %slice3A_2632 : vector<128x128xf32>
    %sub3A_2636 = arith.subf %add3A_2631, %mul3A_2635 : vector<128x128xf32>
    %max3A_2637 = arith.constant 0.000000e+00 : f32
    %max3A_2638 = vector.broadcast %max3A_2637 : f32 to vector<128x128xf32>
    %max3A_2639 = arith.maximumf %sub3A_2636, %max3A_2638 : vector<128x128xf32>
    %sqrt3A_2640 = math.sqrt %max3A_2639 : vector<128x128xf32>
    %lt3A_2641 = arith.cmpf olt, %sqrt3A_2640, %min3A_2624 : vector<128x128xf32>
    %min3A_2642 = arith.minimumf %min3A_2624, %sqrt3A_2640 : vector<128x128xf32>
    %jit3A_2643 = arith.constant 7 : i32
    %broadcast_in_dim3A_2644 = vector.broadcast %jit3A_2643 : i32 to vector<128x128xi32>
    %select_n3A_2645 = arith.select %lt3A_2641, %broadcast_in_dim3A_2644, %select_n3A_2627 : vector<128x128xi1>, vector<128x128xi32>
    %mul3A_2646 = arith.constant 128 : i32
    %mul3A_2647 = vector.broadcast %mul3A_2646 : i32 to vector<128x128xi32>
    %mul3A_2648 = arith.muli %select_n3A_2645, %mul3A_2647 : vector<128x128xi32>
    %add3A_2649 = arith.addi %mul3A_2648, %iota3A : vector<128x128xi32>
    %reduce_min3A_2650 = arith.constant dense<0x7F800000> : vector<128xf32>
    %reduce_min3A_2651 = vector.multi_reduction <minimumf>, %min3A_2642, %reduce_min3A_2650 [1] : vector<128x128xf32> to vector<128xf32>
    %broadcast_in_dim3A_2652 = vector.shape_cast %reduce_min3A_2651 : vector<128xf32> to vector<128x1xf32>
    %eq3A_2653 = vector.broadcast %broadcast_in_dim3A_2652 : vector<128x1xf32> to vector<128x128xf32>
    %eq3A_2654 = arith.cmpf oeq, %min3A_2642, %eq3A_2653 : vector<128x128xf32>
    %jit3A_2655 = arith.constant 1024 : i32
    %broadcast_in_dim3A_2656 = vector.broadcast %jit3A_2655 : i32 to vector<128x128xi32>
    %select_n3A_2657 = arith.select %eq3A_2654, %add3A_2649, %broadcast_in_dim3A_2656 : vector<128x128xi1>, vector<128x128xi32>
    %reduce_min3A_2658 = arith.constant dense<2147483647> : vector<128xi32>
    %reduce_min3A_2659 = vector.multi_reduction <minsi>, %select_n3A_2657, %reduce_min3A_2658 [1] : vector<128x128xi32> to vector<128xi32>
    %broadcast_in_dim3A_2660 = vector.shape_cast %reduce_min3A_2659 : vector<128xi32> to vector<128x1xi32>
    %swap3A_2661 = arith.constant 1664 : index
    %swap3A_2662 = arith.constant 0 : index
    %swap3A_2663 = vector.load %arg4[%swap3A_2661, %swap3A_2662] : memref<2304x1xi32, #tpu.memory_space<vmem>>, vector<128x1xi32>
    tpu.vector_store %arg4[%swap3A_2661, %swap3A_2662], %broadcast_in_dim3A_2660 {strides = array<i32>} : memref<2304x1xi32, #tpu.memory_space<vmem>>, vector<128x1xi32>,
    %mul3A_2664 = arith.mulf %broadcast_in_dim3A_2652, %broadcast_in_dim3A_2652 : vector<128x1xf32>
    %add3A_2665 = arith.addf %add3A_2474, %mul3A_2664 : vector<128x1xf32>
    %get3A_2666 = arith.constant 1792 : index
    %get3A_2667 = arith.constant 0 : index
    %get3A_2668 = vector.load %arg1[%get3A_2666, %get3A_2667] : memref<2304x64xf32, #tpu.memory_space<vmem>>, vector<128x64xf32>
    %mul3A_2669 = arith.mulf %get3A_2668, %get3A_2668 : vector<128x64xf32>
    %slice3A_2670 = vector.extract_strided_slice %mul3A_2669 {offsets = [0, 0], sizes = [128, 8], strides = [1, 1]} : vector<128x64xf32> to vector<128x8xf32>
    %slice3A_2671 = vector.extract_strided_slice %mul3A_2669 {offsets = [0, 8], sizes = [128, 8], strides = [1, 1]} : vector<128x64xf32> to vector<128x8xf32>
    %add3A_2672 = arith.addf %slice3A_2670, %slice3A_2671 : vector<128x8xf32>
    %slice3A_2673 = vector.extract_strided_slice %mul3A_2669 {offsets = [0, 16], sizes = [128, 8], strides = [1, 1]} : vector<128x64xf32> to vector<128x8xf32>
    %add3A_2674 = arith.addf %add3A_2672, %slice3A_2673 : vector<128x8xf32>
    %slice3A_2675 = vector.extract_strided_slice %mul3A_2669 {offsets = [0, 24], sizes = [128, 8], strides = [1, 1]} : vector<128x64xf32> to vector<128x8xf32>
    %add3A_2676 = arith.addf %add3A_2674, %slice3A_2675 : vector<128x8xf32>
    %slice3A_2677 = vector.extract_strided_slice %mul3A_2669 {offsets = [0, 32], sizes = [128, 8], strides = [1, 1]} : vector<128x64xf32> to vector<128x8xf32>
    %add3A_2678 = arith.addf %add3A_2676, %slice3A_2677 : vector<128x8xf32>
    %slice3A_2679 = vector.extract_strided_slice %mul3A_2669 {offsets = [0, 40], sizes = [128, 8], strides = [1, 1]} : vector<128x64xf32> to vector<128x8xf32>
    %add3A_2680 = arith.addf %add3A_2678, %slice3A_2679 : vector<128x8xf32>
    %slice3A_2681 = vector.extract_strided_slice %mul3A_2669 {offsets = [0, 48], sizes = [128, 8], strides = [1, 1]} : vector<128x64xf32> to vector<128x8xf32>
    %add3A_2682 = arith.addf %add3A_2680, %slice3A_2681 : vector<128x8xf32>
    %slice3A_2683 = vector.extract_strided_slice %mul3A_2669 {offsets = [0, 56], sizes = [128, 8], strides = [1, 1]} : vector<128x64xf32> to vector<128x8xf32>
    %add3A_2684 = arith.addf %add3A_2682, %slice3A_2683 : vector<128x8xf32>
    %slice3A_2685 = vector.extract_strided_slice %add3A_2684 {offsets = [0, 0], sizes = [128, 4], strides = [1, 1]} : vector<128x8xf32> to vector<128x4xf32>
    %slice3A_2686 = vector.extract_strided_slice %add3A_2684 {offsets = [0, 4], sizes = [128, 4], strides = [1, 1]} : vector<128x8xf32> to vector<128x4xf32>
    %add3A_2687 = arith.addf %slice3A_2685, %slice3A_2686 : vector<128x4xf32>
    %slice3A_2688 = vector.extract_strided_slice %add3A_2687 {offsets = [0, 0], sizes = [128, 2], strides = [1, 1]} : vector<128x4xf32> to vector<128x2xf32>
    %slice3A_2689 = vector.extract_strided_slice %add3A_2687 {offsets = [0, 2], sizes = [128, 2], strides = [1, 1]} : vector<128x4xf32> to vector<128x2xf32>
    %add3A_2690 = arith.addf %slice3A_2688, %slice3A_2689 : vector<128x2xf32>
    %slice3A_2691 = vector.extract_strided_slice %add3A_2690 {offsets = [0, 0], sizes = [128, 1], strides = [1, 1]} : vector<128x2xf32> to vector<128x1xf32>
    %slice3A_2692 = vector.extract_strided_slice %add3A_2690 {offsets = [0, 1], sizes = [128, 1], strides = [1, 1]} : vector<128x2xf32> to vector<128x1xf32>
    %add3A_2693 = arith.addf %slice3A_2691, %slice3A_2692 : vector<128x1xf32>
    %dot_general3A_2694 = arith.constant dense<0.000000e+00> : vector<128x1024xf32>
    %dot_general3A_2695 = tpu.matmul %get3A_2668, %get3A_1, %dot_general3A_2694 {dimension_numbers = #tpu.dot_dimension_numbers<[1], [1], [0], [0], [0, 0, 1, 0], [], []>, transpose_lhs_hint = false} : vector<128x64xf32>, vector<1024x64xf32>, vector<128x1024xf32> -> vector<128x1024xf32>
    %slice3A_2696 = vector.extract_strided_slice %get3A_4 {offsets = [0, 0], sizes = [1, 128], strides = [1, 1]} : vector<1x1024xf32> to vector<1x128xf32>
    %add3A_2697 = vector.broadcast %add3A_2693 : vector<128x1xf32> to vector<128x128xf32>
    %add3A_2698 = vector.broadcast %slice3A_2696 : vector<1x128xf32> to vector<128x128xf32>
    %add3A_2699 = arith.addf %add3A_2697, %add3A_2698 : vector<128x128xf32>
    %slice3A_2700 = vector.extract_strided_slice %dot_general3A_2695 {offsets = [0, 0], sizes = [128, 128], strides = [1, 1]} : vector<128x1024xf32> to vector<128x128xf32>
    %mul3A_2701 = arith.constant 2.000000e+00 : f32
    %mul3A_2702 = vector.broadcast %mul3A_2701 : f32 to vector<128x128xf32>
    %mul3A_2703 = arith.mulf %mul3A_2702, %slice3A_2700 : vector<128x128xf32>
    %sub3A_2704 = arith.subf %add3A_2699, %mul3A_2703 : vector<128x128xf32>
    %max3A_2705 = arith.constant 0.000000e+00 : f32
    %max3A_2706 = vector.broadcast %max3A_2705 : f32 to vector<128x128xf32>
    %max3A_2707 = arith.maximumf %sub3A_2704, %max3A_2706 : vector<128x128xf32>
    %sqrt3A_2708 = math.sqrt %max3A_2707 : vector<128x128xf32>
    %broadcast_in_dim3A_2709 = arith.constant 0 : i32
    %broadcast_in_dim3A_2710 = vector.broadcast %broadcast_in_dim3A_2709 : i32 to vector<128x128xi32>
    %slice3A_2711 = vector.extract_strided_slice %get3A_4 {offsets = [0, 128], sizes = [1, 128], strides = [1, 1]} : vector<1x1024xf32> to vector<1x128xf32>
    %add3A_2712 = vector.broadcast %add3A_2693 : vector<128x1xf32> to vector<128x128xf32>
    %add3A_2713 = vector.broadcast %slice3A_2711 : vector<1x128xf32> to vector<128x128xf32>
    %add3A_2714 = arith.addf %add3A_2712, %add3A_2713 : vector<128x128xf32>
    %slice3A_2715 = vector.extract_strided_slice %dot_general3A_2695 {offsets = [0, 128], sizes = [128, 128], strides = [1, 1]} : vector<128x1024xf32> to vector<128x128xf32>
    %mul3A_2716 = arith.constant 2.000000e+00 : f32
    %mul3A_2717 = vector.broadcast %mul3A_2716 : f32 to vector<128x128xf32>
    %mul3A_2718 = arith.mulf %mul3A_2717, %slice3A_2715 : vector<128x128xf32>
    %sub3A_2719 = arith.subf %add3A_2714, %mul3A_2718 : vector<128x128xf32>
    %max3A_2720 = arith.constant 0.000000e+00 : f32
    %max3A_2721 = vector.broadcast %max3A_2720 : f32 to vector<128x128xf32>
    %max3A_2722 = arith.maximumf %sub3A_2719, %max3A_2721 : vector<128x128xf32>
    %sqrt3A_2723 = math.sqrt %max3A_2722 : vector<128x128xf32>
    %lt3A_2724 = arith.cmpf olt, %sqrt3A_2723, %sqrt3A_2708 : vector<128x128xf32>
    %min3A_2725 = arith.minimumf %sqrt3A_2708, %sqrt3A_2723 : vector<128x128xf32>
    %jit3A_2726 = arith.constant 1 : i32
    %broadcast_in_dim3A_2727 = vector.broadcast %jit3A_2726 : i32 to vector<128x128xi32>
    %select_n3A_2728 = arith.select %lt3A_2724, %broadcast_in_dim3A_2727, %broadcast_in_dim3A_2710 : vector<128x128xi1>, vector<128x128xi32>
    %slice3A_2729 = vector.extract_strided_slice %get3A_4 {offsets = [0, 256], sizes = [1, 128], strides = [1, 1]} : vector<1x1024xf32> to vector<1x128xf32>
    %add3A_2730 = vector.broadcast %add3A_2693 : vector<128x1xf32> to vector<128x128xf32>
    %add3A_2731 = vector.broadcast %slice3A_2729 : vector<1x128xf32> to vector<128x128xf32>
    %add3A_2732 = arith.addf %add3A_2730, %add3A_2731 : vector<128x128xf32>
    %slice3A_2733 = vector.extract_strided_slice %dot_general3A_2695 {offsets = [0, 256], sizes = [128, 128], strides = [1, 1]} : vector<128x1024xf32> to vector<128x128xf32>
    %mul3A_2734 = arith.constant 2.000000e+00 : f32
    %mul3A_2735 = vector.broadcast %mul3A_2734 : f32 to vector<128x128xf32>
    %mul3A_2736 = arith.mulf %mul3A_2735, %slice3A_2733 : vector<128x128xf32>
    %sub3A_2737 = arith.subf %add3A_2732, %mul3A_2736 : vector<128x128xf32>
    %max3A_2738 = arith.constant 0.000000e+00 : f32
    %max3A_2739 = vector.broadcast %max3A_2738 : f32 to vector<128x128xf32>
    %max3A_2740 = arith.maximumf %sub3A_2737, %max3A_2739 : vector<128x128xf32>
    %sqrt3A_2741 = math.sqrt %max3A_2740 : vector<128x128xf32>
    %lt3A_2742 = arith.cmpf olt, %sqrt3A_2741, %min3A_2725 : vector<128x128xf32>
    %min3A_2743 = arith.minimumf %min3A_2725, %sqrt3A_2741 : vector<128x128xf32>
    %jit3A_2744 = arith.constant 2 : i32
    %broadcast_in_dim3A_2745 = vector.broadcast %jit3A_2744 : i32 to vector<128x128xi32>
    %select_n3A_2746 = arith.select %lt3A_2742, %broadcast_in_dim3A_2745, %select_n3A_2728 : vector<128x128xi1>, vector<128x128xi32>
    %slice3A_2747 = vector.extract_strided_slice %get3A_4 {offsets = [0, 384], sizes = [1, 128], strides = [1, 1]} : vector<1x1024xf32> to vector<1x128xf32>
    %add3A_2748 = vector.broadcast %add3A_2693 : vector<128x1xf32> to vector<128x128xf32>
    %add3A_2749 = vector.broadcast %slice3A_2747 : vector<1x128xf32> to vector<128x128xf32>
    %add3A_2750 = arith.addf %add3A_2748, %add3A_2749 : vector<128x128xf32>
    %slice3A_2751 = vector.extract_strided_slice %dot_general3A_2695 {offsets = [0, 384], sizes = [128, 128], strides = [1, 1]} : vector<128x1024xf32> to vector<128x128xf32>
    %mul3A_2752 = arith.constant 2.000000e+00 : f32
    %mul3A_2753 = vector.broadcast %mul3A_2752 : f32 to vector<128x128xf32>
    %mul3A_2754 = arith.mulf %mul3A_2753, %slice3A_2751 : vector<128x128xf32>
    %sub3A_2755 = arith.subf %add3A_2750, %mul3A_2754 : vector<128x128xf32>
    %max3A_2756 = arith.constant 0.000000e+00 : f32
    %max3A_2757 = vector.broadcast %max3A_2756 : f32 to vector<128x128xf32>
    %max3A_2758 = arith.maximumf %sub3A_2755, %max3A_2757 : vector<128x128xf32>
    %sqrt3A_2759 = math.sqrt %max3A_2758 : vector<128x128xf32>
    %lt3A_2760 = arith.cmpf olt, %sqrt3A_2759, %min3A_2743 : vector<128x128xf32>
    %min3A_2761 = arith.minimumf %min3A_2743, %sqrt3A_2759 : vector<128x128xf32>
    %jit3A_2762 = arith.constant 3 : i32
    %broadcast_in_dim3A_2763 = vector.broadcast %jit3A_2762 : i32 to vector<128x128xi32>
    %select_n3A_2764 = arith.select %lt3A_2760, %broadcast_in_dim3A_2763, %select_n3A_2746 : vector<128x128xi1>, vector<128x128xi32>
    %slice3A_2765 = vector.extract_strided_slice %get3A_4 {offsets = [0, 512], sizes = [1, 128], strides = [1, 1]} : vector<1x1024xf32> to vector<1x128xf32>
    %add3A_2766 = vector.broadcast %add3A_2693 : vector<128x1xf32> to vector<128x128xf32>
    %add3A_2767 = vector.broadcast %slice3A_2765 : vector<1x128xf32> to vector<128x128xf32>
    %add3A_2768 = arith.addf %add3A_2766, %add3A_2767 : vector<128x128xf32>
    %slice3A_2769 = vector.extract_strided_slice %dot_general3A_2695 {offsets = [0, 512], sizes = [128, 128], strides = [1, 1]} : vector<128x1024xf32> to vector<128x128xf32>
    %mul3A_2770 = arith.constant 2.000000e+00 : f32
    %mul3A_2771 = vector.broadcast %mul3A_2770 : f32 to vector<128x128xf32>
    %mul3A_2772 = arith.mulf %mul3A_2771, %slice3A_2769 : vector<128x128xf32>
    %sub3A_2773 = arith.subf %add3A_2768, %mul3A_2772 : vector<128x128xf32>
    %max3A_2774 = arith.constant 0.000000e+00 : f32
    %max3A_2775 = vector.broadcast %max3A_2774 : f32 to vector<128x128xf32>
    %max3A_2776 = arith.maximumf %sub3A_2773, %max3A_2775 : vector<128x128xf32>
    %sqrt3A_2777 = math.sqrt %max3A_2776 : vector<128x128xf32>
    %lt3A_2778 = arith.cmpf olt, %sqrt3A_2777, %min3A_2761 : vector<128x128xf32>
    %min3A_2779 = arith.minimumf %min3A_2761, %sqrt3A_2777 : vector<128x128xf32>
    %jit3A_2780 = arith.constant 4 : i32
    %broadcast_in_dim3A_2781 = vector.broadcast %jit3A_2780 : i32 to vector<128x128xi32>
    %select_n3A_2782 = arith.select %lt3A_2778, %broadcast_in_dim3A_2781, %select_n3A_2764 : vector<128x128xi1>, vector<128x128xi32>
    %slice3A_2783 = vector.extract_strided_slice %get3A_4 {offsets = [0, 640], sizes = [1, 128], strides = [1, 1]} : vector<1x1024xf32> to vector<1x128xf32>
    %add3A_2784 = vector.broadcast %add3A_2693 : vector<128x1xf32> to vector<128x128xf32>
    %add3A_2785 = vector.broadcast %slice3A_2783 : vector<1x128xf32> to vector<128x128xf32>
    %add3A_2786 = arith.addf %add3A_2784, %add3A_2785 : vector<128x128xf32>
    %slice3A_2787 = vector.extract_strided_slice %dot_general3A_2695 {offsets = [0, 640], sizes = [128, 128], strides = [1, 1]} : vector<128x1024xf32> to vector<128x128xf32>
    %mul3A_2788 = arith.constant 2.000000e+00 : f32
    %mul3A_2789 = vector.broadcast %mul3A_2788 : f32 to vector<128x128xf32>
    %mul3A_2790 = arith.mulf %mul3A_2789, %slice3A_2787 : vector<128x128xf32>
    %sub3A_2791 = arith.subf %add3A_2786, %mul3A_2790 : vector<128x128xf32>
    %max3A_2792 = arith.constant 0.000000e+00 : f32
    %max3A_2793 = vector.broadcast %max3A_2792 : f32 to vector<128x128xf32>
    %max3A_2794 = arith.maximumf %sub3A_2791, %max3A_2793 : vector<128x128xf32>
    %sqrt3A_2795 = math.sqrt %max3A_2794 : vector<128x128xf32>
    %lt3A_2796 = arith.cmpf olt, %sqrt3A_2795, %min3A_2779 : vector<128x128xf32>
    %min3A_2797 = arith.minimumf %min3A_2779, %sqrt3A_2795 : vector<128x128xf32>
    %jit3A_2798 = arith.constant 5 : i32
    %broadcast_in_dim3A_2799 = vector.broadcast %jit3A_2798 : i32 to vector<128x128xi32>
    %select_n3A_2800 = arith.select %lt3A_2796, %broadcast_in_dim3A_2799, %select_n3A_2782 : vector<128x128xi1>, vector<128x128xi32>
    %slice3A_2801 = vector.extract_strided_slice %get3A_4 {offsets = [0, 768], sizes = [1, 128], strides = [1, 1]} : vector<1x1024xf32> to vector<1x128xf32>
    %add3A_2802 = vector.broadcast %add3A_2693 : vector<128x1xf32> to vector<128x128xf32>
    %add3A_2803 = vector.broadcast %slice3A_2801 : vector<1x128xf32> to vector<128x128xf32>
    %add3A_2804 = arith.addf %add3A_2802, %add3A_2803 : vector<128x128xf32>
    %slice3A_2805 = vector.extract_strided_slice %dot_general3A_2695 {offsets = [0, 768], sizes = [128, 128], strides = [1, 1]} : vector<128x1024xf32> to vector<128x128xf32>
    %mul3A_2806 = arith.constant 2.000000e+00 : f32
    %mul3A_2807 = vector.broadcast %mul3A_2806 : f32 to vector<128x128xf32>
    %mul3A_2808 = arith.mulf %mul3A_2807, %slice3A_2805 : vector<128x128xf32>
    %sub3A_2809 = arith.subf %add3A_2804, %mul3A_2808 : vector<128x128xf32>
    %max3A_2810 = arith.constant 0.000000e+00 : f32
    %max3A_2811 = vector.broadcast %max3A_2810 : f32 to vector<128x128xf32>
    %max3A_2812 = arith.maximumf %sub3A_2809, %max3A_2811 : vector<128x128xf32>
    %sqrt3A_2813 = math.sqrt %max3A_2812 : vector<128x128xf32>
    %lt3A_2814 = arith.cmpf olt, %sqrt3A_2813, %min3A_2797 : vector<128x128xf32>
    %min3A_2815 = arith.minimumf %min3A_2797, %sqrt3A_2813 : vector<128x128xf32>
    %jit3A_2816 = arith.constant 6 : i32
    %broadcast_in_dim3A_2817 = vector.broadcast %jit3A_2816 : i32 to vector<128x128xi32>
    %select_n3A_2818 = arith.select %lt3A_2814, %broadcast_in_dim3A_2817, %select_n3A_2800 : vector<128x128xi1>, vector<128x128xi32>
    %slice3A_2819 = vector.extract_strided_slice %get3A_4 {offsets = [0, 896], sizes = [1, 128], strides = [1, 1]} : vector<1x1024xf32> to vector<1x128xf32>
    %add3A_2820 = vector.broadcast %add3A_2693 : vector<128x1xf32> to vector<128x128xf32>
    %add3A_2821 = vector.broadcast %slice3A_2819 : vector<1x128xf32> to vector<128x128xf32>
    %add3A_2822 = arith.addf %add3A_2820, %add3A_2821 : vector<128x128xf32>
    %slice3A_2823 = vector.extract_strided_slice %dot_general3A_2695 {offsets = [0, 896], sizes = [128, 128], strides = [1, 1]} : vector<128x1024xf32> to vector<128x128xf32>
    %mul3A_2824 = arith.constant 2.000000e+00 : f32
    %mul3A_2825 = vector.broadcast %mul3A_2824 : f32 to vector<128x128xf32>
    %mul3A_2826 = arith.mulf %mul3A_2825, %slice3A_2823 : vector<128x128xf32>
    %sub3A_2827 = arith.subf %add3A_2822, %mul3A_2826 : vector<128x128xf32>
    %max3A_2828 = arith.constant 0.000000e+00 : f32
    %max3A_2829 = vector.broadcast %max3A_2828 : f32 to vector<128x128xf32>
    %max3A_2830 = arith.maximumf %sub3A_2827, %max3A_2829 : vector<128x128xf32>
    %sqrt3A_2831 = math.sqrt %max3A_2830 : vector<128x128xf32>
    %lt3A_2832 = arith.cmpf olt, %sqrt3A_2831, %min3A_2815 : vector<128x128xf32>
    %min3A_2833 = arith.minimumf %min3A_2815, %sqrt3A_2831 : vector<128x128xf32>
    %jit3A_2834 = arith.constant 7 : i32
    %broadcast_in_dim3A_2835 = vector.broadcast %jit3A_2834 : i32 to vector<128x128xi32>
    %select_n3A_2836 = arith.select %lt3A_2832, %broadcast_in_dim3A_2835, %select_n3A_2818 : vector<128x128xi1>, vector<128x128xi32>
    %mul3A_2837 = arith.constant 128 : i32
    %mul3A_2838 = vector.broadcast %mul3A_2837 : i32 to vector<128x128xi32>
    %mul3A_2839 = arith.muli %select_n3A_2836, %mul3A_2838 : vector<128x128xi32>
    %add3A_2840 = arith.addi %mul3A_2839, %iota3A : vector<128x128xi32>
    %reduce_min3A_2841 = arith.constant dense<0x7F800000> : vector<128xf32>
    %reduce_min3A_2842 = vector.multi_reduction <minimumf>, %min3A_2833, %reduce_min3A_2841 [1] : vector<128x128xf32> to vector<128xf32>
    %broadcast_in_dim3A_2843 = vector.shape_cast %reduce_min3A_2842 : vector<128xf32> to vector<128x1xf32>
    %eq3A_2844 = vector.broadcast %broadcast_in_dim3A_2843 : vector<128x1xf32> to vector<128x128xf32>
    %eq3A_2845 = arith.cmpf oeq, %min3A_2833, %eq3A_2844 : vector<128x128xf32>
    %jit3A_2846 = arith.constant 1024 : i32
    %broadcast_in_dim3A_2847 = vector.broadcast %jit3A_2846 : i32 to vector<128x128xi32>
    %select_n3A_2848 = arith.select %eq3A_2845, %add3A_2840, %broadcast_in_dim3A_2847 : vector<128x128xi1>, vector<128x128xi32>
    %reduce_min3A_2849 = arith.constant dense<2147483647> : vector<128xi32>
    %reduce_min3A_2850 = vector.multi_reduction <minsi>, %select_n3A_2848, %reduce_min3A_2849 [1] : vector<128x128xi32> to vector<128xi32>
    %broadcast_in_dim3A_2851 = vector.shape_cast %reduce_min3A_2850 : vector<128xi32> to vector<128x1xi32>
    %swap3A_2852 = arith.constant 1792 : index
    %swap3A_2853 = arith.constant 0 : index
    %swap3A_2854 = vector.load %arg4[%swap3A_2852, %swap3A_2853] : memref<2304x1xi32, #tpu.memory_space<vmem>>, vector<128x1xi32>
    tpu.vector_store %arg4[%swap3A_2852, %swap3A_2853], %broadcast_in_dim3A_2851 {strides = array<i32>} : memref<2304x1xi32, #tpu.memory_space<vmem>>, vector<128x1xi32>,
    %mul3A_2855 = arith.mulf %broadcast_in_dim3A_2843, %broadcast_in_dim3A_2843 : vector<128x1xf32>
    %add3A_2856 = arith.addf %add3A_2665, %mul3A_2855 : vector<128x1xf32>
    %get3A_2857 = arith.constant 1920 : index
    %get3A_2858 = arith.constant 0 : index
    %get3A_2859 = vector.load %arg1[%get3A_2857, %get3A_2858] : memref<2304x64xf32, #tpu.memory_space<vmem>>, vector<128x64xf32>
    %mul3A_2860 = arith.mulf %get3A_2859, %get3A_2859 : vector<128x64xf32>
    %slice3A_2861 = vector.extract_strided_slice %mul3A_2860 {offsets = [0, 0], sizes = [128, 8], strides = [1, 1]} : vector<128x64xf32> to vector<128x8xf32>
    %slice3A_2862 = vector.extract_strided_slice %mul3A_2860 {offsets = [0, 8], sizes = [128, 8], strides = [1, 1]} : vector<128x64xf32> to vector<128x8xf32>
    %add3A_2863 = arith.addf %slice3A_2861, %slice3A_2862 : vector<128x8xf32>
    %slice3A_2864 = vector.extract_strided_slice %mul3A_2860 {offsets = [0, 16], sizes = [128, 8], strides = [1, 1]} : vector<128x64xf32> to vector<128x8xf32>
    %add3A_2865 = arith.addf %add3A_2863, %slice3A_2864 : vector<128x8xf32>
    %slice3A_2866 = vector.extract_strided_slice %mul3A_2860 {offsets = [0, 24], sizes = [128, 8], strides = [1, 1]} : vector<128x64xf32> to vector<128x8xf32>
    %add3A_2867 = arith.addf %add3A_2865, %slice3A_2866 : vector<128x8xf32>
    %slice3A_2868 = vector.extract_strided_slice %mul3A_2860 {offsets = [0, 32], sizes = [128, 8], strides = [1, 1]} : vector<128x64xf32> to vector<128x8xf32>
    %add3A_2869 = arith.addf %add3A_2867, %slice3A_2868 : vector<128x8xf32>
    %slice3A_2870 = vector.extract_strided_slice %mul3A_2860 {offsets = [0, 40], sizes = [128, 8], strides = [1, 1]} : vector<128x64xf32> to vector<128x8xf32>
    %add3A_2871 = arith.addf %add3A_2869, %slice3A_2870 : vector<128x8xf32>
    %slice3A_2872 = vector.extract_strided_slice %mul3A_2860 {offsets = [0, 48], sizes = [128, 8], strides = [1, 1]} : vector<128x64xf32> to vector<128x8xf32>
    %add3A_2873 = arith.addf %add3A_2871, %slice3A_2872 : vector<128x8xf32>
    %slice3A_2874 = vector.extract_strided_slice %mul3A_2860 {offsets = [0, 56], sizes = [128, 8], strides = [1, 1]} : vector<128x64xf32> to vector<128x8xf32>
    %add3A_2875 = arith.addf %add3A_2873, %slice3A_2874 : vector<128x8xf32>
    %slice3A_2876 = vector.extract_strided_slice %add3A_2875 {offsets = [0, 0], sizes = [128, 4], strides = [1, 1]} : vector<128x8xf32> to vector<128x4xf32>
    %slice3A_2877 = vector.extract_strided_slice %add3A_2875 {offsets = [0, 4], sizes = [128, 4], strides = [1, 1]} : vector<128x8xf32> to vector<128x4xf32>
    %add3A_2878 = arith.addf %slice3A_2876, %slice3A_2877 : vector<128x4xf32>
    %slice3A_2879 = vector.extract_strided_slice %add3A_2878 {offsets = [0, 0], sizes = [128, 2], strides = [1, 1]} : vector<128x4xf32> to vector<128x2xf32>
    %slice3A_2880 = vector.extract_strided_slice %add3A_2878 {offsets = [0, 2], sizes = [128, 2], strides = [1, 1]} : vector<128x4xf32> to vector<128x2xf32>
    %add3A_2881 = arith.addf %slice3A_2879, %slice3A_2880 : vector<128x2xf32>
    %slice3A_2882 = vector.extract_strided_slice %add3A_2881 {offsets = [0, 0], sizes = [128, 1], strides = [1, 1]} : vector<128x2xf32> to vector<128x1xf32>
    %slice3A_2883 = vector.extract_strided_slice %add3A_2881 {offsets = [0, 1], sizes = [128, 1], strides = [1, 1]} : vector<128x2xf32> to vector<128x1xf32>
    %add3A_2884 = arith.addf %slice3A_2882, %slice3A_2883 : vector<128x1xf32>
    %dot_general3A_2885 = arith.constant dense<0.000000e+00> : vector<128x1024xf32>
    %dot_general3A_2886 = tpu.matmul %get3A_2859, %get3A_1, %dot_general3A_2885 {dimension_numbers = #tpu.dot_dimension_numbers<[1], [1], [0], [0], [0, 0, 1, 0], [], []>, transpose_lhs_hint = false} : vector<128x64xf32>, vector<1024x64xf32>, vector<128x1024xf32> -> vector<128x1024xf32>
    %slice3A_2887 = vector.extract_strided_slice %get3A_4 {offsets = [0, 0], sizes = [1, 128], strides = [1, 1]} : vector<1x1024xf32> to vector<1x128xf32>
    %add3A_2888 = vector.broadcast %add3A_2884 : vector<128x1xf32> to vector<128x128xf32>
    %add3A_2889 = vector.broadcast %slice3A_2887 : vector<1x128xf32> to vector<128x128xf32>
    %add3A_2890 = arith.addf %add3A_2888, %add3A_2889 : vector<128x128xf32>
    %slice3A_2891 = vector.extract_strided_slice %dot_general3A_2886 {offsets = [0, 0], sizes = [128, 128], strides = [1, 1]} : vector<128x1024xf32> to vector<128x128xf32>
    %mul3A_2892 = arith.constant 2.000000e+00 : f32
    %mul3A_2893 = vector.broadcast %mul3A_2892 : f32 to vector<128x128xf32>
    %mul3A_2894 = arith.mulf %mul3A_2893, %slice3A_2891 : vector<128x128xf32>
    %sub3A_2895 = arith.subf %add3A_2890, %mul3A_2894 : vector<128x128xf32>
    %max3A_2896 = arith.constant 0.000000e+00 : f32
    %max3A_2897 = vector.broadcast %max3A_2896 : f32 to vector<128x128xf32>
    %max3A_2898 = arith.maximumf %sub3A_2895, %max3A_2897 : vector<128x128xf32>
    %sqrt3A_2899 = math.sqrt %max3A_2898 : vector<128x128xf32>
    %broadcast_in_dim3A_2900 = arith.constant 0 : i32
    %broadcast_in_dim3A_2901 = vector.broadcast %broadcast_in_dim3A_2900 : i32 to vector<128x128xi32>
    %slice3A_2902 = vector.extract_strided_slice %get3A_4 {offsets = [0, 128], sizes = [1, 128], strides = [1, 1]} : vector<1x1024xf32> to vector<1x128xf32>
    %add3A_2903 = vector.broadcast %add3A_2884 : vector<128x1xf32> to vector<128x128xf32>
    %add3A_2904 = vector.broadcast %slice3A_2902 : vector<1x128xf32> to vector<128x128xf32>
    %add3A_2905 = arith.addf %add3A_2903, %add3A_2904 : vector<128x128xf32>
    %slice3A_2906 = vector.extract_strided_slice %dot_general3A_2886 {offsets = [0, 128], sizes = [128, 128], strides = [1, 1]} : vector<128x1024xf32> to vector<128x128xf32>
    %mul3A_2907 = arith.constant 2.000000e+00 : f32
    %mul3A_2908 = vector.broadcast %mul3A_2907 : f32 to vector<128x128xf32>
    %mul3A_2909 = arith.mulf %mul3A_2908, %slice3A_2906 : vector<128x128xf32>
    %sub3A_2910 = arith.subf %add3A_2905, %mul3A_2909 : vector<128x128xf32>
    %max3A_2911 = arith.constant 0.000000e+00 : f32
    %max3A_2912 = vector.broadcast %max3A_2911 : f32 to vector<128x128xf32>
    %max3A_2913 = arith.maximumf %sub3A_2910, %max3A_2912 : vector<128x128xf32>
    %sqrt3A_2914 = math.sqrt %max3A_2913 : vector<128x128xf32>
    %lt3A_2915 = arith.cmpf olt, %sqrt3A_2914, %sqrt3A_2899 : vector<128x128xf32>
    %min3A_2916 = arith.minimumf %sqrt3A_2899, %sqrt3A_2914 : vector<128x128xf32>
    %jit3A_2917 = arith.constant 1 : i32
    %broadcast_in_dim3A_2918 = vector.broadcast %jit3A_2917 : i32 to vector<128x128xi32>
    %select_n3A_2919 = arith.select %lt3A_2915, %broadcast_in_dim3A_2918, %broadcast_in_dim3A_2901 : vector<128x128xi1>, vector<128x128xi32>
    %slice3A_2920 = vector.extract_strided_slice %get3A_4 {offsets = [0, 256], sizes = [1, 128], strides = [1, 1]} : vector<1x1024xf32> to vector<1x128xf32>
    %add3A_2921 = vector.broadcast %add3A_2884 : vector<128x1xf32> to vector<128x128xf32>
    %add3A_2922 = vector.broadcast %slice3A_2920 : vector<1x128xf32> to vector<128x128xf32>
    %add3A_2923 = arith.addf %add3A_2921, %add3A_2922 : vector<128x128xf32>
    %slice3A_2924 = vector.extract_strided_slice %dot_general3A_2886 {offsets = [0, 256], sizes = [128, 128], strides = [1, 1]} : vector<128x1024xf32> to vector<128x128xf32>
    %mul3A_2925 = arith.constant 2.000000e+00 : f32
    %mul3A_2926 = vector.broadcast %mul3A_2925 : f32 to vector<128x128xf32>
    %mul3A_2927 = arith.mulf %mul3A_2926, %slice3A_2924 : vector<128x128xf32>
    %sub3A_2928 = arith.subf %add3A_2923, %mul3A_2927 : vector<128x128xf32>
    %max3A_2929 = arith.constant 0.000000e+00 : f32
    %max3A_2930 = vector.broadcast %max3A_2929 : f32 to vector<128x128xf32>
    %max3A_2931 = arith.maximumf %sub3A_2928, %max3A_2930 : vector<128x128xf32>
    %sqrt3A_2932 = math.sqrt %max3A_2931 : vector<128x128xf32>
    %lt3A_2933 = arith.cmpf olt, %sqrt3A_2932, %min3A_2916 : vector<128x128xf32>
    %min3A_2934 = arith.minimumf %min3A_2916, %sqrt3A_2932 : vector<128x128xf32>
    %jit3A_2935 = arith.constant 2 : i32
    %broadcast_in_dim3A_2936 = vector.broadcast %jit3A_2935 : i32 to vector<128x128xi32>
    %select_n3A_2937 = arith.select %lt3A_2933, %broadcast_in_dim3A_2936, %select_n3A_2919 : vector<128x128xi1>, vector<128x128xi32>
    %slice3A_2938 = vector.extract_strided_slice %get3A_4 {offsets = [0, 384], sizes = [1, 128], strides = [1, 1]} : vector<1x1024xf32> to vector<1x128xf32>
    %add3A_2939 = vector.broadcast %add3A_2884 : vector<128x1xf32> to vector<128x128xf32>
    %add3A_2940 = vector.broadcast %slice3A_2938 : vector<1x128xf32> to vector<128x128xf32>
    %add3A_2941 = arith.addf %add3A_2939, %add3A_2940 : vector<128x128xf32>
    %slice3A_2942 = vector.extract_strided_slice %dot_general3A_2886 {offsets = [0, 384], sizes = [128, 128], strides = [1, 1]} : vector<128x1024xf32> to vector<128x128xf32>
    %mul3A_2943 = arith.constant 2.000000e+00 : f32
    %mul3A_2944 = vector.broadcast %mul3A_2943 : f32 to vector<128x128xf32>
    %mul3A_2945 = arith.mulf %mul3A_2944, %slice3A_2942 : vector<128x128xf32>
    %sub3A_2946 = arith.subf %add3A_2941, %mul3A_2945 : vector<128x128xf32>
    %max3A_2947 = arith.constant 0.000000e+00 : f32
    %max3A_2948 = vector.broadcast %max3A_2947 : f32 to vector<128x128xf32>
    %max3A_2949 = arith.maximumf %sub3A_2946, %max3A_2948 : vector<128x128xf32>
    %sqrt3A_2950 = math.sqrt %max3A_2949 : vector<128x128xf32>
    %lt3A_2951 = arith.cmpf olt, %sqrt3A_2950, %min3A_2934 : vector<128x128xf32>
    %min3A_2952 = arith.minimumf %min3A_2934, %sqrt3A_2950 : vector<128x128xf32>
    %jit3A_2953 = arith.constant 3 : i32
    %broadcast_in_dim3A_2954 = vector.broadcast %jit3A_2953 : i32 to vector<128x128xi32>
    %select_n3A_2955 = arith.select %lt3A_2951, %broadcast_in_dim3A_2954, %select_n3A_2937 : vector<128x128xi1>, vector<128x128xi32>
    %slice3A_2956 = vector.extract_strided_slice %get3A_4 {offsets = [0, 512], sizes = [1, 128], strides = [1, 1]} : vector<1x1024xf32> to vector<1x128xf32>
    %add3A_2957 = vector.broadcast %add3A_2884 : vector<128x1xf32> to vector<128x128xf32>
    %add3A_2958 = vector.broadcast %slice3A_2956 : vector<1x128xf32> to vector<128x128xf32>
    %add3A_2959 = arith.addf %add3A_2957, %add3A_2958 : vector<128x128xf32>
    %slice3A_2960 = vector.extract_strided_slice %dot_general3A_2886 {offsets = [0, 512], sizes = [128, 128], strides = [1, 1]} : vector<128x1024xf32> to vector<128x128xf32>
    %mul3A_2961 = arith.constant 2.000000e+00 : f32
    %mul3A_2962 = vector.broadcast %mul3A_2961 : f32 to vector<128x128xf32>
    %mul3A_2963 = arith.mulf %mul3A_2962, %slice3A_2960 : vector<128x128xf32>
    %sub3A_2964 = arith.subf %add3A_2959, %mul3A_2963 : vector<128x128xf32>
    %max3A_2965 = arith.constant 0.000000e+00 : f32
    %max3A_2966 = vector.broadcast %max3A_2965 : f32 to vector<128x128xf32>
    %max3A_2967 = arith.maximumf %sub3A_2964, %max3A_2966 : vector<128x128xf32>
    %sqrt3A_2968 = math.sqrt %max3A_2967 : vector<128x128xf32>
    %lt3A_2969 = arith.cmpf olt, %sqrt3A_2968, %min3A_2952 : vector<128x128xf32>
    %min3A_2970 = arith.minimumf %min3A_2952, %sqrt3A_2968 : vector<128x128xf32>
    %jit3A_2971 = arith.constant 4 : i32
    %broadcast_in_dim3A_2972 = vector.broadcast %jit3A_2971 : i32 to vector<128x128xi32>
    %select_n3A_2973 = arith.select %lt3A_2969, %broadcast_in_dim3A_2972, %select_n3A_2955 : vector<128x128xi1>, vector<128x128xi32>
    %slice3A_2974 = vector.extract_strided_slice %get3A_4 {offsets = [0, 640], sizes = [1, 128], strides = [1, 1]} : vector<1x1024xf32> to vector<1x128xf32>
    %add3A_2975 = vector.broadcast %add3A_2884 : vector<128x1xf32> to vector<128x128xf32>
    %add3A_2976 = vector.broadcast %slice3A_2974 : vector<1x128xf32> to vector<128x128xf32>
    %add3A_2977 = arith.addf %add3A_2975, %add3A_2976 : vector<128x128xf32>
    %slice3A_2978 = vector.extract_strided_slice %dot_general3A_2886 {offsets = [0, 640], sizes = [128, 128], strides = [1, 1]} : vector<128x1024xf32> to vector<128x128xf32>
    %mul3A_2979 = arith.constant 2.000000e+00 : f32
    %mul3A_2980 = vector.broadcast %mul3A_2979 : f32 to vector<128x128xf32>
    %mul3A_2981 = arith.mulf %mul3A_2980, %slice3A_2978 : vector<128x128xf32>
    %sub3A_2982 = arith.subf %add3A_2977, %mul3A_2981 : vector<128x128xf32>
    %max3A_2983 = arith.constant 0.000000e+00 : f32
    %max3A_2984 = vector.broadcast %max3A_2983 : f32 to vector<128x128xf32>
    %max3A_2985 = arith.maximumf %sub3A_2982, %max3A_2984 : vector<128x128xf32>
    %sqrt3A_2986 = math.sqrt %max3A_2985 : vector<128x128xf32>
    %lt3A_2987 = arith.cmpf olt, %sqrt3A_2986, %min3A_2970 : vector<128x128xf32>
    %min3A_2988 = arith.minimumf %min3A_2970, %sqrt3A_2986 : vector<128x128xf32>
    %jit3A_2989 = arith.constant 5 : i32
    %broadcast_in_dim3A_2990 = vector.broadcast %jit3A_2989 : i32 to vector<128x128xi32>
    %select_n3A_2991 = arith.select %lt3A_2987, %broadcast_in_dim3A_2990, %select_n3A_2973 : vector<128x128xi1>, vector<128x128xi32>
    %slice3A_2992 = vector.extract_strided_slice %get3A_4 {offsets = [0, 768], sizes = [1, 128], strides = [1, 1]} : vector<1x1024xf32> to vector<1x128xf32>
    %add3A_2993 = vector.broadcast %add3A_2884 : vector<128x1xf32> to vector<128x128xf32>
    %add3A_2994 = vector.broadcast %slice3A_2992 : vector<1x128xf32> to vector<128x128xf32>
    %add3A_2995 = arith.addf %add3A_2993, %add3A_2994 : vector<128x128xf32>
    %slice3A_2996 = vector.extract_strided_slice %dot_general3A_2886 {offsets = [0, 768], sizes = [128, 128], strides = [1, 1]} : vector<128x1024xf32> to vector<128x128xf32>
    %mul3A_2997 = arith.constant 2.000000e+00 : f32
    %mul3A_2998 = vector.broadcast %mul3A_2997 : f32 to vector<128x128xf32>
    %mul3A_2999 = arith.mulf %mul3A_2998, %slice3A_2996 : vector<128x128xf32>
    %sub3A_3000 = arith.subf %add3A_2995, %mul3A_2999 : vector<128x128xf32>
    %max3A_3001 = arith.constant 0.000000e+00 : f32
    %max3A_3002 = vector.broadcast %max3A_3001 : f32 to vector<128x128xf32>
    %max3A_3003 = arith.maximumf %sub3A_3000, %max3A_3002 : vector<128x128xf32>
    %sqrt3A_3004 = math.sqrt %max3A_3003 : vector<128x128xf32>
    %lt3A_3005 = arith.cmpf olt, %sqrt3A_3004, %min3A_2988 : vector<128x128xf32>
    %min3A_3006 = arith.minimumf %min3A_2988, %sqrt3A_3004 : vector<128x128xf32>
    %jit3A_3007 = arith.constant 6 : i32
    %broadcast_in_dim3A_3008 = vector.broadcast %jit3A_3007 : i32 to vector<128x128xi32>
    %select_n3A_3009 = arith.select %lt3A_3005, %broadcast_in_dim3A_3008, %select_n3A_2991 : vector<128x128xi1>, vector<128x128xi32>
    %slice3A_3010 = vector.extract_strided_slice %get3A_4 {offsets = [0, 896], sizes = [1, 128], strides = [1, 1]} : vector<1x1024xf32> to vector<1x128xf32>
    %add3A_3011 = vector.broadcast %add3A_2884 : vector<128x1xf32> to vector<128x128xf32>
    %add3A_3012 = vector.broadcast %slice3A_3010 : vector<1x128xf32> to vector<128x128xf32>
    %add3A_3013 = arith.addf %add3A_3011, %add3A_3012 : vector<128x128xf32>
    %slice3A_3014 = vector.extract_strided_slice %dot_general3A_2886 {offsets = [0, 896], sizes = [128, 128], strides = [1, 1]} : vector<128x1024xf32> to vector<128x128xf32>
    %mul3A_3015 = arith.constant 2.000000e+00 : f32
    %mul3A_3016 = vector.broadcast %mul3A_3015 : f32 to vector<128x128xf32>
    %mul3A_3017 = arith.mulf %mul3A_3016, %slice3A_3014 : vector<128x128xf32>
    %sub3A_3018 = arith.subf %add3A_3013, %mul3A_3017 : vector<128x128xf32>
    %max3A_3019 = arith.constant 0.000000e+00 : f32
    %max3A_3020 = vector.broadcast %max3A_3019 : f32 to vector<128x128xf32>
    %max3A_3021 = arith.maximumf %sub3A_3018, %max3A_3020 : vector<128x128xf32>
    %sqrt3A_3022 = math.sqrt %max3A_3021 : vector<128x128xf32>
    %lt3A_3023 = arith.cmpf olt, %sqrt3A_3022, %min3A_3006 : vector<128x128xf32>
    %min3A_3024 = arith.minimumf %min3A_3006, %sqrt3A_3022 : vector<128x128xf32>
    %jit3A_3025 = arith.constant 7 : i32
    %broadcast_in_dim3A_3026 = vector.broadcast %jit3A_3025 : i32 to vector<128x128xi32>
    %select_n3A_3027 = arith.select %lt3A_3023, %broadcast_in_dim3A_3026, %select_n3A_3009 : vector<128x128xi1>, vector<128x128xi32>
    %mul3A_3028 = arith.constant 128 : i32
    %mul3A_3029 = vector.broadcast %mul3A_3028 : i32 to vector<128x128xi32>
    %mul3A_3030 = arith.muli %select_n3A_3027, %mul3A_3029 : vector<128x128xi32>
    %add3A_3031 = arith.addi %mul3A_3030, %iota3A : vector<128x128xi32>
    %reduce_min3A_3032 = arith.constant dense<0x7F800000> : vector<128xf32>
    %reduce_min3A_3033 = vector.multi_reduction <minimumf>, %min3A_3024, %reduce_min3A_3032 [1] : vector<128x128xf32> to vector<128xf32>
    %broadcast_in_dim3A_3034 = vector.shape_cast %reduce_min3A_3033 : vector<128xf32> to vector<128x1xf32>
    %eq3A_3035 = vector.broadcast %broadcast_in_dim3A_3034 : vector<128x1xf32> to vector<128x128xf32>
    %eq3A_3036 = arith.cmpf oeq, %min3A_3024, %eq3A_3035 : vector<128x128xf32>
    %jit3A_3037 = arith.constant 1024 : i32
    %broadcast_in_dim3A_3038 = vector.broadcast %jit3A_3037 : i32 to vector<128x128xi32>
    %select_n3A_3039 = arith.select %eq3A_3036, %add3A_3031, %broadcast_in_dim3A_3038 : vector<128x128xi1>, vector<128x128xi32>
    %reduce_min3A_3040 = arith.constant dense<2147483647> : vector<128xi32>
    %reduce_min3A_3041 = vector.multi_reduction <minsi>, %select_n3A_3039, %reduce_min3A_3040 [1] : vector<128x128xi32> to vector<128xi32>
    %broadcast_in_dim3A_3042 = vector.shape_cast %reduce_min3A_3041 : vector<128xi32> to vector<128x1xi32>
    %swap3A_3043 = arith.constant 1920 : index
    %swap3A_3044 = arith.constant 0 : index
    %swap3A_3045 = vector.load %arg4[%swap3A_3043, %swap3A_3044] : memref<2304x1xi32, #tpu.memory_space<vmem>>, vector<128x1xi32>
    tpu.vector_store %arg4[%swap3A_3043, %swap3A_3044], %broadcast_in_dim3A_3042 {strides = array<i32>} : memref<2304x1xi32, #tpu.memory_space<vmem>>, vector<128x1xi32>,
    %mul3A_3046 = arith.mulf %broadcast_in_dim3A_3034, %broadcast_in_dim3A_3034 : vector<128x1xf32>
    %add3A_3047 = arith.addf %add3A_2856, %mul3A_3046 : vector<128x1xf32>
    %get3A_3048 = arith.constant 2048 : index
    %get3A_3049 = arith.constant 0 : index
    %get3A_3050 = vector.load %arg1[%get3A_3048, %get3A_3049] : memref<2304x64xf32, #tpu.memory_space<vmem>>, vector<128x64xf32>
    %mul3A_3051 = arith.mulf %get3A_3050, %get3A_3050 : vector<128x64xf32>
    %slice3A_3052 = vector.extract_strided_slice %mul3A_3051 {offsets = [0, 0], sizes = [128, 8], strides = [1, 1]} : vector<128x64xf32> to vector<128x8xf32>
    %slice3A_3053 = vector.extract_strided_slice %mul3A_3051 {offsets = [0, 8], sizes = [128, 8], strides = [1, 1]} : vector<128x64xf32> to vector<128x8xf32>
    %add3A_3054 = arith.addf %slice3A_3052, %slice3A_3053 : vector<128x8xf32>
    %slice3A_3055 = vector.extract_strided_slice %mul3A_3051 {offsets = [0, 16], sizes = [128, 8], strides = [1, 1]} : vector<128x64xf32> to vector<128x8xf32>
    %add3A_3056 = arith.addf %add3A_3054, %slice3A_3055 : vector<128x8xf32>
    %slice3A_3057 = vector.extract_strided_slice %mul3A_3051 {offsets = [0, 24], sizes = [128, 8], strides = [1, 1]} : vector<128x64xf32> to vector<128x8xf32>
    %add3A_3058 = arith.addf %add3A_3056, %slice3A_3057 : vector<128x8xf32>
    %slice3A_3059 = vector.extract_strided_slice %mul3A_3051 {offsets = [0, 32], sizes = [128, 8], strides = [1, 1]} : vector<128x64xf32> to vector<128x8xf32>
    %add3A_3060 = arith.addf %add3A_3058, %slice3A_3059 : vector<128x8xf32>
    %slice3A_3061 = vector.extract_strided_slice %mul3A_3051 {offsets = [0, 40], sizes = [128, 8], strides = [1, 1]} : vector<128x64xf32> to vector<128x8xf32>
    %add3A_3062 = arith.addf %add3A_3060, %slice3A_3061 : vector<128x8xf32>
    %slice3A_3063 = vector.extract_strided_slice %mul3A_3051 {offsets = [0, 48], sizes = [128, 8], strides = [1, 1]} : vector<128x64xf32> to vector<128x8xf32>
    %add3A_3064 = arith.addf %add3A_3062, %slice3A_3063 : vector<128x8xf32>
    %slice3A_3065 = vector.extract_strided_slice %mul3A_3051 {offsets = [0, 56], sizes = [128, 8], strides = [1, 1]} : vector<128x64xf32> to vector<128x8xf32>
    %add3A_3066 = arith.addf %add3A_3064, %slice3A_3065 : vector<128x8xf32>
    %slice3A_3067 = vector.extract_strided_slice %add3A_3066 {offsets = [0, 0], sizes = [128, 4], strides = [1, 1]} : vector<128x8xf32> to vector<128x4xf32>
    %slice3A_3068 = vector.extract_strided_slice %add3A_3066 {offsets = [0, 4], sizes = [128, 4], strides = [1, 1]} : vector<128x8xf32> to vector<128x4xf32>
    %add3A_3069 = arith.addf %slice3A_3067, %slice3A_3068 : vector<128x4xf32>
    %slice3A_3070 = vector.extract_strided_slice %add3A_3069 {offsets = [0, 0], sizes = [128, 2], strides = [1, 1]} : vector<128x4xf32> to vector<128x2xf32>
    %slice3A_3071 = vector.extract_strided_slice %add3A_3069 {offsets = [0, 2], sizes = [128, 2], strides = [1, 1]} : vector<128x4xf32> to vector<128x2xf32>
    %add3A_3072 = arith.addf %slice3A_3070, %slice3A_3071 : vector<128x2xf32>
    %slice3A_3073 = vector.extract_strided_slice %add3A_3072 {offsets = [0, 0], sizes = [128, 1], strides = [1, 1]} : vector<128x2xf32> to vector<128x1xf32>
    %slice3A_3074 = vector.extract_strided_slice %add3A_3072 {offsets = [0, 1], sizes = [128, 1], strides = [1, 1]} : vector<128x2xf32> to vector<128x1xf32>
    %add3A_3075 = arith.addf %slice3A_3073, %slice3A_3074 : vector<128x1xf32>
    %dot_general3A_3076 = arith.constant dense<0.000000e+00> : vector<128x1024xf32>
    %dot_general3A_3077 = tpu.matmul %get3A_3050, %get3A_1, %dot_general3A_3076 {dimension_numbers = #tpu.dot_dimension_numbers<[1], [1], [0], [0], [0, 0, 1, 0], [], []>, transpose_lhs_hint = false} : vector<128x64xf32>, vector<1024x64xf32>, vector<128x1024xf32> -> vector<128x1024xf32>
    %slice3A_3078 = vector.extract_strided_slice %get3A_4 {offsets = [0, 0], sizes = [1, 128], strides = [1, 1]} : vector<1x1024xf32> to vector<1x128xf32>
    %add3A_3079 = vector.broadcast %add3A_3075 : vector<128x1xf32> to vector<128x128xf32>
    %add3A_3080 = vector.broadcast %slice3A_3078 : vector<1x128xf32> to vector<128x128xf32>
    %add3A_3081 = arith.addf %add3A_3079, %add3A_3080 : vector<128x128xf32>
    %slice3A_3082 = vector.extract_strided_slice %dot_general3A_3077 {offsets = [0, 0], sizes = [128, 128], strides = [1, 1]} : vector<128x1024xf32> to vector<128x128xf32>
    %mul3A_3083 = arith.constant 2.000000e+00 : f32
    %mul3A_3084 = vector.broadcast %mul3A_3083 : f32 to vector<128x128xf32>
    %mul3A_3085 = arith.mulf %mul3A_3084, %slice3A_3082 : vector<128x128xf32>
    %sub3A_3086 = arith.subf %add3A_3081, %mul3A_3085 : vector<128x128xf32>
    %max3A_3087 = arith.constant 0.000000e+00 : f32
    %max3A_3088 = vector.broadcast %max3A_3087 : f32 to vector<128x128xf32>
    %max3A_3089 = arith.maximumf %sub3A_3086, %max3A_3088 : vector<128x128xf32>
    %sqrt3A_3090 = math.sqrt %max3A_3089 : vector<128x128xf32>
    %broadcast_in_dim3A_3091 = arith.constant 0 : i32
    %broadcast_in_dim3A_3092 = vector.broadcast %broadcast_in_dim3A_3091 : i32 to vector<128x128xi32>
    %slice3A_3093 = vector.extract_strided_slice %get3A_4 {offsets = [0, 128], sizes = [1, 128], strides = [1, 1]} : vector<1x1024xf32> to vector<1x128xf32>
    %add3A_3094 = vector.broadcast %add3A_3075 : vector<128x1xf32> to vector<128x128xf32>
    %add3A_3095 = vector.broadcast %slice3A_3093 : vector<1x128xf32> to vector<128x128xf32>
    %add3A_3096 = arith.addf %add3A_3094, %add3A_3095 : vector<128x128xf32>
    %slice3A_3097 = vector.extract_strided_slice %dot_general3A_3077 {offsets = [0, 128], sizes = [128, 128], strides = [1, 1]} : vector<128x1024xf32> to vector<128x128xf32>
    %mul3A_3098 = arith.constant 2.000000e+00 : f32
    %mul3A_3099 = vector.broadcast %mul3A_3098 : f32 to vector<128x128xf32>
    %mul3A_3100 = arith.mulf %mul3A_3099, %slice3A_3097 : vector<128x128xf32>
    %sub3A_3101 = arith.subf %add3A_3096, %mul3A_3100 : vector<128x128xf32>
    %max3A_3102 = arith.constant 0.000000e+00 : f32
    %max3A_3103 = vector.broadcast %max3A_3102 : f32 to vector<128x128xf32>
    %max3A_3104 = arith.maximumf %sub3A_3101, %max3A_3103 : vector<128x128xf32>
    %sqrt3A_3105 = math.sqrt %max3A_3104 : vector<128x128xf32>
    %lt3A_3106 = arith.cmpf olt, %sqrt3A_3105, %sqrt3A_3090 : vector<128x128xf32>
    %min3A_3107 = arith.minimumf %sqrt3A_3090, %sqrt3A_3105 : vector<128x128xf32>
    %jit3A_3108 = arith.constant 1 : i32
    %broadcast_in_dim3A_3109 = vector.broadcast %jit3A_3108 : i32 to vector<128x128xi32>
    %select_n3A_3110 = arith.select %lt3A_3106, %broadcast_in_dim3A_3109, %broadcast_in_dim3A_3092 : vector<128x128xi1>, vector<128x128xi32>
    %slice3A_3111 = vector.extract_strided_slice %get3A_4 {offsets = [0, 256], sizes = [1, 128], strides = [1, 1]} : vector<1x1024xf32> to vector<1x128xf32>
    %add3A_3112 = vector.broadcast %add3A_3075 : vector<128x1xf32> to vector<128x128xf32>
    %add3A_3113 = vector.broadcast %slice3A_3111 : vector<1x128xf32> to vector<128x128xf32>
    %add3A_3114 = arith.addf %add3A_3112, %add3A_3113 : vector<128x128xf32>
    %slice3A_3115 = vector.extract_strided_slice %dot_general3A_3077 {offsets = [0, 256], sizes = [128, 128], strides = [1, 1]} : vector<128x1024xf32> to vector<128x128xf32>
    %mul3A_3116 = arith.constant 2.000000e+00 : f32
    %mul3A_3117 = vector.broadcast %mul3A_3116 : f32 to vector<128x128xf32>
    %mul3A_3118 = arith.mulf %mul3A_3117, %slice3A_3115 : vector<128x128xf32>
    %sub3A_3119 = arith.subf %add3A_3114, %mul3A_3118 : vector<128x128xf32>
    %max3A_3120 = arith.constant 0.000000e+00 : f32
    %max3A_3121 = vector.broadcast %max3A_3120 : f32 to vector<128x128xf32>
    %max3A_3122 = arith.maximumf %sub3A_3119, %max3A_3121 : vector<128x128xf32>
    %sqrt3A_3123 = math.sqrt %max3A_3122 : vector<128x128xf32>
    %lt3A_3124 = arith.cmpf olt, %sqrt3A_3123, %min3A_3107 : vector<128x128xf32>
    %min3A_3125 = arith.minimumf %min3A_3107, %sqrt3A_3123 : vector<128x128xf32>
    %jit3A_3126 = arith.constant 2 : i32
    %broadcast_in_dim3A_3127 = vector.broadcast %jit3A_3126 : i32 to vector<128x128xi32>
    %select_n3A_3128 = arith.select %lt3A_3124, %broadcast_in_dim3A_3127, %select_n3A_3110 : vector<128x128xi1>, vector<128x128xi32>
    %slice3A_3129 = vector.extract_strided_slice %get3A_4 {offsets = [0, 384], sizes = [1, 128], strides = [1, 1]} : vector<1x1024xf32> to vector<1x128xf32>
    %add3A_3130 = vector.broadcast %add3A_3075 : vector<128x1xf32> to vector<128x128xf32>
    %add3A_3131 = vector.broadcast %slice3A_3129 : vector<1x128xf32> to vector<128x128xf32>
    %add3A_3132 = arith.addf %add3A_3130, %add3A_3131 : vector<128x128xf32>
    %slice3A_3133 = vector.extract_strided_slice %dot_general3A_3077 {offsets = [0, 384], sizes = [128, 128], strides = [1, 1]} : vector<128x1024xf32> to vector<128x128xf32>
    %mul3A_3134 = arith.constant 2.000000e+00 : f32
    %mul3A_3135 = vector.broadcast %mul3A_3134 : f32 to vector<128x128xf32>
    %mul3A_3136 = arith.mulf %mul3A_3135, %slice3A_3133 : vector<128x128xf32>
    %sub3A_3137 = arith.subf %add3A_3132, %mul3A_3136 : vector<128x128xf32>
    %max3A_3138 = arith.constant 0.000000e+00 : f32
    %max3A_3139 = vector.broadcast %max3A_3138 : f32 to vector<128x128xf32>
    %max3A_3140 = arith.maximumf %sub3A_3137, %max3A_3139 : vector<128x128xf32>
    %sqrt3A_3141 = math.sqrt %max3A_3140 : vector<128x128xf32>
    %lt3A_3142 = arith.cmpf olt, %sqrt3A_3141, %min3A_3125 : vector<128x128xf32>
    %min3A_3143 = arith.minimumf %min3A_3125, %sqrt3A_3141 : vector<128x128xf32>
    %jit3A_3144 = arith.constant 3 : i32
    %broadcast_in_dim3A_3145 = vector.broadcast %jit3A_3144 : i32 to vector<128x128xi32>
    %select_n3A_3146 = arith.select %lt3A_3142, %broadcast_in_dim3A_3145, %select_n3A_3128 : vector<128x128xi1>, vector<128x128xi32>
    %slice3A_3147 = vector.extract_strided_slice %get3A_4 {offsets = [0, 512], sizes = [1, 128], strides = [1, 1]} : vector<1x1024xf32> to vector<1x128xf32>
    %add3A_3148 = vector.broadcast %add3A_3075 : vector<128x1xf32> to vector<128x128xf32>
    %add3A_3149 = vector.broadcast %slice3A_3147 : vector<1x128xf32> to vector<128x128xf32>
    %add3A_3150 = arith.addf %add3A_3148, %add3A_3149 : vector<128x128xf32>
    %slice3A_3151 = vector.extract_strided_slice %dot_general3A_3077 {offsets = [0, 512], sizes = [128, 128], strides = [1, 1]} : vector<128x1024xf32> to vector<128x128xf32>
    %mul3A_3152 = arith.constant 2.000000e+00 : f32
    %mul3A_3153 = vector.broadcast %mul3A_3152 : f32 to vector<128x128xf32>
    %mul3A_3154 = arith.mulf %mul3A_3153, %slice3A_3151 : vector<128x128xf32>
    %sub3A_3155 = arith.subf %add3A_3150, %mul3A_3154 : vector<128x128xf32>
    %max3A_3156 = arith.constant 0.000000e+00 : f32
    %max3A_3157 = vector.broadcast %max3A_3156 : f32 to vector<128x128xf32>
    %max3A_3158 = arith.maximumf %sub3A_3155, %max3A_3157 : vector<128x128xf32>
    %sqrt3A_3159 = math.sqrt %max3A_3158 : vector<128x128xf32>
    %lt3A_3160 = arith.cmpf olt, %sqrt3A_3159, %min3A_3143 : vector<128x128xf32>
    %min3A_3161 = arith.minimumf %min3A_3143, %sqrt3A_3159 : vector<128x128xf32>
    %jit3A_3162 = arith.constant 4 : i32
    %broadcast_in_dim3A_3163 = vector.broadcast %jit3A_3162 : i32 to vector<128x128xi32>
    %select_n3A_3164 = arith.select %lt3A_3160, %broadcast_in_dim3A_3163, %select_n3A_3146 : vector<128x128xi1>, vector<128x128xi32>
    %slice3A_3165 = vector.extract_strided_slice %get3A_4 {offsets = [0, 640], sizes = [1, 128], strides = [1, 1]} : vector<1x1024xf32> to vector<1x128xf32>
    %add3A_3166 = vector.broadcast %add3A_3075 : vector<128x1xf32> to vector<128x128xf32>
    %add3A_3167 = vector.broadcast %slice3A_3165 : vector<1x128xf32> to vector<128x128xf32>
    %add3A_3168 = arith.addf %add3A_3166, %add3A_3167 : vector<128x128xf32>
    %slice3A_3169 = vector.extract_strided_slice %dot_general3A_3077 {offsets = [0, 640], sizes = [128, 128], strides = [1, 1]} : vector<128x1024xf32> to vector<128x128xf32>
    %mul3A_3170 = arith.constant 2.000000e+00 : f32
    %mul3A_3171 = vector.broadcast %mul3A_3170 : f32 to vector<128x128xf32>
    %mul3A_3172 = arith.mulf %mul3A_3171, %slice3A_3169 : vector<128x128xf32>
    %sub3A_3173 = arith.subf %add3A_3168, %mul3A_3172 : vector<128x128xf32>
    %max3A_3174 = arith.constant 0.000000e+00 : f32
    %max3A_3175 = vector.broadcast %max3A_3174 : f32 to vector<128x128xf32>
    %max3A_3176 = arith.maximumf %sub3A_3173, %max3A_3175 : vector<128x128xf32>
    %sqrt3A_3177 = math.sqrt %max3A_3176 : vector<128x128xf32>
    %lt3A_3178 = arith.cmpf olt, %sqrt3A_3177, %min3A_3161 : vector<128x128xf32>
    %min3A_3179 = arith.minimumf %min3A_3161, %sqrt3A_3177 : vector<128x128xf32>
    %jit3A_3180 = arith.constant 5 : i32
    %broadcast_in_dim3A_3181 = vector.broadcast %jit3A_3180 : i32 to vector<128x128xi32>
    %select_n3A_3182 = arith.select %lt3A_3178, %broadcast_in_dim3A_3181, %select_n3A_3164 : vector<128x128xi1>, vector<128x128xi32>
    %slice3A_3183 = vector.extract_strided_slice %get3A_4 {offsets = [0, 768], sizes = [1, 128], strides = [1, 1]} : vector<1x1024xf32> to vector<1x128xf32>
    %add3A_3184 = vector.broadcast %add3A_3075 : vector<128x1xf32> to vector<128x128xf32>
    %add3A_3185 = vector.broadcast %slice3A_3183 : vector<1x128xf32> to vector<128x128xf32>
    %add3A_3186 = arith.addf %add3A_3184, %add3A_3185 : vector<128x128xf32>
    %slice3A_3187 = vector.extract_strided_slice %dot_general3A_3077 {offsets = [0, 768], sizes = [128, 128], strides = [1, 1]} : vector<128x1024xf32> to vector<128x128xf32>
    %mul3A_3188 = arith.constant 2.000000e+00 : f32
    %mul3A_3189 = vector.broadcast %mul3A_3188 : f32 to vector<128x128xf32>
    %mul3A_3190 = arith.mulf %mul3A_3189, %slice3A_3187 : vector<128x128xf32>
    %sub3A_3191 = arith.subf %add3A_3186, %mul3A_3190 : vector<128x128xf32>
    %max3A_3192 = arith.constant 0.000000e+00 : f32
    %max3A_3193 = vector.broadcast %max3A_3192 : f32 to vector<128x128xf32>
    %max3A_3194 = arith.maximumf %sub3A_3191, %max3A_3193 : vector<128x128xf32>
    %sqrt3A_3195 = math.sqrt %max3A_3194 : vector<128x128xf32>
    %lt3A_3196 = arith.cmpf olt, %sqrt3A_3195, %min3A_3179 : vector<128x128xf32>
    %min3A_3197 = arith.minimumf %min3A_3179, %sqrt3A_3195 : vector<128x128xf32>
    %jit3A_3198 = arith.constant 6 : i32
    %broadcast_in_dim3A_3199 = vector.broadcast %jit3A_3198 : i32 to vector<128x128xi32>
    %select_n3A_3200 = arith.select %lt3A_3196, %broadcast_in_dim3A_3199, %select_n3A_3182 : vector<128x128xi1>, vector<128x128xi32>
    %slice3A_3201 = vector.extract_strided_slice %get3A_4 {offsets = [0, 896], sizes = [1, 128], strides = [1, 1]} : vector<1x1024xf32> to vector<1x128xf32>
    %add3A_3202 = vector.broadcast %add3A_3075 : vector<128x1xf32> to vector<128x128xf32>
    %add3A_3203 = vector.broadcast %slice3A_3201 : vector<1x128xf32> to vector<128x128xf32>
    %add3A_3204 = arith.addf %add3A_3202, %add3A_3203 : vector<128x128xf32>
    %slice3A_3205 = vector.extract_strided_slice %dot_general3A_3077 {offsets = [0, 896], sizes = [128, 128], strides = [1, 1]} : vector<128x1024xf32> to vector<128x128xf32>
    %mul3A_3206 = arith.constant 2.000000e+00 : f32
    %mul3A_3207 = vector.broadcast %mul3A_3206 : f32 to vector<128x128xf32>
    %mul3A_3208 = arith.mulf %mul3A_3207, %slice3A_3205 : vector<128x128xf32>
    %sub3A_3209 = arith.subf %add3A_3204, %mul3A_3208 : vector<128x128xf32>
    %max3A_3210 = arith.constant 0.000000e+00 : f32
    %max3A_3211 = vector.broadcast %max3A_3210 : f32 to vector<128x128xf32>
    %max3A_3212 = arith.maximumf %sub3A_3209, %max3A_3211 : vector<128x128xf32>
    %sqrt3A_3213 = math.sqrt %max3A_3212 : vector<128x128xf32>
    %lt3A_3214 = arith.cmpf olt, %sqrt3A_3213, %min3A_3197 : vector<128x128xf32>
    %min3A_3215 = arith.minimumf %min3A_3197, %sqrt3A_3213 : vector<128x128xf32>
    %jit3A_3216 = arith.constant 7 : i32
    %broadcast_in_dim3A_3217 = vector.broadcast %jit3A_3216 : i32 to vector<128x128xi32>
    %select_n3A_3218 = arith.select %lt3A_3214, %broadcast_in_dim3A_3217, %select_n3A_3200 : vector<128x128xi1>, vector<128x128xi32>
    %mul3A_3219 = arith.constant 128 : i32
    %mul3A_3220 = vector.broadcast %mul3A_3219 : i32 to vector<128x128xi32>
    %mul3A_3221 = arith.muli %select_n3A_3218, %mul3A_3220 : vector<128x128xi32>
    %add3A_3222 = arith.addi %mul3A_3221, %iota3A : vector<128x128xi32>
    %reduce_min3A_3223 = arith.constant dense<0x7F800000> : vector<128xf32>
    %reduce_min3A_3224 = vector.multi_reduction <minimumf>, %min3A_3215, %reduce_min3A_3223 [1] : vector<128x128xf32> to vector<128xf32>
    %broadcast_in_dim3A_3225 = vector.shape_cast %reduce_min3A_3224 : vector<128xf32> to vector<128x1xf32>
    %eq3A_3226 = vector.broadcast %broadcast_in_dim3A_3225 : vector<128x1xf32> to vector<128x128xf32>
    %eq3A_3227 = arith.cmpf oeq, %min3A_3215, %eq3A_3226 : vector<128x128xf32>
    %jit3A_3228 = arith.constant 1024 : i32
    %broadcast_in_dim3A_3229 = vector.broadcast %jit3A_3228 : i32 to vector<128x128xi32>
    %select_n3A_3230 = arith.select %eq3A_3227, %add3A_3222, %broadcast_in_dim3A_3229 : vector<128x128xi1>, vector<128x128xi32>
    %reduce_min3A_3231 = arith.constant dense<2147483647> : vector<128xi32>
    %reduce_min3A_3232 = vector.multi_reduction <minsi>, %select_n3A_3230, %reduce_min3A_3231 [1] : vector<128x128xi32> to vector<128xi32>
    %broadcast_in_dim3A_3233 = vector.shape_cast %reduce_min3A_3232 : vector<128xi32> to vector<128x1xi32>
    %swap3A_3234 = arith.constant 2048 : index
    %swap3A_3235 = arith.constant 0 : index
    %swap3A_3236 = vector.load %arg4[%swap3A_3234, %swap3A_3235] : memref<2304x1xi32, #tpu.memory_space<vmem>>, vector<128x1xi32>
    tpu.vector_store %arg4[%swap3A_3234, %swap3A_3235], %broadcast_in_dim3A_3233 {strides = array<i32>} : memref<2304x1xi32, #tpu.memory_space<vmem>>, vector<128x1xi32>,
    %mul3A_3237 = arith.mulf %broadcast_in_dim3A_3225, %broadcast_in_dim3A_3225 : vector<128x1xf32>
    %add3A_3238 = arith.addf %add3A_3047, %mul3A_3237 : vector<128x1xf32>
    %get3A_3239 = arith.constant 2176 : index
    %get3A_3240 = arith.constant 0 : index
    %get3A_3241 = vector.load %arg1[%get3A_3239, %get3A_3240] : memref<2304x64xf32, #tpu.memory_space<vmem>>, vector<128x64xf32>
    %mul3A_3242 = arith.mulf %get3A_3241, %get3A_3241 : vector<128x64xf32>
    %slice3A_3243 = vector.extract_strided_slice %mul3A_3242 {offsets = [0, 0], sizes = [128, 8], strides = [1, 1]} : vector<128x64xf32> to vector<128x8xf32>
    %slice3A_3244 = vector.extract_strided_slice %mul3A_3242 {offsets = [0, 8], sizes = [128, 8], strides = [1, 1]} : vector<128x64xf32> to vector<128x8xf32>
    %add3A_3245 = arith.addf %slice3A_3243, %slice3A_3244 : vector<128x8xf32>
    %slice3A_3246 = vector.extract_strided_slice %mul3A_3242 {offsets = [0, 16], sizes = [128, 8], strides = [1, 1]} : vector<128x64xf32> to vector<128x8xf32>
    %add3A_3247 = arith.addf %add3A_3245, %slice3A_3246 : vector<128x8xf32>
    %slice3A_3248 = vector.extract_strided_slice %mul3A_3242 {offsets = [0, 24], sizes = [128, 8], strides = [1, 1]} : vector<128x64xf32> to vector<128x8xf32>
    %add3A_3249 = arith.addf %add3A_3247, %slice3A_3248 : vector<128x8xf32>
    %slice3A_3250 = vector.extract_strided_slice %mul3A_3242 {offsets = [0, 32], sizes = [128, 8], strides = [1, 1]} : vector<128x64xf32> to vector<128x8xf32>
    %add3A_3251 = arith.addf %add3A_3249, %slice3A_3250 : vector<128x8xf32>
    %slice3A_3252 = vector.extract_strided_slice %mul3A_3242 {offsets = [0, 40], sizes = [128, 8], strides = [1, 1]} : vector<128x64xf32> to vector<128x8xf32>
    %add3A_3253 = arith.addf %add3A_3251, %slice3A_3252 : vector<128x8xf32>
    %slice3A_3254 = vector.extract_strided_slice %mul3A_3242 {offsets = [0, 48], sizes = [128, 8], strides = [1, 1]} : vector<128x64xf32> to vector<128x8xf32>
    %add3A_3255 = arith.addf %add3A_3253, %slice3A_3254 : vector<128x8xf32>
    %slice3A_3256 = vector.extract_strided_slice %mul3A_3242 {offsets = [0, 56], sizes = [128, 8], strides = [1, 1]} : vector<128x64xf32> to vector<128x8xf32>
    %add3A_3257 = arith.addf %add3A_3255, %slice3A_3256 : vector<128x8xf32>
    %slice3A_3258 = vector.extract_strided_slice %add3A_3257 {offsets = [0, 0], sizes = [128, 4], strides = [1, 1]} : vector<128x8xf32> to vector<128x4xf32>
    %slice3A_3259 = vector.extract_strided_slice %add3A_3257 {offsets = [0, 4], sizes = [128, 4], strides = [1, 1]} : vector<128x8xf32> to vector<128x4xf32>
    %add3A_3260 = arith.addf %slice3A_3258, %slice3A_3259 : vector<128x4xf32>
    %slice3A_3261 = vector.extract_strided_slice %add3A_3260 {offsets = [0, 0], sizes = [128, 2], strides = [1, 1]} : vector<128x4xf32> to vector<128x2xf32>
    %slice3A_3262 = vector.extract_strided_slice %add3A_3260 {offsets = [0, 2], sizes = [128, 2], strides = [1, 1]} : vector<128x4xf32> to vector<128x2xf32>
    %add3A_3263 = arith.addf %slice3A_3261, %slice3A_3262 : vector<128x2xf32>
    %slice3A_3264 = vector.extract_strided_slice %add3A_3263 {offsets = [0, 0], sizes = [128, 1], strides = [1, 1]} : vector<128x2xf32> to vector<128x1xf32>
    %slice3A_3265 = vector.extract_strided_slice %add3A_3263 {offsets = [0, 1], sizes = [128, 1], strides = [1, 1]} : vector<128x2xf32> to vector<128x1xf32>
    %add3A_3266 = arith.addf %slice3A_3264, %slice3A_3265 : vector<128x1xf32>
    %dot_general3A_3267 = arith.constant dense<0.000000e+00> : vector<128x1024xf32>
    %dot_general3A_3268 = tpu.matmul %get3A_3241, %get3A_1, %dot_general3A_3267 {dimension_numbers = #tpu.dot_dimension_numbers<[1], [1], [0], [0], [0, 0, 1, 0], [], []>, transpose_lhs_hint = false} : vector<128x64xf32>, vector<1024x64xf32>, vector<128x1024xf32> -> vector<128x1024xf32>
    %slice3A_3269 = vector.extract_strided_slice %get3A_4 {offsets = [0, 0], sizes = [1, 128], strides = [1, 1]} : vector<1x1024xf32> to vector<1x128xf32>
    %add3A_3270 = vector.broadcast %add3A_3266 : vector<128x1xf32> to vector<128x128xf32>
    %add3A_3271 = vector.broadcast %slice3A_3269 : vector<1x128xf32> to vector<128x128xf32>
    %add3A_3272 = arith.addf %add3A_3270, %add3A_3271 : vector<128x128xf32>
    %slice3A_3273 = vector.extract_strided_slice %dot_general3A_3268 {offsets = [0, 0], sizes = [128, 128], strides = [1, 1]} : vector<128x1024xf32> to vector<128x128xf32>
    %mul3A_3274 = arith.constant 2.000000e+00 : f32
    %mul3A_3275 = vector.broadcast %mul3A_3274 : f32 to vector<128x128xf32>
    %mul3A_3276 = arith.mulf %mul3A_3275, %slice3A_3273 : vector<128x128xf32>
    %sub3A_3277 = arith.subf %add3A_3272, %mul3A_3276 : vector<128x128xf32>
    %max3A_3278 = arith.constant 0.000000e+00 : f32
    %max3A_3279 = vector.broadcast %max3A_3278 : f32 to vector<128x128xf32>
    %max3A_3280 = arith.maximumf %sub3A_3277, %max3A_3279 : vector<128x128xf32>
    %sqrt3A_3281 = math.sqrt %max3A_3280 : vector<128x128xf32>
    %broadcast_in_dim3A_3282 = arith.constant 0 : i32
    %broadcast_in_dim3A_3283 = vector.broadcast %broadcast_in_dim3A_3282 : i32 to vector<128x128xi32>
    %slice3A_3284 = vector.extract_strided_slice %get3A_4 {offsets = [0, 128], sizes = [1, 128], strides = [1, 1]} : vector<1x1024xf32> to vector<1x128xf32>
    %add3A_3285 = vector.broadcast %add3A_3266 : vector<128x1xf32> to vector<128x128xf32>
    %add3A_3286 = vector.broadcast %slice3A_3284 : vector<1x128xf32> to vector<128x128xf32>
    %add3A_3287 = arith.addf %add3A_3285, %add3A_3286 : vector<128x128xf32>
    %slice3A_3288 = vector.extract_strided_slice %dot_general3A_3268 {offsets = [0, 128], sizes = [128, 128], strides = [1, 1]} : vector<128x1024xf32> to vector<128x128xf32>
    %mul3A_3289 = arith.constant 2.000000e+00 : f32
    %mul3A_3290 = vector.broadcast %mul3A_3289 : f32 to vector<128x128xf32>
    %mul3A_3291 = arith.mulf %mul3A_3290, %slice3A_3288 : vector<128x128xf32>
    %sub3A_3292 = arith.subf %add3A_3287, %mul3A_3291 : vector<128x128xf32>
    %max3A_3293 = arith.constant 0.000000e+00 : f32
    %max3A_3294 = vector.broadcast %max3A_3293 : f32 to vector<128x128xf32>
    %max3A_3295 = arith.maximumf %sub3A_3292, %max3A_3294 : vector<128x128xf32>
    %sqrt3A_3296 = math.sqrt %max3A_3295 : vector<128x128xf32>
    %lt3A_3297 = arith.cmpf olt, %sqrt3A_3296, %sqrt3A_3281 : vector<128x128xf32>
    %min3A_3298 = arith.minimumf %sqrt3A_3281, %sqrt3A_3296 : vector<128x128xf32>
    %jit3A_3299 = arith.constant 1 : i32
    %broadcast_in_dim3A_3300 = vector.broadcast %jit3A_3299 : i32 to vector<128x128xi32>
    %select_n3A_3301 = arith.select %lt3A_3297, %broadcast_in_dim3A_3300, %broadcast_in_dim3A_3283 : vector<128x128xi1>, vector<128x128xi32>
    %slice3A_3302 = vector.extract_strided_slice %get3A_4 {offsets = [0, 256], sizes = [1, 128], strides = [1, 1]} : vector<1x1024xf32> to vector<1x128xf32>
    %add3A_3303 = vector.broadcast %add3A_3266 : vector<128x1xf32> to vector<128x128xf32>
    %add3A_3304 = vector.broadcast %slice3A_3302 : vector<1x128xf32> to vector<128x128xf32>
    %add3A_3305 = arith.addf %add3A_3303, %add3A_3304 : vector<128x128xf32>
    %slice3A_3306 = vector.extract_strided_slice %dot_general3A_3268 {offsets = [0, 256], sizes = [128, 128], strides = [1, 1]} : vector<128x1024xf32> to vector<128x128xf32>
    %mul3A_3307 = arith.constant 2.000000e+00 : f32
    %mul3A_3308 = vector.broadcast %mul3A_3307 : f32 to vector<128x128xf32>
    %mul3A_3309 = arith.mulf %mul3A_3308, %slice3A_3306 : vector<128x128xf32>
    %sub3A_3310 = arith.subf %add3A_3305, %mul3A_3309 : vector<128x128xf32>
    %max3A_3311 = arith.constant 0.000000e+00 : f32
    %max3A_3312 = vector.broadcast %max3A_3311 : f32 to vector<128x128xf32>
    %max3A_3313 = arith.maximumf %sub3A_3310, %max3A_3312 : vector<128x128xf32>
    %sqrt3A_3314 = math.sqrt %max3A_3313 : vector<128x128xf32>
    %lt3A_3315 = arith.cmpf olt, %sqrt3A_3314, %min3A_3298 : vector<128x128xf32>
    %min3A_3316 = arith.minimumf %min3A_3298, %sqrt3A_3314 : vector<128x128xf32>
    %jit3A_3317 = arith.constant 2 : i32
    %broadcast_in_dim3A_3318 = vector.broadcast %jit3A_3317 : i32 to vector<128x128xi32>
    %select_n3A_3319 = arith.select %lt3A_3315, %broadcast_in_dim3A_3318, %select_n3A_3301 : vector<128x128xi1>, vector<128x128xi32>
    %slice3A_3320 = vector.extract_strided_slice %get3A_4 {offsets = [0, 384], sizes = [1, 128], strides = [1, 1]} : vector<1x1024xf32> to vector<1x128xf32>
    %add3A_3321 = vector.broadcast %add3A_3266 : vector<128x1xf32> to vector<128x128xf32>
    %add3A_3322 = vector.broadcast %slice3A_3320 : vector<1x128xf32> to vector<128x128xf32>
    %add3A_3323 = arith.addf %add3A_3321, %add3A_3322 : vector<128x128xf32>
    %slice3A_3324 = vector.extract_strided_slice %dot_general3A_3268 {offsets = [0, 384], sizes = [128, 128], strides = [1, 1]} : vector<128x1024xf32> to vector<128x128xf32>
    %mul3A_3325 = arith.constant 2.000000e+00 : f32
    %mul3A_3326 = vector.broadcast %mul3A_3325 : f32 to vector<128x128xf32>
    %mul3A_3327 = arith.mulf %mul3A_3326, %slice3A_3324 : vector<128x128xf32>
    %sub3A_3328 = arith.subf %add3A_3323, %mul3A_3327 : vector<128x128xf32>
    %max3A_3329 = arith.constant 0.000000e+00 : f32
    %max3A_3330 = vector.broadcast %max3A_3329 : f32 to vector<128x128xf32>
    %max3A_3331 = arith.maximumf %sub3A_3328, %max3A_3330 : vector<128x128xf32>
    %sqrt3A_3332 = math.sqrt %max3A_3331 : vector<128x128xf32>
    %lt3A_3333 = arith.cmpf olt, %sqrt3A_3332, %min3A_3316 : vector<128x128xf32>
    %min3A_3334 = arith.minimumf %min3A_3316, %sqrt3A_3332 : vector<128x128xf32>
    %jit3A_3335 = arith.constant 3 : i32
    %broadcast_in_dim3A_3336 = vector.broadcast %jit3A_3335 : i32 to vector<128x128xi32>
    %select_n3A_3337 = arith.select %lt3A_3333, %broadcast_in_dim3A_3336, %select_n3A_3319 : vector<128x128xi1>, vector<128x128xi32>
    %slice3A_3338 = vector.extract_strided_slice %get3A_4 {offsets = [0, 512], sizes = [1, 128], strides = [1, 1]} : vector<1x1024xf32> to vector<1x128xf32>
    %add3A_3339 = vector.broadcast %add3A_3266 : vector<128x1xf32> to vector<128x128xf32>
    %add3A_3340 = vector.broadcast %slice3A_3338 : vector<1x128xf32> to vector<128x128xf32>
    %add3A_3341 = arith.addf %add3A_3339, %add3A_3340 : vector<128x128xf32>
    %slice3A_3342 = vector.extract_strided_slice %dot_general3A_3268 {offsets = [0, 512], sizes = [128, 128], strides = [1, 1]} : vector<128x1024xf32> to vector<128x128xf32>
    %mul3A_3343 = arith.constant 2.000000e+00 : f32
    %mul3A_3344 = vector.broadcast %mul3A_3343 : f32 to vector<128x128xf32>
    %mul3A_3345 = arith.mulf %mul3A_3344, %slice3A_3342 : vector<128x128xf32>
    %sub3A_3346 = arith.subf %add3A_3341, %mul3A_3345 : vector<128x128xf32>
    %max3A_3347 = arith.constant 0.000000e+00 : f32
    %max3A_3348 = vector.broadcast %max3A_3347 : f32 to vector<128x128xf32>
    %max3A_3349 = arith.maximumf %sub3A_3346, %max3A_3348 : vector<128x128xf32>
    %sqrt3A_3350 = math.sqrt %max3A_3349 : vector<128x128xf32>
    %lt3A_3351 = arith.cmpf olt, %sqrt3A_3350, %min3A_3334 : vector<128x128xf32>
    %min3A_3352 = arith.minimumf %min3A_3334, %sqrt3A_3350 : vector<128x128xf32>
    %jit3A_3353 = arith.constant 4 : i32
    %broadcast_in_dim3A_3354 = vector.broadcast %jit3A_3353 : i32 to vector<128x128xi32>
    %select_n3A_3355 = arith.select %lt3A_3351, %broadcast_in_dim3A_3354, %select_n3A_3337 : vector<128x128xi1>, vector<128x128xi32>
    %slice3A_3356 = vector.extract_strided_slice %get3A_4 {offsets = [0, 640], sizes = [1, 128], strides = [1, 1]} : vector<1x1024xf32> to vector<1x128xf32>
    %add3A_3357 = vector.broadcast %add3A_3266 : vector<128x1xf32> to vector<128x128xf32>
    %add3A_3358 = vector.broadcast %slice3A_3356 : vector<1x128xf32> to vector<128x128xf32>
    %add3A_3359 = arith.addf %add3A_3357, %add3A_3358 : vector<128x128xf32>
    %slice3A_3360 = vector.extract_strided_slice %dot_general3A_3268 {offsets = [0, 640], sizes = [128, 128], strides = [1, 1]} : vector<128x1024xf32> to vector<128x128xf32>
    %mul3A_3361 = arith.constant 2.000000e+00 : f32
    %mul3A_3362 = vector.broadcast %mul3A_3361 : f32 to vector<128x128xf32>
    %mul3A_3363 = arith.mulf %mul3A_3362, %slice3A_3360 : vector<128x128xf32>
    %sub3A_3364 = arith.subf %add3A_3359, %mul3A_3363 : vector<128x128xf32>
    %max3A_3365 = arith.constant 0.000000e+00 : f32
    %max3A_3366 = vector.broadcast %max3A_3365 : f32 to vector<128x128xf32>
    %max3A_3367 = arith.maximumf %sub3A_3364, %max3A_3366 : vector<128x128xf32>
    %sqrt3A_3368 = math.sqrt %max3A_3367 : vector<128x128xf32>
    %lt3A_3369 = arith.cmpf olt, %sqrt3A_3368, %min3A_3352 : vector<128x128xf32>
    %min3A_3370 = arith.minimumf %min3A_3352, %sqrt3A_3368 : vector<128x128xf32>
    %jit3A_3371 = arith.constant 5 : i32
    %broadcast_in_dim3A_3372 = vector.broadcast %jit3A_3371 : i32 to vector<128x128xi32>
    %select_n3A_3373 = arith.select %lt3A_3369, %broadcast_in_dim3A_3372, %select_n3A_3355 : vector<128x128xi1>, vector<128x128xi32>
    %slice3A_3374 = vector.extract_strided_slice %get3A_4 {offsets = [0, 768], sizes = [1, 128], strides = [1, 1]} : vector<1x1024xf32> to vector<1x128xf32>
    %add3A_3375 = vector.broadcast %add3A_3266 : vector<128x1xf32> to vector<128x128xf32>
    %add3A_3376 = vector.broadcast %slice3A_3374 : vector<1x128xf32> to vector<128x128xf32>
    %add3A_3377 = arith.addf %add3A_3375, %add3A_3376 : vector<128x128xf32>
    %slice3A_3378 = vector.extract_strided_slice %dot_general3A_3268 {offsets = [0, 768], sizes = [128, 128], strides = [1, 1]} : vector<128x1024xf32> to vector<128x128xf32>
    %mul3A_3379 = arith.constant 2.000000e+00 : f32
    %mul3A_3380 = vector.broadcast %mul3A_3379 : f32 to vector<128x128xf32>
    %mul3A_3381 = arith.mulf %mul3A_3380, %slice3A_3378 : vector<128x128xf32>
    %sub3A_3382 = arith.subf %add3A_3377, %mul3A_3381 : vector<128x128xf32>
    %max3A_3383 = arith.constant 0.000000e+00 : f32
    %max3A_3384 = vector.broadcast %max3A_3383 : f32 to vector<128x128xf32>
    %max3A_3385 = arith.maximumf %sub3A_3382, %max3A_3384 : vector<128x128xf32>
    %sqrt3A_3386 = math.sqrt %max3A_3385 : vector<128x128xf32>
    %lt3A_3387 = arith.cmpf olt, %sqrt3A_3386, %min3A_3370 : vector<128x128xf32>
    %min3A_3388 = arith.minimumf %min3A_3370, %sqrt3A_3386 : vector<128x128xf32>
    %jit3A_3389 = arith.constant 6 : i32
    %broadcast_in_dim3A_3390 = vector.broadcast %jit3A_3389 : i32 to vector<128x128xi32>
    %select_n3A_3391 = arith.select %lt3A_3387, %broadcast_in_dim3A_3390, %select_n3A_3373 : vector<128x128xi1>, vector<128x128xi32>
    %slice3A_3392 = vector.extract_strided_slice %get3A_4 {offsets = [0, 896], sizes = [1, 128], strides = [1, 1]} : vector<1x1024xf32> to vector<1x128xf32>
    %add3A_3393 = vector.broadcast %add3A_3266 : vector<128x1xf32> to vector<128x128xf32>
    %add3A_3394 = vector.broadcast %slice3A_3392 : vector<1x128xf32> to vector<128x128xf32>
    %add3A_3395 = arith.addf %add3A_3393, %add3A_3394 : vector<128x128xf32>
    %slice3A_3396 = vector.extract_strided_slice %dot_general3A_3268 {offsets = [0, 896], sizes = [128, 128], strides = [1, 1]} : vector<128x1024xf32> to vector<128x128xf32>
    %mul3A_3397 = arith.constant 2.000000e+00 : f32
    %mul3A_3398 = vector.broadcast %mul3A_3397 : f32 to vector<128x128xf32>
    %mul3A_3399 = arith.mulf %mul3A_3398, %slice3A_3396 : vector<128x128xf32>
    %sub3A_3400 = arith.subf %add3A_3395, %mul3A_3399 : vector<128x128xf32>
    %max3A_3401 = arith.constant 0.000000e+00 : f32
    %max3A_3402 = vector.broadcast %max3A_3401 : f32 to vector<128x128xf32>
    %max3A_3403 = arith.maximumf %sub3A_3400, %max3A_3402 : vector<128x128xf32>
    %sqrt3A_3404 = math.sqrt %max3A_3403 : vector<128x128xf32>
    %lt3A_3405 = arith.cmpf olt, %sqrt3A_3404, %min3A_3388 : vector<128x128xf32>
    %min3A_3406 = arith.minimumf %min3A_3388, %sqrt3A_3404 : vector<128x128xf32>
    %jit3A_3407 = arith.constant 7 : i32
    %broadcast_in_dim3A_3408 = vector.broadcast %jit3A_3407 : i32 to vector<128x128xi32>
    %select_n3A_3409 = arith.select %lt3A_3405, %broadcast_in_dim3A_3408, %select_n3A_3391 : vector<128x128xi1>, vector<128x128xi32>
    %mul3A_3410 = arith.constant 128 : i32
    %mul3A_3411 = vector.broadcast %mul3A_3410 : i32 to vector<128x128xi32>
    %mul3A_3412 = arith.muli %select_n3A_3409, %mul3A_3411 : vector<128x128xi32>
    %add3A_3413 = arith.addi %mul3A_3412, %iota3A : vector<128x128xi32>
    %reduce_min3A_3414 = arith.constant dense<0x7F800000> : vector<128xf32>
    %reduce_min3A_3415 = vector.multi_reduction <minimumf>, %min3A_3406, %reduce_min3A_3414 [1] : vector<128x128xf32> to vector<128xf32>
    %broadcast_in_dim3A_3416 = vector.shape_cast %reduce_min3A_3415 : vector<128xf32> to vector<128x1xf32>
    %eq3A_3417 = vector.broadcast %broadcast_in_dim3A_3416 : vector<128x1xf32> to vector<128x128xf32>
    %eq3A_3418 = arith.cmpf oeq, %min3A_3406, %eq3A_3417 : vector<128x128xf32>
    %jit3A_3419 = arith.constant 1024 : i32
    %broadcast_in_dim3A_3420 = vector.broadcast %jit3A_3419 : i32 to vector<128x128xi32>
    %select_n3A_3421 = arith.select %eq3A_3418, %add3A_3413, %broadcast_in_dim3A_3420 : vector<128x128xi1>, vector<128x128xi32>
    %reduce_min3A_3422 = arith.constant dense<2147483647> : vector<128xi32>
    %reduce_min3A_3423 = vector.multi_reduction <minsi>, %select_n3A_3421, %reduce_min3A_3422 [1] : vector<128x128xi32> to vector<128xi32>
    %broadcast_in_dim3A_3424 = vector.shape_cast %reduce_min3A_3423 : vector<128xi32> to vector<128x1xi32>
    %swap3A_3425 = arith.constant 2176 : index
    %swap3A_3426 = arith.constant 0 : index
    %swap3A_3427 = vector.load %arg4[%swap3A_3425, %swap3A_3426] : memref<2304x1xi32, #tpu.memory_space<vmem>>, vector<128x1xi32>
    tpu.vector_store %arg4[%swap3A_3425, %swap3A_3426], %broadcast_in_dim3A_3424 {strides = array<i32>} : memref<2304x1xi32, #tpu.memory_space<vmem>>, vector<128x1xi32>,
    %mul3A_3428 = arith.mulf %broadcast_in_dim3A_3416, %broadcast_in_dim3A_3416 : vector<128x1xf32>
    %add3A_3429 = arith.addf %add3A_3238, %mul3A_3428 : vector<128x1xf32>
    %reduce_sum3A = vector.shape_cast %add3A_3429 : vector<128x1xf32> to vector<1x128x1xf32>
    %reduce_sum3A_3430 = arith.constant dense<0.000000e+00> : vector<1xf32>
    %reduce_sum3A_3431 = vector.multi_reduction <add>, %reduce_sum3A, %reduce_sum3A_3430 [1, 2] : vector<1x128x1xf32> to vector<1xf32>
    %reduce_sum3A_3432 = vector.shape_cast %reduce_sum3A_3431 : vector<1xf32> to vector<1x1x1xf32>
    %reduce_sum3A_3433 = vector.extract %reduce_sum3A_3432[0, 0, 0] : f32 from vector<1x1x1xf32>
    %mul3A_3434 = arith.constant 1.250000e+00 : f32
    %mul3A_3435 = arith.mulf %mul3A_3434, %reduce_sum3A_3433 : f32
    %eq3A_3436 = arith.constant 0 : i32
    %eq3A_3437 = arith.cmpi eq, %arg0, %eq3A_3436 : i32
    %convert_element_type3A = arith.extui %eq3A_3437 : i1 to i32
    %cond3A = arith.constant 0 : i32
    %cond3A_3438 = arith.cmpi ne, %convert_element_type3A, %cond3A : i32
    scf.if %cond3A_3438 {
      %broadcast_in_dim3A_3446 = arith.constant 0.000000e+00 : f32
      %broadcast_in_dim3A_3447 = vector.broadcast %broadcast_in_dim3A_3446 : f32 to vector<1x1xf32>
      %swap3A_3448 = arith.constant 0 : index
      %swap3A_3449 = arith.constant 0 : index
      %swap3A_3450 = vector.load %arg5[%swap3A_3448, %swap3A_3449] : memref<1x1xf32, #tpu.memory_space<vmem>>, vector<1x1xf32>
      tpu.vector_store %arg5[%swap3A_3448, %swap3A_3449], %broadcast_in_dim3A_3447 {strides = array<i32>} : memref<1x1xf32, #tpu.memory_space<vmem>>, vector<1x1xf32>,
    } else {
    }
    %get3A_3439 = arith.constant 0 : index
    %get3A_3440 = arith.constant 0 : index
    %get3A_3441 = vector.load %arg5[%get3A_3439, %get3A_3440] : memref<1x1xf32, #tpu.memory_space<vmem>>, vector<1x1xf32>
    %reshape3A = vector.broadcast %mul3A_3435 : f32 to vector<1x1xf32>
    %add3A_3442 = arith.addf %get3A_3441, %reshape3A : vector<1x1xf32>
    %swap3A_3443 = arith.constant 0 : index
    %swap3A_3444 = arith.constant 0 : index
    %swap3A_3445 = vector.load %arg5[%swap3A_3443, %swap3A_3444] : memref<1x1xf32, #tpu.memory_space<vmem>>, vector<1x1xf32>
    tpu.vector_store %arg5[%swap3A_3443, %swap3A_3444], %add3A_3442 {strides = array<i32>} : memref<1x1xf32, #tpu.memory_space<vmem>>, vector<1x1xf32>,
    return
  }
  func.func @transform_0(%arg0: i32) -> (i32, i32) {
    %c0_i32 = arith.constant 0 : i32
    %c0_i32_0 = arith.constant 0 : i32
    return %arg0, %c0_i32 : i32, i32
  }
  func.func @transform_1(%arg0: i32) -> (i32, i32) {
    %c0_i32 = arith.constant 0 : i32
    %c0_i32_0 = arith.constant 0 : i32
    %c0_i32_1 = arith.constant 0 : i32
    return %c0_i32, %c0_i32_0 : i32, i32
  }
  func.func @transform_2(%arg0: i32) -> (i32, i32) {
    %c0_i32 = arith.constant 0 : i32
    %c0_i32_0 = arith.constant 0 : i32
    %c0_i32_1 = arith.constant 0 : i32
    return %c0_i32, %c0_i32_0 : i32, i32
  }
  func.func @transform_3(%arg0: i32) -> (i32, i32) {
    %c0_i32 = arith.constant 0 : i32
    %c0_i32_0 = arith.constant 0 : i32
    return %arg0, %c0_i32 : i32, i32
  }
  func.func @transform_4(%arg0: i32) -> (i32, i32) {
    %c0_i32 = arith.constant 0 : i32
    %c0_i32_0 = arith.constant 0 : i32
    %c0_i32_1 = arith.constant 0 : i32
    return %c0_i32, %c0_i32_0 : i32, i32
  }
}

</mosaic_0001>

<sc_bundles>
// kernel: kernel.4.cloned.1.call-start
scs
__scs_entry_jumppad:
0x0: {  	(pc) =	sbr.rel $0x88, $3  }
0x1: {  	(tag) =	ssettag $0x0;
	lr =	simm.s32 $0x1  }
0x2: {  	[smem:$0x3F9F] =	sst lr;
	_ =	strace $0xD0000000  }
0x3: {  	_ = 	snop  }
0x4: {  	_ = 	snop  }
0x5: {  	_ = 	snop  }
0x6: {  	_ = 	snop  }
0x7: {  	_ = 	snop  }
__scs_overlays_trampoline_lowered:
0x8: {  	[smem:$0x3FAE] =	sst s0  }
0x9: {  	[smem:$0x3FAF] =	sst s1  }
0xa: {  	[smem:$0x3FB0] =	sst s2  }
0xb: {  	[smem:$0x3FB1] =	sst s3  }
0xc: {  	[smem:$0x3FB2] =	sst s4  }
0xd: {  	[smem:$0x3FB3] =	sst s5  }
0xe: {  	[smem:$0x3FB4] =	sst s6  }
0xf: {  	[smem:$0x3FB5] =	sst s7  }
0x10: {  	[smem:$0x3FB6] =	sst s8  }
0x11: {  	[smem:$0x3FB7] =	sst s9;
	s0 =	simm.s32 @!p0 $0x0  }
0x12: {  	s1 =	sld [smem:$0x3F9D];
	s0 =	simm.s32 @p0 $0x1  }
0x13: {  	[smem:$0x3FB8] =	sst s0;
	s0 =	simm.s32 @!p1 $0x0  }
0x14: {  	s2 =	sld [smem:$0x3F9C];
	s0 =	simm.s32 @p1 $0x1  }
0x15: {  	[smem:$0x3FB9] =	sst s0;
	s0 =	simm.s32 @!p2 $0x0  }
0x16: {  	s3 =	sld [smem:$0x3FDB];
	s0 =	simm.s32 @p2 $0x1  }
0x17: {  	s4 =	simm.s32 $0x1BF5;
	[smem:$0x3FBB] =	sst s0  }
0x18: {  	s0 =	sld [smem:$0x3F9E];
	_ =	swait.ge [sflag:s4], $0x0  }
0x19: {  	s7 =	sld [smem:$0x3F9F]  }
0x1a: {  	s8 =	sadd.s32 $0xFFFFE003, lr  }
0x1b: {  	s9 =	sadd.s32 $0xFFFFFEF7, lr;
	s5 =	simm.s32 $0xFFFFFFFF;
	p2 =	slt.u32 s8, $0xFFFFF086  }
0x1c: {  	p1 =	slt.u32 s9, $0xF7A;
	s5 =	simm.s32 @!p2 $0x0  }
0x1d: {  	s5 =	simm.s32 @p1 $0x1;
	p0 =	seq.s32 s7, s2  }
0x1e: {  	s7 =	smul.u32 @!p0 $0xF7A, s2;
	p2 =	seq.s32 @!p0 s5, $0x0  }
0x1f: {  	s9 =	smul.u32 $0xF7A, s1;
	s8 =	simm.s32 @!p0 $0x1BF5;
	p2 =	por !p2, p0  }
0x20: {  	[sflag:s8] =	ssyncset.s32 @!p0 $0xFFFFF086;
	s6 =	sadd.s32 @!p0 s3, s7;
	s7 =	simm.s32 @!p0 $0x108  }
0x21: {  	s3 =	sadd.s32 s3, s9;
	s6 =	sadd.s32 @!p0 $0x88, s6;
	s7 =	simm.s32 @p2 $0x1082  }
0x22: {  	[simem:s7], [sflag:s8] =	dma.local @!p0 [hbm:s6], $0xF7A  }
0x23: {  	s9 =	sor.u32 $0xD0000000, s2;
	s6 =	simm.s32 $0x108;
	_ =	swait.ge @!p0 [sflag:s8], $0x0  }
0x24: {  	s3 =	sadd.s32 $0x88, s3;
	s6 =	simm.s32 @!p1 $0x1082;
	[sflag:s4] =	ssyncset.s32 $0xFFFFF086  }
0x25: {  	[simem:s6], [sflag:s4] =	dma.local [hbm:s3], $0xF7A  }
0x26: {  	[smem:$0x3F9F] =	sst s1;
	(tag) =	ssettag s2;
	_ =	strace s9  }
0x27: {  	s1 =	sld [smem:$0x3FAF]  }
0x28: {  	s2 =	sld [smem:$0x3FB0]  }
0x29: {  	s4 =	sld [smem:$0x3FB2]  }
0x2a: {  	p0 =	seq.s32 s5, $0x0;
	s5 =	sld [smem:$0x3FB3]  }
0x2b: {  	s6 =	sld [smem:$0x3FB4]  }
0x2c: {  	s7 =	sld [smem:$0x3FB5]  }
0x2d: {  	s3 =	simm.s32 $0x108;
	s8 =	sld [smem:$0x3FB6]  }
0x2e: {  	s3 =	simm.s32 @!p0 $0x1082;
	s9 =	sld [smem:$0x3FB7]  }
0x2f: {  	lr =	sadd.s32 s0, s3;
	s0 =	sld [smem:$0x3FAE]  }
0x30: {  	s3 =	sld [smem:$0x3FB1]  }
0x31: {  	[smem:$0x3FBA] =	sst s10  }
0x32: {  	s10 =	sld [smem:$0x3FB8];
	_ =	sdelay $0x3  }
0x33: {  	p0 =	seq.s32 s10, $0x1;
	s10 =	sld [smem:$0x3FBA];
	_ =	sdelay $0x3  }
0x34: {  	[smem:$0x3FBA] =	sst s10  }
0x35: {  	s10 =	sld [smem:$0x3FB9];
	_ =	sdelay $0x3  }
0x36: {  	p1 =	seq.s32 s10, $0x1;
	s10 =	sld [smem:$0x3FBA];
	_ =	sdelay $0x3  }
0x37: {  	[smem:$0x3FBA] =	sst s10  }
0x38: {  	s10 =	sld [smem:$0x3FBB]  }
0x39: {  	_ = 	snop;
	(pc) =	sbr.ind lr, $3  }
0x3a: {  	_ = 	snop  }
0x3b: {  	_ = 	snop  }
0x3c: {  	p2 =	seq.s32 s10, $0x1;
	s10 =	sld [smem:$0x3FBA]  }
0x3d: {  	_ =	shalt  }
0x3e: {  	_ =	shalt  }
0x3f: {  	_ =	shalt  }
0x40: {  	_ =	shalt  }
0x41: {  	_ =	shalt  }
0x42: {  	_ =	shalt  }
0x43: {  	_ =	shalt  }
0x44: {  	_ =	shalt  }
0x45: {  	_ =	shalt  }
0x46: {  	_ =	shalt  }
0x47: {  	_ =	shalt  }
0x48: {  	_ =	shalt  }
0x49: {  	_ =	shalt  }
0x4a: {  	_ =	shalt  }
0x4b: {  	_ =	shalt  }
0x4c: {  	_ =	shalt  }
0x4d: {  	_ =	shalt  }
0x4e: {  	_ =	shalt  }
0x4f: {  	_ =	shalt  }
0x50: {  	_ =	shalt  }
0x51: {  	_ =	shalt  }
0x52: {  	_ =	shalt  }
0x53: {  	_ =	shalt  }
0x54: {  	_ =	shalt  }
0x55: {  	_ =	shalt  }
0x56: {  	_ =	shalt  }
0x57: {  	_ =	shalt  }
0x58: {  	_ =	shalt  }
0x59: {  	_ =	shalt  }
0x5a: {  	_ =	shalt  }
0x5b: {  	_ =	shalt  }
0x5c: {  	_ =	shalt  }
0x5d: {  	_ =	shalt  }
0x5e: {  	_ =	shalt  }
0x5f: {  	_ =	shalt  }
0x60: {  	_ =	shalt  }
0x61: {  	_ =	shalt  }
0x62: {  	_ =	shalt  }
0x63: {  	_ =	shalt  }
0x64: {  	_ =	shalt  }
0x65: {  	_ =	shalt  }
0x66: {  	_ =	shalt  }
0x67: {  	_ =	shalt  }
0x68: {  	_ =	shalt  }
0x69: {  	_ =	shalt  }
0x6a: {  	_ =	shalt  }
0x6b: {  	_ =	shalt  }
0x6c: {  	_ =	shalt  }
0x6d: {  	_ =	shalt  }
0x6e: {  	_ =	shalt  }
0x6f: {  	_ =	shalt  }
0x70: {  	_ =	shalt  }
0x71: {  	_ =	shalt  }
0x72: {  	_ =	shalt  }
0x73: {  	_ =	shalt  }
0x74: {  	_ =	shalt  }
0x75: {  	_ =	shalt  }
0x76: {  	_ =	shalt  }
0x77: {  	_ =	shalt  }
0x78: {  	_ =	shalt  }
0x79: {  	_ =	shalt  }
0x7a: {  	_ =	shalt  }
0x7b: {  	_ =	shalt  }
0x7c: {  	_ =	shalt  }
0x7d: {  	_ =	shalt  }
0x7e: {  	_ =	shalt  }
0x7f: {  	_ =	shalt  }
0x80: {  	_ =	shalt  }
0x81: {  	_ =	shalt  }
0x82: {  	_ =	shalt  }
0x83: {  	_ =	shalt  }
0x84: {  	_ =	shalt  }
0x85: {  	_ =	shalt  }
0x86: {  	_ =	shalt  }
0x87: {  	_ =	shalt  }
.Lfunc_end0:
.L_simem_size_0:
called_computation_lowered:
.L_overlay_start_0:
0x88: {  	s2 =	sld [smem:$0x3FD9]  }
0x89: {  	s3 =	sld [smem:$0x3FFE];
	_ =	sdelay $0x1  }
0x8a: {  	s1 =	srdreg.scid  }
0x8b: {  	s0 =	sand.u32 $0x1, s1  }
0x8c: {  	s14 =	sshll.u32 s0, $0xA;
	s2 =	sadd.s32 s3, s2  }
0x8d: {  	s2 =	sadd.s32 s2, s14  }
0x8e: {  	[smem:$0x3FC6] =	sst s2  }
0x8f: {  	_ = 	snop  }
0x90: {  	s2 =	sld [smem:$0x3FD0];
	_ =	sdelay $0x2  }
0x91: {  	s15 =	simm.s32 $0xA;
	s4 =	simm.s32 $0x10  }
0x92: {  	[smem:s4], [sflag:s15] =	dma.local [hbm:s2], $0x1  }
0x93: {  	_ =	swait.eq [sflag:s15], $0x1  }
0x94: {  	[sflag:s15] =	ssyncset.done $0x0  }
0x95: {  	s16 =	sld [smem:$0x10];
	[sflag:s15] =	ssyncadd.s32 $0xFFFFFFFF  }
0x96: {  	s17 =	sld [smem:$0x12];
	(tm) =	ssettm $0x1  }
0x97: {  	s18 =	sld [smem:$0x3FFB];
	_ =	sdelay $0x3  }
0x98: {  	_ =	strace s18  }
0x99: {  	s4 =	sld [smem:$0x3FFC];
	_ =	sdelay $0x3  }
0x9a: {  	_ =	strace s4  }
0x9b: {  	s4 =	sld [smem:$0x3FFD];
	_ =	sdelay $0x3  }
0x9c: {  	_ =	strace s4  }
0x9d: {  	_ =	strace $0x8FFFFFFF  }
0x9e: {  	s19 =	sld [smem:$0x3FDB];
	_ =	sdelay $0x1  }
0x9f: {  	s5 =	simm.s32 $_scs_section_size  }
0xa0: {  	s6 =	simm.s32 $_size__tile_overlayer_lowered;
	s7 =	simm.s32 $_tile_overlayer_lowered  }
0xa1: {  	s22 =	simm.s32 $0x1BFF;
	s21 =	sshll.u32 s7, $0x1;
	s4 =	sadd.s32 s5, s19  }
0xa2: {  	s8 =	simm.s32 $0x0;
	s20 =	sshll.u32 s6, $0x1;
	s6 =	sadd.s32 s21, s4  }
0xa3: {  	[timem:s8], [sflag:s22] =	dma.local [hbm:s6], s20  }
0xa4: {  	_ =	swait.ge [sflag:s22], s20  }
0xa5: {  	s5 =	ssub.s32 $0x0, s20;
	[sflag:s22] =	ssyncset.done $0x0  }
0xa6: {  	[sflag:s22] =	ssyncadd.s32 s5;
	_ =	sdelay $0x1  }
0xa7: {  	s23 =	simm.s32 $0x1B8B  }
0xa8: {  	_ =	swait.ge [sflag:s23], $0x1  }
0xa9: {  	[sflag:s23] =	ssyncset.done $0x0  }
0xaa: {  	s25 =	simm.s32 $0x1B8E;
	s24 =	sld [smem:$0x3FFE];
	[sflag:s23] =	ssyncadd.s32 $0xFFFFFFFF  }
0xab: {  	s26 =	simm.s32 $execute0_lowered;
	[smem:$0x3FD2] =	sst s25  }
0xac: {  	s6 =	sshll.u32 s26, $0x1;
	_ =	strace $0x80000046;
	[dreg:$0x1] =	wrdreg $0xFFFFFFFF  }
0xad: {  	s28 =	simm.s32 $_size_execute0_lowered;
	s4 =	sadd.s32 s4, s6;
	[dreg:$0x0] =	wrdreg $0x0  }
0xae: {  	s6 =	sshll.u32 s28, $0x1;
	[dreg:$0x2] =	wrdreg s4  }
0xaf: {  	[dreg:$0x3] =	wrdreg s6  }
0xb0: {  	[dreg:$0x4] =	wrdreg $0xC0  }
0xb1: {  	_ =	task [dreg:s8], $0x5FFFF  }
0xb2: {  	[dreg:$0x1] =	wrdreg $0xFFFFFFFF  }
0xb3: {  	[dreg:$0x0] =	wrdreg $0x60  }
0xb4: {  	[dreg:$0x2] =	wrdreg s16  }
0xb5: {  	[dreg:$0x3] =	wrdreg s17  }
0xb6: {  	[dreg:$0x4] =	wrdreg s24  }
0xb7: {  	[dreg:$0x5] =	wrdreg $0x9  }
0xb8: {  	_ =	task.clear_ibuf [dreg:s8], $0x6FFFF;
	_ =	strace $0x90000046  }
0xb9: {  	s29 =	simm.s32 $0x9;
	_ =	strace $0x80000048  }
0xba: {  	_ =	swait.ge [sflag:s29], $0x1  }
0xbb: {  	[sflag:s29] =	ssyncadd.s32 $0xFFFFFFFF  }
0xbc: {  	_ =	strace $0x90000048  }
0xbd: {  	_ =	sfence  }
0xbe: {  	s30 =	sld [smem:$0x0];
	_ =	sdelay $0x2  }
0xbf: {  	s31 =	sshll.u32 s1, $0xD;
	s1 =	sshrl.u32 s1, $0x2  }
0xc0: {  	s3 =	sand.u32 $0x4000, s31;
	s1 =	sadd.s32 s1, s30  }
0xc1: {  	s0 =	sor.u32 s3, s0;
	s1 =	sshll.u32 s1, $0x11  }
0xc2: {  	s0 =	sor.u32 s1, s0  }
0xc3: {  	s0 =	sadd.s32 $0x8F2B, s0  }
0xc4: {  	[sflag:s0] =	ssyncadd.remote.s32 $0x1  }
0xc5: {  	_ =	sfence.sel $0xFFFF  }
0xc6: {  	[dreg:$0x0] =	wrdreg $0xFFFFFFFF;
	(pc) =	sbr.abs _section_cstart, $3  }
0xc7: {  	[dreg:$0x1] =	wrdreg $0xFFFFFFFF  }
0xc8: {  	_ =	task.clear_ibuf [dreg:s8], $0x2FFFF;
	_ =	strace $0x9FFFFFFF  }
0xc9: {  	(tm) =	ssettm $0x7FFFFFFF  }
tec
execute0_lowered:
.L_overlay_start_1:
0x0: {  	(tag) =	ssettag $0x1  }
0x1: {  	s1 =	rddreg [dreg:$0x0]  }
0x2: {  	s2 =	srdreg.scid;
	s0 =	stileid.u32  }
0x3: {  	s4 =	rddreg [dreg:$0x1];
	s6 =	sand.u32 $0x1, s2;
	s30 =	sshll.u32 s0, $0x1  }
0x4: {  	s9 =	rddreg [dreg:$0x2];
	s3 =	simm.s32 $0x0;
	s10 =	sor.u32 s6, s30  }
0x5: {  	[smem:$0x7FF] =	sst s3;
	s5 =	smul.u32 $0x48, s10  }
0x6: {  	s2 =	rddreg [dreg:$0x3];
	_ =	strace $0x80000047  }
0x7: {  	s11 =	ssub.s32 $0x2, s6;
	s5 =	sadd.s32 s4, s5;
	s4 =	simm.s32 $0x2  }
0x8: {  	[tilespmem:s3], [sflag:$0x2] =	stream.linear.gather [hbm4b:s5+s3], $0x240, $0x38;
	[tilespmem:$0x12280] =	vst v63  }
0x9: {  	s7 =	simm.s32 $0x280;
	s12 =	sshrl.u32 s11, $0x1;
	_ =	swait.ge [sflag:s4], $0x240  }
0xa: {  	s8 =	simm.s32 $0x1;
	s11 =	ssub.s32 s11, s12;
	[sflag:s4] =	ssyncset.done $0x0  }
0xb: {  	s6 =	simm.s32 $0x240;
	s31 =	smax.u32 s11, $0x1;
	[sflag:s4] =	ssyncadd.s32 $0xFFFFFDC0  }
0xc: {  	[tilespmem:s7], [sflag:$0x1] =	stream.indirect.gather [hbm4b:s1+s6], $0x80, s3, s6, $0xb8;
	[tilespmem:$0x12280] =	vst v63  }
0xd: {  	s10 =	smul.u32 $0x2400, s10;
	p0 =	sne.s32 s31, $0x1;
	_ =	swait.ge [sflag:s8], $0x12000  }
.Ltmp0:
0xe: {  	[sflag:s8] =	ssyncset.done $0x0;
	(pc) =	sbr.rel @!p0 .LBB2_2-.Ltmp0, $4  }
0xf: {  	s9 =	sadd.s32 s9, s10;
	[sflag:s8] =	ssyncadd.s32 $0xFFFEE000  }
0x10: {  	[hbm4b:s9+s3] =	stream.linear.scatter [tilespmem:s7], [sflag:$0x2], $0x12000, $0x38;
	[tilespmem:$0x12280] =	vst v63  }
0x11: {  	_ =	swait.ge [sflag:s4], $0x12000  }
0x12: {  	s10 =	sadd.s32 $0xFFFFFFFF, s31;
	[sflag:s4] =	ssyncset.done $0x0  }
.LBB2_1:
0x13: {  	p0 =	sne.s32 s10, $0x1;
	s10 =	sadd.s32 $0xFFFFFFFF, s10;
	[sflag:s4] =	ssyncadd.s32 $0xFFFEE000  }
0x14: {  	[tilespmem:s3], [sflag:$0x2] =	stream.linear.gather [hbm4b:s5+s3], $0x240, $0x38;
	[tilespmem:$0x12280] =	vst v63  }
0x15: {  	_ =	swait.ge [sflag:s4], $0x240  }
0x16: {  	[sflag:s4] =	ssyncset.done $0x0  }
0x17: {  	[sflag:s4] =	ssyncadd.s32 $0xFFFFFDC0  }
0x18: {  	[tilespmem:s7], [sflag:$0x1] =	stream.indirect.gather [hbm4b:s1+s6], $0x80, s3, s6, $0xb8;
	[tilespmem:$0x12280] =	vst v63  }
0x19: {  	_ =	swait.ge [sflag:s8], $0x12000  }
.Ltmp1:
0x1a: {  	[sflag:s8] =	ssyncset.done $0x0;
	(pc) =	sbr.rel @p0 .LBB2_1-.Ltmp1, $4  }
0x1b: {  	[sflag:s8] =	ssyncadd.s32 $0xFFFEE000  }
0x1c: {  	[hbm4b:s9+s3] =	stream.linear.scatter [tilespmem:s7], [sflag:$0x2], $0x12000, $0x38;
	[tilespmem:$0x12280] =	vst v63  }
0x1d: {  	_ =	swait.ge [sflag:s4], $0x12000  }
0x1e: {  	[sflag:s4] =	ssyncset.done $0x0  }
.LBB2_2:
0x1f: {  	[sflag:s4] =	ssyncadd.s32 $0xFFFEE000  }
0x20: {  	_ =	sfence.sel $0x180000  }
0x21: {  	[bflag:$0x0] =	sbarrier.arrive $0xFFFF  }
0x22: {  	p0 =	sne.s32 s0, $0x0;
	_ =	strace $0x90000047  }
0x23: {  	s0 =	sadd.s32 @!p0 $0x100000, s2;
	[bflag:$0x2] =	sbarrier.arrive $0xFFFF  }
0x24: {  	[sflag:s0] =	ssyncadd.tile.s32 @!p0 $0x1;
	_ =	shalt  }
.Lfunc_end2:
_tile_overlayer_lowered:
.L_overlay_start_2:
0x25: {  	(tag) =	ssettag $0x2  }
0x26: {  	s0 =	rddreg [dreg:$0x0];
	s2 =	stileid.u32  }
0x27: {  	s1 =	rddreg [dreg:$0x1];
	p0 =	sne.s32 s2, $0x0  }
0x28: {  	s3 =	rddreg [dreg:$0x2];
	[bflag:$0x3] =	sbarrier.arrive $0xFFFF;
	s2 =	simm.s32 @!p0 $0x1C02  }
0x29: {  	[timem:s3], [sflag:s2] =	dma.local @!p0 [hbm:s0], s1  }
0x2a: {  	s0 =	simm.s32 @!p0 $0x2  }
0x2b: {  	_ =	swait.ge @!p0 [sflag:s0], s1  }
0x2c: {  	s1 =	ssub.s32 @!p0 $0x0, s1;
	[sflag:s0] =	ssyncset.done @!p0 $0x0  }
0x2d: {  	[sflag:s0] =	ssyncadd.s32 @!p0 s1  }
0x2e: {  	[bflag:$0x3] =	sbarrier.arrive $0xFFFF  }
0x2f: {  	_ =	shalt  }

</sc_bundles>
